<compile_context>
chip_gen: v7x
topology: tpu7x:2x2x1
jax: 0.10.2.dev20260603
libtpu: 0.0.44.dev20260713+nightly
codegen_flags: <defaults>
</compile_context>

<pallas_src>
import functools
import jax
import jax.numpy as jnp
import numpy as np
from jax import lax
from jax.experimental import pallas as pl
from jax.experimental.pallas import tpu as pltpu
from jax.experimental.pallas import tpu_sc as plsc

N = 10000
D = 128
C = 7
E = 320000

NC = 2
NS = 16
NW = NC * NS
CH = 128
K0 = 80
K1 = 80
E_PAD = NS * (K0 + K1) * CH
N_PAD = 10112
R = N_PAD // NS

_f32 = jnp.float32



BK = 8


def _chunk_range(c, s):
    base = jnp.where(c == 0, s * K0, NS * K0 + s * K1)
    nblocks = jnp.where(c == 0, K0 // BK, K1 // BK)
    return base, nblocks


def _sc_body_cnt(dst_hbm, ones_hbm, z128_hbm, out_hbm,
                 accum, dst_v, ones_v):
    c = lax.axis_index("c")
    s = lax.axis_index("s")
    base, nblocks = _chunk_range(c, s)
    pltpu.sync_copy(z128_hbm, accum.at[pl.ds(s * R, R)])
    pltpu.sync_copy(ones_hbm, ones_v)
    plsc.subcore_barrier()

    def blk(b, carry):
        pltpu.sync_copy(dst_hbm.at[pl.ds(base + b * BK, BK)], dst_v)
        for j in range(BK):
            pltpu.sync_copy(ones_v, accum.at[dst_v.at[j]], add=True)
        return carry

    lax.fori_loop(0, nblocks, blk, 0)
    plsc.subcore_barrier()
    pltpu.sync_copy(accum.at[pl.ds(s * R, R)], out_hbm.at[c, pl.ds(s * R, R)])


def _sc_body(y_hbm, src_hbm, dst_hbm, z128_hbm,
             out_hbm, accum, src_v, dst_v, rows_a, rows_b,
             sem_a, sem_b):
    c = lax.axis_index("c")
    s = lax.axis_index("s")
    base, nblocks = _chunk_range(c, s)
    pltpu.sync_copy(z128_hbm, accum.at[pl.ds(s * R, R)])
    plsc.subcore_barrier()
    rows = (rows_a, rows_b)
    sems = (sem_a, sem_b)

    def blk(b, carry):
        pltpu.sync_copy(src_hbm.at[pl.ds(base + b * BK, BK)], src_v)
        pltpu.sync_copy(dst_hbm.at[pl.ds(base + b * BK, BK)], dst_v)
        pending = [pltpu.async_copy(y_hbm.at[src_v.at[0]], rows[0], sems[0])]
        for j in range(BK):
            if j + 1 < BK:
                pending.append(
                    pltpu.async_copy(y_hbm.at[src_v.at[j + 1]],
                                     rows[(j + 1) % 2], sems[(j + 1) % 2]))
            pending[j].wait()
            pltpu.sync_copy(rows[j % 2], accum.at[dst_v.at[j]], add=True)
        return carry

    lax.fori_loop(0, nblocks, blk, 0)
    plsc.subcore_barrier()
    pltpu.sync_copy(accum.at[pl.ds(s * R, R)], out_hbm.at[c, pl.ds(s * R, R)])


_SC_MESH = plsc.VectorSubcoreMesh(core_axis_name="c", subcore_axis_name="s",
                                  num_cores=NC, num_subcores=NS)

_seg_cnt = pl.kernel(
    _sc_body_cnt,
    out_type=jax.ShapeDtypeStruct((NC, N_PAD, 128), _f32),
    mesh=_SC_MESH,
    scratch_types=[
        pltpu.VMEM_SHARED((N_PAD, 128), _f32),
        pltpu.VMEM((BK, CH), jnp.int32),
        pltpu.VMEM((CH, 128), _f32),
    ],
)

_seg_sum = pl.kernel(
    _sc_body,
    out_type=jax.ShapeDtypeStruct((NC, N_PAD, 128), _f32),
    mesh=_SC_MESH,
    scratch_types=[
        pltpu.VMEM_SHARED((N_PAD, 128), _f32),
        pltpu.VMEM((BK, CH), jnp.int32),
        pltpu.VMEM((BK, CH), jnp.int32),
        pltpu.VMEM((CH, 128), _f32),
        pltpu.VMEM((CH, 128), _f32),
        pltpu.SemaphoreType.DMA,
        pltpu.SemaphoreType.DMA,
    ],
)



def _tc0_body(x_ref, wl_ref, wr_ref, b_ref, y_ref, r_ref):
    x = x_ref[...]
    y_ref[...] = jnp.dot(x, wl_ref[...].T, preferred_element_type=_f32)
    r_ref[...] = jnp.dot(x, wr_ref[...].T, preferred_element_type=_f32) + b_ref[...]


def _bn_relu(h, g, b, eps=1e-5):
    m = jnp.mean(h, axis=0, keepdims=True)
    v = jnp.mean((h - m) * (h - m), axis=0, keepdims=True)
    return jax.nn.relu((h - m) * jax.lax.rsqrt(v + eps) * g + b)


def _tc1_body(sp_ref, degp_ref, r_ref, g_ref, bb_ref, wl_ref, wr_ref, b2_ref,
              y_ref, r2_ref, dinv_ref):
    deg = degp_ref[0, :N, 0:1] + degp_ref[1, :N, 0:1]
    dinv = 1.0 / jnp.maximum(deg, 1.0)
    dinv_ref[...] = dinv
    s = sp_ref[0, :N, :] + sp_ref[1, :N, :]
    h = _bn_relu(s * dinv + r_ref[...], g_ref[...], bb_ref[...])
    y_ref[...] = jnp.dot(h, wl_ref[...].T, preferred_element_type=_f32)
    r2_ref[...] = jnp.dot(h, wr_ref[...].T, preferred_element_type=_f32) + b2_ref[...]


def _tc2_body(sp_ref, dinv_ref, r_ref, g_ref, bb_ref, wl_ref, wr_ref, b3_ref,
              y_ref, r3_ref):
    s = sp_ref[0, :N, :] + sp_ref[1, :N, :]
    h = _bn_relu(s * dinv_ref[...] + r_ref[...], g_ref[...], bb_ref[...])
    y_ref[...] = jnp.dot(h, wl_ref[...].T, preferred_element_type=_f32)
    r3_ref[...] = jnp.dot(h, wr_ref[...].T, preferred_element_type=_f32) + b3_ref[...]


def _tc3_body(sp_ref, dinv_ref, r_ref, d1w_ref, d1b_ref, d2w_ref, d2b_ref,
              d3w_ref, d3b_ref, o1_ref, o2_ref, o3_ref):
    s = sp_ref[0, :N, :] + sp_ref[1, :N, :]
    h = s * dinv_ref[...] + r_ref[...]
    o1_ref[...] = jnp.dot(h, d1w_ref[...].T, preferred_element_type=_f32) + d1b_ref[...]
    o2_ref[...] = jnp.dot(h, d2w_ref[...].T, preferred_element_type=_f32) + d2b_ref[...]
    o3_ref[...] = jnp.dot(h, d3w_ref[...].T, preferred_element_type=_f32) + d3b_ref[...]


def _tc_call(body, out_shapes):
    return pl.pallas_call(
        body,
        out_shape=[jax.ShapeDtypeStruct(s, dt) for s, dt in out_shapes],
    )


_bf16 = jnp.bfloat16



def kernel(x, edge_index, Wl1, Wr1, b1, Wl2, Wr2, b2, Wl3, Wr3, b3,
           bn1_g, bn1_b, bn2_g, bn2_b, d1_W, d1_b, d2_W, d2_b, d3_W, d3_b):
    src = edge_index[0].astype(jnp.int32)
    dst = edge_index[1].astype(jnp.int32)
    pad = E_PAD - E
    nch = E_PAD // CH
    src_p = jnp.concatenate([src, jnp.zeros((pad,), jnp.int32)]).reshape(nch, CH)
    dst_p = jnp.concatenate([dst, jnp.full((pad,), N, jnp.int32)]).reshape(nch, CH)
    z128 = jnp.zeros((R, 128), _f32)
    ones128 = jnp.ones((CH, 128), _f32)

    b1r = b1.reshape(1, 128)
    b2r = b2.reshape(1, 128)
    b3r = b3.reshape(1, 128)
    g1 = bn1_g.reshape(1, 128)
    bb1 = bn1_b.reshape(1, 128)
    g2 = bn2_g.reshape(1, 128)
    bb2 = bn2_b.reshape(1, 128)
    d1b = d1_b.reshape(1, 128)
    d2b = d2_b.reshape(1, C)
    d3b = d3_b.reshape(1, 128)

    degp = _seg_cnt(dst_p, ones128, z128)
    y1, r1 = _tc_call(_tc0_body, [((N, 128), _f32), ((N, 128), _f32)])(
        x, Wl1, Wr1, b1r)
    s1 = _seg_sum(y1, src_p, dst_p, z128)
    y2, r2, dinv = _tc_call(_tc1_body, [((N, 128), _f32), ((N, 128), _f32),
                                        ((N, 1), _f32)])(
        s1, degp, r1, g1, bb1, Wl2, Wr2, b2r)
    s2 = _seg_sum(y2, src_p, dst_p, z128)
    y3, r3 = _tc_call(_tc2_body, [((N, 128), _f32), ((N, 128), _f32)])(
        s2, dinv, r2, g2, bb2, Wl3, Wr3, b3r)
    s3 = _seg_sum(y3, src_p, dst_p, z128)
    o1, o2, o3 = _tc_call(_tc3_body, [((N, 128), _f32), ((N, C), _f32),
                                      ((N, 128), _f32)])(
        s3, dinv, r3, d1_W, d1b, d2_W, d2b, d3_W, d3b)
    return (o1, o2, o3)

# --- scband reference (transcript-rebuilt; emitter-appended) ---
"""Pipeline reference for scband-sage-neigh-sampler-26749056319621 (READ-ONLY COPY).

The authoritative reference and input builder live on the scoring server;
editing this copy changes nothing except your own understanding.
"""

import jax, jax.numpy as jnp
import numpy as np

N = 10000
E = 320000
D = 128
H = 128
O = 128
C = 7


def setup_inputs(seed: int = 0) -> dict:
    key = jax.random.key(seed)
    ks = jax.random.split(key, 20)
    def w(k, shape, fan_in):
        return jax.random.normal(k, shape, dtype=jnp.float32) / np.sqrt(fan_in)
    inp = {}
    inp["x"] = jax.random.normal(ks[0], (N, D), dtype=jnp.float32)
    inp["edge_index"] = jax.random.randint(ks[1], (2, E), 0, N)
    # SAGEConv layer 1 (in->hidden): lin_l applied to aggregated neighbors (with bias), lin_r to root
    inp["Wl1"] = w(ks[2], (H, D), D); inp["Wr1"] = w(ks[3], (H, D), D); inp["b1"] = jnp.zeros((H,), jnp.float32)
    # SAGEConv layer 2 (hidden->hidden)
    inp["Wl2"] = w(ks[4], (H, H), H); inp["Wr2"] = w(ks[5], (H, H), H); inp["b2"] = jnp.zeros((H,), jnp.float32)
    # SAGEConv layer 3 (hidden->out)
    inp["Wl3"] = w(ks[6], (O, H), H); inp["Wr3"] = w(ks[7], (O, H), H); inp["b3"] = jnp.zeros((O,), jnp.float32)
    # BatchNorm params (2 BN layers)
    inp["bn1_g"] = jnp.ones((H,), jnp.float32); inp["bn1_b"] = jnp.zeros((H,), jnp.float32)
    inp["bn2_g"] = jnp.ones((H,), jnp.float32); inp["bn2_b"] = jnp.zeros((H,), jnp.float32)
    # decoders
    inp["d1_W"] = w(ks[8], (D, O), O); inp["d1_b"] = jnp.zeros((D,), jnp.float32)
    inp["d2_W"] = w(ks[9], (C, O), O); inp["d2_b"] = jnp.zeros((C,), jnp.float32)
    inp["d3_W"] = w(ks[10], (O, O), O); inp["d3_b"] = jnp.zeros((O,), jnp.float32)
    return inp


def _sage_conv(x, edge_index, Wl, Wr, b):
    src = edge_index[0]
    dst = edge_index[1]
    msg = jnp.take(x, src, axis=0)
    agg = jax.ops.segment_sum(msg, dst, num_segments=N)
    deg = jax.ops.segment_sum(jnp.ones((edge_index.shape[1],), dtype=x.dtype), dst, num_segments=N)
    agg = agg / jnp.maximum(deg, 1.0)[:, None]
    return agg @ Wl.T + x @ Wr.T + b


def _bn(h, g, b, eps=1e-5):
    m = jnp.mean(h, axis=0)
    v = jnp.var(h, axis=0)
    return (h - m) / jnp.sqrt(v + eps) * g + b


def reference(x, edge_index, Wl1, Wr1, b1, Wl2, Wr2, b2, Wl3, Wr3, b3, bn1_g, bn1_b, bn2_g, bn2_b, d1_W, d1_b, d2_W, d2_b, d3_W, d3_b):
    h = _sage_conv(x, edge_index, Wl1, Wr1, b1)
    h = jax.nn.relu(_bn(h, bn1_g, bn1_b))
    # dropout p=0.0 -> identity
    h = _sage_conv(h, edge_index, Wl2, Wr2, b2)
    h = jax.nn.relu(_bn(h, bn2_g, bn2_b))
    h = _sage_conv(h, edge_index, Wl3, Wr3, b3)
    recon_x1 = h @ d1_W.T + d1_b
    recon_x2 = h @ d2_W.T + d2_b
    recon_x3 = h @ d3_W.T + d3_b
    return (recon_x1, recon_x2, recon_x3)

if __name__ == "__main__":
    import jax
    _d = setup_inputs()
    print(jax.jit(kernel)(*tuple(_d.values())))

</pallas_src>

<mosaic_0001>
#map = affine_map<(d0, d1) -> (0, 0)>
#map1 = affine_map<(d0, d1) -> (0, 0, 0)>
module attributes {stable_mosaic.version = 14 : i64} {
  func.func @_sc_body_cnt(%arg0: i32, %arg1: i32, %arg2: memref<2560x128xi32, #tpu.memory_space<hbm>>, %arg3: memref<128x128xf32, #tpu.memory_space<hbm>>, %arg4: memref<632x128xf32, #tpu.memory_space<hbm>>, %arg5: memref<2x10112x128xf32, #tpu.memory_space<hbm>>, %arg6: memref<10112x128xf32, #tpu.memory_space<vmem_shared>>, %arg7: memref<8x128xi32, #tpu.memory_space<vmem>>, %arg8: memref<128x128xf32, #tpu.memory_space<vmem>>) attributes {dimension_semantics = [#tpu.dimension_semantics<core_parallel>, #tpu.dimension_semantics<subcore_parallel>], iteration_bounds = array<i64: 2, 16>, scalar_prefetch = 0 : i64, scratch_operands = 3 : i64, tpu.core_type = #tpu.core_type<sc_vector_subcore>, window_params = [{transform_indices = #map}, {transform_indices = #map}, {transform_indices = #map}, {transform_indices = #map1}]} {
    %eq3A = arith.constant 0 : i32
    %eq3A_0 = arith.cmpi eq, %arg0, %eq3A : i32
    %mul3A = arith.constant 80 : i32
    %mul3A_1 = arith.muli %arg1, %mul3A : i32
    %mul3A_2 = arith.constant 80 : i32
    %mul3A_3 = arith.muli %arg1, %mul3A_2 : i32
    %add3A = arith.constant 1280 : i32
    %add3A_4 = arith.addi %add3A, %mul3A_3 : i32
    %select_n3A = arith.select %eq3A_0, %mul3A_1, %add3A_4 : i32
    %eq3A_5 = arith.constant 0 : i32
    %eq3A_6 = arith.cmpi eq, %arg0, %eq3A_5 : i32
    %jit3A = arith.constant 10 : i32
    %jit3A_7 = arith.constant 10 : i32
    %select_n3A_8 = arith.select %eq3A_6, %jit3A, %jit3A_7 : i32
    %mul3A_9 = arith.constant 632 : i32
    %mul3A_10 = arith.muli %arg1, %mul3A_9 : i32
    "tpu.region"() ({
      %run_scoped3A = tpu.sem_alloc : memref<!tpu.dma_semaphore, #tpu.memory_space<semaphore_mem>>
      %dma_start3A = arith.constant 0 : i32
      %dma_start3A_25 = tpu.memref_slice %arg6[%mul3A_10, %dma_start3A] : memref<10112x128xf32, #tpu.memory_space<vmem_shared>> -> memref<632x128xf32, #tpu.memory_space<vmem_shared>>
      tpu.enqueue_dma source(%arg4 : memref<632x128xf32, #tpu.memory_space<hbm>>) target(%dma_start3A_25 : memref<632x128xf32, #tpu.memory_space<vmem_shared>>) target_semaphore(%run_scoped3A : memref<!tpu.dma_semaphore, #tpu.memory_space<semaphore_mem>>)
      %dma_wait3A = arith.constant 0 : i32
      %dma_wait3A_26 = tpu.memref_slice %arg6[%mul3A_10, %dma_wait3A] : memref<10112x128xf32, #tpu.memory_space<vmem_shared>> -> memref<632x128xf32, #tpu.memory_space<vmem_shared>>
      tpu.wait_dma2 semaphore(%run_scoped3A : memref<!tpu.dma_semaphore, #tpu.memory_space<semaphore_mem>>) src(%arg4 : memref<632x128xf32, #tpu.memory_space<hbm>>) dst(%dma_wait3A_26 : memref<632x128xf32, #tpu.memory_space<vmem_shared>>)
      tpu.yield
    }) : () -> ()
    "tpu.region"() ({
      %run_scoped3A = tpu.sem_alloc : memref<!tpu.dma_semaphore, #tpu.memory_space<semaphore_mem>>
      tpu.enqueue_dma source(%arg3 : memref<128x128xf32, #tpu.memory_space<hbm>>) target(%arg8 : memref<128x128xf32, #tpu.memory_space<vmem>>) target_semaphore(%run_scoped3A : memref<!tpu.dma_semaphore, #tpu.memory_space<semaphore_mem>>)
      tpu.wait_dma2 semaphore(%run_scoped3A : memref<!tpu.dma_semaphore, #tpu.memory_space<semaphore_mem>>) src(%arg3 : memref<128x128xf32, #tpu.memory_space<hbm>>) dst(%arg8 : memref<128x128xf32, #tpu.memory_space<vmem>>)
      tpu.yield
    }) : () -> ()
    %barrier3A = arith.constant 0 : index
    tpu.barrier barrier_id(%barrier3A)
    %while3A = arith.constant 0 : i32
    %while3A_11 = arith.constant 0 : i32
    %while3A_12 = arith.subi %select_n3A_8, %while3A_11 : i32
    %while3A_13 = arith.addi %while3A_11, %while3A_12 : i32
    %while3A_14 = arith.constant 1 : i32
    %while3A_15 = arith.divsi %while3A_12, %while3A_14 : i32
    %while3A_16 = arith.muli %while3A_15, %while3A_14 : i32
    %while3A_17 = arith.addi %while3A_11, %while3A_16 : i32
    %while3A_18 = arith.constant 1 : i32
    scf.for %while3A_25 = %while3A_11 to %while3A_17 step %while3A_18  : i32 {
      %mul3A_26 = arith.constant 8 : i32
      %mul3A_27 = arith.muli %while3A_25, %mul3A_26 : i32
      %add3A_28 = arith.addi %select_n3A, %mul3A_27 : i32
      "tpu.region"() ({
        %run_scoped3A_36 = tpu.sem_alloc : memref<!tpu.dma_semaphore, #tpu.memory_space<semaphore_mem>>
        %dma_start3A = arith.constant 0 : i32
        %dma_start3A_37 = tpu.memref_slice %arg2[%add3A_28, %dma_start3A] : memref<2560x128xi32, #tpu.memory_space<hbm>> -> memref<8x128xi32, #tpu.memory_space<hbm>>
        %dma_start3A_38 = arith.constant 0 : i32
        %dma_start3A_39 = tpu.memref_slice %arg2[%add3A_28, %dma_start3A_38] : memref<2560x128xi32, #tpu.memory_space<hbm>> -> memref<8x128xi32, #tpu.memory_space<hbm>>
        tpu.enqueue_dma source(%dma_start3A_39 : memref<8x128xi32, #tpu.memory_space<hbm>>) target(%arg7 : memref<8x128xi32, #tpu.memory_space<vmem>>) target_semaphore(%run_scoped3A_36 : memref<!tpu.dma_semaphore, #tpu.memory_space<semaphore_mem>>)
        %dma_wait3A = arith.constant 0 : i32
        %dma_wait3A_40 = tpu.memref_slice %arg2[%add3A_28, %dma_wait3A] : memref<2560x128xi32, #tpu.memory_space<hbm>> -> memref<8x128xi32, #tpu.memory_space<hbm>>
        %dma_wait3A_41 = arith.constant 0 : i32
        %dma_wait3A_42 = tpu.memref_slice %arg2[%add3A_28, %dma_wait3A_41] : memref<2560x128xi32, #tpu.memory_space<hbm>> -> memref<8x128xi32, #tpu.memory_space<hbm>>
        tpu.wait_dma2 semaphore(%run_scoped3A_36 : memref<!tpu.dma_semaphore, #tpu.memory_space<semaphore_mem>>) src(%dma_wait3A_42 : memref<8x128xi32, #tpu.memory_space<hbm>>) dst(%arg7 : memref<8x128xi32, #tpu.memory_space<vmem>>)
        tpu.yield
      }) : () -> ()
      %run_scoped3A = arith.constant 0 : i32
      "tpu.region"() ({
        %run_scoped3A_36 = tpu.sem_alloc : memref<!tpu.dma_semaphore, #tpu.memory_space<semaphore_mem>>
        %dma_start3A = arith.constant 0 : i32
        %dma_start3A_37 = tpu.memref_slice %arg7[%run_scoped3A, %dma_start3A] : memref<8x128xi32, #tpu.memory_space<vmem>> -> memref<1x128xi32, #tpu.memory_space<vmem>>
        %dma_start3A_38 = tpu.memref_squeeze %dma_start3A_37 : memref<1x128xi32, #tpu.memory_space<vmem>> -> memref<128xi32, #tpu.memory_space<vmem>>
        %dma_start3A_39 = arith.constant 0 : i32
        %dma_start3A_40 = arith.constant 0 : i32
        %dma_start3A_41 = tpu.memref_slice %arg6[%dma_start3A_39, %dma_start3A_40] : memref<10112x128xf32, #tpu.memory_space<vmem_shared>> -> memref<10112x128xf32, #tpu.memory_space<vmem_shared>>
        tpu.enqueue_indirect_dma source(%arg8 : memref<128x128xf32, #tpu.memory_space<vmem>>) target(%dma_start3A_41 : memref<10112x128xf32, #tpu.memory_space<vmem_shared>>) offsets(%dma_start3A_38 : memref<128xi32, #tpu.memory_space<vmem>>) semaphore(%run_scoped3A_36 : memref<!tpu.dma_semaphore, #tpu.memory_space<semaphore_mem>>) {add = true}
        %dma_wait3A = arith.constant 0 : i32
        %dma_wait3A_42 = tpu.memref_slice %arg7[%run_scoped3A, %dma_wait3A] : memref<8x128xi32, #tpu.memory_space<vmem>> -> memref<1x128xi32, #tpu.memory_space<vmem>>
        %dma_wait3A_43 = tpu.memref_squeeze %dma_wait3A_42 : memref<1x128xi32, #tpu.memory_space<vmem>> -> memref<128xi32, #tpu.memory_space<vmem>>
        %dma_wait3A_44 = arith.constant 0 : i32
        %dma_wait3A_45 = arith.constant 0 : i32
        %dma_wait3A_46 = tpu.memref_slice %arg6[%dma_wait3A_44, %dma_wait3A_45] : memref<10112x128xf32, #tpu.memory_space<vmem_shared>> -> memref<10112x128xf32, #tpu.memory_space<vmem_shared>>
        tpu.wait_indirect_dma semaphore(%run_scoped3A_36 : memref<!tpu.dma_semaphore, #tpu.memory_space<semaphore_mem>>) src(%arg8 : memref<128x128xf32, #tpu.memory_space<vmem>>) dst(%dma_wait3A_46 : memref<10112x128xf32, #tpu.memory_space<vmem_shared>>)
        tpu.yield
      }) : () -> ()
      %run_scoped3A_29 = arith.constant 1 : i32
      "tpu.region"() ({
        %run_scoped3A_36 = tpu.sem_alloc : memref<!tpu.dma_semaphore, #tpu.memory_space<semaphore_mem>>
        %dma_start3A = arith.constant 0 : i32
        %dma_start3A_37 = tpu.memref_slice %arg7[%run_scoped3A_29, %dma_start3A] : memref<8x128xi32, #tpu.memory_space<vmem>> -> memref<1x128xi32, #tpu.memory_space<vmem>>
        %dma_start3A_38 = tpu.memref_squeeze %dma_start3A_37 : memref<1x128xi32, #tpu.memory_space<vmem>> -> memref<128xi32, #tpu.memory_space<vmem>>
        %dma_start3A_39 = arith.constant 0 : i32
        %dma_start3A_40 = arith.constant 0 : i32
        %dma_start3A_41 = tpu.memref_slice %arg6[%dma_start3A_39, %dma_start3A_40] : memref<10112x128xf32, #tpu.memory_space<vmem_shared>> -> memref<10112x128xf32, #tpu.memory_space<vmem_shared>>
        tpu.enqueue_indirect_dma source(%arg8 : memref<128x128xf32, #tpu.memory_space<vmem>>) target(%dma_start3A_41 : memref<10112x128xf32, #tpu.memory_space<vmem_shared>>) offsets(%dma_start3A_38 : memref<128xi32, #tpu.memory_space<vmem>>) semaphore(%run_scoped3A_36 : memref<!tpu.dma_semaphore, #tpu.memory_space<semaphore_mem>>) {add = true}
        %dma_wait3A = arith.constant 0 : i32
        %dma_wait3A_42 = tpu.memref_slice %arg7[%run_scoped3A_29, %dma_wait3A] : memref<8x128xi32, #tpu.memory_space<vmem>> -> memref<1x128xi32, #tpu.memory_space<vmem>>
        %dma_wait3A_43 = tpu.memref_squeeze %dma_wait3A_42 : memref<1x128xi32, #tpu.memory_space<vmem>> -> memref<128xi32, #tpu.memory_space<vmem>>
        %dma_wait3A_44 = arith.constant 0 : i32
        %dma_wait3A_45 = arith.constant 0 : i32
        %dma_wait3A_46 = tpu.memref_slice %arg6[%dma_wait3A_44, %dma_wait3A_45] : memref<10112x128xf32, #tpu.memory_space<vmem_shared>> -> memref<10112x128xf32, #tpu.memory_space<vmem_shared>>
        tpu.wait_indirect_dma semaphore(%run_scoped3A_36 : memref<!tpu.dma_semaphore, #tpu.memory_space<semaphore_mem>>) src(%arg8 : memref<128x128xf32, #tpu.memory_space<vmem>>) dst(%dma_wait3A_46 : memref<10112x128xf32, #tpu.memory_space<vmem_shared>>)
        tpu.yield
      }) : () -> ()
      %run_scoped3A_30 = arith.constant 2 : i32
      "tpu.region"() ({
        %run_scoped3A_36 = tpu.sem_alloc : memref<!tpu.dma_semaphore, #tpu.memory_space<semaphore_mem>>
        %dma_start3A = arith.constant 0 : i32
        %dma_start3A_37 = tpu.memref_slice %arg7[%run_scoped3A_30, %dma_start3A] : memref<8x128xi32, #tpu.memory_space<vmem>> -> memref<1x128xi32, #tpu.memory_space<vmem>>
        %dma_start3A_38 = tpu.memref_squeeze %dma_start3A_37 : memref<1x128xi32, #tpu.memory_space<vmem>> -> memref<128xi32, #tpu.memory_space<vmem>>
        %dma_start3A_39 = arith.constant 0 : i32
        %dma_start3A_40 = arith.constant 0 : i32
        %dma_start3A_41 = tpu.memref_slice %arg6[%dma_start3A_39, %dma_start3A_40] : memref<10112x128xf32, #tpu.memory_space<vmem_shared>> -> memref<10112x128xf32, #tpu.memory_space<vmem_shared>>
        tpu.enqueue_indirect_dma source(%arg8 : memref<128x128xf32, #tpu.memory_space<vmem>>) target(%dma_start3A_41 : memref<10112x128xf32, #tpu.memory_space<vmem_shared>>) offsets(%dma_start3A_38 : memref<128xi32, #tpu.memory_space<vmem>>) semaphore(%run_scoped3A_36 : memref<!tpu.dma_semaphore, #tpu.memory_space<semaphore_mem>>) {add = true}
        %dma_wait3A = arith.constant 0 : i32
        %dma_wait3A_42 = tpu.memref_slice %arg7[%run_scoped3A_30, %dma_wait3A] : memref<8x128xi32, #tpu.memory_space<vmem>> -> memref<1x128xi32, #tpu.memory_space<vmem>>
        %dma_wait3A_43 = tpu.memref_squeeze %dma_wait3A_42 : memref<1x128xi32, #tpu.memory_space<vmem>> -> memref<128xi32, #tpu.memory_space<vmem>>
        %dma_wait3A_44 = arith.constant 0 : i32
        %dma_wait3A_45 = arith.constant 0 : i32
        %dma_wait3A_46 = tpu.memref_slice %arg6[%dma_wait3A_44, %dma_wait3A_45] : memref<10112x128xf32, #tpu.memory_space<vmem_shared>> -> memref<10112x128xf32, #tpu.memory_space<vmem_shared>>
        tpu.wait_indirect_dma semaphore(%run_scoped3A_36 : memref<!tpu.dma_semaphore, #tpu.memory_space<semaphore_mem>>) src(%arg8 : memref<128x128xf32, #tpu.memory_space<vmem>>) dst(%dma_wait3A_46 : memref<10112x128xf32, #tpu.memory_space<vmem_shared>>)
        tpu.yield
      }) : () -> ()
      %run_scoped3A_31 = arith.constant 3 : i32
      "tpu.region"() ({
        %run_scoped3A_36 = tpu.sem_alloc : memref<!tpu.dma_semaphore, #tpu.memory_space<semaphore_mem>>
        %dma_start3A = arith.constant 0 : i32
        %dma_start3A_37 = tpu.memref_slice %arg7[%run_scoped3A_31, %dma_start3A] : memref<8x128xi32, #tpu.memory_space<vmem>> -> memref<1x128xi32, #tpu.memory_space<vmem>>
        %dma_start3A_38 = tpu.memref_squeeze %dma_start3A_37 : memref<1x128xi32, #tpu.memory_space<vmem>> -> memref<128xi32, #tpu.memory_space<vmem>>
        %dma_start3A_39 = arith.constant 0 : i32
        %dma_start3A_40 = arith.constant 0 : i32
        %dma_start3A_41 = tpu.memref_slice %arg6[%dma_start3A_39, %dma_start3A_40] : memref<10112x128xf32, #tpu.memory_space<vmem_shared>> -> memref<10112x128xf32, #tpu.memory_space<vmem_shared>>
        tpu.enqueue_indirect_dma source(%arg8 : memref<128x128xf32, #tpu.memory_space<vmem>>) target(%dma_start3A_41 : memref<10112x128xf32, #tpu.memory_space<vmem_shared>>) offsets(%dma_start3A_38 : memref<128xi32, #tpu.memory_space<vmem>>) semaphore(%run_scoped3A_36 : memref<!tpu.dma_semaphore, #tpu.memory_space<semaphore_mem>>) {add = true}
        %dma_wait3A = arith.constant 0 : i32
        %dma_wait3A_42 = tpu.memref_slice %arg7[%run_scoped3A_31, %dma_wait3A] : memref<8x128xi32, #tpu.memory_space<vmem>> -> memref<1x128xi32, #tpu.memory_space<vmem>>
        %dma_wait3A_43 = tpu.memref_squeeze %dma_wait3A_42 : memref<1x128xi32, #tpu.memory_space<vmem>> -> memref<128xi32, #tpu.memory_space<vmem>>
        %dma_wait3A_44 = arith.constant 0 : i32
        %dma_wait3A_45 = arith.constant 0 : i32
        %dma_wait3A_46 = tpu.memref_slice %arg6[%dma_wait3A_44, %dma_wait3A_45] : memref<10112x128xf32, #tpu.memory_space<vmem_shared>> -> memref<10112x128xf32, #tpu.memory_space<vmem_shared>>
        tpu.wait_indirect_dma semaphore(%run_scoped3A_36 : memref<!tpu.dma_semaphore, #tpu.memory_space<semaphore_mem>>) src(%arg8 : memref<128x128xf32, #tpu.memory_space<vmem>>) dst(%dma_wait3A_46 : memref<10112x128xf32, #tpu.memory_space<vmem_shared>>)
        tpu.yield
      }) : () -> ()
      %run_scoped3A_32 = arith.constant 4 : i32
      "tpu.region"() ({
        %run_scoped3A_36 = tpu.sem_alloc : memref<!tpu.dma_semaphore, #tpu.memory_space<semaphore_mem>>
        %dma_start3A = arith.constant 0 : i32
        %dma_start3A_37 = tpu.memref_slice %arg7[%run_scoped3A_32, %dma_start3A] : memref<8x128xi32, #tpu.memory_space<vmem>> -> memref<1x128xi32, #tpu.memory_space<vmem>>
        %dma_start3A_38 = tpu.memref_squeeze %dma_start3A_37 : memref<1x128xi32, #tpu.memory_space<vmem>> -> memref<128xi32, #tpu.memory_space<vmem>>
        %dma_start3A_39 = arith.constant 0 : i32
        %dma_start3A_40 = arith.constant 0 : i32
        %dma_start3A_41 = tpu.memref_slice %arg6[%dma_start3A_39, %dma_start3A_40] : memref<10112x128xf32, #tpu.memory_space<vmem_shared>> -> memref<10112x128xf32, #tpu.memory_space<vmem_shared>>
        tpu.enqueue_indirect_dma source(%arg8 : memref<128x128xf32, #tpu.memory_space<vmem>>) target(%dma_start3A_41 : memref<10112x128xf32, #tpu.memory_space<vmem_shared>>) offsets(%dma_start3A_38 : memref<128xi32, #tpu.memory_space<vmem>>) semaphore(%run_scoped3A_36 : memref<!tpu.dma_semaphore, #tpu.memory_space<semaphore_mem>>) {add = true}
        %dma_wait3A = arith.constant 0 : i32
        %dma_wait3A_42 = tpu.memref_slice %arg7[%run_scoped3A_32, %dma_wait3A] : memref<8x128xi32, #tpu.memory_space<vmem>> -> memref<1x128xi32, #tpu.memory_space<vmem>>
        %dma_wait3A_43 = tpu.memref_squeeze %dma_wait3A_42 : memref<1x128xi32, #tpu.memory_space<vmem>> -> memref<128xi32, #tpu.memory_space<vmem>>
        %dma_wait3A_44 = arith.constant 0 : i32
        %dma_wait3A_45 = arith.constant 0 : i32
        %dma_wait3A_46 = tpu.memref_slice %arg6[%dma_wait3A_44, %dma_wait3A_45] : memref<10112x128xf32, #tpu.memory_space<vmem_shared>> -> memref<10112x128xf32, #tpu.memory_space<vmem_shared>>
        tpu.wait_indirect_dma semaphore(%run_scoped3A_36 : memref<!tpu.dma_semaphore, #tpu.memory_space<semaphore_mem>>) src(%arg8 : memref<128x128xf32, #tpu.memory_space<vmem>>) dst(%dma_wait3A_46 : memref<10112x128xf32, #tpu.memory_space<vmem_shared>>)
        tpu.yield
      }) : () -> ()
      %run_scoped3A_33 = arith.constant 5 : i32
      "tpu.region"() ({
        %run_scoped3A_36 = tpu.sem_alloc : memref<!tpu.dma_semaphore, #tpu.memory_space<semaphore_mem>>
        %dma_start3A = arith.constant 0 : i32
        %dma_start3A_37 = tpu.memref_slice %arg7[%run_scoped3A_33, %dma_start3A] : memref<8x128xi32, #tpu.memory_space<vmem>> -> memref<1x128xi32, #tpu.memory_space<vmem>>
        %dma_start3A_38 = tpu.memref_squeeze %dma_start3A_37 : memref<1x128xi32, #tpu.memory_space<vmem>> -> memref<128xi32, #tpu.memory_space<vmem>>
        %dma_start3A_39 = arith.constant 0 : i32
        %dma_start3A_40 = arith.constant 0 : i32
        %dma_start3A_41 = tpu.memref_slice %arg6[%dma_start3A_39, %dma_start3A_40] : memref<10112x128xf32, #tpu.memory_space<vmem_shared>> -> memref<10112x128xf32, #tpu.memory_space<vmem_shared>>
        tpu.enqueue_indirect_dma source(%arg8 : memref<128x128xf32, #tpu.memory_space<vmem>>) target(%dma_start3A_41 : memref<10112x128xf32, #tpu.memory_space<vmem_shared>>) offsets(%dma_start3A_38 : memref<128xi32, #tpu.memory_space<vmem>>) semaphore(%run_scoped3A_36 : memref<!tpu.dma_semaphore, #tpu.memory_space<semaphore_mem>>) {add = true}
        %dma_wait3A = arith.constant 0 : i32
        %dma_wait3A_42 = tpu.memref_slice %arg7[%run_scoped3A_33, %dma_wait3A] : memref<8x128xi32, #tpu.memory_space<vmem>> -> memref<1x128xi32, #tpu.memory_space<vmem>>
        %dma_wait3A_43 = tpu.memref_squeeze %dma_wait3A_42 : memref<1x128xi32, #tpu.memory_space<vmem>> -> memref<128xi32, #tpu.memory_space<vmem>>
        %dma_wait3A_44 = arith.constant 0 : i32
        %dma_wait3A_45 = arith.constant 0 : i32
        %dma_wait3A_46 = tpu.memref_slice %arg6[%dma_wait3A_44, %dma_wait3A_45] : memref<10112x128xf32, #tpu.memory_space<vmem_shared>> -> memref<10112x128xf32, #tpu.memory_space<vmem_shared>>
        tpu.wait_indirect_dma semaphore(%run_scoped3A_36 : memref<!tpu.dma_semaphore, #tpu.memory_space<semaphore_mem>>) src(%arg8 : memref<128x128xf32, #tpu.memory_space<vmem>>) dst(%dma_wait3A_46 : memref<10112x128xf32, #tpu.memory_space<vmem_shared>>)
        tpu.yield
      }) : () -> ()
      %run_scoped3A_34 = arith.constant 6 : i32
      "tpu.region"() ({
        %run_scoped3A_36 = tpu.sem_alloc : memref<!tpu.dma_semaphore, #tpu.memory_space<semaphore_mem>>
        %dma_start3A = arith.constant 0 : i32
        %dma_start3A_37 = tpu.memref_slice %arg7[%run_scoped3A_34, %dma_start3A] : memref<8x128xi32, #tpu.memory_space<vmem>> -> memref<1x128xi32, #tpu.memory_space<vmem>>
        %dma_start3A_38 = tpu.memref_squeeze %dma_start3A_37 : memref<1x128xi32, #tpu.memory_space<vmem>> -> memref<128xi32, #tpu.memory_space<vmem>>
        %dma_start3A_39 = arith.constant 0 : i32
        %dma_start3A_40 = arith.constant 0 : i32
        %dma_start3A_41 = tpu.memref_slice %arg6[%dma_start3A_39, %dma_start3A_40] : memref<10112x128xf32, #tpu.memory_space<vmem_shared>> -> memref<10112x128xf32, #tpu.memory_space<vmem_shared>>
        tpu.enqueue_indirect_dma source(%arg8 : memref<128x128xf32, #tpu.memory_space<vmem>>) target(%dma_start3A_41 : memref<10112x128xf32, #tpu.memory_space<vmem_shared>>) offsets(%dma_start3A_38 : memref<128xi32, #tpu.memory_space<vmem>>) semaphore(%run_scoped3A_36 : memref<!tpu.dma_semaphore, #tpu.memory_space<semaphore_mem>>) {add = true}
        %dma_wait3A = arith.constant 0 : i32
        %dma_wait3A_42 = tpu.memref_slice %arg7[%run_scoped3A_34, %dma_wait3A] : memref<8x128xi32, #tpu.memory_space<vmem>> -> memref<1x128xi32, #tpu.memory_space<vmem>>
        %dma_wait3A_43 = tpu.memref_squeeze %dma_wait3A_42 : memref<1x128xi32, #tpu.memory_space<vmem>> -> memref<128xi32, #tpu.memory_space<vmem>>
        %dma_wait3A_44 = arith.constant 0 : i32
        %dma_wait3A_45 = arith.constant 0 : i32
        %dma_wait3A_46 = tpu.memref_slice %arg6[%dma_wait3A_44, %dma_wait3A_45] : memref<10112x128xf32, #tpu.memory_space<vmem_shared>> -> memref<10112x128xf32, #tpu.memory_space<vmem_shared>>
        tpu.wait_indirect_dma semaphore(%run_scoped3A_36 : memref<!tpu.dma_semaphore, #tpu.memory_space<semaphore_mem>>) src(%arg8 : memref<128x128xf32, #tpu.memory_space<vmem>>) dst(%dma_wait3A_46 : memref<10112x128xf32, #tpu.memory_space<vmem_shared>>)
        tpu.yield
      }) : () -> ()
      %run_scoped3A_35 = arith.constant 7 : i32
      "tpu.region"() ({
        %run_scoped3A_36 = tpu.sem_alloc : memref<!tpu.dma_semaphore, #tpu.memory_space<semaphore_mem>>
        %dma_start3A = arith.constant 0 : i32
        %dma_start3A_37 = tpu.memref_slice %arg7[%run_scoped3A_35, %dma_start3A] : memref<8x128xi32, #tpu.memory_space<vmem>> -> memref<1x128xi32, #tpu.memory_space<vmem>>
        %dma_start3A_38 = tpu.memref_squeeze %dma_start3A_37 : memref<1x128xi32, #tpu.memory_space<vmem>> -> memref<128xi32, #tpu.memory_space<vmem>>
        %dma_start3A_39 = arith.constant 0 : i32
        %dma_start3A_40 = arith.constant 0 : i32
        %dma_start3A_41 = tpu.memref_slice %arg6[%dma_start3A_39, %dma_start3A_40] : memref<10112x128xf32, #tpu.memory_space<vmem_shared>> -> memref<10112x128xf32, #tpu.memory_space<vmem_shared>>
        tpu.enqueue_indirect_dma source(%arg8 : memref<128x128xf32, #tpu.memory_space<vmem>>) target(%dma_start3A_41 : memref<10112x128xf32, #tpu.memory_space<vmem_shared>>) offsets(%dma_start3A_38 : memref<128xi32, #tpu.memory_space<vmem>>) semaphore(%run_scoped3A_36 : memref<!tpu.dma_semaphore, #tpu.memory_space<semaphore_mem>>) {add = true}
        %dma_wait3A = arith.constant 0 : i32
        %dma_wait3A_42 = tpu.memref_slice %arg7[%run_scoped3A_35, %dma_wait3A] : memref<8x128xi32, #tpu.memory_space<vmem>> -> memref<1x128xi32, #tpu.memory_space<vmem>>
        %dma_wait3A_43 = tpu.memref_squeeze %dma_wait3A_42 : memref<1x128xi32, #tpu.memory_space<vmem>> -> memref<128xi32, #tpu.memory_space<vmem>>
        %dma_wait3A_44 = arith.constant 0 : i32
        %dma_wait3A_45 = arith.constant 0 : i32
        %dma_wait3A_46 = tpu.memref_slice %arg6[%dma_wait3A_44, %dma_wait3A_45] : memref<10112x128xf32, #tpu.memory_space<vmem_shared>> -> memref<10112x128xf32, #tpu.memory_space<vmem_shared>>
        tpu.wait_indirect_dma semaphore(%run_scoped3A_36 : memref<!tpu.dma_semaphore, #tpu.memory_space<semaphore_mem>>) src(%arg8 : memref<128x128xf32, #tpu.memory_space<vmem>>) dst(%dma_wait3A_46 : memref<10112x128xf32, #tpu.memory_space<vmem_shared>>)
        tpu.yield
      }) : () -> ()
    }
    %while3A_19 = arith.constant 1 : i32
    scf.for %while3A_25 = %while3A_17 to %while3A_13 step %while3A_19  : i32 {
      %mul3A_26 = arith.constant 8 : i32
      %mul3A_27 = arith.muli %while3A_25, %mul3A_26 : i32
      %add3A_28 = arith.addi %select_n3A, %mul3A_27 : i32
      "tpu.region"() ({
        %run_scoped3A_36 = tpu.sem_alloc : memref<!tpu.dma_semaphore, #tpu.memory_space<semaphore_mem>>
        %dma_start3A = arith.constant 0 : i32
        %dma_start3A_37 = tpu.memref_slice %arg2[%add3A_28, %dma_start3A] : memref<2560x128xi32, #tpu.memory_space<hbm>> -> memref<8x128xi32, #tpu.memory_space<hbm>>
        %dma_start3A_38 = arith.constant 0 : i32
        %dma_start3A_39 = tpu.memref_slice %arg2[%add3A_28, %dma_start3A_38] : memref<2560x128xi32, #tpu.memory_space<hbm>> -> memref<8x128xi32, #tpu.memory_space<hbm>>
        tpu.enqueue_dma source(%dma_start3A_39 : memref<8x128xi32, #tpu.memory_space<hbm>>) target(%arg7 : memref<8x128xi32, #tpu.memory_space<vmem>>) target_semaphore(%run_scoped3A_36 : memref<!tpu.dma_semaphore, #tpu.memory_space<semaphore_mem>>)
        %dma_wait3A = arith.constant 0 : i32
        %dma_wait3A_40 = tpu.memref_slice %arg2[%add3A_28, %dma_wait3A] : memref<2560x128xi32, #tpu.memory_space<hbm>> -> memref<8x128xi32, #tpu.memory_space<hbm>>
        %dma_wait3A_41 = arith.constant 0 : i32
        %dma_wait3A_42 = tpu.memref_slice %arg2[%add3A_28, %dma_wait3A_41] : memref<2560x128xi32, #tpu.memory_space<hbm>> -> memref<8x128xi32, #tpu.memory_space<hbm>>
        tpu.wait_dma2 semaphore(%run_scoped3A_36 : memref<!tpu.dma_semaphore, #tpu.memory_space<semaphore_mem>>) src(%dma_wait3A_42 : memref<8x128xi32, #tpu.memory_space<hbm>>) dst(%arg7 : memref<8x128xi32, #tpu.memory_space<vmem>>)
        tpu.yield
      }) : () -> ()
      %run_scoped3A = arith.constant 0 : i32
      "tpu.region"() ({
        %run_scoped3A_36 = tpu.sem_alloc : memref<!tpu.dma_semaphore, #tpu.memory_space<semaphore_mem>>
        %dma_start3A = arith.constant 0 : i32
        %dma_start3A_37 = tpu.memref_slice %arg7[%run_scoped3A, %dma_start3A] : memref<8x128xi32, #tpu.memory_space<vmem>> -> memref<1x128xi32, #tpu.memory_space<vmem>>
        %dma_start3A_38 = tpu.memref_squeeze %dma_start3A_37 : memref<1x128xi32, #tpu.memory_space<vmem>> -> memref<128xi32, #tpu.memory_space<vmem>>
        %dma_start3A_39 = arith.constant 0 : i32
        %dma_start3A_40 = arith.constant 0 : i32
        %dma_start3A_41 = tpu.memref_slice %arg6[%dma_start3A_39, %dma_start3A_40] : memref<10112x128xf32, #tpu.memory_space<vmem_shared>> -> memref<10112x128xf32, #tpu.memory_space<vmem_shared>>
        tpu.enqueue_indirect_dma source(%arg8 : memref<128x128xf32, #tpu.memory_space<vmem>>) target(%dma_start3A_41 : memref<10112x128xf32, #tpu.memory_space<vmem_shared>>) offsets(%dma_start3A_38 : memref<128xi32, #tpu.memory_space<vmem>>) semaphore(%run_scoped3A_36 : memref<!tpu.dma_semaphore, #tpu.memory_space<semaphore_mem>>) {add = true}
        %dma_wait3A = arith.constant 0 : i32
        %dma_wait3A_42 = tpu.memref_slice %arg7[%run_scoped3A, %dma_wait3A] : memref<8x128xi32, #tpu.memory_space<vmem>> -> memref<1x128xi32, #tpu.memory_space<vmem>>
        %dma_wait3A_43 = tpu.memref_squeeze %dma_wait3A_42 : memref<1x128xi32, #tpu.memory_space<vmem>> -> memref<128xi32, #tpu.memory_space<vmem>>
        %dma_wait3A_44 = arith.constant 0 : i32
        %dma_wait3A_45 = arith.constant 0 : i32
        %dma_wait3A_46 = tpu.memref_slice %arg6[%dma_wait3A_44, %dma_wait3A_45] : memref<10112x128xf32, #tpu.memory_space<vmem_shared>> -> memref<10112x128xf32, #tpu.memory_space<vmem_shared>>
        tpu.wait_indirect_dma semaphore(%run_scoped3A_36 : memref<!tpu.dma_semaphore, #tpu.memory_space<semaphore_mem>>) src(%arg8 : memref<128x128xf32, #tpu.memory_space<vmem>>) dst(%dma_wait3A_46 : memref<10112x128xf32, #tpu.memory_space<vmem_shared>>)
        tpu.yield
      }) : () -> ()
      %run_scoped3A_29 = arith.constant 1 : i32
      "tpu.region"() ({
        %run_scoped3A_36 = tpu.sem_alloc : memref<!tpu.dma_semaphore, #tpu.memory_space<semaphore_mem>>
        %dma_start3A = arith.constant 0 : i32
        %dma_start3A_37 = tpu.memref_slice %arg7[%run_scoped3A_29, %dma_start3A] : memref<8x128xi32, #tpu.memory_space<vmem>> -> memref<1x128xi32, #tpu.memory_space<vmem>>
        %dma_start3A_38 = tpu.memref_squeeze %dma_start3A_37 : memref<1x128xi32, #tpu.memory_space<vmem>> -> memref<128xi32, #tpu.memory_space<vmem>>
        %dma_start3A_39 = arith.constant 0 : i32
        %dma_start3A_40 = arith.constant 0 : i32
        %dma_start3A_41 = tpu.memref_slice %arg6[%dma_start3A_39, %dma_start3A_40] : memref<10112x128xf32, #tpu.memory_space<vmem_shared>> -> memref<10112x128xf32, #tpu.memory_space<vmem_shared>>
        tpu.enqueue_indirect_dma source(%arg8 : memref<128x128xf32, #tpu.memory_space<vmem>>) target(%dma_start3A_41 : memref<10112x128xf32, #tpu.memory_space<vmem_shared>>) offsets(%dma_start3A_38 : memref<128xi32, #tpu.memory_space<vmem>>) semaphore(%run_scoped3A_36 : memref<!tpu.dma_semaphore, #tpu.memory_space<semaphore_mem>>) {add = true}
        %dma_wait3A = arith.constant 0 : i32
        %dma_wait3A_42 = tpu.memref_slice %arg7[%run_scoped3A_29, %dma_wait3A] : memref<8x128xi32, #tpu.memory_space<vmem>> -> memref<1x128xi32, #tpu.memory_space<vmem>>
        %dma_wait3A_43 = tpu.memref_squeeze %dma_wait3A_42 : memref<1x128xi32, #tpu.memory_space<vmem>> -> memref<128xi32, #tpu.memory_space<vmem>>
        %dma_wait3A_44 = arith.constant 0 : i32
        %dma_wait3A_45 = arith.constant 0 : i32
        %dma_wait3A_46 = tpu.memref_slice %arg6[%dma_wait3A_44, %dma_wait3A_45] : memref<10112x128xf32, #tpu.memory_space<vmem_shared>> -> memref<10112x128xf32, #tpu.memory_space<vmem_shared>>
        tpu.wait_indirect_dma semaphore(%run_scoped3A_36 : memref<!tpu.dma_semaphore, #tpu.memory_space<semaphore_mem>>) src(%arg8 : memref<128x128xf32, #tpu.memory_space<vmem>>) dst(%dma_wait3A_46 : memref<10112x128xf32, #tpu.memory_space<vmem_shared>>)
        tpu.yield
      }) : () -> ()
      %run_scoped3A_30 = arith.constant 2 : i32
      "tpu.region"() ({
        %run_scoped3A_36 = tpu.sem_alloc : memref<!tpu.dma_semaphore, #tpu.memory_space<semaphore_mem>>
        %dma_start3A = arith.constant 0 : i32
        %dma_start3A_37 = tpu.memref_slice %arg7[%run_scoped3A_30, %dma_start3A] : memref<8x128xi32, #tpu.memory_space<vmem>> -> memref<1x128xi32, #tpu.memory_space<vmem>>
        %dma_start3A_38 = tpu.memref_squeeze %dma_start3A_37 : memref<1x128xi32, #tpu.memory_space<vmem>> -> memref<128xi32, #tpu.memory_space<vmem>>
        %dma_start3A_39 = arith.constant 0 : i32
        %dma_start3A_40 = arith.constant 0 : i32
        %dma_start3A_41 = tpu.memref_slice %arg6[%dma_start3A_39, %dma_start3A_40] : memref<10112x128xf32, #tpu.memory_space<vmem_shared>> -> memref<10112x128xf32, #tpu.memory_space<vmem_shared>>
        tpu.enqueue_indirect_dma source(%arg8 : memref<128x128xf32, #tpu.memory_space<vmem>>) target(%dma_start3A_41 : memref<10112x128xf32, #tpu.memory_space<vmem_shared>>) offsets(%dma_start3A_38 : memref<128xi32, #tpu.memory_space<vmem>>) semaphore(%run_scoped3A_36 : memref<!tpu.dma_semaphore, #tpu.memory_space<semaphore_mem>>) {add = true}
        %dma_wait3A = arith.constant 0 : i32
        %dma_wait3A_42 = tpu.memref_slice %arg7[%run_scoped3A_30, %dma_wait3A] : memref<8x128xi32, #tpu.memory_space<vmem>> -> memref<1x128xi32, #tpu.memory_space<vmem>>
        %dma_wait3A_43 = tpu.memref_squeeze %dma_wait3A_42 : memref<1x128xi32, #tpu.memory_space<vmem>> -> memref<128xi32, #tpu.memory_space<vmem>>
        %dma_wait3A_44 = arith.constant 0 : i32
        %dma_wait3A_45 = arith.constant 0 : i32
        %dma_wait3A_46 = tpu.memref_slice %arg6[%dma_wait3A_44, %dma_wait3A_45] : memref<10112x128xf32, #tpu.memory_space<vmem_shared>> -> memref<10112x128xf32, #tpu.memory_space<vmem_shared>>
        tpu.wait_indirect_dma semaphore(%run_scoped3A_36 : memref<!tpu.dma_semaphore, #tpu.memory_space<semaphore_mem>>) src(%arg8 : memref<128x128xf32, #tpu.memory_space<vmem>>) dst(%dma_wait3A_46 : memref<10112x128xf32, #tpu.memory_space<vmem_shared>>)
        tpu.yield
      }) : () -> ()
      %run_scoped3A_31 = arith.constant 3 : i32
      "tpu.region"() ({
        %run_scoped3A_36 = tpu.sem_alloc : memref<!tpu.dma_semaphore, #tpu.memory_space<semaphore_mem>>
        %dma_start3A = arith.constant 0 : i32
        %dma_start3A_37 = tpu.memref_slice %arg7[%run_scoped3A_31, %dma_start3A] : memref<8x128xi32, #tpu.memory_space<vmem>> -> memref<1x128xi32, #tpu.memory_space<vmem>>
        %dma_start3A_38 = tpu.memref_squeeze %dma_start3A_37 : memref<1x128xi32, #tpu.memory_space<vmem>> -> memref<128xi32, #tpu.memory_space<vmem>>
        %dma_start3A_39 = arith.constant 0 : i32
        %dma_start3A_40 = arith.constant 0 : i32
        %dma_start3A_41 = tpu.memref_slice %arg6[%dma_start3A_39, %dma_start3A_40] : memref<10112x128xf32, #tpu.memory_space<vmem_shared>> -> memref<10112x128xf32, #tpu.memory_space<vmem_shared>>
        tpu.enqueue_indirect_dma source(%arg8 : memref<128x128xf32, #tpu.memory_space<vmem>>) target(%dma_start3A_41 : memref<10112x128xf32, #tpu.memory_space<vmem_shared>>) offsets(%dma_start3A_38 : memref<128xi32, #tpu.memory_space<vmem>>) semaphore(%run_scoped3A_36 : memref<!tpu.dma_semaphore, #tpu.memory_space<semaphore_mem>>) {add = true}
        %dma_wait3A = arith.constant 0 : i32
        %dma_wait3A_42 = tpu.memref_slice %arg7[%run_scoped3A_31, %dma_wait3A] : memref<8x128xi32, #tpu.memory_space<vmem>> -> memref<1x128xi32, #tpu.memory_space<vmem>>
        %dma_wait3A_43 = tpu.memref_squeeze %dma_wait3A_42 : memref<1x128xi32, #tpu.memory_space<vmem>> -> memref<128xi32, #tpu.memory_space<vmem>>
        %dma_wait3A_44 = arith.constant 0 : i32
        %dma_wait3A_45 = arith.constant 0 : i32
        %dma_wait3A_46 = tpu.memref_slice %arg6[%dma_wait3A_44, %dma_wait3A_45] : memref<10112x128xf32, #tpu.memory_space<vmem_shared>> -> memref<10112x128xf32, #tpu.memory_space<vmem_shared>>
        tpu.wait_indirect_dma semaphore(%run_scoped3A_36 : memref<!tpu.dma_semaphore, #tpu.memory_space<semaphore_mem>>) src(%arg8 : memref<128x128xf32, #tpu.memory_space<vmem>>) dst(%dma_wait3A_46 : memref<10112x128xf32, #tpu.memory_space<vmem_shared>>)
        tpu.yield
      }) : () -> ()
      %run_scoped3A_32 = arith.constant 4 : i32
      "tpu.region"() ({
        %run_scoped3A_36 = tpu.sem_alloc : memref<!tpu.dma_semaphore, #tpu.memory_space<semaphore_mem>>
        %dma_start3A = arith.constant 0 : i32
        %dma_start3A_37 = tpu.memref_slice %arg7[%run_scoped3A_32, %dma_start3A] : memref<8x128xi32, #tpu.memory_space<vmem>> -> memref<1x128xi32, #tpu.memory_space<vmem>>
        %dma_start3A_38 = tpu.memref_squeeze %dma_start3A_37 : memref<1x128xi32, #tpu.memory_space<vmem>> -> memref<128xi32, #tpu.memory_space<vmem>>
        %dma_start3A_39 = arith.constant 0 : i32
        %dma_start3A_40 = arith.constant 0 : i32
        %dma_start3A_41 = tpu.memref_slice %arg6[%dma_start3A_39, %dma_start3A_40] : memref<10112x128xf32, #tpu.memory_space<vmem_shared>> -> memref<10112x128xf32, #tpu.memory_space<vmem_shared>>
        tpu.enqueue_indirect_dma source(%arg8 : memref<128x128xf32, #tpu.memory_space<vmem>>) target(%dma_start3A_41 : memref<10112x128xf32, #tpu.memory_space<vmem_shared>>) offsets(%dma_start3A_38 : memref<128xi32, #tpu.memory_space<vmem>>) semaphore(%run_scoped3A_36 : memref<!tpu.dma_semaphore, #tpu.memory_space<semaphore_mem>>) {add = true}
        %dma_wait3A = arith.constant 0 : i32
        %dma_wait3A_42 = tpu.memref_slice %arg7[%run_scoped3A_32, %dma_wait3A] : memref<8x128xi32, #tpu.memory_space<vmem>> -> memref<1x128xi32, #tpu.memory_space<vmem>>
        %dma_wait3A_43 = tpu.memref_squeeze %dma_wait3A_42 : memref<1x128xi32, #tpu.memory_space<vmem>> -> memref<128xi32, #tpu.memory_space<vmem>>
        %dma_wait3A_44 = arith.constant 0 : i32
        %dma_wait3A_45 = arith.constant 0 : i32
        %dma_wait3A_46 = tpu.memref_slice %arg6[%dma_wait3A_44, %dma_wait3A_45] : memref<10112x128xf32, #tpu.memory_space<vmem_shared>> -> memref<10112x128xf32, #tpu.memory_space<vmem_shared>>
        tpu.wait_indirect_dma semaphore(%run_scoped3A_36 : memref<!tpu.dma_semaphore, #tpu.memory_space<semaphore_mem>>) src(%arg8 : memref<128x128xf32, #tpu.memory_space<vmem>>) dst(%dma_wait3A_46 : memref<10112x128xf32, #tpu.memory_space<vmem_shared>>)
        tpu.yield
      }) : () -> ()
      %run_scoped3A_33 = arith.constant 5 : i32
      "tpu.region"() ({
        %run_scoped3A_36 = tpu.sem_alloc : memref<!tpu.dma_semaphore, #tpu.memory_space<semaphore_mem>>
        %dma_start3A = arith.constant 0 : i32
        %dma_start3A_37 = tpu.memref_slice %arg7[%run_scoped3A_33, %dma_start3A] : memref<8x128xi32, #tpu.memory_space<vmem>> -> memref<1x128xi32, #tpu.memory_space<vmem>>
        %dma_start3A_38 = tpu.memref_squeeze %dma_start3A_37 : memref<1x128xi32, #tpu.memory_space<vmem>> -> memref<128xi32, #tpu.memory_space<vmem>>
        %dma_start3A_39 = arith.constant 0 : i32
        %dma_start3A_40 = arith.constant 0 : i32
        %dma_start3A_41 = tpu.memref_slice %arg6[%dma_start3A_39, %dma_start3A_40] : memref<10112x128xf32, #tpu.memory_space<vmem_shared>> -> memref<10112x128xf32, #tpu.memory_space<vmem_shared>>
        tpu.enqueue_indirect_dma source(%arg8 : memref<128x128xf32, #tpu.memory_space<vmem>>) target(%dma_start3A_41 : memref<10112x128xf32, #tpu.memory_space<vmem_shared>>) offsets(%dma_start3A_38 : memref<128xi32, #tpu.memory_space<vmem>>) semaphore(%run_scoped3A_36 : memref<!tpu.dma_semaphore, #tpu.memory_space<semaphore_mem>>) {add = true}
        %dma_wait3A = arith.constant 0 : i32
        %dma_wait3A_42 = tpu.memref_slice %arg7[%run_scoped3A_33, %dma_wait3A] : memref<8x128xi32, #tpu.memory_space<vmem>> -> memref<1x128xi32, #tpu.memory_space<vmem>>
        %dma_wait3A_43 = tpu.memref_squeeze %dma_wait3A_42 : memref<1x128xi32, #tpu.memory_space<vmem>> -> memref<128xi32, #tpu.memory_space<vmem>>
        %dma_wait3A_44 = arith.constant 0 : i32
        %dma_wait3A_45 = arith.constant 0 : i32
        %dma_wait3A_46 = tpu.memref_slice %arg6[%dma_wait3A_44, %dma_wait3A_45] : memref<10112x128xf32, #tpu.memory_space<vmem_shared>> -> memref<10112x128xf32, #tpu.memory_space<vmem_shared>>
        tpu.wait_indirect_dma semaphore(%run_scoped3A_36 : memref<!tpu.dma_semaphore, #tpu.memory_space<semaphore_mem>>) src(%arg8 : memref<128x128xf32, #tpu.memory_space<vmem>>) dst(%dma_wait3A_46 : memref<10112x128xf32, #tpu.memory_space<vmem_shared>>)
        tpu.yield
      }) : () -> ()
      %run_scoped3A_34 = arith.constant 6 : i32
      "tpu.region"() ({
        %run_scoped3A_36 = tpu.sem_alloc : memref<!tpu.dma_semaphore, #tpu.memory_space<semaphore_mem>>
        %dma_start3A = arith.constant 0 : i32
        %dma_start3A_37 = tpu.memref_slice %arg7[%run_scoped3A_34, %dma_start3A] : memref<8x128xi32, #tpu.memory_space<vmem>> -> memref<1x128xi32, #tpu.memory_space<vmem>>
        %dma_start3A_38 = tpu.memref_squeeze %dma_start3A_37 : memref<1x128xi32, #tpu.memory_space<vmem>> -> memref<128xi32, #tpu.memory_space<vmem>>
        %dma_start3A_39 = arith.constant 0 : i32
        %dma_start3A_40 = arith.constant 0 : i32
        %dma_start3A_41 = tpu.memref_slice %arg6[%dma_start3A_39, %dma_start3A_40] : memref<10112x128xf32, #tpu.memory_space<vmem_shared>> -> memref<10112x128xf32, #tpu.memory_space<vmem_shared>>
        tpu.enqueue_indirect_dma source(%arg8 : memref<128x128xf32, #tpu.memory_space<vmem>>) target(%dma_start3A_41 : memref<10112x128xf32, #tpu.memory_space<vmem_shared>>) offsets(%dma_start3A_38 : memref<128xi32, #tpu.memory_space<vmem>>) semaphore(%run_scoped3A_36 : memref<!tpu.dma_semaphore, #tpu.memory_space<semaphore_mem>>) {add = true}
        %dma_wait3A = arith.constant 0 : i32
        %dma_wait3A_42 = tpu.memref_slice %arg7[%run_scoped3A_34, %dma_wait3A] : memref<8x128xi32, #tpu.memory_space<vmem>> -> memref<1x128xi32, #tpu.memory_space<vmem>>
        %dma_wait3A_43 = tpu.memref_squeeze %dma_wait3A_42 : memref<1x128xi32, #tpu.memory_space<vmem>> -> memref<128xi32, #tpu.memory_space<vmem>>
        %dma_wait3A_44 = arith.constant 0 : i32
        %dma_wait3A_45 = arith.constant 0 : i32
        %dma_wait3A_46 = tpu.memref_slice %arg6[%dma_wait3A_44, %dma_wait3A_45] : memref<10112x128xf32, #tpu.memory_space<vmem_shared>> -> memref<10112x128xf32, #tpu.memory_space<vmem_shared>>
        tpu.wait_indirect_dma semaphore(%run_scoped3A_36 : memref<!tpu.dma_semaphore, #tpu.memory_space<semaphore_mem>>) src(%arg8 : memref<128x128xf32, #tpu.memory_space<vmem>>) dst(%dma_wait3A_46 : memref<10112x128xf32, #tpu.memory_space<vmem_shared>>)
        tpu.yield
      }) : () -> ()
      %run_scoped3A_35 = arith.constant 7 : i32
      "tpu.region"() ({
        %run_scoped3A_36 = tpu.sem_alloc : memref<!tpu.dma_semaphore, #tpu.memory_space<semaphore_mem>>
        %dma_start3A = arith.constant 0 : i32
        %dma_start3A_37 = tpu.memref_slice %arg7[%run_scoped3A_35, %dma_start3A] : memref<8x128xi32, #tpu.memory_space<vmem>> -> memref<1x128xi32, #tpu.memory_space<vmem>>
        %dma_start3A_38 = tpu.memref_squeeze %dma_start3A_37 : memref<1x128xi32, #tpu.memory_space<vmem>> -> memref<128xi32, #tpu.memory_space<vmem>>
        %dma_start3A_39 = arith.constant 0 : i32
        %dma_start3A_40 = arith.constant 0 : i32
        %dma_start3A_41 = tpu.memref_slice %arg6[%dma_start3A_39, %dma_start3A_40] : memref<10112x128xf32, #tpu.memory_space<vmem_shared>> -> memref<10112x128xf32, #tpu.memory_space<vmem_shared>>
        tpu.enqueue_indirect_dma source(%arg8 : memref<128x128xf32, #tpu.memory_space<vmem>>) target(%dma_start3A_41 : memref<10112x128xf32, #tpu.memory_space<vmem_shared>>) offsets(%dma_start3A_38 : memref<128xi32, #tpu.memory_space<vmem>>) semaphore(%run_scoped3A_36 : memref<!tpu.dma_semaphore, #tpu.memory_space<semaphore_mem>>) {add = true}
        %dma_wait3A = arith.constant 0 : i32
        %dma_wait3A_42 = tpu.memref_slice %arg7[%run_scoped3A_35, %dma_wait3A] : memref<8x128xi32, #tpu.memory_space<vmem>> -> memref<1x128xi32, #tpu.memory_space<vmem>>
        %dma_wait3A_43 = tpu.memref_squeeze %dma_wait3A_42 : memref<1x128xi32, #tpu.memory_space<vmem>> -> memref<128xi32, #tpu.memory_space<vmem>>
        %dma_wait3A_44 = arith.constant 0 : i32
        %dma_wait3A_45 = arith.constant 0 : i32
        %dma_wait3A_46 = tpu.memref_slice %arg6[%dma_wait3A_44, %dma_wait3A_45] : memref<10112x128xf32, #tpu.memory_space<vmem_shared>> -> memref<10112x128xf32, #tpu.memory_space<vmem_shared>>
        tpu.wait_indirect_dma semaphore(%run_scoped3A_36 : memref<!tpu.dma_semaphore, #tpu.memory_space<semaphore_mem>>) src(%arg8 : memref<128x128xf32, #tpu.memory_space<vmem>>) dst(%dma_wait3A_46 : memref<10112x128xf32, #tpu.memory_space<vmem_shared>>)
        tpu.yield
      }) : () -> ()
    }
    %barrier3A_20 = arith.constant 0 : index
    tpu.barrier barrier_id(%barrier3A_20)
    %mul3A_21 = arith.constant 632 : i32
    %mul3A_22 = arith.muli %arg1, %mul3A_21 : i32
    %mul3A_23 = arith.constant 632 : i32
    %mul3A_24 = arith.muli %arg1, %mul3A_23 : i32
    "tpu.region"() ({
      %run_scoped3A = tpu.sem_alloc : memref<!tpu.dma_semaphore, #tpu.memory_space<semaphore_mem>>
      %dma_start3A = arith.constant 0 : i32
      %dma_start3A_25 = tpu.memref_slice %arg5[%arg0, %mul3A_24, %dma_start3A] : memref<2x10112x128xf32, #tpu.memory_space<hbm>> -> memref<1x632x128xf32, #tpu.memory_space<hbm>>
      %dma_start3A_26 = tpu.memref_squeeze %dma_start3A_25 : memref<1x632x128xf32, #tpu.memory_space<hbm>> -> memref<632x128xf32, #tpu.memory_space<hbm>>
      %dma_start3A_27 = arith.constant 0 : i32
      %dma_start3A_28 = tpu.memref_slice %arg6[%mul3A_22, %dma_start3A_27] : memref<10112x128xf32, #tpu.memory_space<vmem_shared>> -> memref<632x128xf32, #tpu.memory_space<vmem_shared>>
      tpu.enqueue_dma source(%dma_start3A_28 : memref<632x128xf32, #tpu.memory_space<vmem_shared>>) target(%dma_start3A_26 : memref<632x128xf32, #tpu.memory_space<hbm>>) target_semaphore(%run_scoped3A : memref<!tpu.dma_semaphore, #tpu.memory_space<semaphore_mem>>)
      %dma_wait3A = arith.constant 0 : i32
      %dma_wait3A_29 = tpu.memref_slice %arg5[%arg0, %mul3A_24, %dma_wait3A] : memref<2x10112x128xf32, #tpu.memory_space<hbm>> -> memref<1x632x128xf32, #tpu.memory_space<hbm>>
      %dma_wait3A_30 = tpu.memref_squeeze %dma_wait3A_29 : memref<1x632x128xf32, #tpu.memory_space<hbm>> -> memref<632x128xf32, #tpu.memory_space<hbm>>
      %dma_wait3A_31 = arith.constant 0 : i32
      %dma_wait3A_32 = tpu.memref_slice %arg6[%mul3A_22, %dma_wait3A_31] : memref<10112x128xf32, #tpu.memory_space<vmem_shared>> -> memref<632x128xf32, #tpu.memory_space<vmem_shared>>
      tpu.wait_dma2 semaphore(%run_scoped3A : memref<!tpu.dma_semaphore, #tpu.memory_space<semaphore_mem>>) src(%dma_wait3A_32 : memref<632x128xf32, #tpu.memory_space<vmem_shared>>) dst(%dma_wait3A_30 : memref<632x128xf32, #tpu.memory_space<hbm>>)
      tpu.yield
    }) : () -> ()
    return
  }
}

#map = affine_map<(d0, d1) -> (0, 0)>
#map1 = affine_map<(d0, d1) -> (0, 0, 0)>
module attributes {stable_mosaic.version = 14 : i64} {
  func.func @_sc_body(%arg0: i32, %arg1: i32, %arg2: memref<10000x128xf32, #tpu.memory_space<hbm>>, %arg3: memref<2560x128xi32, #tpu.memory_space<hbm>>, %arg4: memref<2560x128xi32, #tpu.memory_space<hbm>>, %arg5: memref<632x128xf32, #tpu.memory_space<hbm>>, %arg6: memref<2x10112x128xf32, #tpu.memory_space<hbm>>, %arg7: memref<10112x128xf32, #tpu.memory_space<vmem_shared>>, %arg8: memref<8x128xi32, #tpu.memory_space<vmem>>, %arg9: memref<8x128xi32, #tpu.memory_space<vmem>>, %arg10: memref<128x128xf32, #tpu.memory_space<vmem>>, %arg11: memref<128x128xf32, #tpu.memory_space<vmem>>, %arg12: memref<!tpu.dma_semaphore, #tpu.memory_space<semaphore_mem>>, %arg13: memref<!tpu.dma_semaphore, #tpu.memory_space<semaphore_mem>>) attributes {dimension_semantics = [#tpu.dimension_semantics<core_parallel>, #tpu.dimension_semantics<subcore_parallel>], iteration_bounds = array<i64: 2, 16>, scalar_prefetch = 0 : i64, scratch_operands = 7 : i64, tpu.core_type = #tpu.core_type<sc_vector_subcore>, window_params = [{transform_indices = #map}, {transform_indices = #map}, {transform_indices = #map}, {transform_indices = #map}, {transform_indices = #map1}]} {
    %eq3A = arith.constant 0 : i32
    %eq3A_0 = arith.cmpi eq, %arg0, %eq3A : i32
    %mul3A = arith.constant 80 : i32
    %mul3A_1 = arith.muli %arg1, %mul3A : i32
    %mul3A_2 = arith.constant 80 : i32
    %mul3A_3 = arith.muli %arg1, %mul3A_2 : i32
    %add3A = arith.constant 1280 : i32
    %add3A_4 = arith.addi %add3A, %mul3A_3 : i32
    %select_n3A = arith.select %eq3A_0, %mul3A_1, %add3A_4 : i32
    %eq3A_5 = arith.constant 0 : i32
    %eq3A_6 = arith.cmpi eq, %arg0, %eq3A_5 : i32
    %jit3A = arith.constant 10 : i32
    %jit3A_7 = arith.constant 10 : i32
    %select_n3A_8 = arith.select %eq3A_6, %jit3A, %jit3A_7 : i32
    %mul3A_9 = arith.constant 632 : i32
    %mul3A_10 = arith.muli %arg1, %mul3A_9 : i32
    "tpu.region"() ({
      %run_scoped3A = tpu.sem_alloc : memref<!tpu.dma_semaphore, #tpu.memory_space<semaphore_mem>>
      %dma_start3A = arith.constant 0 : i32
      %dma_start3A_25 = tpu.memref_slice %arg7[%mul3A_10, %dma_start3A] : memref<10112x128xf32, #tpu.memory_space<vmem_shared>> -> memref<632x128xf32, #tpu.memory_space<vmem_shared>>
      tpu.enqueue_dma source(%arg5 : memref<632x128xf32, #tpu.memory_space<hbm>>) target(%dma_start3A_25 : memref<632x128xf32, #tpu.memory_space<vmem_shared>>) target_semaphore(%run_scoped3A : memref<!tpu.dma_semaphore, #tpu.memory_space<semaphore_mem>>)
      %dma_wait3A = arith.constant 0 : i32
      %dma_wait3A_26 = tpu.memref_slice %arg7[%mul3A_10, %dma_wait3A] : memref<10112x128xf32, #tpu.memory_space<vmem_shared>> -> memref<632x128xf32, #tpu.memory_space<vmem_shared>>
      tpu.wait_dma2 semaphore(%run_scoped3A : memref<!tpu.dma_semaphore, #tpu.memory_space<semaphore_mem>>) src(%arg5 : memref<632x128xf32, #tpu.memory_space<hbm>>) dst(%dma_wait3A_26 : memref<632x128xf32, #tpu.memory_space<vmem_shared>>)
      tpu.yield
    }) : () -> ()
    %barrier3A = arith.constant 0 : index
    tpu.barrier barrier_id(%barrier3A)
    %while3A = arith.constant 0 : i32
    %while3A_11 = arith.constant 0 : i32
    %while3A_12 = arith.subi %select_n3A_8, %while3A_11 : i32
    %while3A_13 = arith.addi %while3A_11, %while3A_12 : i32
    %while3A_14 = arith.constant 1 : i32
    %while3A_15 = arith.divsi %while3A_12, %while3A_14 : i32
    %while3A_16 = arith.muli %while3A_15, %while3A_14 : i32
    %while3A_17 = arith.addi %while3A_11, %while3A_16 : i32
    %while3A_18 = arith.constant 1 : i32
    scf.for %while3A_25 = %while3A_11 to %while3A_17 step %while3A_18  : i32 {
      %mul3A_26 = arith.constant 8 : i32
      %mul3A_27 = arith.muli %while3A_25, %mul3A_26 : i32
      %add3A_28 = arith.addi %select_n3A, %mul3A_27 : i32
      "tpu.region"() ({
        %run_scoped3A_149 = tpu.sem_alloc : memref<!tpu.dma_semaphore, #tpu.memory_space<semaphore_mem>>
        %dma_start3A_150 = arith.constant 0 : i32
        %dma_start3A_151 = tpu.memref_slice %arg3[%add3A_28, %dma_start3A_150] : memref<2560x128xi32, #tpu.memory_space<hbm>> -> memref<8x128xi32, #tpu.memory_space<hbm>>
        %dma_start3A_152 = arith.constant 0 : i32
        %dma_start3A_153 = tpu.memref_slice %arg3[%add3A_28, %dma_start3A_152] : memref<2560x128xi32, #tpu.memory_space<hbm>> -> memref<8x128xi32, #tpu.memory_space<hbm>>
        tpu.enqueue_dma source(%dma_start3A_153 : memref<8x128xi32, #tpu.memory_space<hbm>>) target(%arg8 : memref<8x128xi32, #tpu.memory_space<vmem>>) target_semaphore(%run_scoped3A_149 : memref<!tpu.dma_semaphore, #tpu.memory_space<semaphore_mem>>)
        %dma_wait3A_154 = arith.constant 0 : i32
        %dma_wait3A_155 = tpu.memref_slice %arg3[%add3A_28, %dma_wait3A_154] : memref<2560x128xi32, #tpu.memory_space<hbm>> -> memref<8x128xi32, #tpu.memory_space<hbm>>
        %dma_wait3A_156 = arith.constant 0 : i32
        %dma_wait3A_157 = tpu.memref_slice %arg3[%add3A_28, %dma_wait3A_156] : memref<2560x128xi32, #tpu.memory_space<hbm>> -> memref<8x128xi32, #tpu.memory_space<hbm>>
        tpu.wait_dma2 semaphore(%run_scoped3A_149 : memref<!tpu.dma_semaphore, #tpu.memory_space<semaphore_mem>>) src(%dma_wait3A_157 : memref<8x128xi32, #tpu.memory_space<hbm>>) dst(%arg8 : memref<8x128xi32, #tpu.memory_space<vmem>>)
        tpu.yield
      }) : () -> ()
      %mul3A_29 = arith.constant 8 : i32
      %mul3A_30 = arith.muli %while3A_25, %mul3A_29 : i32
      %add3A_31 = arith.addi %select_n3A, %mul3A_30 : i32
      "tpu.region"() ({
        %run_scoped3A_149 = tpu.sem_alloc : memref<!tpu.dma_semaphore, #tpu.memory_space<semaphore_mem>>
        %dma_start3A_150 = arith.constant 0 : i32
        %dma_start3A_151 = tpu.memref_slice %arg4[%add3A_31, %dma_start3A_150] : memref<2560x128xi32, #tpu.memory_space<hbm>> -> memref<8x128xi32, #tpu.memory_space<hbm>>
        %dma_start3A_152 = arith.constant 0 : i32
        %dma_start3A_153 = tpu.memref_slice %arg4[%add3A_31, %dma_start3A_152] : memref<2560x128xi32, #tpu.memory_space<hbm>> -> memref<8x128xi32, #tpu.memory_space<hbm>>
        tpu.enqueue_dma source(%dma_start3A_153 : memref<8x128xi32, #tpu.memory_space<hbm>>) target(%arg9 : memref<8x128xi32, #tpu.memory_space<vmem>>) target_semaphore(%run_scoped3A_149 : memref<!tpu.dma_semaphore, #tpu.memory_space<semaphore_mem>>)
        %dma_wait3A_154 = arith.constant 0 : i32
        %dma_wait3A_155 = tpu.memref_slice %arg4[%add3A_31, %dma_wait3A_154] : memref<2560x128xi32, #tpu.memory_space<hbm>> -> memref<8x128xi32, #tpu.memory_space<hbm>>
        %dma_wait3A_156 = arith.constant 0 : i32
        %dma_wait3A_157 = tpu.memref_slice %arg4[%add3A_31, %dma_wait3A_156] : memref<2560x128xi32, #tpu.memory_space<hbm>> -> memref<8x128xi32, #tpu.memory_space<hbm>>
        tpu.wait_dma2 semaphore(%run_scoped3A_149 : memref<!tpu.dma_semaphore, #tpu.memory_space<semaphore_mem>>) src(%dma_wait3A_157 : memref<8x128xi32, #tpu.memory_space<hbm>>) dst(%arg9 : memref<8x128xi32, #tpu.memory_space<vmem>>)
        tpu.yield
      }) : () -> ()
      %dma_start3A = arith.constant 0 : i32
      %dma_start3A_32 = arith.constant 0 : i32
      %dma_start3A_33 = tpu.memref_slice %arg8[%dma_start3A, %dma_start3A_32] : memref<8x128xi32, #tpu.memory_space<vmem>> -> memref<1x128xi32, #tpu.memory_space<vmem>>
      %dma_start3A_34 = tpu.memref_squeeze %dma_start3A_33 : memref<1x128xi32, #tpu.memory_space<vmem>> -> memref<128xi32, #tpu.memory_space<vmem>>
      %dma_start3A_35 = arith.constant 0 : i32
      %dma_start3A_36 = arith.constant 0 : i32
      %dma_start3A_37 = tpu.memref_slice %arg2[%dma_start3A_35, %dma_start3A_36] : memref<10000x128xf32, #tpu.memory_space<hbm>> -> memref<10000x128xf32, #tpu.memory_space<hbm>>
      tpu.enqueue_indirect_dma source(%dma_start3A_37 : memref<10000x128xf32, #tpu.memory_space<hbm>>) target(%arg10 : memref<128x128xf32, #tpu.memory_space<vmem>>) offsets(%dma_start3A_34 : memref<128xi32, #tpu.memory_space<vmem>>) semaphore(%arg12 : memref<!tpu.dma_semaphore, #tpu.memory_space<semaphore_mem>>)
      %dma_start3A_38 = arith.constant 1 : i32
      %dma_start3A_39 = arith.constant 0 : i32
      %dma_start3A_40 = tpu.memref_slice %arg8[%dma_start3A_38, %dma_start3A_39] : memref<8x128xi32, #tpu.memory_space<vmem>> -> memref<1x128xi32, #tpu.memory_space<vmem>>
      %dma_start3A_41 = tpu.memref_squeeze %dma_start3A_40 : memref<1x128xi32, #tpu.memory_space<vmem>> -> memref<128xi32, #tpu.memory_space<vmem>>
      %dma_start3A_42 = arith.constant 0 : i32
      %dma_start3A_43 = arith.constant 0 : i32
      %dma_start3A_44 = tpu.memref_slice %arg2[%dma_start3A_42, %dma_start3A_43] : memref<10000x128xf32, #tpu.memory_space<hbm>> -> memref<10000x128xf32, #tpu.memory_space<hbm>>
      tpu.enqueue_indirect_dma source(%dma_start3A_44 : memref<10000x128xf32, #tpu.memory_space<hbm>>) target(%arg11 : memref<128x128xf32, #tpu.memory_space<vmem>>) offsets(%dma_start3A_41 : memref<128xi32, #tpu.memory_space<vmem>>) semaphore(%arg13 : memref<!tpu.dma_semaphore, #tpu.memory_space<semaphore_mem>>)
      %dma_wait3A = arith.constant 0 : i32
      %dma_wait3A_45 = arith.constant 0 : i32
      %dma_wait3A_46 = tpu.memref_slice %arg8[%dma_wait3A, %dma_wait3A_45] : memref<8x128xi32, #tpu.memory_space<vmem>> -> memref<1x128xi32, #tpu.memory_space<vmem>>
      %dma_wait3A_47 = tpu.memref_squeeze %dma_wait3A_46 : memref<1x128xi32, #tpu.memory_space<vmem>> -> memref<128xi32, #tpu.memory_space<vmem>>
      %dma_wait3A_48 = arith.constant 0 : i32
      %dma_wait3A_49 = arith.constant 0 : i32
      %dma_wait3A_50 = tpu.memref_slice %arg2[%dma_wait3A_48, %dma_wait3A_49] : memref<10000x128xf32, #tpu.memory_space<hbm>> -> memref<10000x128xf32, #tpu.memory_space<hbm>>
      tpu.wait_indirect_dma semaphore(%arg12 : memref<!tpu.dma_semaphore, #tpu.memory_space<semaphore_mem>>) src(%dma_wait3A_50 : memref<10000x128xf32, #tpu.memory_space<hbm>>) dst(%arg10 : memref<128x128xf32, #tpu.memory_space<vmem>>)
      %run_scoped3A = arith.constant 0 : i32
      "tpu.region"() ({
        %run_scoped3A_149 = tpu.sem_alloc : memref<!tpu.dma_semaphore, #tpu.memory_space<semaphore_mem>>
        %dma_start3A_150 = arith.constant 0 : i32
        %dma_start3A_151 = tpu.memref_slice %arg9[%run_scoped3A, %dma_start3A_150] : memref<8x128xi32, #tpu.memory_space<vmem>> -> memref<1x128xi32, #tpu.memory_space<vmem>>
        %dma_start3A_152 = tpu.memref_squeeze %dma_start3A_151 : memref<1x128xi32, #tpu.memory_space<vmem>> -> memref<128xi32, #tpu.memory_space<vmem>>
        %dma_start3A_153 = arith.constant 0 : i32
        %dma_start3A_154 = arith.constant 0 : i32
        %dma_start3A_155 = tpu.memref_slice %arg7[%dma_start3A_153, %dma_start3A_154] : memref<10112x128xf32, #tpu.memory_space<vmem_shared>> -> memref<10112x128xf32, #tpu.memory_space<vmem_shared>>
        tpu.enqueue_indirect_dma source(%arg10 : memref<128x128xf32, #tpu.memory_space<vmem>>) target(%dma_start3A_155 : memref<10112x128xf32, #tpu.memory_space<vmem_shared>>) offsets(%dma_start3A_152 : memref<128xi32, #tpu.memory_space<vmem>>) semaphore(%run_scoped3A_149 : memref<!tpu.dma_semaphore, #tpu.memory_space<semaphore_mem>>) {add = true}
        %dma_wait3A_156 = arith.constant 0 : i32
        %dma_wait3A_157 = tpu.memref_slice %arg9[%run_scoped3A, %dma_wait3A_156] : memref<8x128xi32, #tpu.memory_space<vmem>> -> memref<1x128xi32, #tpu.memory_space<vmem>>
        %dma_wait3A_158 = tpu.memref_squeeze %dma_wait3A_157 : memref<1x128xi32, #tpu.memory_space<vmem>> -> memref<128xi32, #tpu.memory_space<vmem>>
        %dma_wait3A_159 = arith.constant 0 : i32
        %dma_wait3A_160 = arith.constant 0 : i32
        %dma_wait3A_161 = tpu.memref_slice %arg7[%dma_wait3A_159, %dma_wait3A_160] : memref<10112x128xf32, #tpu.memory_space<vmem_shared>> -> memref<10112x128xf32, #tpu.memory_space<vmem_shared>>
        tpu.wait_indirect_dma semaphore(%run_scoped3A_149 : memref<!tpu.dma_semaphore, #tpu.memory_space<semaphore_mem>>) src(%arg10 : memref<128x128xf32, #tpu.memory_space<vmem>>) dst(%dma_wait3A_161 : memref<10112x128xf32, #tpu.memory_space<vmem_shared>>)
        tpu.yield
      }) : () -> ()
      %dma_start3A_51 = arith.constant 2 : i32
      %dma_start3A_52 = arith.constant 0 : i32
      %dma_start3A_53 = tpu.memref_slice %arg8[%dma_start3A_51, %dma_start3A_52] : memref<8x128xi32, #tpu.memory_space<vmem>> -> memref<1x128xi32, #tpu.memory_space<vmem>>
      %dma_start3A_54 = tpu.memref_squeeze %dma_start3A_53 : memref<1x128xi32, #tpu.memory_space<vmem>> -> memref<128xi32, #tpu.memory_space<vmem>>
      %dma_start3A_55 = arith.constant 0 : i32
      %dma_start3A_56 = arith.constant 0 : i32
      %dma_start3A_57 = tpu.memref_slice %arg2[%dma_start3A_55, %dma_start3A_56] : memref<10000x128xf32, #tpu.memory_space<hbm>> -> memref<10000x128xf32, #tpu.memory_space<hbm>>
      tpu.enqueue_indirect_dma source(%dma_start3A_57 : memref<10000x128xf32, #tpu.memory_space<hbm>>) target(%arg10 : memref<128x128xf32, #tpu.memory_space<vmem>>) offsets(%dma_start3A_54 : memref<128xi32, #tpu.memory_space<vmem>>) semaphore(%arg12 : memref<!tpu.dma_semaphore, #tpu.memory_space<semaphore_mem>>)
      %dma_wait3A_58 = arith.constant 1 : i32
      %dma_wait3A_59 = arith.constant 0 : i32
      %dma_wait3A_60 = tpu.memref_slice %arg8[%dma_wait3A_58, %dma_wait3A_59] : memref<8x128xi32, #tpu.memory_space<vmem>> -> memref<1x128xi32, #tpu.memory_space<vmem>>
      %dma_wait3A_61 = tpu.memref_squeeze %dma_wait3A_60 : memref<1x128xi32, #tpu.memory_space<vmem>> -> memref<128xi32, #tpu.memory_space<vmem>>
      %dma_wait3A_62 = arith.constant 0 : i32
      %dma_wait3A_63 = arith.constant 0 : i32
      %dma_wait3A_64 = tpu.memref_slice %arg2[%dma_wait3A_62, %dma_wait3A_63] : memref<10000x128xf32, #tpu.memory_space<hbm>> -> memref<10000x128xf32, #tpu.memory_space<hbm>>
      tpu.wait_indirect_dma semaphore(%arg13 : memref<!tpu.dma_semaphore, #tpu.memory_space<semaphore_mem>>) src(%dma_wait3A_64 : memref<10000x128xf32, #tpu.memory_space<hbm>>) dst(%arg11 : memref<128x128xf32, #tpu.memory_space<vmem>>)
      %run_scoped3A_65 = arith.constant 1 : i32
      "tpu.region"() ({
        %run_scoped3A_149 = tpu.sem_alloc : memref<!tpu.dma_semaphore, #tpu.memory_space<semaphore_mem>>
        %dma_start3A_150 = arith.constant 0 : i32
        %dma_start3A_151 = tpu.memref_slice %arg9[%run_scoped3A_65, %dma_start3A_150] : memref<8x128xi32, #tpu.memory_space<vmem>> -> memref<1x128xi32, #tpu.memory_space<vmem>>
        %dma_start3A_152 = tpu.memref_squeeze %dma_start3A_151 : memref<1x128xi32, #tpu.memory_space<vmem>> -> memref<128xi32, #tpu.memory_space<vmem>>
        %dma_start3A_153 = arith.constant 0 : i32
        %dma_start3A_154 = arith.constant 0 : i32
        %dma_start3A_155 = tpu.memref_slice %arg7[%dma_start3A_153, %dma_start3A_154] : memref<10112x128xf32, #tpu.memory_space<vmem_shared>> -> memref<10112x128xf32, #tpu.memory_space<vmem_shared>>
        tpu.enqueue_indirect_dma source(%arg11 : memref<128x128xf32, #tpu.memory_space<vmem>>) target(%dma_start3A_155 : memref<10112x128xf32, #tpu.memory_space<vmem_shared>>) offsets(%dma_start3A_152 : memref<128xi32, #tpu.memory_space<vmem>>) semaphore(%run_scoped3A_149 : memref<!tpu.dma_semaphore, #tpu.memory_space<semaphore_mem>>) {add = true}
        %dma_wait3A_156 = arith.constant 0 : i32
        %dma_wait3A_157 = tpu.memref_slice %arg9[%run_scoped3A_65, %dma_wait3A_156] : memref<8x128xi32, #tpu.memory_space<vmem>> -> memref<1x128xi32, #tpu.memory_space<vmem>>
        %dma_wait3A_158 = tpu.memref_squeeze %dma_wait3A_157 : memref<1x128xi32, #tpu.memory_space<vmem>> -> memref<128xi32, #tpu.memory_space<vmem>>
        %dma_wait3A_159 = arith.constant 0 : i32
        %dma_wait3A_160 = arith.constant 0 : i32
        %dma_wait3A_161 = tpu.memref_slice %arg7[%dma_wait3A_159, %dma_wait3A_160] : memref<10112x128xf32, #tpu.memory_space<vmem_shared>> -> memref<10112x128xf32, #tpu.memory_space<vmem_shared>>
        tpu.wait_indirect_dma semaphore(%run_scoped3A_149 : memref<!tpu.dma_semaphore, #tpu.memory_space<semaphore_mem>>) src(%arg11 : memref<128x128xf32, #tpu.memory_space<vmem>>) dst(%dma_wait3A_161 : memref<10112x128xf32, #tpu.memory_space<vmem_shared>>)
        tpu.yield
      }) : () -> ()
      %dma_start3A_66 = arith.constant 3 : i32
      %dma_start3A_67 = arith.constant 0 : i32
      %dma_start3A_68 = tpu.memref_slice %arg8[%dma_start3A_66, %dma_start3A_67] : memref<8x128xi32, #tpu.memory_space<vmem>> -> memref<1x128xi32, #tpu.memory_space<vmem>>
      %dma_start3A_69 = tpu.memref_squeeze %dma_start3A_68 : memref<1x128xi32, #tpu.memory_space<vmem>> -> memref<128xi32, #tpu.memory_space<vmem>>
      %dma_start3A_70 = arith.constant 0 : i32
      %dma_start3A_71 = arith.constant 0 : i32
      %dma_start3A_72 = tpu.memref_slice %arg2[%dma_start3A_70, %dma_start3A_71] : memref<10000x128xf32, #tpu.memory_space<hbm>> -> memref<10000x128xf32, #tpu.memory_space<hbm>>
      tpu.enqueue_indirect_dma source(%dma_start3A_72 : memref<10000x128xf32, #tpu.memory_space<hbm>>) target(%arg11 : memref<128x128xf32, #tpu.memory_space<vmem>>) offsets(%dma_start3A_69 : memref<128xi32, #tpu.memory_space<vmem>>) semaphore(%arg13 : memref<!tpu.dma_semaphore, #tpu.memory_space<semaphore_mem>>)
      %dma_wait3A_73 = arith.constant 2 : i32
      %dma_wait3A_74 = arith.constant 0 : i32
      %dma_wait3A_75 = tpu.memref_slice %arg8[%dma_wait3A_73, %dma_wait3A_74] : memref<8x128xi32, #tpu.memory_space<vmem>> -> memref<1x128xi32, #tpu.memory_space<vmem>>
      %dma_wait3A_76 = tpu.memref_squeeze %dma_wait3A_75 : memref<1x128xi32, #tpu.memory_space<vmem>> -> memref<128xi32, #tpu.memory_space<vmem>>
      %dma_wait3A_77 = arith.constant 0 : i32
      %dma_wait3A_78 = arith.constant 0 : i32
      %dma_wait3A_79 = tpu.memref_slice %arg2[%dma_wait3A_77, %dma_wait3A_78] : memref<10000x128xf32, #tpu.memory_space<hbm>> -> memref<10000x128xf32, #tpu.memory_space<hbm>>
      tpu.wait_indirect_dma semaphore(%arg12 : memref<!tpu.dma_semaphore, #tpu.memory_space<semaphore_mem>>) src(%dma_wait3A_79 : memref<10000x128xf32, #tpu.memory_space<hbm>>) dst(%arg10 : memref<128x128xf32, #tpu.memory_space<vmem>>)
      %run_scoped3A_80 = arith.constant 2 : i32
      "tpu.region"() ({
        %run_scoped3A_149 = tpu.sem_alloc : memref<!tpu.dma_semaphore, #tpu.memory_space<semaphore_mem>>
        %dma_start3A_150 = arith.constant 0 : i32
        %dma_start3A_151 = tpu.memref_slice %arg9[%run_scoped3A_80, %dma_start3A_150] : memref<8x128xi32, #tpu.memory_space<vmem>> -> memref<1x128xi32, #tpu.memory_space<vmem>>
        %dma_start3A_152 = tpu.memref_squeeze %dma_start3A_151 : memref<1x128xi32, #tpu.memory_space<vmem>> -> memref<128xi32, #tpu.memory_space<vmem>>
        %dma_start3A_153 = arith.constant 0 : i32
        %dma_start3A_154 = arith.constant 0 : i32
        %dma_start3A_155 = tpu.memref_slice %arg7[%dma_start3A_153, %dma_start3A_154] : memref<10112x128xf32, #tpu.memory_space<vmem_shared>> -> memref<10112x128xf32, #tpu.memory_space<vmem_shared>>
        tpu.enqueue_indirect_dma source(%arg10 : memref<128x128xf32, #tpu.memory_space<vmem>>) target(%dma_start3A_155 : memref<10112x128xf32, #tpu.memory_space<vmem_shared>>) offsets(%dma_start3A_152 : memref<128xi32, #tpu.memory_space<vmem>>) semaphore(%run_scoped3A_149 : memref<!tpu.dma_semaphore, #tpu.memory_space<semaphore_mem>>) {add = true}
        %dma_wait3A_156 = arith.constant 0 : i32
        %dma_wait3A_157 = tpu.memref_slice %arg9[%run_scoped3A_80, %dma_wait3A_156] : memref<8x128xi32, #tpu.memory_space<vmem>> -> memref<1x128xi32, #tpu.memory_space<vmem>>
        %dma_wait3A_158 = tpu.memref_squeeze %dma_wait3A_157 : memref<1x128xi32, #tpu.memory_space<vmem>> -> memref<128xi32, #tpu.memory_space<vmem>>
        %dma_wait3A_159 = arith.constant 0 : i32
        %dma_wait3A_160 = arith.constant 0 : i32
        %dma_wait3A_161 = tpu.memref_slice %arg7[%dma_wait3A_159, %dma_wait3A_160] : memref<10112x128xf32, #tpu.memory_space<vmem_shared>> -> memref<10112x128xf32, #tpu.memory_space<vmem_shared>>
        tpu.wait_indirect_dma semaphore(%run_scoped3A_149 : memref<!tpu.dma_semaphore, #tpu.memory_space<semaphore_mem>>) src(%arg10 : memref<128x128xf32, #tpu.memory_space<vmem>>) dst(%dma_wait3A_161 : memref<10112x128xf32, #tpu.memory_space<vmem_shared>>)
        tpu.yield
      }) : () -> ()
      %dma_start3A_81 = arith.constant 4 : i32
      %dma_start3A_82 = arith.constant 0 : i32
      %dma_start3A_83 = tpu.memref_slice %arg8[%dma_start3A_81, %dma_start3A_82] : memref<8x128xi32, #tpu.memory_space<vmem>> -> memref<1x128xi32, #tpu.memory_space<vmem>>
      %dma_start3A_84 = tpu.memref_squeeze %dma_start3A_83 : memref<1x128xi32, #tpu.memory_space<vmem>> -> memref<128xi32, #tpu.memory_space<vmem>>
      %dma_start3A_85 = arith.constant 0 : i32
      %dma_start3A_86 = arith.constant 0 : i32
      %dma_start3A_87 = tpu.memref_slice %arg2[%dma_start3A_85, %dma_start3A_86] : memref<10000x128xf32, #tpu.memory_space<hbm>> -> memref<10000x128xf32, #tpu.memory_space<hbm>>
      tpu.enqueue_indirect_dma source(%dma_start3A_87 : memref<10000x128xf32, #tpu.memory_space<hbm>>) target(%arg10 : memref<128x128xf32, #tpu.memory_space<vmem>>) offsets(%dma_start3A_84 : memref<128xi32, #tpu.memory_space<vmem>>) semaphore(%arg12 : memref<!tpu.dma_semaphore, #tpu.memory_space<semaphore_mem>>)
      %dma_wait3A_88 = arith.constant 3 : i32
      %dma_wait3A_89 = arith.constant 0 : i32
      %dma_wait3A_90 = tpu.memref_slice %arg8[%dma_wait3A_88, %dma_wait3A_89] : memref<8x128xi32, #tpu.memory_space<vmem>> -> memref<1x128xi32, #tpu.memory_space<vmem>>
      %dma_wait3A_91 = tpu.memref_squeeze %dma_wait3A_90 : memref<1x128xi32, #tpu.memory_space<vmem>> -> memref<128xi32, #tpu.memory_space<vmem>>
      %dma_wait3A_92 = arith.constant 0 : i32
      %dma_wait3A_93 = arith.constant 0 : i32
      %dma_wait3A_94 = tpu.memref_slice %arg2[%dma_wait3A_92, %dma_wait3A_93] : memref<10000x128xf32, #tpu.memory_space<hbm>> -> memref<10000x128xf32, #tpu.memory_space<hbm>>
      tpu.wait_indirect_dma semaphore(%arg13 : memref<!tpu.dma_semaphore, #tpu.memory_space<semaphore_mem>>) src(%dma_wait3A_94 : memref<10000x128xf32, #tpu.memory_space<hbm>>) dst(%arg11 : memref<128x128xf32, #tpu.memory_space<vmem>>)
      %run_scoped3A_95 = arith.constant 3 : i32
      "tpu.region"() ({
        %run_scoped3A_149 = tpu.sem_alloc : memref<!tpu.dma_semaphore, #tpu.memory_space<semaphore_mem>>
        %dma_start3A_150 = arith.constant 0 : i32
        %dma_start3A_151 = tpu.memref_slice %arg9[%run_scoped3A_95, %dma_start3A_150] : memref<8x128xi32, #tpu.memory_space<vmem>> -> memref<1x128xi32, #tpu.memory_space<vmem>>
        %dma_start3A_152 = tpu.memref_squeeze %dma_start3A_151 : memref<1x128xi32, #tpu.memory_space<vmem>> -> memref<128xi32, #tpu.memory_space<vmem>>
        %dma_start3A_153 = arith.constant 0 : i32
        %dma_start3A_154 = arith.constant 0 : i32
        %dma_start3A_155 = tpu.memref_slice %arg7[%dma_start3A_153, %dma_start3A_154] : memref<10112x128xf32, #tpu.memory_space<vmem_shared>> -> memref<10112x128xf32, #tpu.memory_space<vmem_shared>>
        tpu.enqueue_indirect_dma source(%arg11 : memref<128x128xf32, #tpu.memory_space<vmem>>) target(%dma_start3A_155 : memref<10112x128xf32, #tpu.memory_space<vmem_shared>>) offsets(%dma_start3A_152 : memref<128xi32, #tpu.memory_space<vmem>>) semaphore(%run_scoped3A_149 : memref<!tpu.dma_semaphore, #tpu.memory_space<semaphore_mem>>) {add = true}
        %dma_wait3A_156 = arith.constant 0 : i32
        %dma_wait3A_157 = tpu.memref_slice %arg9[%run_scoped3A_95, %dma_wait3A_156] : memref<8x128xi32, #tpu.memory_space<vmem>> -> memref<1x128xi32, #tpu.memory_space<vmem>>
        %dma_wait3A_158 = tpu.memref_squeeze %dma_wait3A_157 : memref<1x128xi32, #tpu.memory_space<vmem>> -> memref<128xi32, #tpu.memory_space<vmem>>
        %dma_wait3A_159 = arith.constant 0 : i32
        %dma_wait3A_160 = arith.constant 0 : i32
        %dma_wait3A_161 = tpu.memref_slice %arg7[%dma_wait3A_159, %dma_wait3A_160] : memref<10112x128xf32, #tpu.memory_space<vmem_shared>> -> memref<10112x128xf32, #tpu.memory_space<vmem_shared>>
        tpu.wait_indirect_dma semaphore(%run_scoped3A_149 : memref<!tpu.dma_semaphore, #tpu.memory_space<semaphore_mem>>) src(%arg11 : memref<128x128xf32, #tpu.memory_space<vmem>>) dst(%dma_wait3A_161 : memref<10112x128xf32, #tpu.memory_space<vmem_shared>>)
        tpu.yield
      }) : () -> ()
      %dma_start3A_96 = arith.constant 5 : i32
      %dma_start3A_97 = arith.constant 0 : i32
      %dma_start3A_98 = tpu.memref_slice %arg8[%dma_start3A_96, %dma_start3A_97] : memref<8x128xi32, #tpu.memory_space<vmem>> -> memref<1x128xi32, #tpu.memory_space<vmem>>
      %dma_start3A_99 = tpu.memref_squeeze %dma_start3A_98 : memref<1x128xi32, #tpu.memory_space<vmem>> -> memref<128xi32, #tpu.memory_space<vmem>>
      %dma_start3A_100 = arith.constant 0 : i32
      %dma_start3A_101 = arith.constant 0 : i32
      %dma_start3A_102 = tpu.memref_slice %arg2[%dma_start3A_100, %dma_start3A_101] : memref<10000x128xf32, #tpu.memory_space<hbm>> -> memref<10000x128xf32, #tpu.memory_space<hbm>>
      tpu.enqueue_indirect_dma source(%dma_start3A_102 : memref<10000x128xf32, #tpu.memory_space<hbm>>) target(%arg11 : memref<128x128xf32, #tpu.memory_space<vmem>>) offsets(%dma_start3A_99 : memref<128xi32, #tpu.memory_space<vmem>>) semaphore(%arg13 : memref<!tpu.dma_semaphore, #tpu.memory_space<semaphore_mem>>)
      %dma_wait3A_103 = arith.constant 4 : i32
      %dma_wait3A_104 = arith.constant 0 : i32
      %dma_wait3A_105 = tpu.memref_slice %arg8[%dma_wait3A_103, %dma_wait3A_104] : memref<8x128xi32, #tpu.memory_space<vmem>> -> memref<1x128xi32, #tpu.memory_space<vmem>>
      %dma_wait3A_106 = tpu.memref_squeeze %dma_wait3A_105 : memref<1x128xi32, #tpu.memory_space<vmem>> -> memref<128xi32, #tpu.memory_space<vmem>>
      %dma_wait3A_107 = arith.constant 0 : i32
      %dma_wait3A_108 = arith.constant 0 : i32
      %dma_wait3A_109 = tpu.memref_slice %arg2[%dma_wait3A_107, %dma_wait3A_108] : memref<10000x128xf32, #tpu.memory_space<hbm>> -> memref<10000x128xf32, #tpu.memory_space<hbm>>
      tpu.wait_indirect_dma semaphore(%arg12 : memref<!tpu.dma_semaphore, #tpu.memory_space<semaphore_mem>>) src(%dma_wait3A_109 : memref<10000x128xf32, #tpu.memory_space<hbm>>) dst(%arg10 : memref<128x128xf32, #tpu.memory_space<vmem>>)
      %run_scoped3A_110 = arith.constant 4 : i32
      "tpu.region"() ({
        %run_scoped3A_149 = tpu.sem_alloc : memref<!tpu.dma_semaphore, #tpu.memory_space<semaphore_mem>>
        %dma_start3A_150 = arith.constant 0 : i32
        %dma_start3A_151 = tpu.memref_slice %arg9[%run_scoped3A_110, %dma_start3A_150] : memref<8x128xi32, #tpu.memory_space<vmem>> -> memref<1x128xi32, #tpu.memory_space<vmem>>
        %dma_start3A_152 = tpu.memref_squeeze %dma_start3A_151 : memref<1x128xi32, #tpu.memory_space<vmem>> -> memref<128xi32, #tpu.memory_space<vmem>>
        %dma_start3A_153 = arith.constant 0 : i32
        %dma_start3A_154 = arith.constant 0 : i32
        %dma_start3A_155 = tpu.memref_slice %arg7[%dma_start3A_153, %dma_start3A_154] : memref<10112x128xf32, #tpu.memory_space<vmem_shared>> -> memref<10112x128xf32, #tpu.memory_space<vmem_shared>>
        tpu.enqueue_indirect_dma source(%arg10 : memref<128x128xf32, #tpu.memory_space<vmem>>) target(%dma_start3A_155 : memref<10112x128xf32, #tpu.memory_space<vmem_shared>>) offsets(%dma_start3A_152 : memref<128xi32, #tpu.memory_space<vmem>>) semaphore(%run_scoped3A_149 : memref<!tpu.dma_semaphore, #tpu.memory_space<semaphore_mem>>) {add = true}
        %dma_wait3A_156 = arith.constant 0 : i32
        %dma_wait3A_157 = tpu.memref_slice %arg9[%run_scoped3A_110, %dma_wait3A_156] : memref<8x128xi32, #tpu.memory_space<vmem>> -> memref<1x128xi32, #tpu.memory_space<vmem>>
        %dma_wait3A_158 = tpu.memref_squeeze %dma_wait3A_157 : memref<1x128xi32, #tpu.memory_space<vmem>> -> memref<128xi32, #tpu.memory_space<vmem>>
        %dma_wait3A_159 = arith.constant 0 : i32
        %dma_wait3A_160 = arith.constant 0 : i32
        %dma_wait3A_161 = tpu.memref_slice %arg7[%dma_wait3A_159, %dma_wait3A_160] : memref<10112x128xf32, #tpu.memory_space<vmem_shared>> -> memref<10112x128xf32, #tpu.memory_space<vmem_shared>>
        tpu.wait_indirect_dma semaphore(%run_scoped3A_149 : memref<!tpu.dma_semaphore, #tpu.memory_space<semaphore_mem>>) src(%arg10 : memref<128x128xf32, #tpu.memory_space<vmem>>) dst(%dma_wait3A_161 : memref<10112x128xf32, #tpu.memory_space<vmem_shared>>)
        tpu.yield
      }) : () -> ()
      %dma_start3A_111 = arith.constant 6 : i32
      %dma_start3A_112 = arith.constant 0 : i32
      %dma_start3A_113 = tpu.memref_slice %arg8[%dma_start3A_111, %dma_start3A_112] : memref<8x128xi32, #tpu.memory_space<vmem>> -> memref<1x128xi32, #tpu.memory_space<vmem>>
      %dma_start3A_114 = tpu.memref_squeeze %dma_start3A_113 : memref<1x128xi32, #tpu.memory_space<vmem>> -> memref<128xi32, #tpu.memory_space<vmem>>
      %dma_start3A_115 = arith.constant 0 : i32
      %dma_start3A_116 = arith.constant 0 : i32
      %dma_start3A_117 = tpu.memref_slice %arg2[%dma_start3A_115, %dma_start3A_116] : memref<10000x128xf32, #tpu.memory_space<hbm>> -> memref<10000x128xf32, #tpu.memory_space<hbm>>
      tpu.enqueue_indirect_dma source(%dma_start3A_117 : memref<10000x128xf32, #tpu.memory_space<hbm>>) target(%arg10 : memref<128x128xf32, #tpu.memory_space<vmem>>) offsets(%dma_start3A_114 : memref<128xi32, #tpu.memory_space<vmem>>) semaphore(%arg12 : memref<!tpu.dma_semaphore, #tpu.memory_space<semaphore_mem>>)
      %dma_wait3A_118 = arith.constant 5 : i32
      %dma_wait3A_119 = arith.constant 0 : i32
      %dma_wait3A_120 = tpu.memref_slice %arg8[%dma_wait3A_118, %dma_wait3A_119] : memref<8x128xi32, #tpu.memory_space<vmem>> -> memref<1x128xi32, #tpu.memory_space<vmem>>
      %dma_wait3A_121 = tpu.memref_squeeze %dma_wait3A_120 : memref<1x128xi32, #tpu.memory_space<vmem>> -> memref<128xi32, #tpu.memory_space<vmem>>
      %dma_wait3A_122 = arith.constant 0 : i32
      %dma_wait3A_123 = arith.constant 0 : i32
      %dma_wait3A_124 = tpu.memref_slice %arg2[%dma_wait3A_122, %dma_wait3A_123] : memref<10000x128xf32, #tpu.memory_space<hbm>> -> memref<10000x128xf32, #tpu.memory_space<hbm>>
      tpu.wait_indirect_dma semaphore(%arg13 : memref<!tpu.dma_semaphore, #tpu.memory_space<semaphore_mem>>) src(%dma_wait3A_124 : memref<10000x128xf32, #tpu.memory_space<hbm>>) dst(%arg11 : memref<128x128xf32, #tpu.memory_space<vmem>>)
      %run_scoped3A_125 = arith.constant 5 : i32
      "tpu.region"() ({
        %run_scoped3A_149 = tpu.sem_alloc : memref<!tpu.dma_semaphore, #tpu.memory_space<semaphore_mem>>
        %dma_start3A_150 = arith.constant 0 : i32
        %dma_start3A_151 = tpu.memref_slice %arg9[%run_scoped3A_125, %dma_start3A_150] : memref<8x128xi32, #tpu.memory_space<vmem>> -> memref<1x128xi32, #tpu.memory_space<vmem>>
        %dma_start3A_152 = tpu.memref_squeeze %dma_start3A_151 : memref<1x128xi32, #tpu.memory_space<vmem>> -> memref<128xi32, #tpu.memory_space<vmem>>
        %dma_start3A_153 = arith.constant 0 : i32
        %dma_start3A_154 = arith.constant 0 : i32
        %dma_start3A_155 = tpu.memref_slice %arg7[%dma_start3A_153, %dma_start3A_154] : memref<10112x128xf32, #tpu.memory_space<vmem_shared>> -> memref<10112x128xf32, #tpu.memory_space<vmem_shared>>
        tpu.enqueue_indirect_dma source(%arg11 : memref<128x128xf32, #tpu.memory_space<vmem>>) target(%dma_start3A_155 : memref<10112x128xf32, #tpu.memory_space<vmem_shared>>) offsets(%dma_start3A_152 : memref<128xi32, #tpu.memory_space<vmem>>) semaphore(%run_scoped3A_149 : memref<!tpu.dma_semaphore, #tpu.memory_space<semaphore_mem>>) {add = true}
        %dma_wait3A_156 = arith.constant 0 : i32
        %dma_wait3A_157 = tpu.memref_slice %arg9[%run_scoped3A_125, %dma_wait3A_156] : memref<8x128xi32, #tpu.memory_space<vmem>> -> memref<1x128xi32, #tpu.memory_space<vmem>>
        %dma_wait3A_158 = tpu.memref_squeeze %dma_wait3A_157 : memref<1x128xi32, #tpu.memory_space<vmem>> -> memref<128xi32, #tpu.memory_space<vmem>>
        %dma_wait3A_159 = arith.constant 0 : i32
        %dma_wait3A_160 = arith.constant 0 : i32
        %dma_wait3A_161 = tpu.memref_slice %arg7[%dma_wait3A_159, %dma_wait3A_160] : memref<10112x128xf32, #tpu.memory_space<vmem_shared>> -> memref<10112x128xf32, #tpu.memory_space<vmem_shared>>
        tpu.wait_indirect_dma semaphore(%run_scoped3A_149 : memref<!tpu.dma_semaphore, #tpu.memory_space<semaphore_mem>>) src(%arg11 : memref<128x128xf32, #tpu.memory_space<vmem>>) dst(%dma_wait3A_161 : memref<10112x128xf32, #tpu.memory_space<vmem_shared>>)
        tpu.yield
      }) : () -> ()
      %dma_start3A_126 = arith.constant 7 : i32
      %dma_start3A_127 = arith.constant 0 : i32
      %dma_start3A_128 = tpu.memref_slice %arg8[%dma_start3A_126, %dma_start3A_127] : memref<8x128xi32, #tpu.memory_space<vmem>> -> memref<1x128xi32, #tpu.memory_space<vmem>>
      %dma_start3A_129 = tpu.memref_squeeze %dma_start3A_128 : memref<1x128xi32, #tpu.memory_space<vmem>> -> memref<128xi32, #tpu.memory_space<vmem>>
      %dma_start3A_130 = arith.constant 0 : i32
      %dma_start3A_131 = arith.constant 0 : i32
      %dma_start3A_132 = tpu.memref_slice %arg2[%dma_start3A_130, %dma_start3A_131] : memref<10000x128xf32, #tpu.memory_space<hbm>> -> memref<10000x128xf32, #tpu.memory_space<hbm>>
      tpu.enqueue_indirect_dma source(%dma_start3A_132 : memref<10000x128xf32, #tpu.memory_space<hbm>>) target(%arg11 : memref<128x128xf32, #tpu.memory_space<vmem>>) offsets(%dma_start3A_129 : memref<128xi32, #tpu.memory_space<vmem>>) semaphore(%arg13 : memref<!tpu.dma_semaphore, #tpu.memory_space<semaphore_mem>>)
      %dma_wait3A_133 = arith.constant 6 : i32
      %dma_wait3A_134 = arith.constant 0 : i32
      %dma_wait3A_135 = tpu.memref_slice %arg8[%dma_wait3A_133, %dma_wait3A_134] : memref<8x128xi32, #tpu.memory_space<vmem>> -> memref<1x128xi32, #tpu.memory_space<vmem>>
      %dma_wait3A_136 = tpu.memref_squeeze %dma_wait3A_135 : memref<1x128xi32, #tpu.memory_space<vmem>> -> memref<128xi32, #tpu.memory_space<vmem>>
      %dma_wait3A_137 = arith.constant 0 : i32
      %dma_wait3A_138 = arith.constant 0 : i32
      %dma_wait3A_139 = tpu.memref_slice %arg2[%dma_wait3A_137, %dma_wait3A_138] : memref<10000x128xf32, #tpu.memory_space<hbm>> -> memref<10000x128xf32, #tpu.memory_space<hbm>>
      tpu.wait_indirect_dma semaphore(%arg12 : memref<!tpu.dma_semaphore, #tpu.memory_space<semaphore_mem>>) src(%dma_wait3A_139 : memref<10000x128xf32, #tpu.memory_space<hbm>>) dst(%arg10 : memref<128x128xf32, #tpu.memory_space<vmem>>)
      %run_scoped3A_140 = arith.constant 6 : i32
      "tpu.region"() ({
        %run_scoped3A_149 = tpu.sem_alloc : memref<!tpu.dma_semaphore, #tpu.memory_space<semaphore_mem>>
        %dma_start3A_150 = arith.constant 0 : i32
        %dma_start3A_151 = tpu.memref_slice %arg9[%run_scoped3A_140, %dma_start3A_150] : memref<8x128xi32, #tpu.memory_space<vmem>> -> memref<1x128xi32, #tpu.memory_space<vmem>>
        %dma_start3A_152 = tpu.memref_squeeze %dma_start3A_151 : memref<1x128xi32, #tpu.memory_space<vmem>> -> memref<128xi32, #tpu.memory_space<vmem>>
        %dma_start3A_153 = arith.constant 0 : i32
        %dma_start3A_154 = arith.constant 0 : i32
        %dma_start3A_155 = tpu.memref_slice %arg7[%dma_start3A_153, %dma_start3A_154] : memref<10112x128xf32, #tpu.memory_space<vmem_shared>> -> memref<10112x128xf32, #tpu.memory_space<vmem_shared>>
        tpu.enqueue_indirect_dma source(%arg10 : memref<128x128xf32, #tpu.memory_space<vmem>>) target(%dma_start3A_155 : memref<10112x128xf32, #tpu.memory_space<vmem_shared>>) offsets(%dma_start3A_152 : memref<128xi32, #tpu.memory_space<vmem>>) semaphore(%run_scoped3A_149 : memref<!tpu.dma_semaphore, #tpu.memory_space<semaphore_mem>>) {add = true}
        %dma_wait3A_156 = arith.constant 0 : i32
        %dma_wait3A_157 = tpu.memref_slice %arg9[%run_scoped3A_140, %dma_wait3A_156] : memref<8x128xi32, #tpu.memory_space<vmem>> -> memref<1x128xi32, #tpu.memory_space<vmem>>
        %dma_wait3A_158 = tpu.memref_squeeze %dma_wait3A_157 : memref<1x128xi32, #tpu.memory_space<vmem>> -> memref<128xi32, #tpu.memory_space<vmem>>
        %dma_wait3A_159 = arith.constant 0 : i32
        %dma_wait3A_160 = arith.constant 0 : i32
        %dma_wait3A_161 = tpu.memref_slice %arg7[%dma_wait3A_159, %dma_wait3A_160] : memref<10112x128xf32, #tpu.memory_space<vmem_shared>> -> memref<10112x128xf32, #tpu.memory_space<vmem_shared>>
        tpu.wait_indirect_dma semaphore(%run_scoped3A_149 : memref<!tpu.dma_semaphore, #tpu.memory_space<semaphore_mem>>) src(%arg10 : memref<128x128xf32, #tpu.memory_space<vmem>>) dst(%dma_wait3A_161 : memref<10112x128xf32, #tpu.memory_space<vmem_shared>>)
        tpu.yield
      }) : () -> ()
      %dma_wait3A_141 = arith.constant 7 : i32
      %dma_wait3A_142 = arith.constant 0 : i32
      %dma_wait3A_143 = tpu.memref_slice %arg8[%dma_wait3A_141, %dma_wait3A_142] : memref<8x128xi32, #tpu.memory_space<vmem>> -> memref<1x128xi32, #tpu.memory_space<vmem>>
      %dma_wait3A_144 = tpu.memref_squeeze %dma_wait3A_143 : memref<1x128xi32, #tpu.memory_space<vmem>> -> memref<128xi32, #tpu.memory_space<vmem>>
      %dma_wait3A_145 = arith.constant 0 : i32
      %dma_wait3A_146 = arith.constant 0 : i32
      %dma_wait3A_147 = tpu.memref_slice %arg2[%dma_wait3A_145, %dma_wait3A_146] : memref<10000x128xf32, #tpu.memory_space<hbm>> -> memref<10000x128xf32, #tpu.memory_space<hbm>>
      tpu.wait_indirect_dma semaphore(%arg13 : memref<!tpu.dma_semaphore, #tpu.memory_space<semaphore_mem>>) src(%dma_wait3A_147 : memref<10000x128xf32, #tpu.memory_space<hbm>>) dst(%arg11 : memref<128x128xf32, #tpu.memory_space<vmem>>)
      %run_scoped3A_148 = arith.constant 7 : i32
      "tpu.region"() ({
        %run_scoped3A_149 = tpu.sem_alloc : memref<!tpu.dma_semaphore, #tpu.memory_space<semaphore_mem>>
        %dma_start3A_150 = arith.constant 0 : i32
        %dma_start3A_151 = tpu.memref_slice %arg9[%run_scoped3A_148, %dma_start3A_150] : memref<8x128xi32, #tpu.memory_space<vmem>> -> memref<1x128xi32, #tpu.memory_space<vmem>>
        %dma_start3A_152 = tpu.memref_squeeze %dma_start3A_151 : memref<1x128xi32, #tpu.memory_space<vmem>> -> memref<128xi32, #tpu.memory_space<vmem>>
        %dma_start3A_153 = arith.constant 0 : i32
        %dma_start3A_154 = arith.constant 0 : i32
        %dma_start3A_155 = tpu.memref_slice %arg7[%dma_start3A_153, %dma_start3A_154] : memref<10112x128xf32, #tpu.memory_space<vmem_shared>> -> memref<10112x128xf32, #tpu.memory_space<vmem_shared>>
        tpu.enqueue_indirect_dma source(%arg11 : memref<128x128xf32, #tpu.memory_space<vmem>>) target(%dma_start3A_155 : memref<10112x128xf32, #tpu.memory_space<vmem_shared>>) offsets(%dma_start3A_152 : memref<128xi32, #tpu.memory_space<vmem>>) semaphore(%run_scoped3A_149 : memref<!tpu.dma_semaphore, #tpu.memory_space<semaphore_mem>>) {add = true}
        %dma_wait3A_156 = arith.constant 0 : i32
        %dma_wait3A_157 = tpu.memref_slice %arg9[%run_scoped3A_148, %dma_wait3A_156] : memref<8x128xi32, #tpu.memory_space<vmem>> -> memref<1x128xi32, #tpu.memory_space<vmem>>
        %dma_wait3A_158 = tpu.memref_squeeze %dma_wait3A_157 : memref<1x128xi32, #tpu.memory_space<vmem>> -> memref<128xi32, #tpu.memory_space<vmem>>
        %dma_wait3A_159 = arith.constant 0 : i32
        %dma_wait3A_160 = arith.constant 0 : i32
        %dma_wait3A_161 = tpu.memref_slice %arg7[%dma_wait3A_159, %dma_wait3A_160] : memref<10112x128xf32, #tpu.memory_space<vmem_shared>> -> memref<10112x128xf32, #tpu.memory_space<vmem_shared>>
        tpu.wait_indirect_dma semaphore(%run_scoped3A_149 : memref<!tpu.dma_semaphore, #tpu.memory_space<semaphore_mem>>) src(%arg11 : memref<128x128xf32, #tpu.memory_space<vmem>>) dst(%dma_wait3A_161 : memref<10112x128xf32, #tpu.memory_space<vmem_shared>>)
        tpu.yield
      }) : () -> ()
    }
    %while3A_19 = arith.constant 1 : i32
    scf.for %while3A_25 = %while3A_17 to %while3A_13 step %while3A_19  : i32 {
      %mul3A_26 = arith.constant 8 : i32
      %mul3A_27 = arith.muli %while3A_25, %mul3A_26 : i32
      %add3A_28 = arith.addi %select_n3A, %mul3A_27 : i32
      "tpu.region"() ({
        %run_scoped3A_149 = tpu.sem_alloc : memref<!tpu.dma_semaphore, #tpu.memory_space<semaphore_mem>>
        %dma_start3A_150 = arith.constant 0 : i32
        %dma_start3A_151 = tpu.memref_slice %arg3[%add3A_28, %dma_start3A_150] : memref<2560x128xi32, #tpu.memory_space<hbm>> -> memref<8x128xi32, #tpu.memory_space<hbm>>
        %dma_start3A_152 = arith.constant 0 : i32
        %dma_start3A_153 = tpu.memref_slice %arg3[%add3A_28, %dma_start3A_152] : memref<2560x128xi32, #tpu.memory_space<hbm>> -> memref<8x128xi32, #tpu.memory_space<hbm>>
        tpu.enqueue_dma source(%dma_start3A_153 : memref<8x128xi32, #tpu.memory_space<hbm>>) target(%arg8 : memref<8x128xi32, #tpu.memory_space<vmem>>) target_semaphore(%run_scoped3A_149 : memref<!tpu.dma_semaphore, #tpu.memory_space<semaphore_mem>>)
        %dma_wait3A_154 = arith.constant 0 : i32
        %dma_wait3A_155 = tpu.memref_slice %arg3[%add3A_28, %dma_wait3A_154] : memref<2560x128xi32, #tpu.memory_space<hbm>> -> memref<8x128xi32, #tpu.memory_space<hbm>>
        %dma_wait3A_156 = arith.constant 0 : i32
        %dma_wait3A_157 = tpu.memref_slice %arg3[%add3A_28, %dma_wait3A_156] : memref<2560x128xi32, #tpu.memory_space<hbm>> -> memref<8x128xi32, #tpu.memory_space<hbm>>
        tpu.wait_dma2 semaphore(%run_scoped3A_149 : memref<!tpu.dma_semaphore, #tpu.memory_space<semaphore_mem>>) src(%dma_wait3A_157 : memref<8x128xi32, #tpu.memory_space<hbm>>) dst(%arg8 : memref<8x128xi32, #tpu.memory_space<vmem>>)
        tpu.yield
      }) : () -> ()
      %mul3A_29 = arith.constant 8 : i32
      %mul3A_30 = arith.muli %while3A_25, %mul3A_29 : i32
      %add3A_31 = arith.addi %select_n3A, %mul3A_30 : i32
      "tpu.region"() ({
        %run_scoped3A_149 = tpu.sem_alloc : memref<!tpu.dma_semaphore, #tpu.memory_space<semaphore_mem>>
        %dma_start3A_150 = arith.constant 0 : i32
        %dma_start3A_151 = tpu.memref_slice %arg4[%add3A_31, %dma_start3A_150] : memref<2560x128xi32, #tpu.memory_space<hbm>> -> memref<8x128xi32, #tpu.memory_space<hbm>>
        %dma_start3A_152 = arith.constant 0 : i32
        %dma_start3A_153 = tpu.memref_slice %arg4[%add3A_31, %dma_start3A_152] : memref<2560x128xi32, #tpu.memory_space<hbm>> -> memref<8x128xi32, #tpu.memory_space<hbm>>
        tpu.enqueue_dma source(%dma_start3A_153 : memref<8x128xi32, #tpu.memory_space<hbm>>) target(%arg9 : memref<8x128xi32, #tpu.memory_space<vmem>>) target_semaphore(%run_scoped3A_149 : memref<!tpu.dma_semaphore, #tpu.memory_space<semaphore_mem>>)
        %dma_wait3A_154 = arith.constant 0 : i32
        %dma_wait3A_155 = tpu.memref_slice %arg4[%add3A_31, %dma_wait3A_154] : memref<2560x128xi32, #tpu.memory_space<hbm>> -> memref<8x128xi32, #tpu.memory_space<hbm>>
        %dma_wait3A_156 = arith.constant 0 : i32
        %dma_wait3A_157 = tpu.memref_slice %arg4[%add3A_31, %dma_wait3A_156] : memref<2560x128xi32, #tpu.memory_space<hbm>> -> memref<8x128xi32, #tpu.memory_space<hbm>>
        tpu.wait_dma2 semaphore(%run_scoped3A_149 : memref<!tpu.dma_semaphore, #tpu.memory_space<semaphore_mem>>) src(%dma_wait3A_157 : memref<8x128xi32, #tpu.memory_space<hbm>>) dst(%arg9 : memref<8x128xi32, #tpu.memory_space<vmem>>)
        tpu.yield
      }) : () -> ()
      %dma_start3A = arith.constant 0 : i32
      %dma_start3A_32 = arith.constant 0 : i32
      %dma_start3A_33 = tpu.memref_slice %arg8[%dma_start3A, %dma_start3A_32] : memref<8x128xi32, #tpu.memory_space<vmem>> -> memref<1x128xi32, #tpu.memory_space<vmem>>
      %dma_start3A_34 = tpu.memref_squeeze %dma_start3A_33 : memref<1x128xi32, #tpu.memory_space<vmem>> -> memref<128xi32, #tpu.memory_space<vmem>>
      %dma_start3A_35 = arith.constant 0 : i32
      %dma_start3A_36 = arith.constant 0 : i32
      %dma_start3A_37 = tpu.memref_slice %arg2[%dma_start3A_35, %dma_start3A_36] : memref<10000x128xf32, #tpu.memory_space<hbm>> -> memref<10000x128xf32, #tpu.memory_space<hbm>>
      tpu.enqueue_indirect_dma source(%dma_start3A_37 : memref<10000x128xf32, #tpu.memory_space<hbm>>) target(%arg10 : memref<128x128xf32, #tpu.memory_space<vmem>>) offsets(%dma_start3A_34 : memref<128xi32, #tpu.memory_space<vmem>>) semaphore(%arg12 : memref<!tpu.dma_semaphore, #tpu.memory_space<semaphore_mem>>)
      %dma_start3A_38 = arith.constant 1 : i32
      %dma_start3A_39 = arith.constant 0 : i32
      %dma_start3A_40 = tpu.memref_slice %arg8[%dma_start3A_38, %dma_start3A_39] : memref<8x128xi32, #tpu.memory_space<vmem>> -> memref<1x128xi32, #tpu.memory_space<vmem>>
      %dma_start3A_41 = tpu.memref_squeeze %dma_start3A_40 : memref<1x128xi32, #tpu.memory_space<vmem>> -> memref<128xi32, #tpu.memory_space<vmem>>
      %dma_start3A_42 = arith.constant 0 : i32
      %dma_start3A_43 = arith.constant 0 : i32
      %dma_start3A_44 = tpu.memref_slice %arg2[%dma_start3A_42, %dma_start3A_43] : memref<10000x128xf32, #tpu.memory_space<hbm>> -> memref<10000x128xf32, #tpu.memory_space<hbm>>
      tpu.enqueue_indirect_dma source(%dma_start3A_44 : memref<10000x128xf32, #tpu.memory_space<hbm>>) target(%arg11 : memref<128x128xf32, #tpu.memory_space<vmem>>) offsets(%dma_start3A_41 : memref<128xi32, #tpu.memory_space<vmem>>) semaphore(%arg13 : memref<!tpu.dma_semaphore, #tpu.memory_space<semaphore_mem>>)
      %dma_wait3A = arith.constant 0 : i32
      %dma_wait3A_45 = arith.constant 0 : i32
      %dma_wait3A_46 = tpu.memref_slice %arg8[%dma_wait3A, %dma_wait3A_45] : memref<8x128xi32, #tpu.memory_space<vmem>> -> memref<1x128xi32, #tpu.memory_space<vmem>>
      %dma_wait3A_47 = tpu.memref_squeeze %dma_wait3A_46 : memref<1x128xi32, #tpu.memory_space<vmem>> -> memref<128xi32, #tpu.memory_space<vmem>>
      %dma_wait3A_48 = arith.constant 0 : i32
      %dma_wait3A_49 = arith.constant 0 : i32
      %dma_wait3A_50 = tpu.memref_slice %arg2[%dma_wait3A_48, %dma_wait3A_49] : memref<10000x128xf32, #tpu.memory_space<hbm>> -> memref<10000x128xf32, #tpu.memory_space<hbm>>
      tpu.wait_indirect_dma semaphore(%arg12 : memref<!tpu.dma_semaphore, #tpu.memory_space<semaphore_mem>>) src(%dma_wait3A_50 : memref<10000x128xf32, #tpu.memory_space<hbm>>) dst(%arg10 : memref<128x128xf32, #tpu.memory_space<vmem>>)
      %run_scoped3A = arith.constant 0 : i32
      "tpu.region"() ({
        %run_scoped3A_149 = tpu.sem_alloc : memref<!tpu.dma_semaphore, #tpu.memory_space<semaphore_mem>>
        %dma_start3A_150 = arith.constant 0 : i32
        %dma_start3A_151 = tpu.memref_slice %arg9[%run_scoped3A, %dma_start3A_150] : memref<8x128xi32, #tpu.memory_space<vmem>> -> memref<1x128xi32, #tpu.memory_space<vmem>>
        %dma_start3A_152 = tpu.memref_squeeze %dma_start3A_151 : memref<1x128xi32, #tpu.memory_space<vmem>> -> memref<128xi32, #tpu.memory_space<vmem>>
        %dma_start3A_153 = arith.constant 0 : i32
        %dma_start3A_154 = arith.constant 0 : i32
        %dma_start3A_155 = tpu.memref_slice %arg7[%dma_start3A_153, %dma_start3A_154] : memref<10112x128xf32, #tpu.memory_space<vmem_shared>> -> memref<10112x128xf32, #tpu.memory_space<vmem_shared>>
        tpu.enqueue_indirect_dma source(%arg10 : memref<128x128xf32, #tpu.memory_space<vmem>>) target(%dma_start3A_155 : memref<10112x128xf32, #tpu.memory_space<vmem_shared>>) offsets(%dma_start3A_152 : memref<128xi32, #tpu.memory_space<vmem>>) semaphore(%run_scoped3A_149 : memref<!tpu.dma_semaphore, #tpu.memory_space<semaphore_mem>>) {add = true}
        %dma_wait3A_156 = arith.constant 0 : i32
        %dma_wait3A_157 = tpu.memref_slice %arg9[%run_scoped3A, %dma_wait3A_156] : memref<8x128xi32, #tpu.memory_space<vmem>> -> memref<1x128xi32, #tpu.memory_space<vmem>>
        %dma_wait3A_158 = tpu.memref_squeeze %dma_wait3A_157 : memref<1x128xi32, #tpu.memory_space<vmem>> -> memref<128xi32, #tpu.memory_space<vmem>>
        %dma_wait3A_159 = arith.constant 0 : i32
        %dma_wait3A_160 = arith.constant 0 : i32
        %dma_wait3A_161 = tpu.memref_slice %arg7[%dma_wait3A_159, %dma_wait3A_160] : memref<10112x128xf32, #tpu.memory_space<vmem_shared>> -> memref<10112x128xf32, #tpu.memory_space<vmem_shared>>
        tpu.wait_indirect_dma semaphore(%run_scoped3A_149 : memref<!tpu.dma_semaphore, #tpu.memory_space<semaphore_mem>>) src(%arg10 : memref<128x128xf32, #tpu.memory_space<vmem>>) dst(%dma_wait3A_161 : memref<10112x128xf32, #tpu.memory_space<vmem_shared>>)
        tpu.yield
      }) : () -> ()
      %dma_start3A_51 = arith.constant 2 : i32
      %dma_start3A_52 = arith.constant 0 : i32
      %dma_start3A_53 = tpu.memref_slice %arg8[%dma_start3A_51, %dma_start3A_52] : memref<8x128xi32, #tpu.memory_space<vmem>> -> memref<1x128xi32, #tpu.memory_space<vmem>>
      %dma_start3A_54 = tpu.memref_squeeze %dma_start3A_53 : memref<1x128xi32, #tpu.memory_space<vmem>> -> memref<128xi32, #tpu.memory_space<vmem>>
      %dma_start3A_55 = arith.constant 0 : i32
      %dma_start3A_56 = arith.constant 0 : i32
      %dma_start3A_57 = tpu.memref_slice %arg2[%dma_start3A_55, %dma_start3A_56] : memref<10000x128xf32, #tpu.memory_space<hbm>> -> memref<10000x128xf32, #tpu.memory_space<hbm>>
      tpu.enqueue_indirect_dma source(%dma_start3A_57 : memref<10000x128xf32, #tpu.memory_space<hbm>>) target(%arg10 : memref<128x128xf32, #tpu.memory_space<vmem>>) offsets(%dma_start3A_54 : memref<128xi32, #tpu.memory_space<vmem>>) semaphore(%arg12 : memref<!tpu.dma_semaphore, #tpu.memory_space<semaphore_mem>>)
      %dma_wait3A_58 = arith.constant 1 : i32
      %dma_wait3A_59 = arith.constant 0 : i32
      %dma_wait3A_60 = tpu.memref_slice %arg8[%dma_wait3A_58, %dma_wait3A_59] : memref<8x128xi32, #tpu.memory_space<vmem>> -> memref<1x128xi32, #tpu.memory_space<vmem>>
      %dma_wait3A_61 = tpu.memref_squeeze %dma_wait3A_60 : memref<1x128xi32, #tpu.memory_space<vmem>> -> memref<128xi32, #tpu.memory_space<vmem>>
      %dma_wait3A_62 = arith.constant 0 : i32
      %dma_wait3A_63 = arith.constant 0 : i32
      %dma_wait3A_64 = tpu.memref_slice %arg2[%dma_wait3A_62, %dma_wait3A_63] : memref<10000x128xf32, #tpu.memory_space<hbm>> -> memref<10000x128xf32, #tpu.memory_space<hbm>>
      tpu.wait_indirect_dma semaphore(%arg13 : memref<!tpu.dma_semaphore, #tpu.memory_space<semaphore_mem>>) src(%dma_wait3A_64 : memref<10000x128xf32, #tpu.memory_space<hbm>>) dst(%arg11 : memref<128x128xf32, #tpu.memory_space<vmem>>)
      %run_scoped3A_65 = arith.constant 1 : i32
      "tpu.region"() ({
        %run_scoped3A_149 = tpu.sem_alloc : memref<!tpu.dma_semaphore, #tpu.memory_space<semaphore_mem>>
        %dma_start3A_150 = arith.constant 0 : i32
        %dma_start3A_151 = tpu.memref_slice %arg9[%run_scoped3A_65, %dma_start3A_150] : memref<8x128xi32, #tpu.memory_space<vmem>> -> memref<1x128xi32, #tpu.memory_space<vmem>>
        %dma_start3A_152 = tpu.memref_squeeze %dma_start3A_151 : memref<1x128xi32, #tpu.memory_space<vmem>> -> memref<128xi32, #tpu.memory_space<vmem>>
        %dma_start3A_153 = arith.constant 0 : i32
        %dma_start3A_154 = arith.constant 0 : i32
        %dma_start3A_155 = tpu.memref_slice %arg7[%dma_start3A_153, %dma_start3A_154] : memref<10112x128xf32, #tpu.memory_space<vmem_shared>> -> memref<10112x128xf32, #tpu.memory_space<vmem_shared>>
        tpu.enqueue_indirect_dma source(%arg11 : memref<128x128xf32, #tpu.memory_space<vmem>>) target(%dma_start3A_155 : memref<10112x128xf32, #tpu.memory_space<vmem_shared>>) offsets(%dma_start3A_152 : memref<128xi32, #tpu.memory_space<vmem>>) semaphore(%run_scoped3A_149 : memref<!tpu.dma_semaphore, #tpu.memory_space<semaphore_mem>>) {add = true}
        %dma_wait3A_156 = arith.constant 0 : i32
        %dma_wait3A_157 = tpu.memref_slice %arg9[%run_scoped3A_65, %dma_wait3A_156] : memref<8x128xi32, #tpu.memory_space<vmem>> -> memref<1x128xi32, #tpu.memory_space<vmem>>
        %dma_wait3A_158 = tpu.memref_squeeze %dma_wait3A_157 : memref<1x128xi32, #tpu.memory_space<vmem>> -> memref<128xi32, #tpu.memory_space<vmem>>
        %dma_wait3A_159 = arith.constant 0 : i32
        %dma_wait3A_160 = arith.constant 0 : i32
        %dma_wait3A_161 = tpu.memref_slice %arg7[%dma_wait3A_159, %dma_wait3A_160] : memref<10112x128xf32, #tpu.memory_space<vmem_shared>> -> memref<10112x128xf32, #tpu.memory_space<vmem_shared>>
        tpu.wait_indirect_dma semaphore(%run_scoped3A_149 : memref<!tpu.dma_semaphore, #tpu.memory_space<semaphore_mem>>) src(%arg11 : memref<128x128xf32, #tpu.memory_space<vmem>>) dst(%dma_wait3A_161 : memref<10112x128xf32, #tpu.memory_space<vmem_shared>>)
        tpu.yield
      }) : () -> ()
      %dma_start3A_66 = arith.constant 3 : i32
      %dma_start3A_67 = arith.constant 0 : i32
      %dma_start3A_68 = tpu.memref_slice %arg8[%dma_start3A_66, %dma_start3A_67] : memref<8x128xi32, #tpu.memory_space<vmem>> -> memref<1x128xi32, #tpu.memory_space<vmem>>
      %dma_start3A_69 = tpu.memref_squeeze %dma_start3A_68 : memref<1x128xi32, #tpu.memory_space<vmem>> -> memref<128xi32, #tpu.memory_space<vmem>>
      %dma_start3A_70 = arith.constant 0 : i32
      %dma_start3A_71 = arith.constant 0 : i32
      %dma_start3A_72 = tpu.memref_slice %arg2[%dma_start3A_70, %dma_start3A_71] : memref<10000x128xf32, #tpu.memory_space<hbm>> -> memref<10000x128xf32, #tpu.memory_space<hbm>>
      tpu.enqueue_indirect_dma source(%dma_start3A_72 : memref<10000x128xf32, #tpu.memory_space<hbm>>) target(%arg11 : memref<128x128xf32, #tpu.memory_space<vmem>>) offsets(%dma_start3A_69 : memref<128xi32, #tpu.memory_space<vmem>>) semaphore(%arg13 : memref<!tpu.dma_semaphore, #tpu.memory_space<semaphore_mem>>)
      %dma_wait3A_73 = arith.constant 2 : i32
      %dma_wait3A_74 = arith.constant 0 : i32
      %dma_wait3A_75 = tpu.memref_slice %arg8[%dma_wait3A_73, %dma_wait3A_74] : memref<8x128xi32, #tpu.memory_space<vmem>> -> memref<1x128xi32, #tpu.memory_space<vmem>>
      %dma_wait3A_76 = tpu.memref_squeeze %dma_wait3A_75 : memref<1x128xi32, #tpu.memory_space<vmem>> -> memref<128xi32, #tpu.memory_space<vmem>>
      %dma_wait3A_77 = arith.constant 0 : i32
      %dma_wait3A_78 = arith.constant 0 : i32
      %dma_wait3A_79 = tpu.memref_slice %arg2[%dma_wait3A_77, %dma_wait3A_78] : memref<10000x128xf32, #tpu.memory_space<hbm>> -> memref<10000x128xf32, #tpu.memory_space<hbm>>
      tpu.wait_indirect_dma semaphore(%arg12 : memref<!tpu.dma_semaphore, #tpu.memory_space<semaphore_mem>>) src(%dma_wait3A_79 : memref<10000x128xf32, #tpu.memory_space<hbm>>) dst(%arg10 : memref<128x128xf32, #tpu.memory_space<vmem>>)
      %run_scoped3A_80 = arith.constant 2 : i32
      "tpu.region"() ({
        %run_scoped3A_149 = tpu.sem_alloc : memref<!tpu.dma_semaphore, #tpu.memory_space<semaphore_mem>>
        %dma_start3A_150 = arith.constant 0 : i32
        %dma_start3A_151 = tpu.memref_slice %arg9[%run_scoped3A_80, %dma_start3A_150] : memref<8x128xi32, #tpu.memory_space<vmem>> -> memref<1x128xi32, #tpu.memory_space<vmem>>
        %dma_start3A_152 = tpu.memref_squeeze %dma_start3A_151 : memref<1x128xi32, #tpu.memory_space<vmem>> -> memref<128xi32, #tpu.memory_space<vmem>>
        %dma_start3A_153 = arith.constant 0 : i32
        %dma_start3A_154 = arith.constant 0 : i32
        %dma_start3A_155 = tpu.memref_slice %arg7[%dma_start3A_153, %dma_start3A_154] : memref<10112x128xf32, #tpu.memory_space<vmem_shared>> -> memref<10112x128xf32, #tpu.memory_space<vmem_shared>>
        tpu.enqueue_indirect_dma source(%arg10 : memref<128x128xf32, #tpu.memory_space<vmem>>) target(%dma_start3A_155 : memref<10112x128xf32, #tpu.memory_space<vmem_shared>>) offsets(%dma_start3A_152 : memref<128xi32, #tpu.memory_space<vmem>>) semaphore(%run_scoped3A_149 : memref<!tpu.dma_semaphore, #tpu.memory_space<semaphore_mem>>) {add = true}
        %dma_wait3A_156 = arith.constant 0 : i32
        %dma_wait3A_157 = tpu.memref_slice %arg9[%run_scoped3A_80, %dma_wait3A_156] : memref<8x128xi32, #tpu.memory_space<vmem>> -> memref<1x128xi32, #tpu.memory_space<vmem>>
        %dma_wait3A_158 = tpu.memref_squeeze %dma_wait3A_157 : memref<1x128xi32, #tpu.memory_space<vmem>> -> memref<128xi32, #tpu.memory_space<vmem>>
        %dma_wait3A_159 = arith.constant 0 : i32
        %dma_wait3A_160 = arith.constant 0 : i32
        %dma_wait3A_161 = tpu.memref_slice %arg7[%dma_wait3A_159, %dma_wait3A_160] : memref<10112x128xf32, #tpu.memory_space<vmem_shared>> -> memref<10112x128xf32, #tpu.memory_space<vmem_shared>>
        tpu.wait_indirect_dma semaphore(%run_scoped3A_149 : memref<!tpu.dma_semaphore, #tpu.memory_space<semaphore_mem>>) src(%arg10 : memref<128x128xf32, #tpu.memory_space<vmem>>) dst(%dma_wait3A_161 : memref<10112x128xf32, #tpu.memory_space<vmem_shared>>)
        tpu.yield
      }) : () -> ()
      %dma_start3A_81 = arith.constant 4 : i32
      %dma_start3A_82 = arith.constant 0 : i32
      %dma_start3A_83 = tpu.memref_slice %arg8[%dma_start3A_81, %dma_start3A_82] : memref<8x128xi32, #tpu.memory_space<vmem>> -> memref<1x128xi32, #tpu.memory_space<vmem>>
      %dma_start3A_84 = tpu.memref_squeeze %dma_start3A_83 : memref<1x128xi32, #tpu.memory_space<vmem>> -> memref<128xi32, #tpu.memory_space<vmem>>
      %dma_start3A_85 = arith.constant 0 : i32
      %dma_start3A_86 = arith.constant 0 : i32
      %dma_start3A_87 = tpu.memref_slice %arg2[%dma_start3A_85, %dma_start3A_86] : memref<10000x128xf32, #tpu.memory_space<hbm>> -> memref<10000x128xf32, #tpu.memory_space<hbm>>
      tpu.enqueue_indirect_dma source(%dma_start3A_87 : memref<10000x128xf32, #tpu.memory_space<hbm>>) target(%arg10 : memref<128x128xf32, #tpu.memory_space<vmem>>) offsets(%dma_start3A_84 : memref<128xi32, #tpu.memory_space<vmem>>) semaphore(%arg12 : memref<!tpu.dma_semaphore, #tpu.memory_space<semaphore_mem>>)
      %dma_wait3A_88 = arith.constant 3 : i32
      %dma_wait3A_89 = arith.constant 0 : i32
      %dma_wait3A_90 = tpu.memref_slice %arg8[%dma_wait3A_88, %dma_wait3A_89] : memref<8x128xi32, #tpu.memory_space<vmem>> -> memref<1x128xi32, #tpu.memory_space<vmem>>
      %dma_wait3A_91 = tpu.memref_squeeze %dma_wait3A_90 : memref<1x128xi32, #tpu.memory_space<vmem>> -> memref<128xi32, #tpu.memory_space<vmem>>
      %dma_wait3A_92 = arith.constant 0 : i32
      %dma_wait3A_93 = arith.constant 0 : i32
      %dma_wait3A_94 = tpu.memref_slice %arg2[%dma_wait3A_92, %dma_wait3A_93] : memref<10000x128xf32, #tpu.memory_space<hbm>> -> memref<10000x128xf32, #tpu.memory_space<hbm>>
      tpu.wait_indirect_dma semaphore(%arg13 : memref<!tpu.dma_semaphore, #tpu.memory_space<semaphore_mem>>) src(%dma_wait3A_94 : memref<10000x128xf32, #tpu.memory_space<hbm>>) dst(%arg11 : memref<128x128xf32, #tpu.memory_space<vmem>>)
      %run_scoped3A_95 = arith.constant 3 : i32
      "tpu.region"() ({
        %run_scoped3A_149 = tpu.sem_alloc : memref<!tpu.dma_semaphore, #tpu.memory_space<semaphore_mem>>
        %dma_start3A_150 = arith.constant 0 : i32
        %dma_start3A_151 = tpu.memref_slice %arg9[%run_scoped3A_95, %dma_start3A_150] : memref<8x128xi32, #tpu.memory_space<vmem>> -> memref<1x128xi32, #tpu.memory_space<vmem>>
        %dma_start3A_152 = tpu.memref_squeeze %dma_start3A_151 : memref<1x128xi32, #tpu.memory_space<vmem>> -> memref<128xi32, #tpu.memory_space<vmem>>
        %dma_start3A_153 = arith.constant 0 : i32
        %dma_start3A_154 = arith.constant 0 : i32
        %dma_start3A_155 = tpu.memref_slice %arg7[%dma_start3A_153, %dma_start3A_154] : memref<10112x128xf32, #tpu.memory_space<vmem_shared>> -> memref<10112x128xf32, #tpu.memory_space<vmem_shared>>
        tpu.enqueue_indirect_dma source(%arg11 : memref<128x128xf32, #tpu.memory_space<vmem>>) target(%dma_start3A_155 : memref<10112x128xf32, #tpu.memory_space<vmem_shared>>) offsets(%dma_start3A_152 : memref<128xi32, #tpu.memory_space<vmem>>) semaphore(%run_scoped3A_149 : memref<!tpu.dma_semaphore, #tpu.memory_space<semaphore_mem>>) {add = true}
        %dma_wait3A_156 = arith.constant 0 : i32
        %dma_wait3A_157 = tpu.memref_slice %arg9[%run_scoped3A_95, %dma_wait3A_156] : memref<8x128xi32, #tpu.memory_space<vmem>> -> memref<1x128xi32, #tpu.memory_space<vmem>>
        %dma_wait3A_158 = tpu.memref_squeeze %dma_wait3A_157 : memref<1x128xi32, #tpu.memory_space<vmem>> -> memref<128xi32, #tpu.memory_space<vmem>>
        %dma_wait3A_159 = arith.constant 0 : i32
        %dma_wait3A_160 = arith.constant 0 : i32
        %dma_wait3A_161 = tpu.memref_slice %arg7[%dma_wait3A_159, %dma_wait3A_160] : memref<10112x128xf32, #tpu.memory_space<vmem_shared>> -> memref<10112x128xf32, #tpu.memory_space<vmem_shared>>
        tpu.wait_indirect_dma semaphore(%run_scoped3A_149 : memref<!tpu.dma_semaphore, #tpu.memory_space<semaphore_mem>>) src(%arg11 : memref<128x128xf32, #tpu.memory_space<vmem>>) dst(%dma_wait3A_161 : memref<10112x128xf32, #tpu.memory_space<vmem_shared>>)
        tpu.yield
      }) : () -> ()
      %dma_start3A_96 = arith.constant 5 : i32
      %dma_start3A_97 = arith.constant 0 : i32
      %dma_start3A_98 = tpu.memref_slice %arg8[%dma_start3A_96, %dma_start3A_97] : memref<8x128xi32, #tpu.memory_space<vmem>> -> memref<1x128xi32, #tpu.memory_space<vmem>>
      %dma_start3A_99 = tpu.memref_squeeze %dma_start3A_98 : memref<1x128xi32, #tpu.memory_space<vmem>> -> memref<128xi32, #tpu.memory_space<vmem>>
      %dma_start3A_100 = arith.constant 0 : i32
      %dma_start3A_101 = arith.constant 0 : i32
      %dma_start3A_102 = tpu.memref_slice %arg2[%dma_start3A_100, %dma_start3A_101] : memref<10000x128xf32, #tpu.memory_space<hbm>> -> memref<10000x128xf32, #tpu.memory_space<hbm>>
      tpu.enqueue_indirect_dma source(%dma_start3A_102 : memref<10000x128xf32, #tpu.memory_space<hbm>>) target(%arg11 : memref<128x128xf32, #tpu.memory_space<vmem>>) offsets(%dma_start3A_99 : memref<128xi32, #tpu.memory_space<vmem>>) semaphore(%arg13 : memref<!tpu.dma_semaphore, #tpu.memory_space<semaphore_mem>>)
      %dma_wait3A_103 = arith.constant 4 : i32
      %dma_wait3A_104 = arith.constant 0 : i32
      %dma_wait3A_105 = tpu.memref_slice %arg8[%dma_wait3A_103, %dma_wait3A_104] : memref<8x128xi32, #tpu.memory_space<vmem>> -> memref<1x128xi32, #tpu.memory_space<vmem>>
      %dma_wait3A_106 = tpu.memref_squeeze %dma_wait3A_105 : memref<1x128xi32, #tpu.memory_space<vmem>> -> memref<128xi32, #tpu.memory_space<vmem>>
      %dma_wait3A_107 = arith.constant 0 : i32
      %dma_wait3A_108 = arith.constant 0 : i32
      %dma_wait3A_109 = tpu.memref_slice %arg2[%dma_wait3A_107, %dma_wait3A_108] : memref<10000x128xf32, #tpu.memory_space<hbm>> -> memref<10000x128xf32, #tpu.memory_space<hbm>>
      tpu.wait_indirect_dma semaphore(%arg12 : memref<!tpu.dma_semaphore, #tpu.memory_space<semaphore_mem>>) src(%dma_wait3A_109 : memref<10000x128xf32, #tpu.memory_space<hbm>>) dst(%arg10 : memref<128x128xf32, #tpu.memory_space<vmem>>)
      %run_scoped3A_110 = arith.constant 4 : i32
      "tpu.region"() ({
        %run_scoped3A_149 = tpu.sem_alloc : memref<!tpu.dma_semaphore, #tpu.memory_space<semaphore_mem>>
        %dma_start3A_150 = arith.constant 0 : i32
        %dma_start3A_151 = tpu.memref_slice %arg9[%run_scoped3A_110, %dma_start3A_150] : memref<8x128xi32, #tpu.memory_space<vmem>> -> memref<1x128xi32, #tpu.memory_space<vmem>>
        %dma_start3A_152 = tpu.memref_squeeze %dma_start3A_151 : memref<1x128xi32, #tpu.memory_space<vmem>> -> memref<128xi32, #tpu.memory_space<vmem>>
        %dma_start3A_153 = arith.constant 0 : i32
        %dma_start3A_154 = arith.constant 0 : i32
        %dma_start3A_155 = tpu.memref_slice %arg7[%dma_start3A_153, %dma_start3A_154] : memref<10112x128xf32, #tpu.memory_space<vmem_shared>> -> memref<10112x128xf32, #tpu.memory_space<vmem_shared>>
        tpu.enqueue_indirect_dma source(%arg10 : memref<128x128xf32, #tpu.memory_space<vmem>>) target(%dma_start3A_155 : memref<10112x128xf32, #tpu.memory_space<vmem_shared>>) offsets(%dma_start3A_152 : memref<128xi32, #tpu.memory_space<vmem>>) semaphore(%run_scoped3A_149 : memref<!tpu.dma_semaphore, #tpu.memory_space<semaphore_mem>>) {add = true}
        %dma_wait3A_156 = arith.constant 0 : i32
        %dma_wait3A_157 = tpu.memref_slice %arg9[%run_scoped3A_110, %dma_wait3A_156] : memref<8x128xi32, #tpu.memory_space<vmem>> -> memref<1x128xi32, #tpu.memory_space<vmem>>
        %dma_wait3A_158 = tpu.memref_squeeze %dma_wait3A_157 : memref<1x128xi32, #tpu.memory_space<vmem>> -> memref<128xi32, #tpu.memory_space<vmem>>
        %dma_wait3A_159 = arith.constant 0 : i32
        %dma_wait3A_160 = arith.constant 0 : i32
        %dma_wait3A_161 = tpu.memref_slice %arg7[%dma_wait3A_159, %dma_wait3A_160] : memref<10112x128xf32, #tpu.memory_space<vmem_shared>> -> memref<10112x128xf32, #tpu.memory_space<vmem_shared>>
        tpu.wait_indirect_dma semaphore(%run_scoped3A_149 : memref<!tpu.dma_semaphore, #tpu.memory_space<semaphore_mem>>) src(%arg10 : memref<128x128xf32, #tpu.memory_space<vmem>>) dst(%dma_wait3A_161 : memref<10112x128xf32, #tpu.memory_space<vmem_shared>>)
        tpu.yield
      }) : () -> ()
      %dma_start3A_111 = arith.constant 6 : i32
      %dma_start3A_112 = arith.constant 0 : i32
      %dma_start3A_113 = tpu.memref_slice %arg8[%dma_start3A_111, %dma_start3A_112] : memref<8x128xi32, #tpu.memory_space<vmem>> -> memref<1x128xi32, #tpu.memory_space<vmem>>
      %dma_start3A_114 = tpu.memref_squeeze %dma_start3A_113 : memref<1x128xi32, #tpu.memory_space<vmem>> -> memref<128xi32, #tpu.memory_space<vmem>>
      %dma_start3A_115 = arith.constant 0 : i32
      %dma_start3A_116 = arith.constant 0 : i32
      %dma_start3A_117 = tpu.memref_slice %arg2[%dma_start3A_115, %dma_start3A_116] : memref<10000x128xf32, #tpu.memory_space<hbm>> -> memref<10000x128xf32, #tpu.memory_space<hbm>>
      tpu.enqueue_indirect_dma source(%dma_start3A_117 : memref<10000x128xf32, #tpu.memory_space<hbm>>) target(%arg10 : memref<128x128xf32, #tpu.memory_space<vmem>>) offsets(%dma_start3A_114 : memref<128xi32, #tpu.memory_space<vmem>>) semaphore(%arg12 : memref<!tpu.dma_semaphore, #tpu.memory_space<semaphore_mem>>)
      %dma_wait3A_118 = arith.constant 5 : i32
      %dma_wait3A_119 = arith.constant 0 : i32
      %dma_wait3A_120 = tpu.memref_slice %arg8[%dma_wait3A_118, %dma_wait3A_119] : memref<8x128xi32, #tpu.memory_space<vmem>> -> memref<1x128xi32, #tpu.memory_space<vmem>>
      %dma_wait3A_121 = tpu.memref_squeeze %dma_wait3A_120 : memref<1x128xi32, #tpu.memory_space<vmem>> -> memref<128xi32, #tpu.memory_space<vmem>>
      %dma_wait3A_122 = arith.constant 0 : i32
      %dma_wait3A_123 = arith.constant 0 : i32
      %dma_wait3A_124 = tpu.memref_slice %arg2[%dma_wait3A_122, %dma_wait3A_123] : memref<10000x128xf32, #tpu.memory_space<hbm>> -> memref<10000x128xf32, #tpu.memory_space<hbm>>
      tpu.wait_indirect_dma semaphore(%arg13 : memref<!tpu.dma_semaphore, #tpu.memory_space<semaphore_mem>>) src(%dma_wait3A_124 : memref<10000x128xf32, #tpu.memory_space<hbm>>) dst(%arg11 : memref<128x128xf32, #tpu.memory_space<vmem>>)
      %run_scoped3A_125 = arith.constant 5 : i32
      "tpu.region"() ({
        %run_scoped3A_149 = tpu.sem_alloc : memref<!tpu.dma_semaphore, #tpu.memory_space<semaphore_mem>>
        %dma_start3A_150 = arith.constant 0 : i32
        %dma_start3A_151 = tpu.memref_slice %arg9[%run_scoped3A_125, %dma_start3A_150] : memref<8x128xi32, #tpu.memory_space<vmem>> -> memref<1x128xi32, #tpu.memory_space<vmem>>
        %dma_start3A_152 = tpu.memref_squeeze %dma_start3A_151 : memref<1x128xi32, #tpu.memory_space<vmem>> -> memref<128xi32, #tpu.memory_space<vmem>>
        %dma_start3A_153 = arith.constant 0 : i32
        %dma_start3A_154 = arith.constant 0 : i32
        %dma_start3A_155 = tpu.memref_slice %arg7[%dma_start3A_153, %dma_start3A_154] : memref<10112x128xf32, #tpu.memory_space<vmem_shared>> -> memref<10112x128xf32, #tpu.memory_space<vmem_shared>>
        tpu.enqueue_indirect_dma source(%arg11 : memref<128x128xf32, #tpu.memory_space<vmem>>) target(%dma_start3A_155 : memref<10112x128xf32, #tpu.memory_space<vmem_shared>>) offsets(%dma_start3A_152 : memref<128xi32, #tpu.memory_space<vmem>>) semaphore(%run_scoped3A_149 : memref<!tpu.dma_semaphore, #tpu.memory_space<semaphore_mem>>) {add = true}
        %dma_wait3A_156 = arith.constant 0 : i32
        %dma_wait3A_157 = tpu.memref_slice %arg9[%run_scoped3A_125, %dma_wait3A_156] : memref<8x128xi32, #tpu.memory_space<vmem>> -> memref<1x128xi32, #tpu.memory_space<vmem>>
        %dma_wait3A_158 = tpu.memref_squeeze %dma_wait3A_157 : memref<1x128xi32, #tpu.memory_space<vmem>> -> memref<128xi32, #tpu.memory_space<vmem>>
        %dma_wait3A_159 = arith.constant 0 : i32
        %dma_wait3A_160 = arith.constant 0 : i32
        %dma_wait3A_161 = tpu.memref_slice %arg7[%dma_wait3A_159, %dma_wait3A_160] : memref<10112x128xf32, #tpu.memory_space<vmem_shared>> -> memref<10112x128xf32, #tpu.memory_space<vmem_shared>>
        tpu.wait_indirect_dma semaphore(%run_scoped3A_149 : memref<!tpu.dma_semaphore, #tpu.memory_space<semaphore_mem>>) src(%arg11 : memref<128x128xf32, #tpu.memory_space<vmem>>) dst(%dma_wait3A_161 : memref<10112x128xf32, #tpu.memory_space<vmem_shared>>)
        tpu.yield
      }) : () -> ()
      %dma_start3A_126 = arith.constant 7 : i32
      %dma_start3A_127 = arith.constant 0 : i32
      %dma_start3A_128 = tpu.memref_slice %arg8[%dma_start3A_126, %dma_start3A_127] : memref<8x128xi32, #tpu.memory_space<vmem>> -> memref<1x128xi32, #tpu.memory_space<vmem>>
      %dma_start3A_129 = tpu.memref_squeeze %dma_start3A_128 : memref<1x128xi32, #tpu.memory_space<vmem>> -> memref<128xi32, #tpu.memory_space<vmem>>
      %dma_start3A_130 = arith.constant 0 : i32
      %dma_start3A_131 = arith.constant 0 : i32
      %dma_start3A_132 = tpu.memref_slice %arg2[%dma_start3A_130, %dma_start3A_131] : memref<10000x128xf32, #tpu.memory_space<hbm>> -> memref<10000x128xf32, #tpu.memory_space<hbm>>
      tpu.enqueue_indirect_dma source(%dma_start3A_132 : memref<10000x128xf32, #tpu.memory_space<hbm>>) target(%arg11 : memref<128x128xf32, #tpu.memory_space<vmem>>) offsets(%dma_start3A_129 : memref<128xi32, #tpu.memory_space<vmem>>) semaphore(%arg13 : memref<!tpu.dma_semaphore, #tpu.memory_space<semaphore_mem>>)
      %dma_wait3A_133 = arith.constant 6 : i32
      %dma_wait3A_134 = arith.constant 0 : i32
      %dma_wait3A_135 = tpu.memref_slice %arg8[%dma_wait3A_133, %dma_wait3A_134] : memref<8x128xi32, #tpu.memory_space<vmem>> -> memref<1x128xi32, #tpu.memory_space<vmem>>
      %dma_wait3A_136 = tpu.memref_squeeze %dma_wait3A_135 : memref<1x128xi32, #tpu.memory_space<vmem>> -> memref<128xi32, #tpu.memory_space<vmem>>
      %dma_wait3A_137 = arith.constant 0 : i32
      %dma_wait3A_138 = arith.constant 0 : i32
      %dma_wait3A_139 = tpu.memref_slice %arg2[%dma_wait3A_137, %dma_wait3A_138] : memref<10000x128xf32, #tpu.memory_space<hbm>> -> memref<10000x128xf32, #tpu.memory_space<hbm>>
      tpu.wait_indirect_dma semaphore(%arg12 : memref<!tpu.dma_semaphore, #tpu.memory_space<semaphore_mem>>) src(%dma_wait3A_139 : memref<10000x128xf32, #tpu.memory_space<hbm>>) dst(%arg10 : memref<128x128xf32, #tpu.memory_space<vmem>>)
      %run_scoped3A_140 = arith.constant 6 : i32
      "tpu.region"() ({
        %run_scoped3A_149 = tpu.sem_alloc : memref<!tpu.dma_semaphore, #tpu.memory_space<semaphore_mem>>
        %dma_start3A_150 = arith.constant 0 : i32
        %dma_start3A_151 = tpu.memref_slice %arg9[%run_scoped3A_140, %dma_start3A_150] : memref<8x128xi32, #tpu.memory_space<vmem>> -> memref<1x128xi32, #tpu.memory_space<vmem>>
        %dma_start3A_152 = tpu.memref_squeeze %dma_start3A_151 : memref<1x128xi32, #tpu.memory_space<vmem>> -> memref<128xi32, #tpu.memory_space<vmem>>
        %dma_start3A_153 = arith.constant 0 : i32
        %dma_start3A_154 = arith.constant 0 : i32
        %dma_start3A_155 = tpu.memref_slice %arg7[%dma_start3A_153, %dma_start3A_154] : memref<10112x128xf32, #tpu.memory_space<vmem_shared>> -> memref<10112x128xf32, #tpu.memory_space<vmem_shared>>
        tpu.enqueue_indirect_dma source(%arg10 : memref<128x128xf32, #tpu.memory_space<vmem>>) target(%dma_start3A_155 : memref<10112x128xf32, #tpu.memory_space<vmem_shared>>) offsets(%dma_start3A_152 : memref<128xi32, #tpu.memory_space<vmem>>) semaphore(%run_scoped3A_149 : memref<!tpu.dma_semaphore, #tpu.memory_space<semaphore_mem>>) {add = true}
        %dma_wait3A_156 = arith.constant 0 : i32
        %dma_wait3A_157 = tpu.memref_slice %arg9[%run_scoped3A_140, %dma_wait3A_156] : memref<8x128xi32, #tpu.memory_space<vmem>> -> memref<1x128xi32, #tpu.memory_space<vmem>>
        %dma_wait3A_158 = tpu.memref_squeeze %dma_wait3A_157 : memref<1x128xi32, #tpu.memory_space<vmem>> -> memref<128xi32, #tpu.memory_space<vmem>>
        %dma_wait3A_159 = arith.constant 0 : i32
        %dma_wait3A_160 = arith.constant 0 : i32
        %dma_wait3A_161 = tpu.memref_slice %arg7[%dma_wait3A_159, %dma_wait3A_160] : memref<10112x128xf32, #tpu.memory_space<vmem_shared>> -> memref<10112x128xf32, #tpu.memory_space<vmem_shared>>
        tpu.wait_indirect_dma semaphore(%run_scoped3A_149 : memref<!tpu.dma_semaphore, #tpu.memory_space<semaphore_mem>>) src(%arg10 : memref<128x128xf32, #tpu.memory_space<vmem>>) dst(%dma_wait3A_161 : memref<10112x128xf32, #tpu.memory_space<vmem_shared>>)
        tpu.yield
      }) : () -> ()
      %dma_wait3A_141 = arith.constant 7 : i32
      %dma_wait3A_142 = arith.constant 0 : i32
      %dma_wait3A_143 = tpu.memref_slice %arg8[%dma_wait3A_141, %dma_wait3A_142] : memref<8x128xi32, #tpu.memory_space<vmem>> -> memref<1x128xi32, #tpu.memory_space<vmem>>
      %dma_wait3A_144 = tpu.memref_squeeze %dma_wait3A_143 : memref<1x128xi32, #tpu.memory_space<vmem>> -> memref<128xi32, #tpu.memory_space<vmem>>
      %dma_wait3A_145 = arith.constant 0 : i32
      %dma_wait3A_146 = arith.constant 0 : i32
      %dma_wait3A_147 = tpu.memref_slice %arg2[%dma_wait3A_145, %dma_wait3A_146] : memref<10000x128xf32, #tpu.memory_space<hbm>> -> memref<10000x128xf32, #tpu.memory_space<hbm>>
      tpu.wait_indirect_dma semaphore(%arg13 : memref<!tpu.dma_semaphore, #tpu.memory_space<semaphore_mem>>) src(%dma_wait3A_147 : memref<10000x128xf32, #tpu.memory_space<hbm>>) dst(%arg11 : memref<128x128xf32, #tpu.memory_space<vmem>>)
      %run_scoped3A_148 = arith.constant 7 : i32
      "tpu.region"() ({
        %run_scoped3A_149 = tpu.sem_alloc : memref<!tpu.dma_semaphore, #tpu.memory_space<semaphore_mem>>
        %dma_start3A_150 = arith.constant 0 : i32
        %dma_start3A_151 = tpu.memref_slice %arg9[%run_scoped3A_148, %dma_start3A_150] : memref<8x128xi32, #tpu.memory_space<vmem>> -> memref<1x128xi32, #tpu.memory_space<vmem>>
        %dma_start3A_152 = tpu.memref_squeeze %dma_start3A_151 : memref<1x128xi32, #tpu.memory_space<vmem>> -> memref<128xi32, #tpu.memory_space<vmem>>
        %dma_start3A_153 = arith.constant 0 : i32
        %dma_start3A_154 = arith.constant 0 : i32
        %dma_start3A_155 = tpu.memref_slice %arg7[%dma_start3A_153, %dma_start3A_154] : memref<10112x128xf32, #tpu.memory_space<vmem_shared>> -> memref<10112x128xf32, #tpu.memory_space<vmem_shared>>
        tpu.enqueue_indirect_dma source(%arg11 : memref<128x128xf32, #tpu.memory_space<vmem>>) target(%dma_start3A_155 : memref<10112x128xf32, #tpu.memory_space<vmem_shared>>) offsets(%dma_start3A_152 : memref<128xi32, #tpu.memory_space<vmem>>) semaphore(%run_scoped3A_149 : memref<!tpu.dma_semaphore, #tpu.memory_space<semaphore_mem>>) {add = true}
        %dma_wait3A_156 = arith.constant 0 : i32
        %dma_wait3A_157 = tpu.memref_slice %arg9[%run_scoped3A_148, %dma_wait3A_156] : memref<8x128xi32, #tpu.memory_space<vmem>> -> memref<1x128xi32, #tpu.memory_space<vmem>>
        %dma_wait3A_158 = tpu.memref_squeeze %dma_wait3A_157 : memref<1x128xi32, #tpu.memory_space<vmem>> -> memref<128xi32, #tpu.memory_space<vmem>>
        %dma_wait3A_159 = arith.constant 0 : i32
        %dma_wait3A_160 = arith.constant 0 : i32
        %dma_wait3A_161 = tpu.memref_slice %arg7[%dma_wait3A_159, %dma_wait3A_160] : memref<10112x128xf32, #tpu.memory_space<vmem_shared>> -> memref<10112x128xf32, #tpu.memory_space<vmem_shared>>
        tpu.wait_indirect_dma semaphore(%run_scoped3A_149 : memref<!tpu.dma_semaphore, #tpu.memory_space<semaphore_mem>>) src(%arg11 : memref<128x128xf32, #tpu.memory_space<vmem>>) dst(%dma_wait3A_161 : memref<10112x128xf32, #tpu.memory_space<vmem_shared>>)
        tpu.yield
      }) : () -> ()
    }
    %barrier3A_20 = arith.constant 0 : index
    tpu.barrier barrier_id(%barrier3A_20)
    %mul3A_21 = arith.constant 632 : i32
    %mul3A_22 = arith.muli %arg1, %mul3A_21 : i32
    %mul3A_23 = arith.constant 632 : i32
    %mul3A_24 = arith.muli %arg1, %mul3A_23 : i32
    "tpu.region"() ({
      %run_scoped3A = tpu.sem_alloc : memref<!tpu.dma_semaphore, #tpu.memory_space<semaphore_mem>>
      %dma_start3A = arith.constant 0 : i32
      %dma_start3A_25 = tpu.memref_slice %arg6[%arg0, %mul3A_24, %dma_start3A] : memref<2x10112x128xf32, #tpu.memory_space<hbm>> -> memref<1x632x128xf32, #tpu.memory_space<hbm>>
      %dma_start3A_26 = tpu.memref_squeeze %dma_start3A_25 : memref<1x632x128xf32, #tpu.memory_space<hbm>> -> memref<632x128xf32, #tpu.memory_space<hbm>>
      %dma_start3A_27 = arith.constant 0 : i32
      %dma_start3A_28 = tpu.memref_slice %arg7[%mul3A_22, %dma_start3A_27] : memref<10112x128xf32, #tpu.memory_space<vmem_shared>> -> memref<632x128xf32, #tpu.memory_space<vmem_shared>>
      tpu.enqueue_dma source(%dma_start3A_28 : memref<632x128xf32, #tpu.memory_space<vmem_shared>>) target(%dma_start3A_26 : memref<632x128xf32, #tpu.memory_space<hbm>>) target_semaphore(%run_scoped3A : memref<!tpu.dma_semaphore, #tpu.memory_space<semaphore_mem>>)
      %dma_wait3A = arith.constant 0 : i32
      %dma_wait3A_29 = tpu.memref_slice %arg6[%arg0, %mul3A_24, %dma_wait3A] : memref<2x10112x128xf32, #tpu.memory_space<hbm>> -> memref<1x632x128xf32, #tpu.memory_space<hbm>>
      %dma_wait3A_30 = tpu.memref_squeeze %dma_wait3A_29 : memref<1x632x128xf32, #tpu.memory_space<hbm>> -> memref<632x128xf32, #tpu.memory_space<hbm>>
      %dma_wait3A_31 = arith.constant 0 : i32
      %dma_wait3A_32 = tpu.memref_slice %arg7[%mul3A_22, %dma_wait3A_31] : memref<10112x128xf32, #tpu.memory_space<vmem_shared>> -> memref<632x128xf32, #tpu.memory_space<vmem_shared>>
      tpu.wait_dma2 semaphore(%run_scoped3A : memref<!tpu.dma_semaphore, #tpu.memory_space<semaphore_mem>>) src(%dma_wait3A_32 : memref<632x128xf32, #tpu.memory_space<vmem_shared>>) dst(%dma_wait3A_30 : memref<632x128xf32, #tpu.memory_space<hbm>>)
      tpu.yield
    }) : () -> ()
    return
  }
}

#map = affine_map<(d0, d1) -> (0, 0)>
#map1 = affine_map<(d0, d1) -> (0, 0, 0)>
module attributes {stable_mosaic.version = 14 : i64} {
  func.func @_sc_body(%arg0: i32, %arg1: i32, %arg2: memref<10000x128xf32, #tpu.memory_space<hbm>>, %arg3: memref<2560x128xi32, #tpu.memory_space<hbm>>, %arg4: memref<2560x128xi32, #tpu.memory_space<hbm>>, %arg5: memref<632x128xf32, #tpu.memory_space<hbm>>, %arg6: memref<2x10112x128xf32, #tpu.memory_space<hbm>>, %arg7: memref<10112x128xf32, #tpu.memory_space<vmem_shared>>, %arg8: memref<8x128xi32, #tpu.memory_space<vmem>>, %arg9: memref<8x128xi32, #tpu.memory_space<vmem>>, %arg10: memref<128x128xf32, #tpu.memory_space<vmem>>, %arg11: memref<128x128xf32, #tpu.memory_space<vmem>>, %arg12: memref<!tpu.dma_semaphore, #tpu.memory_space<semaphore_mem>>, %arg13: memref<!tpu.dma_semaphore, #tpu.memory_space<semaphore_mem>>) attributes {dimension_semantics = [#tpu.dimension_semantics<core_parallel>, #tpu.dimension_semantics<subcore_parallel>], iteration_bounds = array<i64: 2, 16>, scalar_prefetch = 0 : i64, scratch_operands = 7 : i64, tpu.core_type = #tpu.core_type<sc_vector_subcore>, window_params = [{transform_indices = #map}, {transform_indices = #map}, {transform_indices = #map}, {transform_indices = #map}, {transform_indices = #map1}]} {
    %eq3A = arith.constant 0 : i32
    %eq3A_0 = arith.cmpi eq, %arg0, %eq3A : i32
    %mul3A = arith.constant 80 : i32
    %mul3A_1 = arith.muli %arg1, %mul3A : i32
    %mul3A_2 = arith.constant 80 : i32
    %mul3A_3 = arith.muli %arg1, %mul3A_2 : i32
    %add3A = arith.constant 1280 : i32
    %add3A_4 = arith.addi %add3A, %mul3A_3 : i32
    %select_n3A = arith.select %eq3A_0, %mul3A_1, %add3A_4 : i32
    %eq3A_5 = arith.constant 0 : i32
    %eq3A_6 = arith.cmpi eq, %arg0, %eq3A_5 : i32
    %jit3A = arith.constant 10 : i32
    %jit3A_7 = arith.constant 10 : i32
    %select_n3A_8 = arith.select %eq3A_6, %jit3A, %jit3A_7 : i32
    %mul3A_9 = arith.constant 632 : i32
    %mul3A_10 = arith.muli %arg1, %mul3A_9 : i32
    "tpu.region"() ({
      %run_scoped3A = tpu.sem_alloc : memref<!tpu.dma_semaphore, #tpu.memory_space<semaphore_mem>>
      %dma_start3A = arith.constant 0 : i32
      %dma_start3A_25 = tpu.memref_slice %arg7[%mul3A_10, %dma_start3A] : memref<10112x128xf32, #tpu.memory_space<vmem_shared>> -> memref<632x128xf32, #tpu.memory_space<vmem_shared>>
      tpu.enqueue_dma source(%arg5 : memref<632x128xf32, #tpu.memory_space<hbm>>) target(%dma_start3A_25 : memref<632x128xf32, #tpu.memory_space<vmem_shared>>) target_semaphore(%run_scoped3A : memref<!tpu.dma_semaphore, #tpu.memory_space<semaphore_mem>>)
      %dma_wait3A = arith.constant 0 : i32
      %dma_wait3A_26 = tpu.memref_slice %arg7[%mul3A_10, %dma_wait3A] : memref<10112x128xf32, #tpu.memory_space<vmem_shared>> -> memref<632x128xf32, #tpu.memory_space<vmem_shared>>
      tpu.wait_dma2 semaphore(%run_scoped3A : memref<!tpu.dma_semaphore, #tpu.memory_space<semaphore_mem>>) src(%arg5 : memref<632x128xf32, #tpu.memory_space<hbm>>) dst(%dma_wait3A_26 : memref<632x128xf32, #tpu.memory_space<vmem_shared>>)
      tpu.yield
    }) : () -> ()
    %barrier3A = arith.constant 0 : index
    tpu.barrier barrier_id(%barrier3A)
    %while3A = arith.constant 0 : i32
    %while3A_11 = arith.constant 0 : i32
    %while3A_12 = arith.subi %select_n3A_8, %while3A_11 : i32
    %while3A_13 = arith.addi %while3A_11, %while3A_12 : i32
    %while3A_14 = arith.constant 1 : i32
    %while3A_15 = arith.divsi %while3A_12, %while3A_14 : i32
    %while3A_16 = arith.muli %while3A_15, %while3A_14 : i32
    %while3A_17 = arith.addi %while3A_11, %while3A_16 : i32
    %while3A_18 = arith.constant 1 : i32
    scf.for %while3A_25 = %while3A_11 to %while3A_17 step %while3A_18  : i32 {
      %mul3A_26 = arith.constant 8 : i32
      %mul3A_27 = arith.muli %while3A_25, %mul3A_26 : i32
      %add3A_28 = arith.addi %select_n3A, %mul3A_27 : i32
      "tpu.region"() ({
        %run_scoped3A_149 = tpu.sem_alloc : memref<!tpu.dma_semaphore, #tpu.memory_space<semaphore_mem>>
        %dma_start3A_150 = arith.constant 0 : i32
        %dma_start3A_151 = tpu.memref_slice %arg3[%add3A_28, %dma_start3A_150] : memref<2560x128xi32, #tpu.memory_space<hbm>> -> memref<8x128xi32, #tpu.memory_space<hbm>>
        %dma_start3A_152 = arith.constant 0 : i32
        %dma_start3A_153 = tpu.memref_slice %arg3[%add3A_28, %dma_start3A_152] : memref<2560x128xi32, #tpu.memory_space<hbm>> -> memref<8x128xi32, #tpu.memory_space<hbm>>
        tpu.enqueue_dma source(%dma_start3A_153 : memref<8x128xi32, #tpu.memory_space<hbm>>) target(%arg8 : memref<8x128xi32, #tpu.memory_space<vmem>>) target_semaphore(%run_scoped3A_149 : memref<!tpu.dma_semaphore, #tpu.memory_space<semaphore_mem>>)
        %dma_wait3A_154 = arith.constant 0 : i32
        %dma_wait3A_155 = tpu.memref_slice %arg3[%add3A_28, %dma_wait3A_154] : memref<2560x128xi32, #tpu.memory_space<hbm>> -> memref<8x128xi32, #tpu.memory_space<hbm>>
        %dma_wait3A_156 = arith.constant 0 : i32
        %dma_wait3A_157 = tpu.memref_slice %arg3[%add3A_28, %dma_wait3A_156] : memref<2560x128xi32, #tpu.memory_space<hbm>> -> memref<8x128xi32, #tpu.memory_space<hbm>>
        tpu.wait_dma2 semaphore(%run_scoped3A_149 : memref<!tpu.dma_semaphore, #tpu.memory_space<semaphore_mem>>) src(%dma_wait3A_157 : memref<8x128xi32, #tpu.memory_space<hbm>>) dst(%arg8 : memref<8x128xi32, #tpu.memory_space<vmem>>)
        tpu.yield
      }) : () -> ()
      %mul3A_29 = arith.constant 8 : i32
      %mul3A_30 = arith.muli %while3A_25, %mul3A_29 : i32
      %add3A_31 = arith.addi %select_n3A, %mul3A_30 : i32
      "tpu.region"() ({
        %run_scoped3A_149 = tpu.sem_alloc : memref<!tpu.dma_semaphore, #tpu.memory_space<semaphore_mem>>
        %dma_start3A_150 = arith.constant 0 : i32
        %dma_start3A_151 = tpu.memref_slice %arg4[%add3A_31, %dma_start3A_150] : memref<2560x128xi32, #tpu.memory_space<hbm>> -> memref<8x128xi32, #tpu.memory_space<hbm>>
        %dma_start3A_152 = arith.constant 0 : i32
        %dma_start3A_153 = tpu.memref_slice %arg4[%add3A_31, %dma_start3A_152] : memref<2560x128xi32, #tpu.memory_space<hbm>> -> memref<8x128xi32, #tpu.memory_space<hbm>>
        tpu.enqueue_dma source(%dma_start3A_153 : memref<8x128xi32, #tpu.memory_space<hbm>>) target(%arg9 : memref<8x128xi32, #tpu.memory_space<vmem>>) target_semaphore(%run_scoped3A_149 : memref<!tpu.dma_semaphore, #tpu.memory_space<semaphore_mem>>)
        %dma_wait3A_154 = arith.constant 0 : i32
        %dma_wait3A_155 = tpu.memref_slice %arg4[%add3A_31, %dma_wait3A_154] : memref<2560x128xi32, #tpu.memory_space<hbm>> -> memref<8x128xi32, #tpu.memory_space<hbm>>
        %dma_wait3A_156 = arith.constant 0 : i32
        %dma_wait3A_157 = tpu.memref_slice %arg4[%add3A_31, %dma_wait3A_156] : memref<2560x128xi32, #tpu.memory_space<hbm>> -> memref<8x128xi32, #tpu.memory_space<hbm>>
        tpu.wait_dma2 semaphore(%run_scoped3A_149 : memref<!tpu.dma_semaphore, #tpu.memory_space<semaphore_mem>>) src(%dma_wait3A_157 : memref<8x128xi32, #tpu.memory_space<hbm>>) dst(%arg9 : memref<8x128xi32, #tpu.memory_space<vmem>>)
        tpu.yield
      }) : () -> ()
      %dma_start3A = arith.constant 0 : i32
      %dma_start3A_32 = arith.constant 0 : i32
      %dma_start3A_33 = tpu.memref_slice %arg8[%dma_start3A, %dma_start3A_32] : memref<8x128xi32, #tpu.memory_space<vmem>> -> memref<1x128xi32, #tpu.memory_space<vmem>>
      %dma_start3A_34 = tpu.memref_squeeze %dma_start3A_33 : memref<1x128xi32, #tpu.memory_space<vmem>> -> memref<128xi32, #tpu.memory_space<vmem>>
      %dma_start3A_35 = arith.constant 0 : i32
      %dma_start3A_36 = arith.constant 0 : i32
      %dma_start3A_37 = tpu.memref_slice %arg2[%dma_start3A_35, %dma_start3A_36] : memref<10000x128xf32, #tpu.memory_space<hbm>> -> memref<10000x128xf32, #tpu.memory_space<hbm>>
      tpu.enqueue_indirect_dma source(%dma_start3A_37 : memref<10000x128xf32, #tpu.memory_space<hbm>>) target(%arg10 : memref<128x128xf32, #tpu.memory_space<vmem>>) offsets(%dma_start3A_34 : memref<128xi32, #tpu.memory_space<vmem>>) semaphore(%arg12 : memref<!tpu.dma_semaphore, #tpu.memory_space<semaphore_mem>>)
      %dma_start3A_38 = arith.constant 1 : i32
      %dma_start3A_39 = arith.constant 0 : i32
      %dma_start3A_40 = tpu.memref_slice %arg8[%dma_start3A_38, %dma_start3A_39] : memref<8x128xi32, #tpu.memory_space<vmem>> -> memref<1x128xi32, #tpu.memory_space<vmem>>
      %dma_start3A_41 = tpu.memref_squeeze %dma_start3A_40 : memref<1x128xi32, #tpu.memory_space<vmem>> -> memref<128xi32, #tpu.memory_space<vmem>>
      %dma_start3A_42 = arith.constant 0 : i32
      %dma_start3A_43 = arith.constant 0 : i32
      %dma_start3A_44 = tpu.memref_slice %arg2[%dma_start3A_42, %dma_start3A_43] : memref<10000x128xf32, #tpu.memory_space<hbm>> -> memref<10000x128xf32, #tpu.memory_space<hbm>>
      tpu.enqueue_indirect_dma source(%dma_start3A_44 : memref<10000x128xf32, #tpu.memory_space<hbm>>) target(%arg11 : memref<128x128xf32, #tpu.memory_space<vmem>>) offsets(%dma_start3A_41 : memref<128xi32, #tpu.memory_space<vmem>>) semaphore(%arg13 : memref<!tpu.dma_semaphore, #tpu.memory_space<semaphore_mem>>)
      %dma_wait3A = arith.constant 0 : i32
      %dma_wait3A_45 = arith.constant 0 : i32
      %dma_wait3A_46 = tpu.memref_slice %arg8[%dma_wait3A, %dma_wait3A_45] : memref<8x128xi32, #tpu.memory_space<vmem>> -> memref<1x128xi32, #tpu.memory_space<vmem>>
      %dma_wait3A_47 = tpu.memref_squeeze %dma_wait3A_46 : memref<1x128xi32, #tpu.memory_space<vmem>> -> memref<128xi32, #tpu.memory_space<vmem>>
      %dma_wait3A_48 = arith.constant 0 : i32
      %dma_wait3A_49 = arith.constant 0 : i32
      %dma_wait3A_50 = tpu.memref_slice %arg2[%dma_wait3A_48, %dma_wait3A_49] : memref<10000x128xf32, #tpu.memory_space<hbm>> -> memref<10000x128xf32, #tpu.memory_space<hbm>>
      tpu.wait_indirect_dma semaphore(%arg12 : memref<!tpu.dma_semaphore, #tpu.memory_space<semaphore_mem>>) src(%dma_wait3A_50 : memref<10000x128xf32, #tpu.memory_space<hbm>>) dst(%arg10 : memref<128x128xf32, #tpu.memory_space<vmem>>)
      %run_scoped3A = arith.constant 0 : i32
      "tpu.region"() ({
        %run_scoped3A_149 = tpu.sem_alloc : memref<!tpu.dma_semaphore, #tpu.memory_space<semaphore_mem>>
        %dma_start3A_150 = arith.constant 0 : i32
        %dma_start3A_151 = tpu.memref_slice %arg9[%run_scoped3A, %dma_start3A_150] : memref<8x128xi32, #tpu.memory_space<vmem>> -> memref<1x128xi32, #tpu.memory_space<vmem>>
        %dma_start3A_152 = tpu.memref_squeeze %dma_start3A_151 : memref<1x128xi32, #tpu.memory_space<vmem>> -> memref<128xi32, #tpu.memory_space<vmem>>
        %dma_start3A_153 = arith.constant 0 : i32
        %dma_start3A_154 = arith.constant 0 : i32
        %dma_start3A_155 = tpu.memref_slice %arg7[%dma_start3A_153, %dma_start3A_154] : memref<10112x128xf32, #tpu.memory_space<vmem_shared>> -> memref<10112x128xf32, #tpu.memory_space<vmem_shared>>
        tpu.enqueue_indirect_dma source(%arg10 : memref<128x128xf32, #tpu.memory_space<vmem>>) target(%dma_start3A_155 : memref<10112x128xf32, #tpu.memory_space<vmem_shared>>) offsets(%dma_start3A_152 : memref<128xi32, #tpu.memory_space<vmem>>) semaphore(%run_scoped3A_149 : memref<!tpu.dma_semaphore, #tpu.memory_space<semaphore_mem>>) {add = true}
        %dma_wait3A_156 = arith.constant 0 : i32
        %dma_wait3A_157 = tpu.memref_slice %arg9[%run_scoped3A, %dma_wait3A_156] : memref<8x128xi32, #tpu.memory_space<vmem>> -> memref<1x128xi32, #tpu.memory_space<vmem>>
        %dma_wait3A_158 = tpu.memref_squeeze %dma_wait3A_157 : memref<1x128xi32, #tpu.memory_space<vmem>> -> memref<128xi32, #tpu.memory_space<vmem>>
        %dma_wait3A_159 = arith.constant 0 : i32
        %dma_wait3A_160 = arith.constant 0 : i32
        %dma_wait3A_161 = tpu.memref_slice %arg7[%dma_wait3A_159, %dma_wait3A_160] : memref<10112x128xf32, #tpu.memory_space<vmem_shared>> -> memref<10112x128xf32, #tpu.memory_space<vmem_shared>>
        tpu.wait_indirect_dma semaphore(%run_scoped3A_149 : memref<!tpu.dma_semaphore, #tpu.memory_space<semaphore_mem>>) src(%arg10 : memref<128x128xf32, #tpu.memory_space<vmem>>) dst(%dma_wait3A_161 : memref<10112x128xf32, #tpu.memory_space<vmem_shared>>)
        tpu.yield
      }) : () -> ()
      %dma_start3A_51 = arith.constant 2 : i32
      %dma_start3A_52 = arith.constant 0 : i32
      %dma_start3A_53 = tpu.memref_slice %arg8[%dma_start3A_51, %dma_start3A_52] : memref<8x128xi32, #tpu.memory_space<vmem>> -> memref<1x128xi32, #tpu.memory_space<vmem>>
      %dma_start3A_54 = tpu.memref_squeeze %dma_start3A_53 : memref<1x128xi32, #tpu.memory_space<vmem>> -> memref<128xi32, #tpu.memory_space<vmem>>
      %dma_start3A_55 = arith.constant 0 : i32
      %dma_start3A_56 = arith.constant 0 : i32
      %dma_start3A_57 = tpu.memref_slice %arg2[%dma_start3A_55, %dma_start3A_56] : memref<10000x128xf32, #tpu.memory_space<hbm>> -> memref<10000x128xf32, #tpu.memory_space<hbm>>
      tpu.enqueue_indirect_dma source(%dma_start3A_57 : memref<10000x128xf32, #tpu.memory_space<hbm>>) target(%arg10 : memref<128x128xf32, #tpu.memory_space<vmem>>) offsets(%dma_start3A_54 : memref<128xi32, #tpu.memory_space<vmem>>) semaphore(%arg12 : memref<!tpu.dma_semaphore, #tpu.memory_space<semaphore_mem>>)
      %dma_wait3A_58 = arith.constant 1 : i32
      %dma_wait3A_59 = arith.constant 0 : i32
      %dma_wait3A_60 = tpu.memref_slice %arg8[%dma_wait3A_58, %dma_wait3A_59] : memref<8x128xi32, #tpu.memory_space<vmem>> -> memref<1x128xi32, #tpu.memory_space<vmem>>
      %dma_wait3A_61 = tpu.memref_squeeze %dma_wait3A_60 : memref<1x128xi32, #tpu.memory_space<vmem>> -> memref<128xi32, #tpu.memory_space<vmem>>
      %dma_wait3A_62 = arith.constant 0 : i32
      %dma_wait3A_63 = arith.constant 0 : i32
      %dma_wait3A_64 = tpu.memref_slice %arg2[%dma_wait3A_62, %dma_wait3A_63] : memref<10000x128xf32, #tpu.memory_space<hbm>> -> memref<10000x128xf32, #tpu.memory_space<hbm>>
      tpu.wait_indirect_dma semaphore(%arg13 : memref<!tpu.dma_semaphore, #tpu.memory_space<semaphore_mem>>) src(%dma_wait3A_64 : memref<10000x128xf32, #tpu.memory_space<hbm>>) dst(%arg11 : memref<128x128xf32, #tpu.memory_space<vmem>>)
      %run_scoped3A_65 = arith.constant 1 : i32
      "tpu.region"() ({
        %run_scoped3A_149 = tpu.sem_alloc : memref<!tpu.dma_semaphore, #tpu.memory_space<semaphore_mem>>
        %dma_start3A_150 = arith.constant 0 : i32
        %dma_start3A_151 = tpu.memref_slice %arg9[%run_scoped3A_65, %dma_start3A_150] : memref<8x128xi32, #tpu.memory_space<vmem>> -> memref<1x128xi32, #tpu.memory_space<vmem>>
        %dma_start3A_152 = tpu.memref_squeeze %dma_start3A_151 : memref<1x128xi32, #tpu.memory_space<vmem>> -> memref<128xi32, #tpu.memory_space<vmem>>
        %dma_start3A_153 = arith.constant 0 : i32
        %dma_start3A_154 = arith.constant 0 : i32
        %dma_start3A_155 = tpu.memref_slice %arg7[%dma_start3A_153, %dma_start3A_154] : memref<10112x128xf32, #tpu.memory_space<vmem_shared>> -> memref<10112x128xf32, #tpu.memory_space<vmem_shared>>
        tpu.enqueue_indirect_dma source(%arg11 : memref<128x128xf32, #tpu.memory_space<vmem>>) target(%dma_start3A_155 : memref<10112x128xf32, #tpu.memory_space<vmem_shared>>) offsets(%dma_start3A_152 : memref<128xi32, #tpu.memory_space<vmem>>) semaphore(%run_scoped3A_149 : memref<!tpu.dma_semaphore, #tpu.memory_space<semaphore_mem>>) {add = true}
        %dma_wait3A_156 = arith.constant 0 : i32
        %dma_wait3A_157 = tpu.memref_slice %arg9[%run_scoped3A_65, %dma_wait3A_156] : memref<8x128xi32, #tpu.memory_space<vmem>> -> memref<1x128xi32, #tpu.memory_space<vmem>>
        %dma_wait3A_158 = tpu.memref_squeeze %dma_wait3A_157 : memref<1x128xi32, #tpu.memory_space<vmem>> -> memref<128xi32, #tpu.memory_space<vmem>>
        %dma_wait3A_159 = arith.constant 0 : i32
        %dma_wait3A_160 = arith.constant 0 : i32
        %dma_wait3A_161 = tpu.memref_slice %arg7[%dma_wait3A_159, %dma_wait3A_160] : memref<10112x128xf32, #tpu.memory_space<vmem_shared>> -> memref<10112x128xf32, #tpu.memory_space<vmem_shared>>
        tpu.wait_indirect_dma semaphore(%run_scoped3A_149 : memref<!tpu.dma_semaphore, #tpu.memory_space<semaphore_mem>>) src(%arg11 : memref<128x128xf32, #tpu.memory_space<vmem>>) dst(%dma_wait3A_161 : memref<10112x128xf32, #tpu.memory_space<vmem_shared>>)
        tpu.yield
      }) : () -> ()
      %dma_start3A_66 = arith.constant 3 : i32
      %dma_start3A_67 = arith.constant 0 : i32
      %dma_start3A_68 = tpu.memref_slice %arg8[%dma_start3A_66, %dma_start3A_67] : memref<8x128xi32, #tpu.memory_space<vmem>> -> memref<1x128xi32, #tpu.memory_space<vmem>>
      %dma_start3A_69 = tpu.memref_squeeze %dma_start3A_68 : memref<1x128xi32, #tpu.memory_space<vmem>> -> memref<128xi32, #tpu.memory_space<vmem>>
      %dma_start3A_70 = arith.constant 0 : i32
      %dma_start3A_71 = arith.constant 0 : i32
      %dma_start3A_72 = tpu.memref_slice %arg2[%dma_start3A_70, %dma_start3A_71] : memref<10000x128xf32, #tpu.memory_space<hbm>> -> memref<10000x128xf32, #tpu.memory_space<hbm>>
      tpu.enqueue_indirect_dma source(%dma_start3A_72 : memref<10000x128xf32, #tpu.memory_space<hbm>>) target(%arg11 : memref<128x128xf32, #tpu.memory_space<vmem>>) offsets(%dma_start3A_69 : memref<128xi32, #tpu.memory_space<vmem>>) semaphore(%arg13 : memref<!tpu.dma_semaphore, #tpu.memory_space<semaphore_mem>>)
      %dma_wait3A_73 = arith.constant 2 : i32
      %dma_wait3A_74 = arith.constant 0 : i32
      %dma_wait3A_75 = tpu.memref_slice %arg8[%dma_wait3A_73, %dma_wait3A_74] : memref<8x128xi32, #tpu.memory_space<vmem>> -> memref<1x128xi32, #tpu.memory_space<vmem>>
      %dma_wait3A_76 = tpu.memref_squeeze %dma_wait3A_75 : memref<1x128xi32, #tpu.memory_space<vmem>> -> memref<128xi32, #tpu.memory_space<vmem>>
      %dma_wait3A_77 = arith.constant 0 : i32
      %dma_wait3A_78 = arith.constant 0 : i32
      %dma_wait3A_79 = tpu.memref_slice %arg2[%dma_wait3A_77, %dma_wait3A_78] : memref<10000x128xf32, #tpu.memory_space<hbm>> -> memref<10000x128xf32, #tpu.memory_space<hbm>>
      tpu.wait_indirect_dma semaphore(%arg12 : memref<!tpu.dma_semaphore, #tpu.memory_space<semaphore_mem>>) src(%dma_wait3A_79 : memref<10000x128xf32, #tpu.memory_space<hbm>>) dst(%arg10 : memref<128x128xf32, #tpu.memory_space<vmem>>)
      %run_scoped3A_80 = arith.constant 2 : i32
      "tpu.region"() ({
        %run_scoped3A_149 = tpu.sem_alloc : memref<!tpu.dma_semaphore, #tpu.memory_space<semaphore_mem>>
        %dma_start3A_150 = arith.constant 0 : i32
        %dma_start3A_151 = tpu.memref_slice %arg9[%run_scoped3A_80, %dma_start3A_150] : memref<8x128xi32, #tpu.memory_space<vmem>> -> memref<1x128xi32, #tpu.memory_space<vmem>>
        %dma_start3A_152 = tpu.memref_squeeze %dma_start3A_151 : memref<1x128xi32, #tpu.memory_space<vmem>> -> memref<128xi32, #tpu.memory_space<vmem>>
        %dma_start3A_153 = arith.constant 0 : i32
        %dma_start3A_154 = arith.constant 0 : i32
        %dma_start3A_155 = tpu.memref_slice %arg7[%dma_start3A_153, %dma_start3A_154] : memref<10112x128xf32, #tpu.memory_space<vmem_shared>> -> memref<10112x128xf32, #tpu.memory_space<vmem_shared>>
        tpu.enqueue_indirect_dma source(%arg10 : memref<128x128xf32, #tpu.memory_space<vmem>>) target(%dma_start3A_155 : memref<10112x128xf32, #tpu.memory_space<vmem_shared>>) offsets(%dma_start3A_152 : memref<128xi32, #tpu.memory_space<vmem>>) semaphore(%run_scoped3A_149 : memref<!tpu.dma_semaphore, #tpu.memory_space<semaphore_mem>>) {add = true}
        %dma_wait3A_156 = arith.constant 0 : i32
        %dma_wait3A_157 = tpu.memref_slice %arg9[%run_scoped3A_80, %dma_wait3A_156] : memref<8x128xi32, #tpu.memory_space<vmem>> -> memref<1x128xi32, #tpu.memory_space<vmem>>
        %dma_wait3A_158 = tpu.memref_squeeze %dma_wait3A_157 : memref<1x128xi32, #tpu.memory_space<vmem>> -> memref<128xi32, #tpu.memory_space<vmem>>
        %dma_wait3A_159 = arith.constant 0 : i32
        %dma_wait3A_160 = arith.constant 0 : i32
        %dma_wait3A_161 = tpu.memref_slice %arg7[%dma_wait3A_159, %dma_wait3A_160] : memref<10112x128xf32, #tpu.memory_space<vmem_shared>> -> memref<10112x128xf32, #tpu.memory_space<vmem_shared>>
        tpu.wait_indirect_dma semaphore(%run_scoped3A_149 : memref<!tpu.dma_semaphore, #tpu.memory_space<semaphore_mem>>) src(%arg10 : memref<128x128xf32, #tpu.memory_space<vmem>>) dst(%dma_wait3A_161 : memref<10112x128xf32, #tpu.memory_space<vmem_shared>>)
        tpu.yield
      }) : () -> ()
      %dma_start3A_81 = arith.constant 4 : i32
      %dma_start3A_82 = arith.constant 0 : i32
      %dma_start3A_83 = tpu.memref_slice %arg8[%dma_start3A_81, %dma_start3A_82] : memref<8x128xi32, #tpu.memory_space<vmem>> -> memref<1x128xi32, #tpu.memory_space<vmem>>
      %dma_start3A_84 = tpu.memref_squeeze %dma_start3A_83 : memref<1x128xi32, #tpu.memory_space<vmem>> -> memref<128xi32, #tpu.memory_space<vmem>>
      %dma_start3A_85 = arith.constant 0 : i32
      %dma_start3A_86 = arith.constant 0 : i32
      %dma_start3A_87 = tpu.memref_slice %arg2[%dma_start3A_85, %dma_start3A_86] : memref<10000x128xf32, #tpu.memory_space<hbm>> -> memref<10000x128xf32, #tpu.memory_space<hbm>>
      tpu.enqueue_indirect_dma source(%dma_start3A_87 : memref<10000x128xf32, #tpu.memory_space<hbm>>) target(%arg10 : memref<128x128xf32, #tpu.memory_space<vmem>>) offsets(%dma_start3A_84 : memref<128xi32, #tpu.memory_space<vmem>>) semaphore(%arg12 : memref<!tpu.dma_semaphore, #tpu.memory_space<semaphore_mem>>)
      %dma_wait3A_88 = arith.constant 3 : i32
      %dma_wait3A_89 = arith.constant 0 : i32
      %dma_wait3A_90 = tpu.memref_slice %arg8[%dma_wait3A_88, %dma_wait3A_89] : memref<8x128xi32, #tpu.memory_space<vmem>> -> memref<1x128xi32, #tpu.memory_space<vmem>>
      %dma_wait3A_91 = tpu.memref_squeeze %dma_wait3A_90 : memref<1x128xi32, #tpu.memory_space<vmem>> -> memref<128xi32, #tpu.memory_space<vmem>>
      %dma_wait3A_92 = arith.constant 0 : i32
      %dma_wait3A_93 = arith.constant 0 : i32
      %dma_wait3A_94 = tpu.memref_slice %arg2[%dma_wait3A_92, %dma_wait3A_93] : memref<10000x128xf32, #tpu.memory_space<hbm>> -> memref<10000x128xf32, #tpu.memory_space<hbm>>
      tpu.wait_indirect_dma semaphore(%arg13 : memref<!tpu.dma_semaphore, #tpu.memory_space<semaphore_mem>>) src(%dma_wait3A_94 : memref<10000x128xf32, #tpu.memory_space<hbm>>) dst(%arg11 : memref<128x128xf32, #tpu.memory_space<vmem>>)
      %run_scoped3A_95 = arith.constant 3 : i32
      "tpu.region"() ({
        %run_scoped3A_149 = tpu.sem_alloc : memref<!tpu.dma_semaphore, #tpu.memory_space<semaphore_mem>>
        %dma_start3A_150 = arith.constant 0 : i32
        %dma_start3A_151 = tpu.memref_slice %arg9[%run_scoped3A_95, %dma_start3A_150] : memref<8x128xi32, #tpu.memory_space<vmem>> -> memref<1x128xi32, #tpu.memory_space<vmem>>
        %dma_start3A_152 = tpu.memref_squeeze %dma_start3A_151 : memref<1x128xi32, #tpu.memory_space<vmem>> -> memref<128xi32, #tpu.memory_space<vmem>>
        %dma_start3A_153 = arith.constant 0 : i32
        %dma_start3A_154 = arith.constant 0 : i32
        %dma_start3A_155 = tpu.memref_slice %arg7[%dma_start3A_153, %dma_start3A_154] : memref<10112x128xf32, #tpu.memory_space<vmem_shared>> -> memref<10112x128xf32, #tpu.memory_space<vmem_shared>>
        tpu.enqueue_indirect_dma source(%arg11 : memref<128x128xf32, #tpu.memory_space<vmem>>) target(%dma_start3A_155 : memref<10112x128xf32, #tpu.memory_space<vmem_shared>>) offsets(%dma_start3A_152 : memref<128xi32, #tpu.memory_space<vmem>>) semaphore(%run_scoped3A_149 : memref<!tpu.dma_semaphore, #tpu.memory_space<semaphore_mem>>) {add = true}
        %dma_wait3A_156 = arith.constant 0 : i32
        %dma_wait3A_157 = tpu.memref_slice %arg9[%run_scoped3A_95, %dma_wait3A_156] : memref<8x128xi32, #tpu.memory_space<vmem>> -> memref<1x128xi32, #tpu.memory_space<vmem>>
        %dma_wait3A_158 = tpu.memref_squeeze %dma_wait3A_157 : memref<1x128xi32, #tpu.memory_space<vmem>> -> memref<128xi32, #tpu.memory_space<vmem>>
        %dma_wait3A_159 = arith.constant 0 : i32
        %dma_wait3A_160 = arith.constant 0 : i32
        %dma_wait3A_161 = tpu.memref_slice %arg7[%dma_wait3A_159, %dma_wait3A_160] : memref<10112x128xf32, #tpu.memory_space<vmem_shared>> -> memref<10112x128xf32, #tpu.memory_space<vmem_shared>>
        tpu.wait_indirect_dma semaphore(%run_scoped3A_149 : memref<!tpu.dma_semaphore, #tpu.memory_space<semaphore_mem>>) src(%arg11 : memref<128x128xf32, #tpu.memory_space<vmem>>) dst(%dma_wait3A_161 : memref<10112x128xf32, #tpu.memory_space<vmem_shared>>)
        tpu.yield
      }) : () -> ()
      %dma_start3A_96 = arith.constant 5 : i32
      %dma_start3A_97 = arith.constant 0 : i32
      %dma_start3A_98 = tpu.memref_slice %arg8[%dma_start3A_96, %dma_start3A_97] : memref<8x128xi32, #tpu.memory_space<vmem>> -> memref<1x128xi32, #tpu.memory_space<vmem>>
      %dma_start3A_99 = tpu.memref_squeeze %dma_start3A_98 : memref<1x128xi32, #tpu.memory_space<vmem>> -> memref<128xi32, #tpu.memory_space<vmem>>
      %dma_start3A_100 = arith.constant 0 : i32
      %dma_start3A_101 = arith.constant 0 : i32
      %dma_start3A_102 = tpu.memref_slice %arg2[%dma_start3A_100, %dma_start3A_101] : memref<10000x128xf32, #tpu.memory_space<hbm>> -> memref<10000x128xf32, #tpu.memory_space<hbm>>
      tpu.enqueue_indirect_dma source(%dma_start3A_102 : memref<10000x128xf32, #tpu.memory_space<hbm>>) target(%arg11 : memref<128x128xf32, #tpu.memory_space<vmem>>) offsets(%dma_start3A_99 : memref<128xi32, #tpu.memory_space<vmem>>) semaphore(%arg13 : memref<!tpu.dma_semaphore, #tpu.memory_space<semaphore_mem>>)
      %dma_wait3A_103 = arith.constant 4 : i32
      %dma_wait3A_104 = arith.constant 0 : i32
      %dma_wait3A_105 = tpu.memref_slice %arg8[%dma_wait3A_103, %dma_wait3A_104] : memref<8x128xi32, #tpu.memory_space<vmem>> -> memref<1x128xi32, #tpu.memory_space<vmem>>
      %dma_wait3A_106 = tpu.memref_squeeze %dma_wait3A_105 : memref<1x128xi32, #tpu.memory_space<vmem>> -> memref<128xi32, #tpu.memory_space<vmem>>
      %dma_wait3A_107 = arith.constant 0 : i32
      %dma_wait3A_108 = arith.constant 0 : i32
      %dma_wait3A_109 = tpu.memref_slice %arg2[%dma_wait3A_107, %dma_wait3A_108] : memref<10000x128xf32, #tpu.memory_space<hbm>> -> memref<10000x128xf32, #tpu.memory_space<hbm>>
      tpu.wait_indirect_dma semaphore(%arg12 : memref<!tpu.dma_semaphore, #tpu.memory_space<semaphore_mem>>) src(%dma_wait3A_109 : memref<10000x128xf32, #tpu.memory_space<hbm>>) dst(%arg10 : memref<128x128xf32, #tpu.memory_space<vmem>>)
      %run_scoped3A_110 = arith.constant 4 : i32
      "tpu.region"() ({
        %run_scoped3A_149 = tpu.sem_alloc : memref<!tpu.dma_semaphore, #tpu.memory_space<semaphore_mem>>
        %dma_start3A_150 = arith.constant 0 : i32
        %dma_start3A_151 = tpu.memref_slice %arg9[%run_scoped3A_110, %dma_start3A_150] : memref<8x128xi32, #tpu.memory_space<vmem>> -> memref<1x128xi32, #tpu.memory_space<vmem>>
        %dma_start3A_152 = tpu.memref_squeeze %dma_start3A_151 : memref<1x128xi32, #tpu.memory_space<vmem>> -> memref<128xi32, #tpu.memory_space<vmem>>
        %dma_start3A_153 = arith.constant 0 : i32
        %dma_start3A_154 = arith.constant 0 : i32
        %dma_start3A_155 = tpu.memref_slice %arg7[%dma_start3A_153, %dma_start3A_154] : memref<10112x128xf32, #tpu.memory_space<vmem_shared>> -> memref<10112x128xf32, #tpu.memory_space<vmem_shared>>
        tpu.enqueue_indirect_dma source(%arg10 : memref<128x128xf32, #tpu.memory_space<vmem>>) target(%dma_start3A_155 : memref<10112x128xf32, #tpu.memory_space<vmem_shared>>) offsets(%dma_start3A_152 : memref<128xi32, #tpu.memory_space<vmem>>) semaphore(%run_scoped3A_149 : memref<!tpu.dma_semaphore, #tpu.memory_space<semaphore_mem>>) {add = true}
        %dma_wait3A_156 = arith.constant 0 : i32
        %dma_wait3A_157 = tpu.memref_slice %arg9[%run_scoped3A_110, %dma_wait3A_156] : memref<8x128xi32, #tpu.memory_space<vmem>> -> memref<1x128xi32, #tpu.memory_space<vmem>>
        %dma_wait3A_158 = tpu.memref_squeeze %dma_wait3A_157 : memref<1x128xi32, #tpu.memory_space<vmem>> -> memref<128xi32, #tpu.memory_space<vmem>>
        %dma_wait3A_159 = arith.constant 0 : i32
        %dma_wait3A_160 = arith.constant 0 : i32
        %dma_wait3A_161 = tpu.memref_slice %arg7[%dma_wait3A_159, %dma_wait3A_160] : memref<10112x128xf32, #tpu.memory_space<vmem_shared>> -> memref<10112x128xf32, #tpu.memory_space<vmem_shared>>
        tpu.wait_indirect_dma semaphore(%run_scoped3A_149 : memref<!tpu.dma_semaphore, #tpu.memory_space<semaphore_mem>>) src(%arg10 : memref<128x128xf32, #tpu.memory_space<vmem>>) dst(%dma_wait3A_161 : memref<10112x128xf32, #tpu.memory_space<vmem_shared>>)
        tpu.yield
      }) : () -> ()
      %dma_start3A_111 = arith.constant 6 : i32
      %dma_start3A_112 = arith.constant 0 : i32
      %dma_start3A_113 = tpu.memref_slice %arg8[%dma_start3A_111, %dma_start3A_112] : memref<8x128xi32, #tpu.memory_space<vmem>> -> memref<1x128xi32, #tpu.memory_space<vmem>>
      %dma_start3A_114 = tpu.memref_squeeze %dma_start3A_113 : memref<1x128xi32, #tpu.memory_space<vmem>> -> memref<128xi32, #tpu.memory_space<vmem>>
      %dma_start3A_115 = arith.constant 0 : i32
      %dma_start3A_116 = arith.constant 0 : i32
      %dma_start3A_117 = tpu.memref_slice %arg2[%dma_start3A_115, %dma_start3A_116] : memref<10000x128xf32, #tpu.memory_space<hbm>> -> memref<10000x128xf32, #tpu.memory_space<hbm>>
      tpu.enqueue_indirect_dma source(%dma_start3A_117 : memref<10000x128xf32, #tpu.memory_space<hbm>>) target(%arg10 : memref<128x128xf32, #tpu.memory_space<vmem>>) offsets(%dma_start3A_114 : memref<128xi32, #tpu.memory_space<vmem>>) semaphore(%arg12 : memref<!tpu.dma_semaphore, #tpu.memory_space<semaphore_mem>>)
      %dma_wait3A_118 = arith.constant 5 : i32
      %dma_wait3A_119 = arith.constant 0 : i32
      %dma_wait3A_120 = tpu.memref_slice %arg8[%dma_wait3A_118, %dma_wait3A_119] : memref<8x128xi32, #tpu.memory_space<vmem>> -> memref<1x128xi32, #tpu.memory_space<vmem>>
      %dma_wait3A_121 = tpu.memref_squeeze %dma_wait3A_120 : memref<1x128xi32, #tpu.memory_space<vmem>> -> memref<128xi32, #tpu.memory_space<vmem>>
      %dma_wait3A_122 = arith.constant 0 : i32
      %dma_wait3A_123 = arith.constant 0 : i32
      %dma_wait3A_124 = tpu.memref_slice %arg2[%dma_wait3A_122, %dma_wait3A_123] : memref<10000x128xf32, #tpu.memory_space<hbm>> -> memref<10000x128xf32, #tpu.memory_space<hbm>>
      tpu.wait_indirect_dma semaphore(%arg13 : memref<!tpu.dma_semaphore, #tpu.memory_space<semaphore_mem>>) src(%dma_wait3A_124 : memref<10000x128xf32, #tpu.memory_space<hbm>>) dst(%arg11 : memref<128x128xf32, #tpu.memory_space<vmem>>)
      %run_scoped3A_125 = arith.constant 5 : i32
      "tpu.region"() ({
        %run_scoped3A_149 = tpu.sem_alloc : memref<!tpu.dma_semaphore, #tpu.memory_space<semaphore_mem>>
        %dma_start3A_150 = arith.constant 0 : i32
        %dma_start3A_151 = tpu.memref_slice %arg9[%run_scoped3A_125, %dma_start3A_150] : memref<8x128xi32, #tpu.memory_space<vmem>> -> memref<1x128xi32, #tpu.memory_space<vmem>>
        %dma_start3A_152 = tpu.memref_squeeze %dma_start3A_151 : memref<1x128xi32, #tpu.memory_space<vmem>> -> memref<128xi32, #tpu.memory_space<vmem>>
        %dma_start3A_153 = arith.constant 0 : i32
        %dma_start3A_154 = arith.constant 0 : i32
        %dma_start3A_155 = tpu.memref_slice %arg7[%dma_start3A_153, %dma_start3A_154] : memref<10112x128xf32, #tpu.memory_space<vmem_shared>> -> memref<10112x128xf32, #tpu.memory_space<vmem_shared>>
        tpu.enqueue_indirect_dma source(%arg11 : memref<128x128xf32, #tpu.memory_space<vmem>>) target(%dma_start3A_155 : memref<10112x128xf32, #tpu.memory_space<vmem_shared>>) offsets(%dma_start3A_152 : memref<128xi32, #tpu.memory_space<vmem>>) semaphore(%run_scoped3A_149 : memref<!tpu.dma_semaphore, #tpu.memory_space<semaphore_mem>>) {add = true}
        %dma_wait3A_156 = arith.constant 0 : i32
        %dma_wait3A_157 = tpu.memref_slice %arg9[%run_scoped3A_125, %dma_wait3A_156] : memref<8x128xi32, #tpu.memory_space<vmem>> -> memref<1x128xi32, #tpu.memory_space<vmem>>
        %dma_wait3A_158 = tpu.memref_squeeze %dma_wait3A_157 : memref<1x128xi32, #tpu.memory_space<vmem>> -> memref<128xi32, #tpu.memory_space<vmem>>
        %dma_wait3A_159 = arith.constant 0 : i32
        %dma_wait3A_160 = arith.constant 0 : i32
        %dma_wait3A_161 = tpu.memref_slice %arg7[%dma_wait3A_159, %dma_wait3A_160] : memref<10112x128xf32, #tpu.memory_space<vmem_shared>> -> memref<10112x128xf32, #tpu.memory_space<vmem_shared>>
        tpu.wait_indirect_dma semaphore(%run_scoped3A_149 : memref<!tpu.dma_semaphore, #tpu.memory_space<semaphore_mem>>) src(%arg11 : memref<128x128xf32, #tpu.memory_space<vmem>>) dst(%dma_wait3A_161 : memref<10112x128xf32, #tpu.memory_space<vmem_shared>>)
        tpu.yield
      }) : () -> ()
      %dma_start3A_126 = arith.constant 7 : i32
      %dma_start3A_127 = arith.constant 0 : i32
      %dma_start3A_128 = tpu.memref_slice %arg8[%dma_start3A_126, %dma_start3A_127] : memref<8x128xi32, #tpu.memory_space<vmem>> -> memref<1x128xi32, #tpu.memory_space<vmem>>
      %dma_start3A_129 = tpu.memref_squeeze %dma_start3A_128 : memref<1x128xi32, #tpu.memory_space<vmem>> -> memref<128xi32, #tpu.memory_space<vmem>>
      %dma_start3A_130 = arith.constant 0 : i32
      %dma_start3A_131 = arith.constant 0 : i32
      %dma_start3A_132 = tpu.memref_slice %arg2[%dma_start3A_130, %dma_start3A_131] : memref<10000x128xf32, #tpu.memory_space<hbm>> -> memref<10000x128xf32, #tpu.memory_space<hbm>>
      tpu.enqueue_indirect_dma source(%dma_start3A_132 : memref<10000x128xf32, #tpu.memory_space<hbm>>) target(%arg11 : memref<128x128xf32, #tpu.memory_space<vmem>>) offsets(%dma_start3A_129 : memref<128xi32, #tpu.memory_space<vmem>>) semaphore(%arg13 : memref<!tpu.dma_semaphore, #tpu.memory_space<semaphore_mem>>)
      %dma_wait3A_133 = arith.constant 6 : i32
      %dma_wait3A_134 = arith.constant 0 : i32
      %dma_wait3A_135 = tpu.memref_slice %arg8[%dma_wait3A_133, %dma_wait3A_134] : memref<8x128xi32, #tpu.memory_space<vmem>> -> memref<1x128xi32, #tpu.memory_space<vmem>>
      %dma_wait3A_136 = tpu.memref_squeeze %dma_wait3A_135 : memref<1x128xi32, #tpu.memory_space<vmem>> -> memref<128xi32, #tpu.memory_space<vmem>>
      %dma_wait3A_137 = arith.constant 0 : i32
      %dma_wait3A_138 = arith.constant 0 : i32
      %dma_wait3A_139 = tpu.memref_slice %arg2[%dma_wait3A_137, %dma_wait3A_138] : memref<10000x128xf32, #tpu.memory_space<hbm>> -> memref<10000x128xf32, #tpu.memory_space<hbm>>
      tpu.wait_indirect_dma semaphore(%arg12 : memref<!tpu.dma_semaphore, #tpu.memory_space<semaphore_mem>>) src(%dma_wait3A_139 : memref<10000x128xf32, #tpu.memory_space<hbm>>) dst(%arg10 : memref<128x128xf32, #tpu.memory_space<vmem>>)
      %run_scoped3A_140 = arith.constant 6 : i32
      "tpu.region"() ({
        %run_scoped3A_149 = tpu.sem_alloc : memref<!tpu.dma_semaphore, #tpu.memory_space<semaphore_mem>>
        %dma_start3A_150 = arith.constant 0 : i32
        %dma_start3A_151 = tpu.memref_slice %arg9[%run_scoped3A_140, %dma_start3A_150] : memref<8x128xi32, #tpu.memory_space<vmem>> -> memref<1x128xi32, #tpu.memory_space<vmem>>
        %dma_start3A_152 = tpu.memref_squeeze %dma_start3A_151 : memref<1x128xi32, #tpu.memory_space<vmem>> -> memref<128xi32, #tpu.memory_space<vmem>>
        %dma_start3A_153 = arith.constant 0 : i32
        %dma_start3A_154 = arith.constant 0 : i32
        %dma_start3A_155 = tpu.memref_slice %arg7[%dma_start3A_153, %dma_start3A_154] : memref<10112x128xf32, #tpu.memory_space<vmem_shared>> -> memref<10112x128xf32, #tpu.memory_space<vmem_shared>>
        tpu.enqueue_indirect_dma source(%arg10 : memref<128x128xf32, #tpu.memory_space<vmem>>) target(%dma_start3A_155 : memref<10112x128xf32, #tpu.memory_space<vmem_shared>>) offsets(%dma_start3A_152 : memref<128xi32, #tpu.memory_space<vmem>>) semaphore(%run_scoped3A_149 : memref<!tpu.dma_semaphore, #tpu.memory_space<semaphore_mem>>) {add = true}
        %dma_wait3A_156 = arith.constant 0 : i32
        %dma_wait3A_157 = tpu.memref_slice %arg9[%run_scoped3A_140, %dma_wait3A_156] : memref<8x128xi32, #tpu.memory_space<vmem>> -> memref<1x128xi32, #tpu.memory_space<vmem>>
        %dma_wait3A_158 = tpu.memref_squeeze %dma_wait3A_157 : memref<1x128xi32, #tpu.memory_space<vmem>> -> memref<128xi32, #tpu.memory_space<vmem>>
        %dma_wait3A_159 = arith.constant 0 : i32
        %dma_wait3A_160 = arith.constant 0 : i32
        %dma_wait3A_161 = tpu.memref_slice %arg7[%dma_wait3A_159, %dma_wait3A_160] : memref<10112x128xf32, #tpu.memory_space<vmem_shared>> -> memref<10112x128xf32, #tpu.memory_space<vmem_shared>>
        tpu.wait_indirect_dma semaphore(%run_scoped3A_149 : memref<!tpu.dma_semaphore, #tpu.memory_space<semaphore_mem>>) src(%arg10 : memref<128x128xf32, #tpu.memory_space<vmem>>) dst(%dma_wait3A_161 : memref<10112x128xf32, #tpu.memory_space<vmem_shared>>)
        tpu.yield
      }) : () -> ()
      %dma_wait3A_141 = arith.constant 7 : i32
      %dma_wait3A_142 = arith.constant 0 : i32
      %dma_wait3A_143 = tpu.memref_slice %arg8[%dma_wait3A_141, %dma_wait3A_142] : memref<8x128xi32, #tpu.memory_space<vmem>> -> memref<1x128xi32, #tpu.memory_space<vmem>>
      %dma_wait3A_144 = tpu.memref_squeeze %dma_wait3A_143 : memref<1x128xi32, #tpu.memory_space<vmem>> -> memref<128xi32, #tpu.memory_space<vmem>>
      %dma_wait3A_145 = arith.constant 0 : i32
      %dma_wait3A_146 = arith.constant 0 : i32
      %dma_wait3A_147 = tpu.memref_slice %arg2[%dma_wait3A_145, %dma_wait3A_146] : memref<10000x128xf32, #tpu.memory_space<hbm>> -> memref<10000x128xf32, #tpu.memory_space<hbm>>
      tpu.wait_indirect_dma semaphore(%arg13 : memref<!tpu.dma_semaphore, #tpu.memory_space<semaphore_mem>>) src(%dma_wait3A_147 : memref<10000x128xf32, #tpu.memory_space<hbm>>) dst(%arg11 : memref<128x128xf32, #tpu.memory_space<vmem>>)
      %run_scoped3A_148 = arith.constant 7 : i32
      "tpu.region"() ({
        %run_scoped3A_149 = tpu.sem_alloc : memref<!tpu.dma_semaphore, #tpu.memory_space<semaphore_mem>>
        %dma_start3A_150 = arith.constant 0 : i32
        %dma_start3A_151 = tpu.memref_slice %arg9[%run_scoped3A_148, %dma_start3A_150] : memref<8x128xi32, #tpu.memory_space<vmem>> -> memref<1x128xi32, #tpu.memory_space<vmem>>
        %dma_start3A_152 = tpu.memref_squeeze %dma_start3A_151 : memref<1x128xi32, #tpu.memory_space<vmem>> -> memref<128xi32, #tpu.memory_space<vmem>>
        %dma_start3A_153 = arith.constant 0 : i32
        %dma_start3A_154 = arith.constant 0 : i32
        %dma_start3A_155 = tpu.memref_slice %arg7[%dma_start3A_153, %dma_start3A_154] : memref<10112x128xf32, #tpu.memory_space<vmem_shared>> -> memref<10112x128xf32, #tpu.memory_space<vmem_shared>>
        tpu.enqueue_indirect_dma source(%arg11 : memref<128x128xf32, #tpu.memory_space<vmem>>) target(%dma_start3A_155 : memref<10112x128xf32, #tpu.memory_space<vmem_shared>>) offsets(%dma_start3A_152 : memref<128xi32, #tpu.memory_space<vmem>>) semaphore(%run_scoped3A_149 : memref<!tpu.dma_semaphore, #tpu.memory_space<semaphore_mem>>) {add = true}
        %dma_wait3A_156 = arith.constant 0 : i32
        %dma_wait3A_157 = tpu.memref_slice %arg9[%run_scoped3A_148, %dma_wait3A_156] : memref<8x128xi32, #tpu.memory_space<vmem>> -> memref<1x128xi32, #tpu.memory_space<vmem>>
        %dma_wait3A_158 = tpu.memref_squeeze %dma_wait3A_157 : memref<1x128xi32, #tpu.memory_space<vmem>> -> memref<128xi32, #tpu.memory_space<vmem>>
        %dma_wait3A_159 = arith.constant 0 : i32
        %dma_wait3A_160 = arith.constant 0 : i32
        %dma_wait3A_161 = tpu.memref_slice %arg7[%dma_wait3A_159, %dma_wait3A_160] : memref<10112x128xf32, #tpu.memory_space<vmem_shared>> -> memref<10112x128xf32, #tpu.memory_space<vmem_shared>>
        tpu.wait_indirect_dma semaphore(%run_scoped3A_149 : memref<!tpu.dma_semaphore, #tpu.memory_space<semaphore_mem>>) src(%arg11 : memref<128x128xf32, #tpu.memory_space<vmem>>) dst(%dma_wait3A_161 : memref<10112x128xf32, #tpu.memory_space<vmem_shared>>)
        tpu.yield
      }) : () -> ()
    }
    %while3A_19 = arith.constant 1 : i32
    scf.for %while3A_25 = %while3A_17 to %while3A_13 step %while3A_19  : i32 {
      %mul3A_26 = arith.constant 8 : i32
      %mul3A_27 = arith.muli %while3A_25, %mul3A_26 : i32
      %add3A_28 = arith.addi %select_n3A, %mul3A_27 : i32
      "tpu.region"() ({
        %run_scoped3A_149 = tpu.sem_alloc : memref<!tpu.dma_semaphore, #tpu.memory_space<semaphore_mem>>
        %dma_start3A_150 = arith.constant 0 : i32
        %dma_start3A_151 = tpu.memref_slice %arg3[%add3A_28, %dma_start3A_150] : memref<2560x128xi32, #tpu.memory_space<hbm>> -> memref<8x128xi32, #tpu.memory_space<hbm>>
        %dma_start3A_152 = arith.constant 0 : i32
        %dma_start3A_153 = tpu.memref_slice %arg3[%add3A_28, %dma_start3A_152] : memref<2560x128xi32, #tpu.memory_space<hbm>> -> memref<8x128xi32, #tpu.memory_space<hbm>>
        tpu.enqueue_dma source(%dma_start3A_153 : memref<8x128xi32, #tpu.memory_space<hbm>>) target(%arg8 : memref<8x128xi32, #tpu.memory_space<vmem>>) target_semaphore(%run_scoped3A_149 : memref<!tpu.dma_semaphore, #tpu.memory_space<semaphore_mem>>)
        %dma_wait3A_154 = arith.constant 0 : i32
        %dma_wait3A_155 = tpu.memref_slice %arg3[%add3A_28, %dma_wait3A_154] : memref<2560x128xi32, #tpu.memory_space<hbm>> -> memref<8x128xi32, #tpu.memory_space<hbm>>
        %dma_wait3A_156 = arith.constant 0 : i32
        %dma_wait3A_157 = tpu.memref_slice %arg3[%add3A_28, %dma_wait3A_156] : memref<2560x128xi32, #tpu.memory_space<hbm>> -> memref<8x128xi32, #tpu.memory_space<hbm>>
        tpu.wait_dma2 semaphore(%run_scoped3A_149 : memref<!tpu.dma_semaphore, #tpu.memory_space<semaphore_mem>>) src(%dma_wait3A_157 : memref<8x128xi32, #tpu.memory_space<hbm>>) dst(%arg8 : memref<8x128xi32, #tpu.memory_space<vmem>>)
        tpu.yield
      }) : () -> ()
      %mul3A_29 = arith.constant 8 : i32
      %mul3A_30 = arith.muli %while3A_25, %mul3A_29 : i32
      %add3A_31 = arith.addi %select_n3A, %mul3A_30 : i32
      "tpu.region"() ({
        %run_scoped3A_149 = tpu.sem_alloc : memref<!tpu.dma_semaphore, #tpu.memory_space<semaphore_mem>>
        %dma_start3A_150 = arith.constant 0 : i32
        %dma_start3A_151 = tpu.memref_slice %arg4[%add3A_31, %dma_start3A_150] : memref<2560x128xi32, #tpu.memory_space<hbm>> -> memref<8x128xi32, #tpu.memory_space<hbm>>
        %dma_start3A_152 = arith.constant 0 : i32
        %dma_start3A_153 = tpu.memref_slice %arg4[%add3A_31, %dma_start3A_152] : memref<2560x128xi32, #tpu.memory_space<hbm>> -> memref<8x128xi32, #tpu.memory_space<hbm>>
        tpu.enqueue_dma source(%dma_start3A_153 : memref<8x128xi32, #tpu.memory_space<hbm>>) target(%arg9 : memref<8x128xi32, #tpu.memory_space<vmem>>) target_semaphore(%run_scoped3A_149 : memref<!tpu.dma_semaphore, #tpu.memory_space<semaphore_mem>>)
        %dma_wait3A_154 = arith.constant 0 : i32
        %dma_wait3A_155 = tpu.memref_slice %arg4[%add3A_31, %dma_wait3A_154] : memref<2560x128xi32, #tpu.memory_space<hbm>> -> memref<8x128xi32, #tpu.memory_space<hbm>>
        %dma_wait3A_156 = arith.constant 0 : i32
        %dma_wait3A_157 = tpu.memref_slice %arg4[%add3A_31, %dma_wait3A_156] : memref<2560x128xi32, #tpu.memory_space<hbm>> -> memref<8x128xi32, #tpu.memory_space<hbm>>
        tpu.wait_dma2 semaphore(%run_scoped3A_149 : memref<!tpu.dma_semaphore, #tpu.memory_space<semaphore_mem>>) src(%dma_wait3A_157 : memref<8x128xi32, #tpu.memory_space<hbm>>) dst(%arg9 : memref<8x128xi32, #tpu.memory_space<vmem>>)
        tpu.yield
      }) : () -> ()
      %dma_start3A = arith.constant 0 : i32
      %dma_start3A_32 = arith.constant 0 : i32
      %dma_start3A_33 = tpu.memref_slice %arg8[%dma_start3A, %dma_start3A_32] : memref<8x128xi32, #tpu.memory_space<vmem>> -> memref<1x128xi32, #tpu.memory_space<vmem>>
      %dma_start3A_34 = tpu.memref_squeeze %dma_start3A_33 : memref<1x128xi32, #tpu.memory_space<vmem>> -> memref<128xi32, #tpu.memory_space<vmem>>
      %dma_start3A_35 = arith.constant 0 : i32
      %dma_start3A_36 = arith.constant 0 : i32
      %dma_start3A_37 = tpu.memref_slice %arg2[%dma_start3A_35, %dma_start3A_36] : memref<10000x128xf32, #tpu.memory_space<hbm>> -> memref<10000x128xf32, #tpu.memory_space<hbm>>
      tpu.enqueue_indirect_dma source(%dma_start3A_37 : memref<10000x128xf32, #tpu.memory_space<hbm>>) target(%arg10 : memref<128x128xf32, #tpu.memory_space<vmem>>) offsets(%dma_start3A_34 : memref<128xi32, #tpu.memory_space<vmem>>) semaphore(%arg12 : memref<!tpu.dma_semaphore, #tpu.memory_space<semaphore_mem>>)
      %dma_start3A_38 = arith.constant 1 : i32
      %dma_start3A_39 = arith.constant 0 : i32
      %dma_start3A_40 = tpu.memref_slice %arg8[%dma_start3A_38, %dma_start3A_39] : memref<8x128xi32, #tpu.memory_space<vmem>> -> memref<1x128xi32, #tpu.memory_space<vmem>>
      %dma_start3A_41 = tpu.memref_squeeze %dma_start3A_40 : memref<1x128xi32, #tpu.memory_space<vmem>> -> memref<128xi32, #tpu.memory_space<vmem>>
      %dma_start3A_42 = arith.constant 0 : i32
      %dma_start3A_43 = arith.constant 0 : i32
      %dma_start3A_44 = tpu.memref_slice %arg2[%dma_start3A_42, %dma_start3A_43] : memref<10000x128xf32, #tpu.memory_space<hbm>> -> memref<10000x128xf32, #tpu.memory_space<hbm>>
      tpu.enqueue_indirect_dma source(%dma_start3A_44 : memref<10000x128xf32, #tpu.memory_space<hbm>>) target(%arg11 : memref<128x128xf32, #tpu.memory_space<vmem>>) offsets(%dma_start3A_41 : memref<128xi32, #tpu.memory_space<vmem>>) semaphore(%arg13 : memref<!tpu.dma_semaphore, #tpu.memory_space<semaphore_mem>>)
      %dma_wait3A = arith.constant 0 : i32
      %dma_wait3A_45 = arith.constant 0 : i32
      %dma_wait3A_46 = tpu.memref_slice %arg8[%dma_wait3A, %dma_wait3A_45] : memref<8x128xi32, #tpu.memory_space<vmem>> -> memref<1x128xi32, #tpu.memory_space<vmem>>
      %dma_wait3A_47 = tpu.memref_squeeze %dma_wait3A_46 : memref<1x128xi32, #tpu.memory_space<vmem>> -> memref<128xi32, #tpu.memory_space<vmem>>
      %dma_wait3A_48 = arith.constant 0 : i32
      %dma_wait3A_49 = arith.constant 0 : i32
      %dma_wait3A_50 = tpu.memref_slice %arg2[%dma_wait3A_48, %dma_wait3A_49] : memref<10000x128xf32, #tpu.memory_space<hbm>> -> memref<10000x128xf32, #tpu.memory_space<hbm>>
      tpu.wait_indirect_dma semaphore(%arg12 : memref<!tpu.dma_semaphore, #tpu.memory_space<semaphore_mem>>) src(%dma_wait3A_50 : memref<10000x128xf32, #tpu.memory_space<hbm>>) dst(%arg10 : memref<128x128xf32, #tpu.memory_space<vmem>>)
      %run_scoped3A = arith.constant 0 : i32
      "tpu.region"() ({
        %run_scoped3A_149 = tpu.sem_alloc : memref<!tpu.dma_semaphore, #tpu.memory_space<semaphore_mem>>
        %dma_start3A_150 = arith.constant 0 : i32
        %dma_start3A_151 = tpu.memref_slice %arg9[%run_scoped3A, %dma_start3A_150] : memref<8x128xi32, #tpu.memory_space<vmem>> -> memref<1x128xi32, #tpu.memory_space<vmem>>
        %dma_start3A_152 = tpu.memref_squeeze %dma_start3A_151 : memref<1x128xi32, #tpu.memory_space<vmem>> -> memref<128xi32, #tpu.memory_space<vmem>>
        %dma_start3A_153 = arith.constant 0 : i32
        %dma_start3A_154 = arith.constant 0 : i32
        %dma_start3A_155 = tpu.memref_slice %arg7[%dma_start3A_153, %dma_start3A_154] : memref<10112x128xf32, #tpu.memory_space<vmem_shared>> -> memref<10112x128xf32, #tpu.memory_space<vmem_shared>>
        tpu.enqueue_indirect_dma source(%arg10 : memref<128x128xf32, #tpu.memory_space<vmem>>) target(%dma_start3A_155 : memref<10112x128xf32, #tpu.memory_space<vmem_shared>>) offsets(%dma_start3A_152 : memref<128xi32, #tpu.memory_space<vmem>>) semaphore(%run_scoped3A_149 : memref<!tpu.dma_semaphore, #tpu.memory_space<semaphore_mem>>) {add = true}
        %dma_wait3A_156 = arith.constant 0 : i32
        %dma_wait3A_157 = tpu.memref_slice %arg9[%run_scoped3A, %dma_wait3A_156] : memref<8x128xi32, #tpu.memory_space<vmem>> -> memref<1x128xi32, #tpu.memory_space<vmem>>
        %dma_wait3A_158 = tpu.memref_squeeze %dma_wait3A_157 : memref<1x128xi32, #tpu.memory_space<vmem>> -> memref<128xi32, #tpu.memory_space<vmem>>
        %dma_wait3A_159 = arith.constant 0 : i32
        %dma_wait3A_160 = arith.constant 0 : i32
        %dma_wait3A_161 = tpu.memref_slice %arg7[%dma_wait3A_159, %dma_wait3A_160] : memref<10112x128xf32, #tpu.memory_space<vmem_shared>> -> memref<10112x128xf32, #tpu.memory_space<vmem_shared>>
        tpu.wait_indirect_dma semaphore(%run_scoped3A_149 : memref<!tpu.dma_semaphore, #tpu.memory_space<semaphore_mem>>) src(%arg10 : memref<128x128xf32, #tpu.memory_space<vmem>>) dst(%dma_wait3A_161 : memref<10112x128xf32, #tpu.memory_space<vmem_shared>>)
        tpu.yield
      }) : () -> ()
      %dma_start3A_51 = arith.constant 2 : i32
      %dma_start3A_52 = arith.constant 0 : i32
      %dma_start3A_53 = tpu.memref_slice %arg8[%dma_start3A_51, %dma_start3A_52] : memref<8x128xi32, #tpu.memory_space<vmem>> -> memref<1x128xi32, #tpu.memory_space<vmem>>
      %dma_start3A_54 = tpu.memref_squeeze %dma_start3A_53 : memref<1x128xi32, #tpu.memory_space<vmem>> -> memref<128xi32, #tpu.memory_space<vmem>>
      %dma_start3A_55 = arith.constant 0 : i32
      %dma_start3A_56 = arith.constant 0 : i32
      %dma_start3A_57 = tpu.memref_slice %arg2[%dma_start3A_55, %dma_start3A_56] : memref<10000x128xf32, #tpu.memory_space<hbm>> -> memref<10000x128xf32, #tpu.memory_space<hbm>>
      tpu.enqueue_indirect_dma source(%dma_start3A_57 : memref<10000x128xf32, #tpu.memory_space<hbm>>) target(%arg10 : memref<128x128xf32, #tpu.memory_space<vmem>>) offsets(%dma_start3A_54 : memref<128xi32, #tpu.memory_space<vmem>>) semaphore(%arg12 : memref<!tpu.dma_semaphore, #tpu.memory_space<semaphore_mem>>)
      %dma_wait3A_58 = arith.constant 1 : i32
      %dma_wait3A_59 = arith.constant 0 : i32
      %dma_wait3A_60 = tpu.memref_slice %arg8[%dma_wait3A_58, %dma_wait3A_59] : memref<8x128xi32, #tpu.memory_space<vmem>> -> memref<1x128xi32, #tpu.memory_space<vmem>>
      %dma_wait3A_61 = tpu.memref_squeeze %dma_wait3A_60 : memref<1x128xi32, #tpu.memory_space<vmem>> -> memref<128xi32, #tpu.memory_space<vmem>>
      %dma_wait3A_62 = arith.constant 0 : i32
      %dma_wait3A_63 = arith.constant 0 : i32
      %dma_wait3A_64 = tpu.memref_slice %arg2[%dma_wait3A_62, %dma_wait3A_63] : memref<10000x128xf32, #tpu.memory_space<hbm>> -> memref<10000x128xf32, #tpu.memory_space<hbm>>
      tpu.wait_indirect_dma semaphore(%arg13 : memref<!tpu.dma_semaphore, #tpu.memory_space<semaphore_mem>>) src(%dma_wait3A_64 : memref<10000x128xf32, #tpu.memory_space<hbm>>) dst(%arg11 : memref<128x128xf32, #tpu.memory_space<vmem>>)
      %run_scoped3A_65 = arith.constant 1 : i32
      "tpu.region"() ({
        %run_scoped3A_149 = tpu.sem_alloc : memref<!tpu.dma_semaphore, #tpu.memory_space<semaphore_mem>>
        %dma_start3A_150 = arith.constant 0 : i32
        %dma_start3A_151 = tpu.memref_slice %arg9[%run_scoped3A_65, %dma_start3A_150] : memref<8x128xi32, #tpu.memory_space<vmem>> -> memref<1x128xi32, #tpu.memory_space<vmem>>
        %dma_start3A_152 = tpu.memref_squeeze %dma_start3A_151 : memref<1x128xi32, #tpu.memory_space<vmem>> -> memref<128xi32, #tpu.memory_space<vmem>>
        %dma_start3A_153 = arith.constant 0 : i32
        %dma_start3A_154 = arith.constant 0 : i32
        %dma_start3A_155 = tpu.memref_slice %arg7[%dma_start3A_153, %dma_start3A_154] : memref<10112x128xf32, #tpu.memory_space<vmem_shared>> -> memref<10112x128xf32, #tpu.memory_space<vmem_shared>>
        tpu.enqueue_indirect_dma source(%arg11 : memref<128x128xf32, #tpu.memory_space<vmem>>) target(%dma_start3A_155 : memref<10112x128xf32, #tpu.memory_space<vmem_shared>>) offsets(%dma_start3A_152 : memref<128xi32, #tpu.memory_space<vmem>>) semaphore(%run_scoped3A_149 : memref<!tpu.dma_semaphore, #tpu.memory_space<semaphore_mem>>) {add = true}
        %dma_wait3A_156 = arith.constant 0 : i32
        %dma_wait3A_157 = tpu.memref_slice %arg9[%run_scoped3A_65, %dma_wait3A_156] : memref<8x128xi32, #tpu.memory_space<vmem>> -> memref<1x128xi32, #tpu.memory_space<vmem>>
        %dma_wait3A_158 = tpu.memref_squeeze %dma_wait3A_157 : memref<1x128xi32, #tpu.memory_space<vmem>> -> memref<128xi32, #tpu.memory_space<vmem>>
        %dma_wait3A_159 = arith.constant 0 : i32
        %dma_wait3A_160 = arith.constant 0 : i32
        %dma_wait3A_161 = tpu.memref_slice %arg7[%dma_wait3A_159, %dma_wait3A_160] : memref<10112x128xf32, #tpu.memory_space<vmem_shared>> -> memref<10112x128xf32, #tpu.memory_space<vmem_shared>>
        tpu.wait_indirect_dma semaphore(%run_scoped3A_149 : memref<!tpu.dma_semaphore, #tpu.memory_space<semaphore_mem>>) src(%arg11 : memref<128x128xf32, #tpu.memory_space<vmem>>) dst(%dma_wait3A_161 : memref<10112x128xf32, #tpu.memory_space<vmem_shared>>)
        tpu.yield
      }) : () -> ()
      %dma_start3A_66 = arith.constant 3 : i32
      %dma_start3A_67 = arith.constant 0 : i32
      %dma_start3A_68 = tpu.memref_slice %arg8[%dma_start3A_66, %dma_start3A_67] : memref<8x128xi32, #tpu.memory_space<vmem>> -> memref<1x128xi32, #tpu.memory_space<vmem>>
      %dma_start3A_69 = tpu.memref_squeeze %dma_start3A_68 : memref<1x128xi32, #tpu.memory_space<vmem>> -> memref<128xi32, #tpu.memory_space<vmem>>
      %dma_start3A_70 = arith.constant 0 : i32
      %dma_start3A_71 = arith.constant 0 : i32
      %dma_start3A_72 = tpu.memref_slice %arg2[%dma_start3A_70, %dma_start3A_71] : memref<10000x128xf32, #tpu.memory_space<hbm>> -> memref<10000x128xf32, #tpu.memory_space<hbm>>
      tpu.enqueue_indirect_dma source(%dma_start3A_72 : memref<10000x128xf32, #tpu.memory_space<hbm>>) target(%arg11 : memref<128x128xf32, #tpu.memory_space<vmem>>) offsets(%dma_start3A_69 : memref<128xi32, #tpu.memory_space<vmem>>) semaphore(%arg13 : memref<!tpu.dma_semaphore, #tpu.memory_space<semaphore_mem>>)
      %dma_wait3A_73 = arith.constant 2 : i32
      %dma_wait3A_74 = arith.constant 0 : i32
      %dma_wait3A_75 = tpu.memref_slice %arg8[%dma_wait3A_73, %dma_wait3A_74] : memref<8x128xi32, #tpu.memory_space<vmem>> -> memref<1x128xi32, #tpu.memory_space<vmem>>
      %dma_wait3A_76 = tpu.memref_squeeze %dma_wait3A_75 : memref<1x128xi32, #tpu.memory_space<vmem>> -> memref<128xi32, #tpu.memory_space<vmem>>
      %dma_wait3A_77 = arith.constant 0 : i32
      %dma_wait3A_78 = arith.constant 0 : i32
      %dma_wait3A_79 = tpu.memref_slice %arg2[%dma_wait3A_77, %dma_wait3A_78] : memref<10000x128xf32, #tpu.memory_space<hbm>> -> memref<10000x128xf32, #tpu.memory_space<hbm>>
      tpu.wait_indirect_dma semaphore(%arg12 : memref<!tpu.dma_semaphore, #tpu.memory_space<semaphore_mem>>) src(%dma_wait3A_79 : memref<10000x128xf32, #tpu.memory_space<hbm>>) dst(%arg10 : memref<128x128xf32, #tpu.memory_space<vmem>>)
      %run_scoped3A_80 = arith.constant 2 : i32
      "tpu.region"() ({
        %run_scoped3A_149 = tpu.sem_alloc : memref<!tpu.dma_semaphore, #tpu.memory_space<semaphore_mem>>
        %dma_start3A_150 = arith.constant 0 : i32
        %dma_start3A_151 = tpu.memref_slice %arg9[%run_scoped3A_80, %dma_start3A_150] : memref<8x128xi32, #tpu.memory_space<vmem>> -> memref<1x128xi32, #tpu.memory_space<vmem>>
        %dma_start3A_152 = tpu.memref_squeeze %dma_start3A_151 : memref<1x128xi32, #tpu.memory_space<vmem>> -> memref<128xi32, #tpu.memory_space<vmem>>
        %dma_start3A_153 = arith.constant 0 : i32
        %dma_start3A_154 = arith.constant 0 : i32
        %dma_start3A_155 = tpu.memref_slice %arg7[%dma_start3A_153, %dma_start3A_154] : memref<10112x128xf32, #tpu.memory_space<vmem_shared>> -> memref<10112x128xf32, #tpu.memory_space<vmem_shared>>
        tpu.enqueue_indirect_dma source(%arg10 : memref<128x128xf32, #tpu.memory_space<vmem>>) target(%dma_start3A_155 : memref<10112x128xf32, #tpu.memory_space<vmem_shared>>) offsets(%dma_start3A_152 : memref<128xi32, #tpu.memory_space<vmem>>) semaphore(%run_scoped3A_149 : memref<!tpu.dma_semaphore, #tpu.memory_space<semaphore_mem>>) {add = true}
        %dma_wait3A_156 = arith.constant 0 : i32
        %dma_wait3A_157 = tpu.memref_slice %arg9[%run_scoped3A_80, %dma_wait3A_156] : memref<8x128xi32, #tpu.memory_space<vmem>> -> memref<1x128xi32, #tpu.memory_space<vmem>>
        %dma_wait3A_158 = tpu.memref_squeeze %dma_wait3A_157 : memref<1x128xi32, #tpu.memory_space<vmem>> -> memref<128xi32, #tpu.memory_space<vmem>>
        %dma_wait3A_159 = arith.constant 0 : i32
        %dma_wait3A_160 = arith.constant 0 : i32
        %dma_wait3A_161 = tpu.memref_slice %arg7[%dma_wait3A_159, %dma_wait3A_160] : memref<10112x128xf32, #tpu.memory_space<vmem_shared>> -> memref<10112x128xf32, #tpu.memory_space<vmem_shared>>
        tpu.wait_indirect_dma semaphore(%run_scoped3A_149 : memref<!tpu.dma_semaphore, #tpu.memory_space<semaphore_mem>>) src(%arg10 : memref<128x128xf32, #tpu.memory_space<vmem>>) dst(%dma_wait3A_161 : memref<10112x128xf32, #tpu.memory_space<vmem_shared>>)
        tpu.yield
      }) : () -> ()
      %dma_start3A_81 = arith.constant 4 : i32
      %dma_start3A_82 = arith.constant 0 : i32
      %dma_start3A_83 = tpu.memref_slice %arg8[%dma_start3A_81, %dma_start3A_82] : memref<8x128xi32, #tpu.memory_space<vmem>> -> memref<1x128xi32, #tpu.memory_space<vmem>>
      %dma_start3A_84 = tpu.memref_squeeze %dma_start3A_83 : memref<1x128xi32, #tpu.memory_space<vmem>> -> memref<128xi32, #tpu.memory_space<vmem>>
      %dma_start3A_85 = arith.constant 0 : i32
      %dma_start3A_86 = arith.constant 0 : i32
      %dma_start3A_87 = tpu.memref_slice %arg2[%dma_start3A_85, %dma_start3A_86] : memref<10000x128xf32, #tpu.memory_space<hbm>> -> memref<10000x128xf32, #tpu.memory_space<hbm>>
      tpu.enqueue_indirect_dma source(%dma_start3A_87 : memref<10000x128xf32, #tpu.memory_space<hbm>>) target(%arg10 : memref<128x128xf32, #tpu.memory_space<vmem>>) offsets(%dma_start3A_84 : memref<128xi32, #tpu.memory_space<vmem>>) semaphore(%arg12 : memref<!tpu.dma_semaphore, #tpu.memory_space<semaphore_mem>>)
      %dma_wait3A_88 = arith.constant 3 : i32
      %dma_wait3A_89 = arith.constant 0 : i32
      %dma_wait3A_90 = tpu.memref_slice %arg8[%dma_wait3A_88, %dma_wait3A_89] : memref<8x128xi32, #tpu.memory_space<vmem>> -> memref<1x128xi32, #tpu.memory_space<vmem>>
      %dma_wait3A_91 = tpu.memref_squeeze %dma_wait3A_90 : memref<1x128xi32, #tpu.memory_space<vmem>> -> memref<128xi32, #tpu.memory_space<vmem>>
      %dma_wait3A_92 = arith.constant 0 : i32
      %dma_wait3A_93 = arith.constant 0 : i32
      %dma_wait3A_94 = tpu.memref_slice %arg2[%dma_wait3A_92, %dma_wait3A_93] : memref<10000x128xf32, #tpu.memory_space<hbm>> -> memref<10000x128xf32, #tpu.memory_space<hbm>>
      tpu.wait_indirect_dma semaphore(%arg13 : memref<!tpu.dma_semaphore, #tpu.memory_space<semaphore_mem>>) src(%dma_wait3A_94 : memref<10000x128xf32, #tpu.memory_space<hbm>>) dst(%arg11 : memref<128x128xf32, #tpu.memory_space<vmem>>)
      %run_scoped3A_95 = arith.constant 3 : i32
      "tpu.region"() ({
        %run_scoped3A_149 = tpu.sem_alloc : memref<!tpu.dma_semaphore, #tpu.memory_space<semaphore_mem>>
        %dma_start3A_150 = arith.constant 0 : i32
        %dma_start3A_151 = tpu.memref_slice %arg9[%run_scoped3A_95, %dma_start3A_150] : memref<8x128xi32, #tpu.memory_space<vmem>> -> memref<1x128xi32, #tpu.memory_space<vmem>>
        %dma_start3A_152 = tpu.memref_squeeze %dma_start3A_151 : memref<1x128xi32, #tpu.memory_space<vmem>> -> memref<128xi32, #tpu.memory_space<vmem>>
        %dma_start3A_153 = arith.constant 0 : i32
        %dma_start3A_154 = arith.constant 0 : i32
        %dma_start3A_155 = tpu.memref_slice %arg7[%dma_start3A_153, %dma_start3A_154] : memref<10112x128xf32, #tpu.memory_space<vmem_shared>> -> memref<10112x128xf32, #tpu.memory_space<vmem_shared>>
        tpu.enqueue_indirect_dma source(%arg11 : memref<128x128xf32, #tpu.memory_space<vmem>>) target(%dma_start3A_155 : memref<10112x128xf32, #tpu.memory_space<vmem_shared>>) offsets(%dma_start3A_152 : memref<128xi32, #tpu.memory_space<vmem>>) semaphore(%run_scoped3A_149 : memref<!tpu.dma_semaphore, #tpu.memory_space<semaphore_mem>>) {add = true}
        %dma_wait3A_156 = arith.constant 0 : i32
        %dma_wait3A_157 = tpu.memref_slice %arg9[%run_scoped3A_95, %dma_wait3A_156] : memref<8x128xi32, #tpu.memory_space<vmem>> -> memref<1x128xi32, #tpu.memory_space<vmem>>
        %dma_wait3A_158 = tpu.memref_squeeze %dma_wait3A_157 : memref<1x128xi32, #tpu.memory_space<vmem>> -> memref<128xi32, #tpu.memory_space<vmem>>
        %dma_wait3A_159 = arith.constant 0 : i32
        %dma_wait3A_160 = arith.constant 0 : i32
        %dma_wait3A_161 = tpu.memref_slice %arg7[%dma_wait3A_159, %dma_wait3A_160] : memref<10112x128xf32, #tpu.memory_space<vmem_shared>> -> memref<10112x128xf32, #tpu.memory_space<vmem_shared>>
        tpu.wait_indirect_dma semaphore(%run_scoped3A_149 : memref<!tpu.dma_semaphore, #tpu.memory_space<semaphore_mem>>) src(%arg11 : memref<128x128xf32, #tpu.memory_space<vmem>>) dst(%dma_wait3A_161 : memref<10112x128xf32, #tpu.memory_space<vmem_shared>>)
        tpu.yield
      }) : () -> ()
      %dma_start3A_96 = arith.constant 5 : i32
      %dma_start3A_97 = arith.constant 0 : i32
      %dma_start3A_98 = tpu.memref_slice %arg8[%dma_start3A_96, %dma_start3A_97] : memref<8x128xi32, #tpu.memory_space<vmem>> -> memref<1x128xi32, #tpu.memory_space<vmem>>
      %dma_start3A_99 = tpu.memref_squeeze %dma_start3A_98 : memref<1x128xi32, #tpu.memory_space<vmem>> -> memref<128xi32, #tpu.memory_space<vmem>>
      %dma_start3A_100 = arith.constant 0 : i32
      %dma_start3A_101 = arith.constant 0 : i32
      %dma_start3A_102 = tpu.memref_slice %arg2[%dma_start3A_100, %dma_start3A_101] : memref<10000x128xf32, #tpu.memory_space<hbm>> -> memref<10000x128xf32, #tpu.memory_space<hbm>>
      tpu.enqueue_indirect_dma source(%dma_start3A_102 : memref<10000x128xf32, #tpu.memory_space<hbm>>) target(%arg11 : memref<128x128xf32, #tpu.memory_space<vmem>>) offsets(%dma_start3A_99 : memref<128xi32, #tpu.memory_space<vmem>>) semaphore(%arg13 : memref<!tpu.dma_semaphore, #tpu.memory_space<semaphore_mem>>)
      %dma_wait3A_103 = arith.constant 4 : i32
      %dma_wait3A_104 = arith.constant 0 : i32
      %dma_wait3A_105 = tpu.memref_slice %arg8[%dma_wait3A_103, %dma_wait3A_104] : memref<8x128xi32, #tpu.memory_space<vmem>> -> memref<1x128xi32, #tpu.memory_space<vmem>>
      %dma_wait3A_106 = tpu.memref_squeeze %dma_wait3A_105 : memref<1x128xi32, #tpu.memory_space<vmem>> -> memref<128xi32, #tpu.memory_space<vmem>>
      %dma_wait3A_107 = arith.constant 0 : i32
      %dma_wait3A_108 = arith.constant 0 : i32
      %dma_wait3A_109 = tpu.memref_slice %arg2[%dma_wait3A_107, %dma_wait3A_108] : memref<10000x128xf32, #tpu.memory_space<hbm>> -> memref<10000x128xf32, #tpu.memory_space<hbm>>
      tpu.wait_indirect_dma semaphore(%arg12 : memref<!tpu.dma_semaphore, #tpu.memory_space<semaphore_mem>>) src(%dma_wait3A_109 : memref<10000x128xf32, #tpu.memory_space<hbm>>) dst(%arg10 : memref<128x128xf32, #tpu.memory_space<vmem>>)
      %run_scoped3A_110 = arith.constant 4 : i32
      "tpu.region"() ({
        %run_scoped3A_149 = tpu.sem_alloc : memref<!tpu.dma_semaphore, #tpu.memory_space<semaphore_mem>>
        %dma_start3A_150 = arith.constant 0 : i32
        %dma_start3A_151 = tpu.memref_slice %arg9[%run_scoped3A_110, %dma_start3A_150] : memref<8x128xi32, #tpu.memory_space<vmem>> -> memref<1x128xi32, #tpu.memory_space<vmem>>
        %dma_start3A_152 = tpu.memref_squeeze %dma_start3A_151 : memref<1x128xi32, #tpu.memory_space<vmem>> -> memref<128xi32, #tpu.memory_space<vmem>>
        %dma_start3A_153 = arith.constant 0 : i32
        %dma_start3A_154 = arith.constant 0 : i32
        %dma_start3A_155 = tpu.memref_slice %arg7[%dma_start3A_153, %dma_start3A_154] : memref<10112x128xf32, #tpu.memory_space<vmem_shared>> -> memref<10112x128xf32, #tpu.memory_space<vmem_shared>>
        tpu.enqueue_indirect_dma source(%arg10 : memref<128x128xf32, #tpu.memory_space<vmem>>) target(%dma_start3A_155 : memref<10112x128xf32, #tpu.memory_space<vmem_shared>>) offsets(%dma_start3A_152 : memref<128xi32, #tpu.memory_space<vmem>>) semaphore(%run_scoped3A_149 : memref<!tpu.dma_semaphore, #tpu.memory_space<semaphore_mem>>) {add = true}
        %dma_wait3A_156 = arith.constant 0 : i32
        %dma_wait3A_157 = tpu.memref_slice %arg9[%run_scoped3A_110, %dma_wait3A_156] : memref<8x128xi32, #tpu.memory_space<vmem>> -> memref<1x128xi32, #tpu.memory_space<vmem>>
        %dma_wait3A_158 = tpu.memref_squeeze %dma_wait3A_157 : memref<1x128xi32, #tpu.memory_space<vmem>> -> memref<128xi32, #tpu.memory_space<vmem>>
        %dma_wait3A_159 = arith.constant 0 : i32
        %dma_wait3A_160 = arith.constant 0 : i32
        %dma_wait3A_161 = tpu.memref_slice %arg7[%dma_wait3A_159, %dma_wait3A_160] : memref<10112x128xf32, #tpu.memory_space<vmem_shared>> -> memref<10112x128xf32, #tpu.memory_space<vmem_shared>>
        tpu.wait_indirect_dma semaphore(%run_scoped3A_149 : memref<!tpu.dma_semaphore, #tpu.memory_space<semaphore_mem>>) src(%arg10 : memref<128x128xf32, #tpu.memory_space<vmem>>) dst(%dma_wait3A_161 : memref<10112x128xf32, #tpu.memory_space<vmem_shared>>)
        tpu.yield
      }) : () -> ()
      %dma_start3A_111 = arith.constant 6 : i32
      %dma_start3A_112 = arith.constant 0 : i32
      %dma_start3A_113 = tpu.memref_slice %arg8[%dma_start3A_111, %dma_start3A_112] : memref<8x128xi32, #tpu.memory_space<vmem>> -> memref<1x128xi32, #tpu.memory_space<vmem>>
      %dma_start3A_114 = tpu.memref_squeeze %dma_start3A_113 : memref<1x128xi32, #tpu.memory_space<vmem>> -> memref<128xi32, #tpu.memory_space<vmem>>
      %dma_start3A_115 = arith.constant 0 : i32
      %dma_start3A_116 = arith.constant 0 : i32
      %dma_start3A_117 = tpu.memref_slice %arg2[%dma_start3A_115, %dma_start3A_116] : memref<10000x128xf32, #tpu.memory_space<hbm>> -> memref<10000x128xf32, #tpu.memory_space<hbm>>
      tpu.enqueue_indirect_dma source(%dma_start3A_117 : memref<10000x128xf32, #tpu.memory_space<hbm>>) target(%arg10 : memref<128x128xf32, #tpu.memory_space<vmem>>) offsets(%dma_start3A_114 : memref<128xi32, #tpu.memory_space<vmem>>) semaphore(%arg12 : memref<!tpu.dma_semaphore, #tpu.memory_space<semaphore_mem>>)
      %dma_wait3A_118 = arith.constant 5 : i32
      %dma_wait3A_119 = arith.constant 0 : i32
      %dma_wait3A_120 = tpu.memref_slice %arg8[%dma_wait3A_118, %dma_wait3A_119] : memref<8x128xi32, #tpu.memory_space<vmem>> -> memref<1x128xi32, #tpu.memory_space<vmem>>
      %dma_wait3A_121 = tpu.memref_squeeze %dma_wait3A_120 : memref<1x128xi32, #tpu.memory_space<vmem>> -> memref<128xi32, #tpu.memory_space<vmem>>
      %dma_wait3A_122 = arith.constant 0 : i32
      %dma_wait3A_123 = arith.constant 0 : i32
      %dma_wait3A_124 = tpu.memref_slice %arg2[%dma_wait3A_122, %dma_wait3A_123] : memref<10000x128xf32, #tpu.memory_space<hbm>> -> memref<10000x128xf32, #tpu.memory_space<hbm>>
      tpu.wait_indirect_dma semaphore(%arg13 : memref<!tpu.dma_semaphore, #tpu.memory_space<semaphore_mem>>) src(%dma_wait3A_124 : memref<10000x128xf32, #tpu.memory_space<hbm>>) dst(%arg11 : memref<128x128xf32, #tpu.memory_space<vmem>>)
      %run_scoped3A_125 = arith.constant 5 : i32
      "tpu.region"() ({
        %run_scoped3A_149 = tpu.sem_alloc : memref<!tpu.dma_semaphore, #tpu.memory_space<semaphore_mem>>
        %dma_start3A_150 = arith.constant 0 : i32
        %dma_start3A_151 = tpu.memref_slice %arg9[%run_scoped3A_125, %dma_start3A_150] : memref<8x128xi32, #tpu.memory_space<vmem>> -> memref<1x128xi32, #tpu.memory_space<vmem>>
        %dma_start3A_152 = tpu.memref_squeeze %dma_start3A_151 : memref<1x128xi32, #tpu.memory_space<vmem>> -> memref<128xi32, #tpu.memory_space<vmem>>
        %dma_start3A_153 = arith.constant 0 : i32
        %dma_start3A_154 = arith.constant 0 : i32
        %dma_start3A_155 = tpu.memref_slice %arg7[%dma_start3A_153, %dma_start3A_154] : memref<10112x128xf32, #tpu.memory_space<vmem_shared>> -> memref<10112x128xf32, #tpu.memory_space<vmem_shared>>
        tpu.enqueue_indirect_dma source(%arg11 : memref<128x128xf32, #tpu.memory_space<vmem>>) target(%dma_start3A_155 : memref<10112x128xf32, #tpu.memory_space<vmem_shared>>) offsets(%dma_start3A_152 : memref<128xi32, #tpu.memory_space<vmem>>) semaphore(%run_scoped3A_149 : memref<!tpu.dma_semaphore, #tpu.memory_space<semaphore_mem>>) {add = true}
        %dma_wait3A_156 = arith.constant 0 : i32
        %dma_wait3A_157 = tpu.memref_slice %arg9[%run_scoped3A_125, %dma_wait3A_156] : memref<8x128xi32, #tpu.memory_space<vmem>> -> memref<1x128xi32, #tpu.memory_space<vmem>>
        %dma_wait3A_158 = tpu.memref_squeeze %dma_wait3A_157 : memref<1x128xi32, #tpu.memory_space<vmem>> -> memref<128xi32, #tpu.memory_space<vmem>>
        %dma_wait3A_159 = arith.constant 0 : i32
        %dma_wait3A_160 = arith.constant 0 : i32
        %dma_wait3A_161 = tpu.memref_slice %arg7[%dma_wait3A_159, %dma_wait3A_160] : memref<10112x128xf32, #tpu.memory_space<vmem_shared>> -> memref<10112x128xf32, #tpu.memory_space<vmem_shared>>
        tpu.wait_indirect_dma semaphore(%run_scoped3A_149 : memref<!tpu.dma_semaphore, #tpu.memory_space<semaphore_mem>>) src(%arg11 : memref<128x128xf32, #tpu.memory_space<vmem>>) dst(%dma_wait3A_161 : memref<10112x128xf32, #tpu.memory_space<vmem_shared>>)
        tpu.yield
      }) : () -> ()
      %dma_start3A_126 = arith.constant 7 : i32
      %dma_start3A_127 = arith.constant 0 : i32
      %dma_start3A_128 = tpu.memref_slice %arg8[%dma_start3A_126, %dma_start3A_127] : memref<8x128xi32, #tpu.memory_space<vmem>> -> memref<1x128xi32, #tpu.memory_space<vmem>>
      %dma_start3A_129 = tpu.memref_squeeze %dma_start3A_128 : memref<1x128xi32, #tpu.memory_space<vmem>> -> memref<128xi32, #tpu.memory_space<vmem>>
      %dma_start3A_130 = arith.constant 0 : i32
      %dma_start3A_131 = arith.constant 0 : i32
      %dma_start3A_132 = tpu.memref_slice %arg2[%dma_start3A_130, %dma_start3A_131] : memref<10000x128xf32, #tpu.memory_space<hbm>> -> memref<10000x128xf32, #tpu.memory_space<hbm>>
      tpu.enqueue_indirect_dma source(%dma_start3A_132 : memref<10000x128xf32, #tpu.memory_space<hbm>>) target(%arg11 : memref<128x128xf32, #tpu.memory_space<vmem>>) offsets(%dma_start3A_129 : memref<128xi32, #tpu.memory_space<vmem>>) semaphore(%arg13 : memref<!tpu.dma_semaphore, #tpu.memory_space<semaphore_mem>>)
      %dma_wait3A_133 = arith.constant 6 : i32
      %dma_wait3A_134 = arith.constant 0 : i32
      %dma_wait3A_135 = tpu.memref_slice %arg8[%dma_wait3A_133, %dma_wait3A_134] : memref<8x128xi32, #tpu.memory_space<vmem>> -> memref<1x128xi32, #tpu.memory_space<vmem>>
      %dma_wait3A_136 = tpu.memref_squeeze %dma_wait3A_135 : memref<1x128xi32, #tpu.memory_space<vmem>> -> memref<128xi32, #tpu.memory_space<vmem>>
      %dma_wait3A_137 = arith.constant 0 : i32
      %dma_wait3A_138 = arith.constant 0 : i32
      %dma_wait3A_139 = tpu.memref_slice %arg2[%dma_wait3A_137, %dma_wait3A_138] : memref<10000x128xf32, #tpu.memory_space<hbm>> -> memref<10000x128xf32, #tpu.memory_space<hbm>>
      tpu.wait_indirect_dma semaphore(%arg12 : memref<!tpu.dma_semaphore, #tpu.memory_space<semaphore_mem>>) src(%dma_wait3A_139 : memref<10000x128xf32, #tpu.memory_space<hbm>>) dst(%arg10 : memref<128x128xf32, #tpu.memory_space<vmem>>)
      %run_scoped3A_140 = arith.constant 6 : i32
      "tpu.region"() ({
        %run_scoped3A_149 = tpu.sem_alloc : memref<!tpu.dma_semaphore, #tpu.memory_space<semaphore_mem>>
        %dma_start3A_150 = arith.constant 0 : i32
        %dma_start3A_151 = tpu.memref_slice %arg9[%run_scoped3A_140, %dma_start3A_150] : memref<8x128xi32, #tpu.memory_space<vmem>> -> memref<1x128xi32, #tpu.memory_space<vmem>>
        %dma_start3A_152 = tpu.memref_squeeze %dma_start3A_151 : memref<1x128xi32, #tpu.memory_space<vmem>> -> memref<128xi32, #tpu.memory_space<vmem>>
        %dma_start3A_153 = arith.constant 0 : i32
        %dma_start3A_154 = arith.constant 0 : i32
        %dma_start3A_155 = tpu.memref_slice %arg7[%dma_start3A_153, %dma_start3A_154] : memref<10112x128xf32, #tpu.memory_space<vmem_shared>> -> memref<10112x128xf32, #tpu.memory_space<vmem_shared>>
        tpu.enqueue_indirect_dma source(%arg10 : memref<128x128xf32, #tpu.memory_space<vmem>>) target(%dma_start3A_155 : memref<10112x128xf32, #tpu.memory_space<vmem_shared>>) offsets(%dma_start3A_152 : memref<128xi32, #tpu.memory_space<vmem>>) semaphore(%run_scoped3A_149 : memref<!tpu.dma_semaphore, #tpu.memory_space<semaphore_mem>>) {add = true}
        %dma_wait3A_156 = arith.constant 0 : i32
        %dma_wait3A_157 = tpu.memref_slice %arg9[%run_scoped3A_140, %dma_wait3A_156] : memref<8x128xi32, #tpu.memory_space<vmem>> -> memref<1x128xi32, #tpu.memory_space<vmem>>
        %dma_wait3A_158 = tpu.memref_squeeze %dma_wait3A_157 : memref<1x128xi32, #tpu.memory_space<vmem>> -> memref<128xi32, #tpu.memory_space<vmem>>
        %dma_wait3A_159 = arith.constant 0 : i32
        %dma_wait3A_160 = arith.constant 0 : i32
        %dma_wait3A_161 = tpu.memref_slice %arg7[%dma_wait3A_159, %dma_wait3A_160] : memref<10112x128xf32, #tpu.memory_space<vmem_shared>> -> memref<10112x128xf32, #tpu.memory_space<vmem_shared>>
        tpu.wait_indirect_dma semaphore(%run_scoped3A_149 : memref<!tpu.dma_semaphore, #tpu.memory_space<semaphore_mem>>) src(%arg10 : memref<128x128xf32, #tpu.memory_space<vmem>>) dst(%dma_wait3A_161 : memref<10112x128xf32, #tpu.memory_space<vmem_shared>>)
        tpu.yield
      }) : () -> ()
      %dma_wait3A_141 = arith.constant 7 : i32
      %dma_wait3A_142 = arith.constant 0 : i32
      %dma_wait3A_143 = tpu.memref_slice %arg8[%dma_wait3A_141, %dma_wait3A_142] : memref<8x128xi32, #tpu.memory_space<vmem>> -> memref<1x128xi32, #tpu.memory_space<vmem>>
      %dma_wait3A_144 = tpu.memref_squeeze %dma_wait3A_143 : memref<1x128xi32, #tpu.memory_space<vmem>> -> memref<128xi32, #tpu.memory_space<vmem>>
      %dma_wait3A_145 = arith.constant 0 : i32
      %dma_wait3A_146 = arith.constant 0 : i32
      %dma_wait3A_147 = tpu.memref_slice %arg2[%dma_wait3A_145, %dma_wait3A_146] : memref<10000x128xf32, #tpu.memory_space<hbm>> -> memref<10000x128xf32, #tpu.memory_space<hbm>>
      tpu.wait_indirect_dma semaphore(%arg13 : memref<!tpu.dma_semaphore, #tpu.memory_space<semaphore_mem>>) src(%dma_wait3A_147 : memref<10000x128xf32, #tpu.memory_space<hbm>>) dst(%arg11 : memref<128x128xf32, #tpu.memory_space<vmem>>)
      %run_scoped3A_148 = arith.constant 7 : i32
      "tpu.region"() ({
        %run_scoped3A_149 = tpu.sem_alloc : memref<!tpu.dma_semaphore, #tpu.memory_space<semaphore_mem>>
        %dma_start3A_150 = arith.constant 0 : i32
        %dma_start3A_151 = tpu.memref_slice %arg9[%run_scoped3A_148, %dma_start3A_150] : memref<8x128xi32, #tpu.memory_space<vmem>> -> memref<1x128xi32, #tpu.memory_space<vmem>>
        %dma_start3A_152 = tpu.memref_squeeze %dma_start3A_151 : memref<1x128xi32, #tpu.memory_space<vmem>> -> memref<128xi32, #tpu.memory_space<vmem>>
        %dma_start3A_153 = arith.constant 0 : i32
        %dma_start3A_154 = arith.constant 0 : i32
        %dma_start3A_155 = tpu.memref_slice %arg7[%dma_start3A_153, %dma_start3A_154] : memref<10112x128xf32, #tpu.memory_space<vmem_shared>> -> memref<10112x128xf32, #tpu.memory_space<vmem_shared>>
        tpu.enqueue_indirect_dma source(%arg11 : memref<128x128xf32, #tpu.memory_space<vmem>>) target(%dma_start3A_155 : memref<10112x128xf32, #tpu.memory_space<vmem_shared>>) offsets(%dma_start3A_152 : memref<128xi32, #tpu.memory_space<vmem>>) semaphore(%run_scoped3A_149 : memref<!tpu.dma_semaphore, #tpu.memory_space<semaphore_mem>>) {add = true}
        %dma_wait3A_156 = arith.constant 0 : i32
        %dma_wait3A_157 = tpu.memref_slice %arg9[%run_scoped3A_148, %dma_wait3A_156] : memref<8x128xi32, #tpu.memory_space<vmem>> -> memref<1x128xi32, #tpu.memory_space<vmem>>
        %dma_wait3A_158 = tpu.memref_squeeze %dma_wait3A_157 : memref<1x128xi32, #tpu.memory_space<vmem>> -> memref<128xi32, #tpu.memory_space<vmem>>
        %dma_wait3A_159 = arith.constant 0 : i32
        %dma_wait3A_160 = arith.constant 0 : i32
        %dma_wait3A_161 = tpu.memref_slice %arg7[%dma_wait3A_159, %dma_wait3A_160] : memref<10112x128xf32, #tpu.memory_space<vmem_shared>> -> memref<10112x128xf32, #tpu.memory_space<vmem_shared>>
        tpu.wait_indirect_dma semaphore(%run_scoped3A_149 : memref<!tpu.dma_semaphore, #tpu.memory_space<semaphore_mem>>) src(%arg11 : memref<128x128xf32, #tpu.memory_space<vmem>>) dst(%dma_wait3A_161 : memref<10112x128xf32, #tpu.memory_space<vmem_shared>>)
        tpu.yield
      }) : () -> ()
    }
    %barrier3A_20 = arith.constant 0 : index
    tpu.barrier barrier_id(%barrier3A_20)
    %mul3A_21 = arith.constant 632 : i32
    %mul3A_22 = arith.muli %arg1, %mul3A_21 : i32
    %mul3A_23 = arith.constant 632 : i32
    %mul3A_24 = arith.muli %arg1, %mul3A_23 : i32
    "tpu.region"() ({
      %run_scoped3A = tpu.sem_alloc : memref<!tpu.dma_semaphore, #tpu.memory_space<semaphore_mem>>
      %dma_start3A = arith.constant 0 : i32
      %dma_start3A_25 = tpu.memref_slice %arg6[%arg0, %mul3A_24, %dma_start3A] : memref<2x10112x128xf32, #tpu.memory_space<hbm>> -> memref<1x632x128xf32, #tpu.memory_space<hbm>>
      %dma_start3A_26 = tpu.memref_squeeze %dma_start3A_25 : memref<1x632x128xf32, #tpu.memory_space<hbm>> -> memref<632x128xf32, #tpu.memory_space<hbm>>
      %dma_start3A_27 = arith.constant 0 : i32
      %dma_start3A_28 = tpu.memref_slice %arg7[%mul3A_22, %dma_start3A_27] : memref<10112x128xf32, #tpu.memory_space<vmem_shared>> -> memref<632x128xf32, #tpu.memory_space<vmem_shared>>
      tpu.enqueue_dma source(%dma_start3A_28 : memref<632x128xf32, #tpu.memory_space<vmem_shared>>) target(%dma_start3A_26 : memref<632x128xf32, #tpu.memory_space<hbm>>) target_semaphore(%run_scoped3A : memref<!tpu.dma_semaphore, #tpu.memory_space<semaphore_mem>>)
      %dma_wait3A = arith.constant 0 : i32
      %dma_wait3A_29 = tpu.memref_slice %arg6[%arg0, %mul3A_24, %dma_wait3A] : memref<2x10112x128xf32, #tpu.memory_space<hbm>> -> memref<1x632x128xf32, #tpu.memory_space<hbm>>
      %dma_wait3A_30 = tpu.memref_squeeze %dma_wait3A_29 : memref<1x632x128xf32, #tpu.memory_space<hbm>> -> memref<632x128xf32, #tpu.memory_space<hbm>>
      %dma_wait3A_31 = arith.constant 0 : i32
      %dma_wait3A_32 = tpu.memref_slice %arg7[%mul3A_22, %dma_wait3A_31] : memref<10112x128xf32, #tpu.memory_space<vmem_shared>> -> memref<632x128xf32, #tpu.memory_space<vmem_shared>>
      tpu.wait_dma2 semaphore(%run_scoped3A : memref<!tpu.dma_semaphore, #tpu.memory_space<semaphore_mem>>) src(%dma_wait3A_32 : memref<632x128xf32, #tpu.memory_space<vmem_shared>>) dst(%dma_wait3A_30 : memref<632x128xf32, #tpu.memory_space<hbm>>)
      tpu.yield
    }) : () -> ()
    return
  }
}

#map = affine_map<(d0, d1) -> (0, 0)>
#map1 = affine_map<(d0, d1) -> (0, 0, 0)>
module attributes {stable_mosaic.version = 14 : i64} {
  func.func @_sc_body(%arg0: i32, %arg1: i32, %arg2: memref<10000x128xf32, #tpu.memory_space<hbm>>, %arg3: memref<2560x128xi32, #tpu.memory_space<hbm>>, %arg4: memref<2560x128xi32, #tpu.memory_space<hbm>>, %arg5: memref<632x128xf32, #tpu.memory_space<hbm>>, %arg6: memref<2x10112x128xf32, #tpu.memory_space<hbm>>, %arg7: memref<10112x128xf32, #tpu.memory_space<vmem_shared>>, %arg8: memref<8x128xi32, #tpu.memory_space<vmem>>, %arg9: memref<8x128xi32, #tpu.memory_space<vmem>>, %arg10: memref<128x128xf32, #tpu.memory_space<vmem>>, %arg11: memref<128x128xf32, #tpu.memory_space<vmem>>, %arg12: memref<!tpu.dma_semaphore, #tpu.memory_space<semaphore_mem>>, %arg13: memref<!tpu.dma_semaphore, #tpu.memory_space<semaphore_mem>>) attributes {dimension_semantics = [#tpu.dimension_semantics<core_parallel>, #tpu.dimension_semantics<subcore_parallel>], iteration_bounds = array<i64: 2, 16>, scalar_prefetch = 0 : i64, scratch_operands = 7 : i64, tpu.core_type = #tpu.core_type<sc_vector_subcore>, window_params = [{transform_indices = #map}, {transform_indices = #map}, {transform_indices = #map}, {transform_indices = #map}, {transform_indices = #map1}]} {
    %eq3A = arith.constant 0 : i32
    %eq3A_0 = arith.cmpi eq, %arg0, %eq3A : i32
    %mul3A = arith.constant 80 : i32
    %mul3A_1 = arith.muli %arg1, %mul3A : i32
    %mul3A_2 = arith.constant 80 : i32
    %mul3A_3 = arith.muli %arg1, %mul3A_2 : i32
    %add3A = arith.constant 1280 : i32
    %add3A_4 = arith.addi %add3A, %mul3A_3 : i32
    %select_n3A = arith.select %eq3A_0, %mul3A_1, %add3A_4 : i32
    %eq3A_5 = arith.constant 0 : i32
    %eq3A_6 = arith.cmpi eq, %arg0, %eq3A_5 : i32
    %jit3A = arith.constant 10 : i32
    %jit3A_7 = arith.constant 10 : i32
    %select_n3A_8 = arith.select %eq3A_6, %jit3A, %jit3A_7 : i32
    %mul3A_9 = arith.constant 632 : i32
    %mul3A_10 = arith.muli %arg1, %mul3A_9 : i32
    "tpu.region"() ({
      %run_scoped3A = tpu.sem_alloc : memref<!tpu.dma_semaphore, #tpu.memory_space<semaphore_mem>>
      %dma_start3A = arith.constant 0 : i32
      %dma_start3A_25 = tpu.memref_slice %arg7[%mul3A_10, %dma_start3A] : memref<10112x128xf32, #tpu.memory_space<vmem_shared>> -> memref<632x128xf32, #tpu.memory_space<vmem_shared>>
      tpu.enqueue_dma source(%arg5 : memref<632x128xf32, #tpu.memory_space<hbm>>) target(%dma_start3A_25 : memref<632x128xf32, #tpu.memory_space<vmem_shared>>) target_semaphore(%run_scoped3A : memref<!tpu.dma_semaphore, #tpu.memory_space<semaphore_mem>>)
      %dma_wait3A = arith.constant 0 : i32
      %dma_wait3A_26 = tpu.memref_slice %arg7[%mul3A_10, %dma_wait3A] : memref<10112x128xf32, #tpu.memory_space<vmem_shared>> -> memref<632x128xf32, #tpu.memory_space<vmem_shared>>
      tpu.wait_dma2 semaphore(%run_scoped3A : memref<!tpu.dma_semaphore, #tpu.memory_space<semaphore_mem>>) src(%arg5 : memref<632x128xf32, #tpu.memory_space<hbm>>) dst(%dma_wait3A_26 : memref<632x128xf32, #tpu.memory_space<vmem_shared>>)
      tpu.yield
    }) : () -> ()
    %barrier3A = arith.constant 0 : index
    tpu.barrier barrier_id(%barrier3A)
    %while3A = arith.constant 0 : i32
    %while3A_11 = arith.constant 0 : i32
    %while3A_12 = arith.subi %select_n3A_8, %while3A_11 : i32
    %while3A_13 = arith.addi %while3A_11, %while3A_12 : i32
    %while3A_14 = arith.constant 1 : i32
    %while3A_15 = arith.divsi %while3A_12, %while3A_14 : i32
    %while3A_16 = arith.muli %while3A_15, %while3A_14 : i32
    %while3A_17 = arith.addi %while3A_11, %while3A_16 : i32
    %while3A_18 = arith.constant 1 : i32
    scf.for %while3A_25 = %while3A_11 to %while3A_17 step %while3A_18  : i32 {
      %mul3A_26 = arith.constant 8 : i32
      %mul3A_27 = arith.muli %while3A_25, %mul3A_26 : i32
      %add3A_28 = arith.addi %select_n3A, %mul3A_27 : i32
      "tpu.region"() ({
        %run_scoped3A_149 = tpu.sem_alloc : memref<!tpu.dma_semaphore, #tpu.memory_space<semaphore_mem>>
        %dma_start3A_150 = arith.constant 0 : i32
        %dma_start3A_151 = tpu.memref_slice %arg3[%add3A_28, %dma_start3A_150] : memref<2560x128xi32, #tpu.memory_space<hbm>> -> memref<8x128xi32, #tpu.memory_space<hbm>>
        %dma_start3A_152 = arith.constant 0 : i32
        %dma_start3A_153 = tpu.memref_slice %arg3[%add3A_28, %dma_start3A_152] : memref<2560x128xi32, #tpu.memory_space<hbm>> -> memref<8x128xi32, #tpu.memory_space<hbm>>
        tpu.enqueue_dma source(%dma_start3A_153 : memref<8x128xi32, #tpu.memory_space<hbm>>) target(%arg8 : memref<8x128xi32, #tpu.memory_space<vmem>>) target_semaphore(%run_scoped3A_149 : memref<!tpu.dma_semaphore, #tpu.memory_space<semaphore_mem>>)
        %dma_wait3A_154 = arith.constant 0 : i32
        %dma_wait3A_155 = tpu.memref_slice %arg3[%add3A_28, %dma_wait3A_154] : memref<2560x128xi32, #tpu.memory_space<hbm>> -> memref<8x128xi32, #tpu.memory_space<hbm>>
        %dma_wait3A_156 = arith.constant 0 : i32
        %dma_wait3A_157 = tpu.memref_slice %arg3[%add3A_28, %dma_wait3A_156] : memref<2560x128xi32, #tpu.memory_space<hbm>> -> memref<8x128xi32, #tpu.memory_space<hbm>>
        tpu.wait_dma2 semaphore(%run_scoped3A_149 : memref<!tpu.dma_semaphore, #tpu.memory_space<semaphore_mem>>) src(%dma_wait3A_157 : memref<8x128xi32, #tpu.memory_space<hbm>>) dst(%arg8 : memref<8x128xi32, #tpu.memory_space<vmem>>)
        tpu.yield
      }) : () -> ()
      %mul3A_29 = arith.constant 8 : i32
      %mul3A_30 = arith.muli %while3A_25, %mul3A_29 : i32
      %add3A_31 = arith.addi %select_n3A, %mul3A_30 : i32
      "tpu.region"() ({
        %run_scoped3A_149 = tpu.sem_alloc : memref<!tpu.dma_semaphore, #tpu.memory_space<semaphore_mem>>
        %dma_start3A_150 = arith.constant 0 : i32
        %dma_start3A_151 = tpu.memref_slice %arg4[%add3A_31, %dma_start3A_150] : memref<2560x128xi32, #tpu.memory_space<hbm>> -> memref<8x128xi32, #tpu.memory_space<hbm>>
        %dma_start3A_152 = arith.constant 0 : i32
        %dma_start3A_153 = tpu.memref_slice %arg4[%add3A_31, %dma_start3A_152] : memref<2560x128xi32, #tpu.memory_space<hbm>> -> memref<8x128xi32, #tpu.memory_space<hbm>>
        tpu.enqueue_dma source(%dma_start3A_153 : memref<8x128xi32, #tpu.memory_space<hbm>>) target(%arg9 : memref<8x128xi32, #tpu.memory_space<vmem>>) target_semaphore(%run_scoped3A_149 : memref<!tpu.dma_semaphore, #tpu.memory_space<semaphore_mem>>)
        %dma_wait3A_154 = arith.constant 0 : i32
        %dma_wait3A_155 = tpu.memref_slice %arg4[%add3A_31, %dma_wait3A_154] : memref<2560x128xi32, #tpu.memory_space<hbm>> -> memref<8x128xi32, #tpu.memory_space<hbm>>
        %dma_wait3A_156 = arith.constant 0 : i32
        %dma_wait3A_157 = tpu.memref_slice %arg4[%add3A_31, %dma_wait3A_156] : memref<2560x128xi32, #tpu.memory_space<hbm>> -> memref<8x128xi32, #tpu.memory_space<hbm>>
        tpu.wait_dma2 semaphore(%run_scoped3A_149 : memref<!tpu.dma_semaphore, #tpu.memory_space<semaphore_mem>>) src(%dma_wait3A_157 : memref<8x128xi32, #tpu.memory_space<hbm>>) dst(%arg9 : memref<8x128xi32, #tpu.memory_space<vmem>>)
        tpu.yield
      }) : () -> ()
      %dma_start3A = arith.constant 0 : i32
      %dma_start3A_32 = arith.constant 0 : i32
      %dma_start3A_33 = tpu.memref_slice %arg8[%dma_start3A, %dma_start3A_32] : memref<8x128xi32, #tpu.memory_space<vmem>> -> memref<1x128xi32, #tpu.memory_space<vmem>>
      %dma_start3A_34 = tpu.memref_squeeze %dma_start3A_33 : memref<1x128xi32, #tpu.memory_space<vmem>> -> memref<128xi32, #tpu.memory_space<vmem>>
      %dma_start3A_35 = arith.constant 0 : i32
      %dma_start3A_36 = arith.constant 0 : i32
      %dma_start3A_37 = tpu.memref_slice %arg2[%dma_start3A_35, %dma_start3A_36] : memref<10000x128xf32, #tpu.memory_space<hbm>> -> memref<10000x128xf32, #tpu.memory_space<hbm>>
      tpu.enqueue_indirect_dma source(%dma_start3A_37 : memref<10000x128xf32, #tpu.memory_space<hbm>>) target(%arg10 : memref<128x128xf32, #tpu.memory_space<vmem>>) offsets(%dma_start3A_34 : memref<128xi32, #tpu.memory_space<vmem>>) semaphore(%arg12 : memref<!tpu.dma_semaphore, #tpu.memory_space<semaphore_mem>>)
      %dma_start3A_38 = arith.constant 1 : i32
      %dma_start3A_39 = arith.constant 0 : i32
      %dma_start3A_40 = tpu.memref_slice %arg8[%dma_start3A_38, %dma_start3A_39] : memref<8x128xi32, #tpu.memory_space<vmem>> -> memref<1x128xi32, #tpu.memory_space<vmem>>
      %dma_start3A_41 = tpu.memref_squeeze %dma_start3A_40 : memref<1x128xi32, #tpu.memory_space<vmem>> -> memref<128xi32, #tpu.memory_space<vmem>>
      %dma_start3A_42 = arith.constant 0 : i32
      %dma_start3A_43 = arith.constant 0 : i32
      %dma_start3A_44 = tpu.memref_slice %arg2[%dma_start3A_42, %dma_start3A_43] : memref<10000x128xf32, #tpu.memory_space<hbm>> -> memref<10000x128xf32, #tpu.memory_space<hbm>>
      tpu.enqueue_indirect_dma source(%dma_start3A_44 : memref<10000x128xf32, #tpu.memory_space<hbm>>) target(%arg11 : memref<128x128xf32, #tpu.memory_space<vmem>>) offsets(%dma_start3A_41 : memref<128xi32, #tpu.memory_space<vmem>>) semaphore(%arg13 : memref<!tpu.dma_semaphore, #tpu.memory_space<semaphore_mem>>)
      %dma_wait3A = arith.constant 0 : i32
      %dma_wait3A_45 = arith.constant 0 : i32
      %dma_wait3A_46 = tpu.memref_slice %arg8[%dma_wait3A, %dma_wait3A_45] : memref<8x128xi32, #tpu.memory_space<vmem>> -> memref<1x128xi32, #tpu.memory_space<vmem>>
      %dma_wait3A_47 = tpu.memref_squeeze %dma_wait3A_46 : memref<1x128xi32, #tpu.memory_space<vmem>> -> memref<128xi32, #tpu.memory_space<vmem>>
      %dma_wait3A_48 = arith.constant 0 : i32
      %dma_wait3A_49 = arith.constant 0 : i32
      %dma_wait3A_50 = tpu.memref_slice %arg2[%dma_wait3A_48, %dma_wait3A_49] : memref<10000x128xf32, #tpu.memory_space<hbm>> -> memref<10000x128xf32, #tpu.memory_space<hbm>>
      tpu.wait_indirect_dma semaphore(%arg12 : memref<!tpu.dma_semaphore, #tpu.memory_space<semaphore_mem>>) src(%dma_wait3A_50 : memref<10000x128xf32, #tpu.memory_space<hbm>>) dst(%arg10 : memref<128x128xf32, #tpu.memory_space<vmem>>)
      %run_scoped3A = arith.constant 0 : i32
      "tpu.region"() ({
        %run_scoped3A_149 = tpu.sem_alloc : memref<!tpu.dma_semaphore, #tpu.memory_space<semaphore_mem>>
        %dma_start3A_150 = arith.constant 0 : i32
        %dma_start3A_151 = tpu.memref_slice %arg9[%run_scoped3A, %dma_start3A_150] : memref<8x128xi32, #tpu.memory_space<vmem>> -> memref<1x128xi32, #tpu.memory_space<vmem>>
        %dma_start3A_152 = tpu.memref_squeeze %dma_start3A_151 : memref<1x128xi32, #tpu.memory_space<vmem>> -> memref<128xi32, #tpu.memory_space<vmem>>
        %dma_start3A_153 = arith.constant 0 : i32
        %dma_start3A_154 = arith.constant 0 : i32
        %dma_start3A_155 = tpu.memref_slice %arg7[%dma_start3A_153, %dma_start3A_154] : memref<10112x128xf32, #tpu.memory_space<vmem_shared>> -> memref<10112x128xf32, #tpu.memory_space<vmem_shared>>
        tpu.enqueue_indirect_dma source(%arg10 : memref<128x128xf32, #tpu.memory_space<vmem>>) target(%dma_start3A_155 : memref<10112x128xf32, #tpu.memory_space<vmem_shared>>) offsets(%dma_start3A_152 : memref<128xi32, #tpu.memory_space<vmem>>) semaphore(%run_scoped3A_149 : memref<!tpu.dma_semaphore, #tpu.memory_space<semaphore_mem>>) {add = true}
        %dma_wait3A_156 = arith.constant 0 : i32
        %dma_wait3A_157 = tpu.memref_slice %arg9[%run_scoped3A, %dma_wait3A_156] : memref<8x128xi32, #tpu.memory_space<vmem>> -> memref<1x128xi32, #tpu.memory_space<vmem>>
        %dma_wait3A_158 = tpu.memref_squeeze %dma_wait3A_157 : memref<1x128xi32, #tpu.memory_space<vmem>> -> memref<128xi32, #tpu.memory_space<vmem>>
        %dma_wait3A_159 = arith.constant 0 : i32
        %dma_wait3A_160 = arith.constant 0 : i32
        %dma_wait3A_161 = tpu.memref_slice %arg7[%dma_wait3A_159, %dma_wait3A_160] : memref<10112x128xf32, #tpu.memory_space<vmem_shared>> -> memref<10112x128xf32, #tpu.memory_space<vmem_shared>>
        tpu.wait_indirect_dma semaphore(%run_scoped3A_149 : memref<!tpu.dma_semaphore, #tpu.memory_space<semaphore_mem>>) src(%arg10 : memref<128x128xf32, #tpu.memory_space<vmem>>) dst(%dma_wait3A_161 : memref<10112x128xf32, #tpu.memory_space<vmem_shared>>)
        tpu.yield
      }) : () -> ()
      %dma_start3A_51 = arith.constant 2 : i32
      %dma_start3A_52 = arith.constant 0 : i32
      %dma_start3A_53 = tpu.memref_slice %arg8[%dma_start3A_51, %dma_start3A_52] : memref<8x128xi32, #tpu.memory_space<vmem>> -> memref<1x128xi32, #tpu.memory_space<vmem>>
      %dma_start3A_54 = tpu.memref_squeeze %dma_start3A_53 : memref<1x128xi32, #tpu.memory_space<vmem>> -> memref<128xi32, #tpu.memory_space<vmem>>
      %dma_start3A_55 = arith.constant 0 : i32
      %dma_start3A_56 = arith.constant 0 : i32
      %dma_start3A_57 = tpu.memref_slice %arg2[%dma_start3A_55, %dma_start3A_56] : memref<10000x128xf32, #tpu.memory_space<hbm>> -> memref<10000x128xf32, #tpu.memory_space<hbm>>
      tpu.enqueue_indirect_dma source(%dma_start3A_57 : memref<10000x128xf32, #tpu.memory_space<hbm>>) target(%arg10 : memref<128x128xf32, #tpu.memory_space<vmem>>) offsets(%dma_start3A_54 : memref<128xi32, #tpu.memory_space<vmem>>) semaphore(%arg12 : memref<!tpu.dma_semaphore, #tpu.memory_space<semaphore_mem>>)
      %dma_wait3A_58 = arith.constant 1 : i32
      %dma_wait3A_59 = arith.constant 0 : i32
      %dma_wait3A_60 = tpu.memref_slice %arg8[%dma_wait3A_58, %dma_wait3A_59] : memref<8x128xi32, #tpu.memory_space<vmem>> -> memref<1x128xi32, #tpu.memory_space<vmem>>
      %dma_wait3A_61 = tpu.memref_squeeze %dma_wait3A_60 : memref<1x128xi32, #tpu.memory_space<vmem>> -> memref<128xi32, #tpu.memory_space<vmem>>
      %dma_wait3A_62 = arith.constant 0 : i32
      %dma_wait3A_63 = arith.constant 0 : i32
      %dma_wait3A_64 = tpu.memref_slice %arg2[%dma_wait3A_62, %dma_wait3A_63] : memref<10000x128xf32, #tpu.memory_space<hbm>> -> memref<10000x128xf32, #tpu.memory_space<hbm>>
      tpu.wait_indirect_dma semaphore(%arg13 : memref<!tpu.dma_semaphore, #tpu.memory_space<semaphore_mem>>) src(%dma_wait3A_64 : memref<10000x128xf32, #tpu.memory_space<hbm>>) dst(%arg11 : memref<128x128xf32, #tpu.memory_space<vmem>>)
      %run_scoped3A_65 = arith.constant 1 : i32
      "tpu.region"() ({
        %run_scoped3A_149 = tpu.sem_alloc : memref<!tpu.dma_semaphore, #tpu.memory_space<semaphore_mem>>
        %dma_start3A_150 = arith.constant 0 : i32
        %dma_start3A_151 = tpu.memref_slice %arg9[%run_scoped3A_65, %dma_start3A_150] : memref<8x128xi32, #tpu.memory_space<vmem>> -> memref<1x128xi32, #tpu.memory_space<vmem>>
        %dma_start3A_152 = tpu.memref_squeeze %dma_start3A_151 : memref<1x128xi32, #tpu.memory_space<vmem>> -> memref<128xi32, #tpu.memory_space<vmem>>
        %dma_start3A_153 = arith.constant 0 : i32
        %dma_start3A_154 = arith.constant 0 : i32
        %dma_start3A_155 = tpu.memref_slice %arg7[%dma_start3A_153, %dma_start3A_154] : memref<10112x128xf32, #tpu.memory_space<vmem_shared>> -> memref<10112x128xf32, #tpu.memory_space<vmem_shared>>
        tpu.enqueue_indirect_dma source(%arg11 : memref<128x128xf32, #tpu.memory_space<vmem>>) target(%dma_start3A_155 : memref<10112x128xf32, #tpu.memory_space<vmem_shared>>) offsets(%dma_start3A_152 : memref<128xi32, #tpu.memory_space<vmem>>) semaphore(%run_scoped3A_149 : memref<!tpu.dma_semaphore, #tpu.memory_space<semaphore_mem>>) {add = true}
        %dma_wait3A_156 = arith.constant 0 : i32
        %dma_wait3A_157 = tpu.memref_slice %arg9[%run_scoped3A_65, %dma_wait3A_156] : memref<8x128xi32, #tpu.memory_space<vmem>> -> memref<1x128xi32, #tpu.memory_space<vmem>>
        %dma_wait3A_158 = tpu.memref_squeeze %dma_wait3A_157 : memref<1x128xi32, #tpu.memory_space<vmem>> -> memref<128xi32, #tpu.memory_space<vmem>>
        %dma_wait3A_159 = arith.constant 0 : i32
        %dma_wait3A_160 = arith.constant 0 : i32
        %dma_wait3A_161 = tpu.memref_slice %arg7[%dma_wait3A_159, %dma_wait3A_160] : memref<10112x128xf32, #tpu.memory_space<vmem_shared>> -> memref<10112x128xf32, #tpu.memory_space<vmem_shared>>
        tpu.wait_indirect_dma semaphore(%run_scoped3A_149 : memref<!tpu.dma_semaphore, #tpu.memory_space<semaphore_mem>>) src(%arg11 : memref<128x128xf32, #tpu.memory_space<vmem>>) dst(%dma_wait3A_161 : memref<10112x128xf32, #tpu.memory_space<vmem_shared>>)
        tpu.yield
      }) : () -> ()
      %dma_start3A_66 = arith.constant 3 : i32
      %dma_start3A_67 = arith.constant 0 : i32
      %dma_start3A_68 = tpu.memref_slice %arg8[%dma_start3A_66, %dma_start3A_67] : memref<8x128xi32, #tpu.memory_space<vmem>> -> memref<1x128xi32, #tpu.memory_space<vmem>>
      %dma_start3A_69 = tpu.memref_squeeze %dma_start3A_68 : memref<1x128xi32, #tpu.memory_space<vmem>> -> memref<128xi32, #tpu.memory_space<vmem>>
      %dma_start3A_70 = arith.constant 0 : i32
      %dma_start3A_71 = arith.constant 0 : i32
      %dma_start3A_72 = tpu.memref_slice %arg2[%dma_start3A_70, %dma_start3A_71] : memref<10000x128xf32, #tpu.memory_space<hbm>> -> memref<10000x128xf32, #tpu.memory_space<hbm>>
      tpu.enqueue_indirect_dma source(%dma_start3A_72 : memref<10000x128xf32, #tpu.memory_space<hbm>>) target(%arg11 : memref<128x128xf32, #tpu.memory_space<vmem>>) offsets(%dma_start3A_69 : memref<128xi32, #tpu.memory_space<vmem>>) semaphore(%arg13 : memref<!tpu.dma_semaphore, #tpu.memory_space<semaphore_mem>>)
      %dma_wait3A_73 = arith.constant 2 : i32
      %dma_wait3A_74 = arith.constant 0 : i32
      %dma_wait3A_75 = tpu.memref_slice %arg8[%dma_wait3A_73, %dma_wait3A_74] : memref<8x128xi32, #tpu.memory_space<vmem>> -> memref<1x128xi32, #tpu.memory_space<vmem>>
      %dma_wait3A_76 = tpu.memref_squeeze %dma_wait3A_75 : memref<1x128xi32, #tpu.memory_space<vmem>> -> memref<128xi32, #tpu.memory_space<vmem>>
      %dma_wait3A_77 = arith.constant 0 : i32
      %dma_wait3A_78 = arith.constant 0 : i32
      %dma_wait3A_79 = tpu.memref_slice %arg2[%dma_wait3A_77, %dma_wait3A_78] : memref<10000x128xf32, #tpu.memory_space<hbm>> -> memref<10000x128xf32, #tpu.memory_space<hbm>>
      tpu.wait_indirect_dma semaphore(%arg12 : memref<!tpu.dma_semaphore, #tpu.memory_space<semaphore_mem>>) src(%dma_wait3A_79 : memref<10000x128xf32, #tpu.memory_space<hbm>>) dst(%arg10 : memref<128x128xf32, #tpu.memory_space<vmem>>)
      %run_scoped3A_80 = arith.constant 2 : i32
      "tpu.region"() ({
        %run_scoped3A_149 = tpu.sem_alloc : memref<!tpu.dma_semaphore, #tpu.memory_space<semaphore_mem>>
        %dma_start3A_150 = arith.constant 0 : i32
        %dma_start3A_151 = tpu.memref_slice %arg9[%run_scoped3A_80, %dma_start3A_150] : memref<8x128xi32, #tpu.memory_space<vmem>> -> memref<1x128xi32, #tpu.memory_space<vmem>>
        %dma_start3A_152 = tpu.memref_squeeze %dma_start3A_151 : memref<1x128xi32, #tpu.memory_space<vmem>> -> memref<128xi32, #tpu.memory_space<vmem>>
        %dma_start3A_153 = arith.constant 0 : i32
        %dma_start3A_154 = arith.constant 0 : i32
        %dma_start3A_155 = tpu.memref_slice %arg7[%dma_start3A_153, %dma_start3A_154] : memref<10112x128xf32, #tpu.memory_space<vmem_shared>> -> memref<10112x128xf32, #tpu.memory_space<vmem_shared>>
        tpu.enqueue_indirect_dma source(%arg10 : memref<128x128xf32, #tpu.memory_space<vmem>>) target(%dma_start3A_155 : memref<10112x128xf32, #tpu.memory_space<vmem_shared>>) offsets(%dma_start3A_152 : memref<128xi32, #tpu.memory_space<vmem>>) semaphore(%run_scoped3A_149 : memref<!tpu.dma_semaphore, #tpu.memory_space<semaphore_mem>>) {add = true}
        %dma_wait3A_156 = arith.constant 0 : i32
        %dma_wait3A_157 = tpu.memref_slice %arg9[%run_scoped3A_80, %dma_wait3A_156] : memref<8x128xi32, #tpu.memory_space<vmem>> -> memref<1x128xi32, #tpu.memory_space<vmem>>
        %dma_wait3A_158 = tpu.memref_squeeze %dma_wait3A_157 : memref<1x128xi32, #tpu.memory_space<vmem>> -> memref<128xi32, #tpu.memory_space<vmem>>
        %dma_wait3A_159 = arith.constant 0 : i32
        %dma_wait3A_160 = arith.constant 0 : i32
        %dma_wait3A_161 = tpu.memref_slice %arg7[%dma_wait3A_159, %dma_wait3A_160] : memref<10112x128xf32, #tpu.memory_space<vmem_shared>> -> memref<10112x128xf32, #tpu.memory_space<vmem_shared>>
        tpu.wait_indirect_dma semaphore(%run_scoped3A_149 : memref<!tpu.dma_semaphore, #tpu.memory_space<semaphore_mem>>) src(%arg10 : memref<128x128xf32, #tpu.memory_space<vmem>>) dst(%dma_wait3A_161 : memref<10112x128xf32, #tpu.memory_space<vmem_shared>>)
        tpu.yield
      }) : () -> ()
      %dma_start3A_81 = arith.constant 4 : i32
      %dma_start3A_82 = arith.constant 0 : i32
      %dma_start3A_83 = tpu.memref_slice %arg8[%dma_start3A_81, %dma_start3A_82] : memref<8x128xi32, #tpu.memory_space<vmem>> -> memref<1x128xi32, #tpu.memory_space<vmem>>
      %dma_start3A_84 = tpu.memref_squeeze %dma_start3A_83 : memref<1x128xi32, #tpu.memory_space<vmem>> -> memref<128xi32, #tpu.memory_space<vmem>>
      %dma_start3A_85 = arith.constant 0 : i32
      %dma_start3A_86 = arith.constant 0 : i32
      %dma_start3A_87 = tpu.memref_slice %arg2[%dma_start3A_85, %dma_start3A_86] : memref<10000x128xf32, #tpu.memory_space<hbm>> -> memref<10000x128xf32, #tpu.memory_space<hbm>>
      tpu.enqueue_indirect_dma source(%dma_start3A_87 : memref<10000x128xf32, #tpu.memory_space<hbm>>) target(%arg10 : memref<128x128xf32, #tpu.memory_space<vmem>>) offsets(%dma_start3A_84 : memref<128xi32, #tpu.memory_space<vmem>>) semaphore(%arg12 : memref<!tpu.dma_semaphore, #tpu.memory_space<semaphore_mem>>)
      %dma_wait3A_88 = arith.constant 3 : i32
      %dma_wait3A_89 = arith.constant 0 : i32
      %dma_wait3A_90 = tpu.memref_slice %arg8[%dma_wait3A_88, %dma_wait3A_89] : memref<8x128xi32, #tpu.memory_space<vmem>> -> memref<1x128xi32, #tpu.memory_space<vmem>>
      %dma_wait3A_91 = tpu.memref_squeeze %dma_wait3A_90 : memref<1x128xi32, #tpu.memory_space<vmem>> -> memref<128xi32, #tpu.memory_space<vmem>>
      %dma_wait3A_92 = arith.constant 0 : i32
      %dma_wait3A_93 = arith.constant 0 : i32
      %dma_wait3A_94 = tpu.memref_slice %arg2[%dma_wait3A_92, %dma_wait3A_93] : memref<10000x128xf32, #tpu.memory_space<hbm>> -> memref<10000x128xf32, #tpu.memory_space<hbm>>
      tpu.wait_indirect_dma semaphore(%arg13 : memref<!tpu.dma_semaphore, #tpu.memory_space<semaphore_mem>>) src(%dma_wait3A_94 : memref<10000x128xf32, #tpu.memory_space<hbm>>) dst(%arg11 : memref<128x128xf32, #tpu.memory_space<vmem>>)
      %run_scoped3A_95 = arith.constant 3 : i32
      "tpu.region"() ({
        %run_scoped3A_149 = tpu.sem_alloc : memref<!tpu.dma_semaphore, #tpu.memory_space<semaphore_mem>>
        %dma_start3A_150 = arith.constant 0 : i32
        %dma_start3A_151 = tpu.memref_slice %arg9[%run_scoped3A_95, %dma_start3A_150] : memref<8x128xi32, #tpu.memory_space<vmem>> -> memref<1x128xi32, #tpu.memory_space<vmem>>
        %dma_start3A_152 = tpu.memref_squeeze %dma_start3A_151 : memref<1x128xi32, #tpu.memory_space<vmem>> -> memref<128xi32, #tpu.memory_space<vmem>>
        %dma_start3A_153 = arith.constant 0 : i32
        %dma_start3A_154 = arith.constant 0 : i32
        %dma_start3A_155 = tpu.memref_slice %arg7[%dma_start3A_153, %dma_start3A_154] : memref<10112x128xf32, #tpu.memory_space<vmem_shared>> -> memref<10112x128xf32, #tpu.memory_space<vmem_shared>>
        tpu.enqueue_indirect_dma source(%arg11 : memref<128x128xf32, #tpu.memory_space<vmem>>) target(%dma_start3A_155 : memref<10112x128xf32, #tpu.memory_space<vmem_shared>>) offsets(%dma_start3A_152 : memref<128xi32, #tpu.memory_space<vmem>>) semaphore(%run_scoped3A_149 : memref<!tpu.dma_semaphore, #tpu.memory_space<semaphore_mem>>) {add = true}
        %dma_wait3A_156 = arith.constant 0 : i32
        %dma_wait3A_157 = tpu.memref_slice %arg9[%run_scoped3A_95, %dma_wait3A_156] : memref<8x128xi32, #tpu.memory_space<vmem>> -> memref<1x128xi32, #tpu.memory_space<vmem>>
        %dma_wait3A_158 = tpu.memref_squeeze %dma_wait3A_157 : memref<1x128xi32, #tpu.memory_space<vmem>> -> memref<128xi32, #tpu.memory_space<vmem>>
        %dma_wait3A_159 = arith.constant 0 : i32
        %dma_wait3A_160 = arith.constant 0 : i32
        %dma_wait3A_161 = tpu.memref_slice %arg7[%dma_wait3A_159, %dma_wait3A_160] : memref<10112x128xf32, #tpu.memory_space<vmem_shared>> -> memref<10112x128xf32, #tpu.memory_space<vmem_shared>>
        tpu.wait_indirect_dma semaphore(%run_scoped3A_149 : memref<!tpu.dma_semaphore, #tpu.memory_space<semaphore_mem>>) src(%arg11 : memref<128x128xf32, #tpu.memory_space<vmem>>) dst(%dma_wait3A_161 : memref<10112x128xf32, #tpu.memory_space<vmem_shared>>)
        tpu.yield
      }) : () -> ()
      %dma_start3A_96 = arith.constant 5 : i32
      %dma_start3A_97 = arith.constant 0 : i32
      %dma_start3A_98 = tpu.memref_slice %arg8[%dma_start3A_96, %dma_start3A_97] : memref<8x128xi32, #tpu.memory_space<vmem>> -> memref<1x128xi32, #tpu.memory_space<vmem>>
      %dma_start3A_99 = tpu.memref_squeeze %dma_start3A_98 : memref<1x128xi32, #tpu.memory_space<vmem>> -> memref<128xi32, #tpu.memory_space<vmem>>
      %dma_start3A_100 = arith.constant 0 : i32
      %dma_start3A_101 = arith.constant 0 : i32
      %dma_start3A_102 = tpu.memref_slice %arg2[%dma_start3A_100, %dma_start3A_101] : memref<10000x128xf32, #tpu.memory_space<hbm>> -> memref<10000x128xf32, #tpu.memory_space<hbm>>
      tpu.enqueue_indirect_dma source(%dma_start3A_102 : memref<10000x128xf32, #tpu.memory_space<hbm>>) target(%arg11 : memref<128x128xf32, #tpu.memory_space<vmem>>) offsets(%dma_start3A_99 : memref<128xi32, #tpu.memory_space<vmem>>) semaphore(%arg13 : memref<!tpu.dma_semaphore, #tpu.memory_space<semaphore_mem>>)
      %dma_wait3A_103 = arith.constant 4 : i32
      %dma_wait3A_104 = arith.constant 0 : i32
      %dma_wait3A_105 = tpu.memref_slice %arg8[%dma_wait3A_103, %dma_wait3A_104] : memref<8x128xi32, #tpu.memory_space<vmem>> -> memref<1x128xi32, #tpu.memory_space<vmem>>
      %dma_wait3A_106 = tpu.memref_squeeze %dma_wait3A_105 : memref<1x128xi32, #tpu.memory_space<vmem>> -> memref<128xi32, #tpu.memory_space<vmem>>
      %dma_wait3A_107 = arith.constant 0 : i32
      %dma_wait3A_108 = arith.constant 0 : i32
      %dma_wait3A_109 = tpu.memref_slice %arg2[%dma_wait3A_107, %dma_wait3A_108] : memref<10000x128xf32, #tpu.memory_space<hbm>> -> memref<10000x128xf32, #tpu.memory_space<hbm>>
      tpu.wait_indirect_dma semaphore(%arg12 : memref<!tpu.dma_semaphore, #tpu.memory_space<semaphore_mem>>) src(%dma_wait3A_109 : memref<10000x128xf32, #tpu.memory_space<hbm>>) dst(%arg10 : memref<128x128xf32, #tpu.memory_space<vmem>>)
      %run_scoped3A_110 = arith.constant 4 : i32
      "tpu.region"() ({
        %run_scoped3A_149 = tpu.sem_alloc : memref<!tpu.dma_semaphore, #tpu.memory_space<semaphore_mem>>
        %dma_start3A_150 = arith.constant 0 : i32
        %dma_start3A_151 = tpu.memref_slice %arg9[%run_scoped3A_110, %dma_start3A_150] : memref<8x128xi32, #tpu.memory_space<vmem>> -> memref<1x128xi32, #tpu.memory_space<vmem>>
        %dma_start3A_152 = tpu.memref_squeeze %dma_start3A_151 : memref<1x128xi32, #tpu.memory_space<vmem>> -> memref<128xi32, #tpu.memory_space<vmem>>
        %dma_start3A_153 = arith.constant 0 : i32
        %dma_start3A_154 = arith.constant 0 : i32
        %dma_start3A_155 = tpu.memref_slice %arg7[%dma_start3A_153, %dma_start3A_154] : memref<10112x128xf32, #tpu.memory_space<vmem_shared>> -> memref<10112x128xf32, #tpu.memory_space<vmem_shared>>
        tpu.enqueue_indirect_dma source(%arg10 : memref<128x128xf32, #tpu.memory_space<vmem>>) target(%dma_start3A_155 : memref<10112x128xf32, #tpu.memory_space<vmem_shared>>) offsets(%dma_start3A_152 : memref<128xi32, #tpu.memory_space<vmem>>) semaphore(%run_scoped3A_149 : memref<!tpu.dma_semaphore, #tpu.memory_space<semaphore_mem>>) {add = true}
        %dma_wait3A_156 = arith.constant 0 : i32
        %dma_wait3A_157 = tpu.memref_slice %arg9[%run_scoped3A_110, %dma_wait3A_156] : memref<8x128xi32, #tpu.memory_space<vmem>> -> memref<1x128xi32, #tpu.memory_space<vmem>>
        %dma_wait3A_158 = tpu.memref_squeeze %dma_wait3A_157 : memref<1x128xi32, #tpu.memory_space<vmem>> -> memref<128xi32, #tpu.memory_space<vmem>>
        %dma_wait3A_159 = arith.constant 0 : i32
        %dma_wait3A_160 = arith.constant 0 : i32
        %dma_wait3A_161 = tpu.memref_slice %arg7[%dma_wait3A_159, %dma_wait3A_160] : memref<10112x128xf32, #tpu.memory_space<vmem_shared>> -> memref<10112x128xf32, #tpu.memory_space<vmem_shared>>
        tpu.wait_indirect_dma semaphore(%run_scoped3A_149 : memref<!tpu.dma_semaphore, #tpu.memory_space<semaphore_mem>>) src(%arg10 : memref<128x128xf32, #tpu.memory_space<vmem>>) dst(%dma_wait3A_161 : memref<10112x128xf32, #tpu.memory_space<vmem_shared>>)
        tpu.yield
      }) : () -> ()
      %dma_start3A_111 = arith.constant 6 : i32
      %dma_start3A_112 = arith.constant 0 : i32
      %dma_start3A_113 = tpu.memref_slice %arg8[%dma_start3A_111, %dma_start3A_112] : memref<8x128xi32, #tpu.memory_space<vmem>> -> memref<1x128xi32, #tpu.memory_space<vmem>>
      %dma_start3A_114 = tpu.memref_squeeze %dma_start3A_113 : memref<1x128xi32, #tpu.memory_space<vmem>> -> memref<128xi32, #tpu.memory_space<vmem>>
      %dma_start3A_115 = arith.constant 0 : i32
      %dma_start3A_116 = arith.constant 0 : i32
      %dma_start3A_117 = tpu.memref_slice %arg2[%dma_start3A_115, %dma_start3A_116] : memref<10000x128xf32, #tpu.memory_space<hbm>> -> memref<10000x128xf32, #tpu.memory_space<hbm>>
      tpu.enqueue_indirect_dma source(%dma_start3A_117 : memref<10000x128xf32, #tpu.memory_space<hbm>>) target(%arg10 : memref<128x128xf32, #tpu.memory_space<vmem>>) offsets(%dma_start3A_114 : memref<128xi32, #tpu.memory_space<vmem>>) semaphore(%arg12 : memref<!tpu.dma_semaphore, #tpu.memory_space<semaphore_mem>>)
      %dma_wait3A_118 = arith.constant 5 : i32
      %dma_wait3A_119 = arith.constant 0 : i32
      %dma_wait3A_120 = tpu.memref_slice %arg8[%dma_wait3A_118, %dma_wait3A_119] : memref<8x128xi32, #tpu.memory_space<vmem>> -> memref<1x128xi32, #tpu.memory_space<vmem>>
      %dma_wait3A_121 = tpu.memref_squeeze %dma_wait3A_120 : memref<1x128xi32, #tpu.memory_space<vmem>> -> memref<128xi32, #tpu.memory_space<vmem>>
      %dma_wait3A_122 = arith.constant 0 : i32
      %dma_wait3A_123 = arith.constant 0 : i32
      %dma_wait3A_124 = tpu.memref_slice %arg2[%dma_wait3A_122, %dma_wait3A_123] : memref<10000x128xf32, #tpu.memory_space<hbm>> -> memref<10000x128xf32, #tpu.memory_space<hbm>>
      tpu.wait_indirect_dma semaphore(%arg13 : memref<!tpu.dma_semaphore, #tpu.memory_space<semaphore_mem>>) src(%dma_wait3A_124 : memref<10000x128xf32, #tpu.memory_space<hbm>>) dst(%arg11 : memref<128x128xf32, #tpu.memory_space<vmem>>)
      %run_scoped3A_125 = arith.constant 5 : i32
      "tpu.region"() ({
        %run_scoped3A_149 = tpu.sem_alloc : memref<!tpu.dma_semaphore, #tpu.memory_space<semaphore_mem>>
        %dma_start3A_150 = arith.constant 0 : i32
        %dma_start3A_151 = tpu.memref_slice %arg9[%run_scoped3A_125, %dma_start3A_150] : memref<8x128xi32, #tpu.memory_space<vmem>> -> memref<1x128xi32, #tpu.memory_space<vmem>>
        %dma_start3A_152 = tpu.memref_squeeze %dma_start3A_151 : memref<1x128xi32, #tpu.memory_space<vmem>> -> memref<128xi32, #tpu.memory_space<vmem>>
        %dma_start3A_153 = arith.constant 0 : i32
        %dma_start3A_154 = arith.constant 0 : i32
        %dma_start3A_155 = tpu.memref_slice %arg7[%dma_start3A_153, %dma_start3A_154] : memref<10112x128xf32, #tpu.memory_space<vmem_shared>> -> memref<10112x128xf32, #tpu.memory_space<vmem_shared>>
        tpu.enqueue_indirect_dma source(%arg11 : memref<128x128xf32, #tpu.memory_space<vmem>>) target(%dma_start3A_155 : memref<10112x128xf32, #tpu.memory_space<vmem_shared>>) offsets(%dma_start3A_152 : memref<128xi32, #tpu.memory_space<vmem>>) semaphore(%run_scoped3A_149 : memref<!tpu.dma_semaphore, #tpu.memory_space<semaphore_mem>>) {add = true}
        %dma_wait3A_156 = arith.constant 0 : i32
        %dma_wait3A_157 = tpu.memref_slice %arg9[%run_scoped3A_125, %dma_wait3A_156] : memref<8x128xi32, #tpu.memory_space<vmem>> -> memref<1x128xi32, #tpu.memory_space<vmem>>
        %dma_wait3A_158 = tpu.memref_squeeze %dma_wait3A_157 : memref<1x128xi32, #tpu.memory_space<vmem>> -> memref<128xi32, #tpu.memory_space<vmem>>
        %dma_wait3A_159 = arith.constant 0 : i32
        %dma_wait3A_160 = arith.constant 0 : i32
        %dma_wait3A_161 = tpu.memref_slice %arg7[%dma_wait3A_159, %dma_wait3A_160] : memref<10112x128xf32, #tpu.memory_space<vmem_shared>> -> memref<10112x128xf32, #tpu.memory_space<vmem_shared>>
        tpu.wait_indirect_dma semaphore(%run_scoped3A_149 : memref<!tpu.dma_semaphore, #tpu.memory_space<semaphore_mem>>) src(%arg11 : memref<128x128xf32, #tpu.memory_space<vmem>>) dst(%dma_wait3A_161 : memref<10112x128xf32, #tpu.memory_space<vmem_shared>>)
        tpu.yield
      }) : () -> ()
      %dma_start3A_126 = arith.constant 7 : i32
      %dma_start3A_127 = arith.constant 0 : i32
      %dma_start3A_128 = tpu.memref_slice %arg8[%dma_start3A_126, %dma_start3A_127] : memref<8x128xi32, #tpu.memory_space<vmem>> -> memref<1x128xi32, #tpu.memory_space<vmem>>
      %dma_start3A_129 = tpu.memref_squeeze %dma_start3A_128 : memref<1x128xi32, #tpu.memory_space<vmem>> -> memref<128xi32, #tpu.memory_space<vmem>>
      %dma_start3A_130 = arith.constant 0 : i32
      %dma_start3A_131 = arith.constant 0 : i32
      %dma_start3A_132 = tpu.memref_slice %arg2[%dma_start3A_130, %dma_start3A_131] : memref<10000x128xf32, #tpu.memory_space<hbm>> -> memref<10000x128xf32, #tpu.memory_space<hbm>>
      tpu.enqueue_indirect_dma source(%dma_start3A_132 : memref<10000x128xf32, #tpu.memory_space<hbm>>) target(%arg11 : memref<128x128xf32, #tpu.memory_space<vmem>>) offsets(%dma_start3A_129 : memref<128xi32, #tpu.memory_space<vmem>>) semaphore(%arg13 : memref<!tpu.dma_semaphore, #tpu.memory_space<semaphore_mem>>)
      %dma_wait3A_133 = arith.constant 6 : i32
      %dma_wait3A_134 = arith.constant 0 : i32
      %dma_wait3A_135 = tpu.memref_slice %arg8[%dma_wait3A_133, %dma_wait3A_134] : memref<8x128xi32, #tpu.memory_space<vmem>> -> memref<1x128xi32, #tpu.memory_space<vmem>>
      %dma_wait3A_136 = tpu.memref_squeeze %dma_wait3A_135 : memref<1x128xi32, #tpu.memory_space<vmem>> -> memref<128xi32, #tpu.memory_space<vmem>>
      %dma_wait3A_137 = arith.constant 0 : i32
      %dma_wait3A_138 = arith.constant 0 : i32
      %dma_wait3A_139 = tpu.memref_slice %arg2[%dma_wait3A_137, %dma_wait3A_138] : memref<10000x128xf32, #tpu.memory_space<hbm>> -> memref<10000x128xf32, #tpu.memory_space<hbm>>
      tpu.wait_indirect_dma semaphore(%arg12 : memref<!tpu.dma_semaphore, #tpu.memory_space<semaphore_mem>>) src(%dma_wait3A_139 : memref<10000x128xf32, #tpu.memory_space<hbm>>) dst(%arg10 : memref<128x128xf32, #tpu.memory_space<vmem>>)
      %run_scoped3A_140 = arith.constant 6 : i32
      "tpu.region"() ({
        %run_scoped3A_149 = tpu.sem_alloc : memref<!tpu.dma_semaphore, #tpu.memory_space<semaphore_mem>>
        %dma_start3A_150 = arith.constant 0 : i32
        %dma_start3A_151 = tpu.memref_slice %arg9[%run_scoped3A_140, %dma_start3A_150] : memref<8x128xi32, #tpu.memory_space<vmem>> -> memref<1x128xi32, #tpu.memory_space<vmem>>
        %dma_start3A_152 = tpu.memref_squeeze %dma_start3A_151 : memref<1x128xi32, #tpu.memory_space<vmem>> -> memref<128xi32, #tpu.memory_space<vmem>>
        %dma_start3A_153 = arith.constant 0 : i32
        %dma_start3A_154 = arith.constant 0 : i32
        %dma_start3A_155 = tpu.memref_slice %arg7[%dma_start3A_153, %dma_start3A_154] : memref<10112x128xf32, #tpu.memory_space<vmem_shared>> -> memref<10112x128xf32, #tpu.memory_space<vmem_shared>>
        tpu.enqueue_indirect_dma source(%arg10 : memref<128x128xf32, #tpu.memory_space<vmem>>) target(%dma_start3A_155 : memref<10112x128xf32, #tpu.memory_space<vmem_shared>>) offsets(%dma_start3A_152 : memref<128xi32, #tpu.memory_space<vmem>>) semaphore(%run_scoped3A_149 : memref<!tpu.dma_semaphore, #tpu.memory_space<semaphore_mem>>) {add = true}
        %dma_wait3A_156 = arith.constant 0 : i32
        %dma_wait3A_157 = tpu.memref_slice %arg9[%run_scoped3A_140, %dma_wait3A_156] : memref<8x128xi32, #tpu.memory_space<vmem>> -> memref<1x128xi32, #tpu.memory_space<vmem>>
        %dma_wait3A_158 = tpu.memref_squeeze %dma_wait3A_157 : memref<1x128xi32, #tpu.memory_space<vmem>> -> memref<128xi32, #tpu.memory_space<vmem>>
        %dma_wait3A_159 = arith.constant 0 : i32
        %dma_wait3A_160 = arith.constant 0 : i32
        %dma_wait3A_161 = tpu.memref_slice %arg7[%dma_wait3A_159, %dma_wait3A_160] : memref<10112x128xf32, #tpu.memory_space<vmem_shared>> -> memref<10112x128xf32, #tpu.memory_space<vmem_shared>>
        tpu.wait_indirect_dma semaphore(%run_scoped3A_149 : memref<!tpu.dma_semaphore, #tpu.memory_space<semaphore_mem>>) src(%arg10 : memref<128x128xf32, #tpu.memory_space<vmem>>) dst(%dma_wait3A_161 : memref<10112x128xf32, #tpu.memory_space<vmem_shared>>)
        tpu.yield
      }) : () -> ()
      %dma_wait3A_141 = arith.constant 7 : i32
      %dma_wait3A_142 = arith.constant 0 : i32
      %dma_wait3A_143 = tpu.memref_slice %arg8[%dma_wait3A_141, %dma_wait3A_142] : memref<8x128xi32, #tpu.memory_space<vmem>> -> memref<1x128xi32, #tpu.memory_space<vmem>>
      %dma_wait3A_144 = tpu.memref_squeeze %dma_wait3A_143 : memref<1x128xi32, #tpu.memory_space<vmem>> -> memref<128xi32, #tpu.memory_space<vmem>>
      %dma_wait3A_145 = arith.constant 0 : i32
      %dma_wait3A_146 = arith.constant 0 : i32
      %dma_wait3A_147 = tpu.memref_slice %arg2[%dma_wait3A_145, %dma_wait3A_146] : memref<10000x128xf32, #tpu.memory_space<hbm>> -> memref<10000x128xf32, #tpu.memory_space<hbm>>
      tpu.wait_indirect_dma semaphore(%arg13 : memref<!tpu.dma_semaphore, #tpu.memory_space<semaphore_mem>>) src(%dma_wait3A_147 : memref<10000x128xf32, #tpu.memory_space<hbm>>) dst(%arg11 : memref<128x128xf32, #tpu.memory_space<vmem>>)
      %run_scoped3A_148 = arith.constant 7 : i32
      "tpu.region"() ({
        %run_scoped3A_149 = tpu.sem_alloc : memref<!tpu.dma_semaphore, #tpu.memory_space<semaphore_mem>>
        %dma_start3A_150 = arith.constant 0 : i32
        %dma_start3A_151 = tpu.memref_slice %arg9[%run_scoped3A_148, %dma_start3A_150] : memref<8x128xi32, #tpu.memory_space<vmem>> -> memref<1x128xi32, #tpu.memory_space<vmem>>
        %dma_start3A_152 = tpu.memref_squeeze %dma_start3A_151 : memref<1x128xi32, #tpu.memory_space<vmem>> -> memref<128xi32, #tpu.memory_space<vmem>>
        %dma_start3A_153 = arith.constant 0 : i32
        %dma_start3A_154 = arith.constant 0 : i32
        %dma_start3A_155 = tpu.memref_slice %arg7[%dma_start3A_153, %dma_start3A_154] : memref<10112x128xf32, #tpu.memory_space<vmem_shared>> -> memref<10112x128xf32, #tpu.memory_space<vmem_shared>>
        tpu.enqueue_indirect_dma source(%arg11 : memref<128x128xf32, #tpu.memory_space<vmem>>) target(%dma_start3A_155 : memref<10112x128xf32, #tpu.memory_space<vmem_shared>>) offsets(%dma_start3A_152 : memref<128xi32, #tpu.memory_space<vmem>>) semaphore(%run_scoped3A_149 : memref<!tpu.dma_semaphore, #tpu.memory_space<semaphore_mem>>) {add = true}
        %dma_wait3A_156 = arith.constant 0 : i32
        %dma_wait3A_157 = tpu.memref_slice %arg9[%run_scoped3A_148, %dma_wait3A_156] : memref<8x128xi32, #tpu.memory_space<vmem>> -> memref<1x128xi32, #tpu.memory_space<vmem>>
        %dma_wait3A_158 = tpu.memref_squeeze %dma_wait3A_157 : memref<1x128xi32, #tpu.memory_space<vmem>> -> memref<128xi32, #tpu.memory_space<vmem>>
        %dma_wait3A_159 = arith.constant 0 : i32
        %dma_wait3A_160 = arith.constant 0 : i32
        %dma_wait3A_161 = tpu.memref_slice %arg7[%dma_wait3A_159, %dma_wait3A_160] : memref<10112x128xf32, #tpu.memory_space<vmem_shared>> -> memref<10112x128xf32, #tpu.memory_space<vmem_shared>>
        tpu.wait_indirect_dma semaphore(%run_scoped3A_149 : memref<!tpu.dma_semaphore, #tpu.memory_space<semaphore_mem>>) src(%arg11 : memref<128x128xf32, #tpu.memory_space<vmem>>) dst(%dma_wait3A_161 : memref<10112x128xf32, #tpu.memory_space<vmem_shared>>)
        tpu.yield
      }) : () -> ()
    }
    %while3A_19 = arith.constant 1 : i32
    scf.for %while3A_25 = %while3A_17 to %while3A_13 step %while3A_19  : i32 {
      %mul3A_26 = arith.constant 8 : i32
      %mul3A_27 = arith.muli %while3A_25, %mul3A_26 : i32
      %add3A_28 = arith.addi %select_n3A, %mul3A_27 : i32
      "tpu.region"() ({
        %run_scoped3A_149 = tpu.sem_alloc : memref<!tpu.dma_semaphore, #tpu.memory_space<semaphore_mem>>
        %dma_start3A_150 = arith.constant 0 : i32
        %dma_start3A_151 = tpu.memref_slice %arg3[%add3A_28, %dma_start3A_150] : memref<2560x128xi32, #tpu.memory_space<hbm>> -> memref<8x128xi32, #tpu.memory_space<hbm>>
        %dma_start3A_152 = arith.constant 0 : i32
        %dma_start3A_153 = tpu.memref_slice %arg3[%add3A_28, %dma_start3A_152] : memref<2560x128xi32, #tpu.memory_space<hbm>> -> memref<8x128xi32, #tpu.memory_space<hbm>>
        tpu.enqueue_dma source(%dma_start3A_153 : memref<8x128xi32, #tpu.memory_space<hbm>>) target(%arg8 : memref<8x128xi32, #tpu.memory_space<vmem>>) target_semaphore(%run_scoped3A_149 : memref<!tpu.dma_semaphore, #tpu.memory_space<semaphore_mem>>)
        %dma_wait3A_154 = arith.constant 0 : i32
        %dma_wait3A_155 = tpu.memref_slice %arg3[%add3A_28, %dma_wait3A_154] : memref<2560x128xi32, #tpu.memory_space<hbm>> -> memref<8x128xi32, #tpu.memory_space<hbm>>
        %dma_wait3A_156 = arith.constant 0 : i32
        %dma_wait3A_157 = tpu.memref_slice %arg3[%add3A_28, %dma_wait3A_156] : memref<2560x128xi32, #tpu.memory_space<hbm>> -> memref<8x128xi32, #tpu.memory_space<hbm>>
        tpu.wait_dma2 semaphore(%run_scoped3A_149 : memref<!tpu.dma_semaphore, #tpu.memory_space<semaphore_mem>>) src(%dma_wait3A_157 : memref<8x128xi32, #tpu.memory_space<hbm>>) dst(%arg8 : memref<8x128xi32, #tpu.memory_space<vmem>>)
        tpu.yield
      }) : () -> ()
      %mul3A_29 = arith.constant 8 : i32
      %mul3A_30 = arith.muli %while3A_25, %mul3A_29 : i32
      %add3A_31 = arith.addi %select_n3A, %mul3A_30 : i32
      "tpu.region"() ({
        %run_scoped3A_149 = tpu.sem_alloc : memref<!tpu.dma_semaphore, #tpu.memory_space<semaphore_mem>>
        %dma_start3A_150 = arith.constant 0 : i32
        %dma_start3A_151 = tpu.memref_slice %arg4[%add3A_31, %dma_start3A_150] : memref<2560x128xi32, #tpu.memory_space<hbm>> -> memref<8x128xi32, #tpu.memory_space<hbm>>
        %dma_start3A_152 = arith.constant 0 : i32
        %dma_start3A_153 = tpu.memref_slice %arg4[%add3A_31, %dma_start3A_152] : memref<2560x128xi32, #tpu.memory_space<hbm>> -> memref<8x128xi32, #tpu.memory_space<hbm>>
        tpu.enqueue_dma source(%dma_start3A_153 : memref<8x128xi32, #tpu.memory_space<hbm>>) target(%arg9 : memref<8x128xi32, #tpu.memory_space<vmem>>) target_semaphore(%run_scoped3A_149 : memref<!tpu.dma_semaphore, #tpu.memory_space<semaphore_mem>>)
        %dma_wait3A_154 = arith.constant 0 : i32
        %dma_wait3A_155 = tpu.memref_slice %arg4[%add3A_31, %dma_wait3A_154] : memref<2560x128xi32, #tpu.memory_space<hbm>> -> memref<8x128xi32, #tpu.memory_space<hbm>>
        %dma_wait3A_156 = arith.constant 0 : i32
        %dma_wait3A_157 = tpu.memref_slice %arg4[%add3A_31, %dma_wait3A_156] : memref<2560x128xi32, #tpu.memory_space<hbm>> -> memref<8x128xi32, #tpu.memory_space<hbm>>
        tpu.wait_dma2 semaphore(%run_scoped3A_149 : memref<!tpu.dma_semaphore, #tpu.memory_space<semaphore_mem>>) src(%dma_wait3A_157 : memref<8x128xi32, #tpu.memory_space<hbm>>) dst(%arg9 : memref<8x128xi32, #tpu.memory_space<vmem>>)
        tpu.yield
      }) : () -> ()
      %dma_start3A = arith.constant 0 : i32
      %dma_start3A_32 = arith.constant 0 : i32
      %dma_start3A_33 = tpu.memref_slice %arg8[%dma_start3A, %dma_start3A_32] : memref<8x128xi32, #tpu.memory_space<vmem>> -> memref<1x128xi32, #tpu.memory_space<vmem>>
      %dma_start3A_34 = tpu.memref_squeeze %dma_start3A_33 : memref<1x128xi32, #tpu.memory_space<vmem>> -> memref<128xi32, #tpu.memory_space<vmem>>
      %dma_start3A_35 = arith.constant 0 : i32
      %dma_start3A_36 = arith.constant 0 : i32
      %dma_start3A_37 = tpu.memref_slice %arg2[%dma_start3A_35, %dma_start3A_36] : memref<10000x128xf32, #tpu.memory_space<hbm>> -> memref<10000x128xf32, #tpu.memory_space<hbm>>
      tpu.enqueue_indirect_dma source(%dma_start3A_37 : memref<10000x128xf32, #tpu.memory_space<hbm>>) target(%arg10 : memref<128x128xf32, #tpu.memory_space<vmem>>) offsets(%dma_start3A_34 : memref<128xi32, #tpu.memory_space<vmem>>) semaphore(%arg12 : memref<!tpu.dma_semaphore, #tpu.memory_space<semaphore_mem>>)
      %dma_start3A_38 = arith.constant 1 : i32
      %dma_start3A_39 = arith.constant 0 : i32
      %dma_start3A_40 = tpu.memref_slice %arg8[%dma_start3A_38, %dma_start3A_39] : memref<8x128xi32, #tpu.memory_space<vmem>> -> memref<1x128xi32, #tpu.memory_space<vmem>>
      %dma_start3A_41 = tpu.memref_squeeze %dma_start3A_40 : memref<1x128xi32, #tpu.memory_space<vmem>> -> memref<128xi32, #tpu.memory_space<vmem>>
      %dma_start3A_42 = arith.constant 0 : i32
      %dma_start3A_43 = arith.constant 0 : i32
      %dma_start3A_44 = tpu.memref_slice %arg2[%dma_start3A_42, %dma_start3A_43] : memref<10000x128xf32, #tpu.memory_space<hbm>> -> memref<10000x128xf32, #tpu.memory_space<hbm>>
      tpu.enqueue_indirect_dma source(%dma_start3A_44 : memref<10000x128xf32, #tpu.memory_space<hbm>>) target(%arg11 : memref<128x128xf32, #tpu.memory_space<vmem>>) offsets(%dma_start3A_41 : memref<128xi32, #tpu.memory_space<vmem>>) semaphore(%arg13 : memref<!tpu.dma_semaphore, #tpu.memory_space<semaphore_mem>>)
      %dma_wait3A = arith.constant 0 : i32
      %dma_wait3A_45 = arith.constant 0 : i32
      %dma_wait3A_46 = tpu.memref_slice %arg8[%dma_wait3A, %dma_wait3A_45] : memref<8x128xi32, #tpu.memory_space<vmem>> -> memref<1x128xi32, #tpu.memory_space<vmem>>
      %dma_wait3A_47 = tpu.memref_squeeze %dma_wait3A_46 : memref<1x128xi32, #tpu.memory_space<vmem>> -> memref<128xi32, #tpu.memory_space<vmem>>
      %dma_wait3A_48 = arith.constant 0 : i32
      %dma_wait3A_49 = arith.constant 0 : i32
      %dma_wait3A_50 = tpu.memref_slice %arg2[%dma_wait3A_48, %dma_wait3A_49] : memref<10000x128xf32, #tpu.memory_space<hbm>> -> memref<10000x128xf32, #tpu.memory_space<hbm>>
      tpu.wait_indirect_dma semaphore(%arg12 : memref<!tpu.dma_semaphore, #tpu.memory_space<semaphore_mem>>) src(%dma_wait3A_50 : memref<10000x128xf32, #tpu.memory_space<hbm>>) dst(%arg10 : memref<128x128xf32, #tpu.memory_space<vmem>>)
      %run_scoped3A = arith.constant 0 : i32
      "tpu.region"() ({
        %run_scoped3A_149 = tpu.sem_alloc : memref<!tpu.dma_semaphore, #tpu.memory_space<semaphore_mem>>
        %dma_start3A_150 = arith.constant 0 : i32
        %dma_start3A_151 = tpu.memref_slice %arg9[%run_scoped3A, %dma_start3A_150] : memref<8x128xi32, #tpu.memory_space<vmem>> -> memref<1x128xi32, #tpu.memory_space<vmem>>
        %dma_start3A_152 = tpu.memref_squeeze %dma_start3A_151 : memref<1x128xi32, #tpu.memory_space<vmem>> -> memref<128xi32, #tpu.memory_space<vmem>>
        %dma_start3A_153 = arith.constant 0 : i32
        %dma_start3A_154 = arith.constant 0 : i32
        %dma_start3A_155 = tpu.memref_slice %arg7[%dma_start3A_153, %dma_start3A_154] : memref<10112x128xf32, #tpu.memory_space<vmem_shared>> -> memref<10112x128xf32, #tpu.memory_space<vmem_shared>>
        tpu.enqueue_indirect_dma source(%arg10 : memref<128x128xf32, #tpu.memory_space<vmem>>) target(%dma_start3A_155 : memref<10112x128xf32, #tpu.memory_space<vmem_shared>>) offsets(%dma_start3A_152 : memref<128xi32, #tpu.memory_space<vmem>>) semaphore(%run_scoped3A_149 : memref<!tpu.dma_semaphore, #tpu.memory_space<semaphore_mem>>) {add = true}
        %dma_wait3A_156 = arith.constant 0 : i32
        %dma_wait3A_157 = tpu.memref_slice %arg9[%run_scoped3A, %dma_wait3A_156] : memref<8x128xi32, #tpu.memory_space<vmem>> -> memref<1x128xi32, #tpu.memory_space<vmem>>
        %dma_wait3A_158 = tpu.memref_squeeze %dma_wait3A_157 : memref<1x128xi32, #tpu.memory_space<vmem>> -> memref<128xi32, #tpu.memory_space<vmem>>
        %dma_wait3A_159 = arith.constant 0 : i32
        %dma_wait3A_160 = arith.constant 0 : i32
        %dma_wait3A_161 = tpu.memref_slice %arg7[%dma_wait3A_159, %dma_wait3A_160] : memref<10112x128xf32, #tpu.memory_space<vmem_shared>> -> memref<10112x128xf32, #tpu.memory_space<vmem_shared>>
        tpu.wait_indirect_dma semaphore(%run_scoped3A_149 : memref<!tpu.dma_semaphore, #tpu.memory_space<semaphore_mem>>) src(%arg10 : memref<128x128xf32, #tpu.memory_space<vmem>>) dst(%dma_wait3A_161 : memref<10112x128xf32, #tpu.memory_space<vmem_shared>>)
        tpu.yield
      }) : () -> ()
      %dma_start3A_51 = arith.constant 2 : i32
      %dma_start3A_52 = arith.constant 0 : i32
      %dma_start3A_53 = tpu.memref_slice %arg8[%dma_start3A_51, %dma_start3A_52] : memref<8x128xi32, #tpu.memory_space<vmem>> -> memref<1x128xi32, #tpu.memory_space<vmem>>
      %dma_start3A_54 = tpu.memref_squeeze %dma_start3A_53 : memref<1x128xi32, #tpu.memory_space<vmem>> -> memref<128xi32, #tpu.memory_space<vmem>>
      %dma_start3A_55 = arith.constant 0 : i32
      %dma_start3A_56 = arith.constant 0 : i32
      %dma_start3A_57 = tpu.memref_slice %arg2[%dma_start3A_55, %dma_start3A_56] : memref<10000x128xf32, #tpu.memory_space<hbm>> -> memref<10000x128xf32, #tpu.memory_space<hbm>>
      tpu.enqueue_indirect_dma source(%dma_start3A_57 : memref<10000x128xf32, #tpu.memory_space<hbm>>) target(%arg10 : memref<128x128xf32, #tpu.memory_space<vmem>>) offsets(%dma_start3A_54 : memref<128xi32, #tpu.memory_space<vmem>>) semaphore(%arg12 : memref<!tpu.dma_semaphore, #tpu.memory_space<semaphore_mem>>)
      %dma_wait3A_58 = arith.constant 1 : i32
      %dma_wait3A_59 = arith.constant 0 : i32
      %dma_wait3A_60 = tpu.memref_slice %arg8[%dma_wait3A_58, %dma_wait3A_59] : memref<8x128xi32, #tpu.memory_space<vmem>> -> memref<1x128xi32, #tpu.memory_space<vmem>>
      %dma_wait3A_61 = tpu.memref_squeeze %dma_wait3A_60 : memref<1x128xi32, #tpu.memory_space<vmem>> -> memref<128xi32, #tpu.memory_space<vmem>>
      %dma_wait3A_62 = arith.constant 0 : i32
      %dma_wait3A_63 = arith.constant 0 : i32
      %dma_wait3A_64 = tpu.memref_slice %arg2[%dma_wait3A_62, %dma_wait3A_63] : memref<10000x128xf32, #tpu.memory_space<hbm>> -> memref<10000x128xf32, #tpu.memory_space<hbm>>
      tpu.wait_indirect_dma semaphore(%arg13 : memref<!tpu.dma_semaphore, #tpu.memory_space<semaphore_mem>>) src(%dma_wait3A_64 : memref<10000x128xf32, #tpu.memory_space<hbm>>) dst(%arg11 : memref<128x128xf32, #tpu.memory_space<vmem>>)
      %run_scoped3A_65 = arith.constant 1 : i32
      "tpu.region"() ({
        %run_scoped3A_149 = tpu.sem_alloc : memref<!tpu.dma_semaphore, #tpu.memory_space<semaphore_mem>>
        %dma_start3A_150 = arith.constant 0 : i32
        %dma_start3A_151 = tpu.memref_slice %arg9[%run_scoped3A_65, %dma_start3A_150] : memref<8x128xi32, #tpu.memory_space<vmem>> -> memref<1x128xi32, #tpu.memory_space<vmem>>
        %dma_start3A_152 = tpu.memref_squeeze %dma_start3A_151 : memref<1x128xi32, #tpu.memory_space<vmem>> -> memref<128xi32, #tpu.memory_space<vmem>>
        %dma_start3A_153 = arith.constant 0 : i32
        %dma_start3A_154 = arith.constant 0 : i32
        %dma_start3A_155 = tpu.memref_slice %arg7[%dma_start3A_153, %dma_start3A_154] : memref<10112x128xf32, #tpu.memory_space<vmem_shared>> -> memref<10112x128xf32, #tpu.memory_space<vmem_shared>>
        tpu.enqueue_indirect_dma source(%arg11 : memref<128x128xf32, #tpu.memory_space<vmem>>) target(%dma_start3A_155 : memref<10112x128xf32, #tpu.memory_space<vmem_shared>>) offsets(%dma_start3A_152 : memref<128xi32, #tpu.memory_space<vmem>>) semaphore(%run_scoped3A_149 : memref<!tpu.dma_semaphore, #tpu.memory_space<semaphore_mem>>) {add = true}
        %dma_wait3A_156 = arith.constant 0 : i32
        %dma_wait3A_157 = tpu.memref_slice %arg9[%run_scoped3A_65, %dma_wait3A_156] : memref<8x128xi32, #tpu.memory_space<vmem>> -> memref<1x128xi32, #tpu.memory_space<vmem>>
        %dma_wait3A_158 = tpu.memref_squeeze %dma_wait3A_157 : memref<1x128xi32, #tpu.memory_space<vmem>> -> memref<128xi32, #tpu.memory_space<vmem>>
        %dma_wait3A_159 = arith.constant 0 : i32
        %dma_wait3A_160 = arith.constant 0 : i32
        %dma_wait3A_161 = tpu.memref_slice %arg7[%dma_wait3A_159, %dma_wait3A_160] : memref<10112x128xf32, #tpu.memory_space<vmem_shared>> -> memref<10112x128xf32, #tpu.memory_space<vmem_shared>>
        tpu.wait_indirect_dma semaphore(%run_scoped3A_149 : memref<!tpu.dma_semaphore, #tpu.memory_space<semaphore_mem>>) src(%arg11 : memref<128x128xf32, #tpu.memory_space<vmem>>) dst(%dma_wait3A_161 : memref<10112x128xf32, #tpu.memory_space<vmem_shared>>)
        tpu.yield
      }) : () -> ()
      %dma_start3A_66 = arith.constant 3 : i32
      %dma_start3A_67 = arith.constant 0 : i32
      %dma_start3A_68 = tpu.memref_slice %arg8[%dma_start3A_66, %dma_start3A_67] : memref<8x128xi32, #tpu.memory_space<vmem>> -> memref<1x128xi32, #tpu.memory_space<vmem>>
      %dma_start3A_69 = tpu.memref_squeeze %dma_start3A_68 : memref<1x128xi32, #tpu.memory_space<vmem>> -> memref<128xi32, #tpu.memory_space<vmem>>
      %dma_start3A_70 = arith.constant 0 : i32
      %dma_start3A_71 = arith.constant 0 : i32
      %dma_start3A_72 = tpu.memref_slice %arg2[%dma_start3A_70, %dma_start3A_71] : memref<10000x128xf32, #tpu.memory_space<hbm>> -> memref<10000x128xf32, #tpu.memory_space<hbm>>
      tpu.enqueue_indirect_dma source(%dma_start3A_72 : memref<10000x128xf32, #tpu.memory_space<hbm>>) target(%arg11 : memref<128x128xf32, #tpu.memory_space<vmem>>) offsets(%dma_start3A_69 : memref<128xi32, #tpu.memory_space<vmem>>) semaphore(%arg13 : memref<!tpu.dma_semaphore, #tpu.memory_space<semaphore_mem>>)
      %dma_wait3A_73 = arith.constant 2 : i32
      %dma_wait3A_74 = arith.constant 0 : i32
      %dma_wait3A_75 = tpu.memref_slice %arg8[%dma_wait3A_73, %dma_wait3A_74] : memref<8x128xi32, #tpu.memory_space<vmem>> -> memref<1x128xi32, #tpu.memory_space<vmem>>
      %dma_wait3A_76 = tpu.memref_squeeze %dma_wait3A_75 : memref<1x128xi32, #tpu.memory_space<vmem>> -> memref<128xi32, #tpu.memory_space<vmem>>
      %dma_wait3A_77 = arith.constant 0 : i32
      %dma_wait3A_78 = arith.constant 0 : i32
      %dma_wait3A_79 = tpu.memref_slice %arg2[%dma_wait3A_77, %dma_wait3A_78] : memref<10000x128xf32, #tpu.memory_space<hbm>> -> memref<10000x128xf32, #tpu.memory_space<hbm>>
      tpu.wait_indirect_dma semaphore(%arg12 : memref<!tpu.dma_semaphore, #tpu.memory_space<semaphore_mem>>) src(%dma_wait3A_79 : memref<10000x128xf32, #tpu.memory_space<hbm>>) dst(%arg10 : memref<128x128xf32, #tpu.memory_space<vmem>>)
      %run_scoped3A_80 = arith.constant 2 : i32
      "tpu.region"() ({
        %run_scoped3A_149 = tpu.sem_alloc : memref<!tpu.dma_semaphore, #tpu.memory_space<semaphore_mem>>
        %dma_start3A_150 = arith.constant 0 : i32
        %dma_start3A_151 = tpu.memref_slice %arg9[%run_scoped3A_80, %dma_start3A_150] : memref<8x128xi32, #tpu.memory_space<vmem>> -> memref<1x128xi32, #tpu.memory_space<vmem>>
        %dma_start3A_152 = tpu.memref_squeeze %dma_start3A_151 : memref<1x128xi32, #tpu.memory_space<vmem>> -> memref<128xi32, #tpu.memory_space<vmem>>
        %dma_start3A_153 = arith.constant 0 : i32
        %dma_start3A_154 = arith.constant 0 : i32
        %dma_start3A_155 = tpu.memref_slice %arg7[%dma_start3A_153, %dma_start3A_154] : memref<10112x128xf32, #tpu.memory_space<vmem_shared>> -> memref<10112x128xf32, #tpu.memory_space<vmem_shared>>
        tpu.enqueue_indirect_dma source(%arg10 : memref<128x128xf32, #tpu.memory_space<vmem>>) target(%dma_start3A_155 : memref<10112x128xf32, #tpu.memory_space<vmem_shared>>) offsets(%dma_start3A_152 : memref<128xi32, #tpu.memory_space<vmem>>) semaphore(%run_scoped3A_149 : memref<!tpu.dma_semaphore, #tpu.memory_space<semaphore_mem>>) {add = true}
        %dma_wait3A_156 = arith.constant 0 : i32
        %dma_wait3A_157 = tpu.memref_slice %arg9[%run_scoped3A_80, %dma_wait3A_156] : memref<8x128xi32, #tpu.memory_space<vmem>> -> memref<1x128xi32, #tpu.memory_space<vmem>>
        %dma_wait3A_158 = tpu.memref_squeeze %dma_wait3A_157 : memref<1x128xi32, #tpu.memory_space<vmem>> -> memref<128xi32, #tpu.memory_space<vmem>>
        %dma_wait3A_159 = arith.constant 0 : i32
        %dma_wait3A_160 = arith.constant 0 : i32
        %dma_wait3A_161 = tpu.memref_slice %arg7[%dma_wait3A_159, %dma_wait3A_160] : memref<10112x128xf32, #tpu.memory_space<vmem_shared>> -> memref<10112x128xf32, #tpu.memory_space<vmem_shared>>
        tpu.wait_indirect_dma semaphore(%run_scoped3A_149 : memref<!tpu.dma_semaphore, #tpu.memory_space<semaphore_mem>>) src(%arg10 : memref<128x128xf32, #tpu.memory_space<vmem>>) dst(%dma_wait3A_161 : memref<10112x128xf32, #tpu.memory_space<vmem_shared>>)
        tpu.yield
      }) : () -> ()
      %dma_start3A_81 = arith.constant 4 : i32
      %dma_start3A_82 = arith.constant 0 : i32
      %dma_start3A_83 = tpu.memref_slice %arg8[%dma_start3A_81, %dma_start3A_82] : memref<8x128xi32, #tpu.memory_space<vmem>> -> memref<1x128xi32, #tpu.memory_space<vmem>>
      %dma_start3A_84 = tpu.memref_squeeze %dma_start3A_83 : memref<1x128xi32, #tpu.memory_space<vmem>> -> memref<128xi32, #tpu.memory_space<vmem>>
      %dma_start3A_85 = arith.constant 0 : i32
      %dma_start3A_86 = arith.constant 0 : i32
      %dma_start3A_87 = tpu.memref_slice %arg2[%dma_start3A_85, %dma_start3A_86] : memref<10000x128xf32, #tpu.memory_space<hbm>> -> memref<10000x128xf32, #tpu.memory_space<hbm>>
      tpu.enqueue_indirect_dma source(%dma_start3A_87 : memref<10000x128xf32, #tpu.memory_space<hbm>>) target(%arg10 : memref<128x128xf32, #tpu.memory_space<vmem>>) offsets(%dma_start3A_84 : memref<128xi32, #tpu.memory_space<vmem>>) semaphore(%arg12 : memref<!tpu.dma_semaphore, #tpu.memory_space<semaphore_mem>>)
      %dma_wait3A_88 = arith.constant 3 : i32
      %dma_wait3A_89 = arith.constant 0 : i32
      %dma_wait3A_90 = tpu.memref_slice %arg8[%dma_wait3A_88, %dma_wait3A_89] : memref<8x128xi32, #tpu.memory_space<vmem>> -> memref<1x128xi32, #tpu.memory_space<vmem>>
      %dma_wait3A_91 = tpu.memref_squeeze %dma_wait3A_90 : memref<1x128xi32, #tpu.memory_space<vmem>> -> memref<128xi32, #tpu.memory_space<vmem>>
      %dma_wait3A_92 = arith.constant 0 : i32
      %dma_wait3A_93 = arith.constant 0 : i32
      %dma_wait3A_94 = tpu.memref_slice %arg2[%dma_wait3A_92, %dma_wait3A_93] : memref<10000x128xf32, #tpu.memory_space<hbm>> -> memref<10000x128xf32, #tpu.memory_space<hbm>>
      tpu.wait_indirect_dma semaphore(%arg13 : memref<!tpu.dma_semaphore, #tpu.memory_space<semaphore_mem>>) src(%dma_wait3A_94 : memref<10000x128xf32, #tpu.memory_space<hbm>>) dst(%arg11 : memref<128x128xf32, #tpu.memory_space<vmem>>)
      %run_scoped3A_95 = arith.constant 3 : i32
      "tpu.region"() ({
        %run_scoped3A_149 = tpu.sem_alloc : memref<!tpu.dma_semaphore, #tpu.memory_space<semaphore_mem>>
        %dma_start3A_150 = arith.constant 0 : i32
        %dma_start3A_151 = tpu.memref_slice %arg9[%run_scoped3A_95, %dma_start3A_150] : memref<8x128xi32, #tpu.memory_space<vmem>> -> memref<1x128xi32, #tpu.memory_space<vmem>>
        %dma_start3A_152 = tpu.memref_squeeze %dma_start3A_151 : memref<1x128xi32, #tpu.memory_space<vmem>> -> memref<128xi32, #tpu.memory_space<vmem>>
        %dma_start3A_153 = arith.constant 0 : i32
        %dma_start3A_154 = arith.constant 0 : i32
        %dma_start3A_155 = tpu.memref_slice %arg7[%dma_start3A_153, %dma_start3A_154] : memref<10112x128xf32, #tpu.memory_space<vmem_shared>> -> memref<10112x128xf32, #tpu.memory_space<vmem_shared>>
        tpu.enqueue_indirect_dma source(%arg11 : memref<128x128xf32, #tpu.memory_space<vmem>>) target(%dma_start3A_155 : memref<10112x128xf32, #tpu.memory_space<vmem_shared>>) offsets(%dma_start3A_152 : memref<128xi32, #tpu.memory_space<vmem>>) semaphore(%run_scoped3A_149 : memref<!tpu.dma_semaphore, #tpu.memory_space<semaphore_mem>>) {add = true}
        %dma_wait3A_156 = arith.constant 0 : i32
        %dma_wait3A_157 = tpu.memref_slice %arg9[%run_scoped3A_95, %dma_wait3A_156] : memref<8x128xi32, #tpu.memory_space<vmem>> -> memref<1x128xi32, #tpu.memory_space<vmem>>
        %dma_wait3A_158 = tpu.memref_squeeze %dma_wait3A_157 : memref<1x128xi32, #tpu.memory_space<vmem>> -> memref<128xi32, #tpu.memory_space<vmem>>
        %dma_wait3A_159 = arith.constant 0 : i32
        %dma_wait3A_160 = arith.constant 0 : i32
        %dma_wait3A_161 = tpu.memref_slice %arg7[%dma_wait3A_159, %dma_wait3A_160] : memref<10112x128xf32, #tpu.memory_space<vmem_shared>> -> memref<10112x128xf32, #tpu.memory_space<vmem_shared>>
        tpu.wait_indirect_dma semaphore(%run_scoped3A_149 : memref<!tpu.dma_semaphore, #tpu.memory_space<semaphore_mem>>) src(%arg11 : memref<128x128xf32, #tpu.memory_space<vmem>>) dst(%dma_wait3A_161 : memref<10112x128xf32, #tpu.memory_space<vmem_shared>>)
        tpu.yield
      }) : () -> ()
      %dma_start3A_96 = arith.constant 5 : i32
      %dma_start3A_97 = arith.constant 0 : i32
      %dma_start3A_98 = tpu.memref_slice %arg8[%dma_start3A_96, %dma_start3A_97] : memref<8x128xi32, #tpu.memory_space<vmem>> -> memref<1x128xi32, #tpu.memory_space<vmem>>
      %dma_start3A_99 = tpu.memref_squeeze %dma_start3A_98 : memref<1x128xi32, #tpu.memory_space<vmem>> -> memref<128xi32, #tpu.memory_space<vmem>>
      %dma_start3A_100 = arith.constant 0 : i32
      %dma_start3A_101 = arith.constant 0 : i32
      %dma_start3A_102 = tpu.memref_slice %arg2[%dma_start3A_100, %dma_start3A_101] : memref<10000x128xf32, #tpu.memory_space<hbm>> -> memref<10000x128xf32, #tpu.memory_space<hbm>>
      tpu.enqueue_indirect_dma source(%dma_start3A_102 : memref<10000x128xf32, #tpu.memory_space<hbm>>) target(%arg11 : memref<128x128xf32, #tpu.memory_space<vmem>>) offsets(%dma_start3A_99 : memref<128xi32, #tpu.memory_space<vmem>>) semaphore(%arg13 : memref<!tpu.dma_semaphore, #tpu.memory_space<semaphore_mem>>)
      %dma_wait3A_103 = arith.constant 4 : i32
      %dma_wait3A_104 = arith.constant 0 : i32
      %dma_wait3A_105 = tpu.memref_slice %arg8[%dma_wait3A_103, %dma_wait3A_104] : memref<8x128xi32, #tpu.memory_space<vmem>> -> memref<1x128xi32, #tpu.memory_space<vmem>>
      %dma_wait3A_106 = tpu.memref_squeeze %dma_wait3A_105 : memref<1x128xi32, #tpu.memory_space<vmem>> -> memref<128xi32, #tpu.memory_space<vmem>>
      %dma_wait3A_107 = arith.constant 0 : i32
      %dma_wait3A_108 = arith.constant 0 : i32
      %dma_wait3A_109 = tpu.memref_slice %arg2[%dma_wait3A_107, %dma_wait3A_108] : memref<10000x128xf32, #tpu.memory_space<hbm>> -> memref<10000x128xf32, #tpu.memory_space<hbm>>
      tpu.wait_indirect_dma semaphore(%arg12 : memref<!tpu.dma_semaphore, #tpu.memory_space<semaphore_mem>>) src(%dma_wait3A_109 : memref<10000x128xf32, #tpu.memory_space<hbm>>) dst(%arg10 : memref<128x128xf32, #tpu.memory_space<vmem>>)
      %run_scoped3A_110 = arith.constant 4 : i32
      "tpu.region"() ({
        %run_scoped3A_149 = tpu.sem_alloc : memref<!tpu.dma_semaphore, #tpu.memory_space<semaphore_mem>>
        %dma_start3A_150 = arith.constant 0 : i32
        %dma_start3A_151 = tpu.memref_slice %arg9[%run_scoped3A_110, %dma_start3A_150] : memref<8x128xi32, #tpu.memory_space<vmem>> -> memref<1x128xi32, #tpu.memory_space<vmem>>
        %dma_start3A_152 = tpu.memref_squeeze %dma_start3A_151 : memref<1x128xi32, #tpu.memory_space<vmem>> -> memref<128xi32, #tpu.memory_space<vmem>>
        %dma_start3A_153 = arith.constant 0 : i32
        %dma_start3A_154 = arith.constant 0 : i32
        %dma_start3A_155 = tpu.memref_slice %arg7[%dma_start3A_153, %dma_start3A_154] : memref<10112x128xf32, #tpu.memory_space<vmem_shared>> -> memref<10112x128xf32, #tpu.memory_space<vmem_shared>>
        tpu.enqueue_indirect_dma source(%arg10 : memref<128x128xf32, #tpu.memory_space<vmem>>) target(%dma_start3A_155 : memref<10112x128xf32, #tpu.memory_space<vmem_shared>>) offsets(%dma_start3A_152 : memref<128xi32, #tpu.memory_space<vmem>>) semaphore(%run_scoped3A_149 : memref<!tpu.dma_semaphore, #tpu.memory_space<semaphore_mem>>) {add = true}
        %dma_wait3A_156 = arith.constant 0 : i32
        %dma_wait3A_157 = tpu.memref_slice %arg9[%run_scoped3A_110, %dma_wait3A_156] : memref<8x128xi32, #tpu.memory_space<vmem>> -> memref<1x128xi32, #tpu.memory_space<vmem>>
        %dma_wait3A_158 = tpu.memref_squeeze %dma_wait3A_157 : memref<1x128xi32, #tpu.memory_space<vmem>> -> memref<128xi32, #tpu.memory_space<vmem>>
        %dma_wait3A_159 = arith.constant 0 : i32
        %dma_wait3A_160 = arith.constant 0 : i32
        %dma_wait3A_161 = tpu.memref_slice %arg7[%dma_wait3A_159, %dma_wait3A_160] : memref<10112x128xf32, #tpu.memory_space<vmem_shared>> -> memref<10112x128xf32, #tpu.memory_space<vmem_shared>>
        tpu.wait_indirect_dma semaphore(%run_scoped3A_149 : memref<!tpu.dma_semaphore, #tpu.memory_space<semaphore_mem>>) src(%arg10 : memref<128x128xf32, #tpu.memory_space<vmem>>) dst(%dma_wait3A_161 : memref<10112x128xf32, #tpu.memory_space<vmem_shared>>)
        tpu.yield
      }) : () -> ()
      %dma_start3A_111 = arith.constant 6 : i32
      %dma_start3A_112 = arith.constant 0 : i32
      %dma_start3A_113 = tpu.memref_slice %arg8[%dma_start3A_111, %dma_start3A_112] : memref<8x128xi32, #tpu.memory_space<vmem>> -> memref<1x128xi32, #tpu.memory_space<vmem>>
      %dma_start3A_114 = tpu.memref_squeeze %dma_start3A_113 : memref<1x128xi32, #tpu.memory_space<vmem>> -> memref<128xi32, #tpu.memory_space<vmem>>
      %dma_start3A_115 = arith.constant 0 : i32
      %dma_start3A_116 = arith.constant 0 : i32
      %dma_start3A_117 = tpu.memref_slice %arg2[%dma_start3A_115, %dma_start3A_116] : memref<10000x128xf32, #tpu.memory_space<hbm>> -> memref<10000x128xf32, #tpu.memory_space<hbm>>
      tpu.enqueue_indirect_dma source(%dma_start3A_117 : memref<10000x128xf32, #tpu.memory_space<hbm>>) target(%arg10 : memref<128x128xf32, #tpu.memory_space<vmem>>) offsets(%dma_start3A_114 : memref<128xi32, #tpu.memory_space<vmem>>) semaphore(%arg12 : memref<!tpu.dma_semaphore, #tpu.memory_space<semaphore_mem>>)
      %dma_wait3A_118 = arith.constant 5 : i32
      %dma_wait3A_119 = arith.constant 0 : i32
      %dma_wait3A_120 = tpu.memref_slice %arg8[%dma_wait3A_118, %dma_wait3A_119] : memref<8x128xi32, #tpu.memory_space<vmem>> -> memref<1x128xi32, #tpu.memory_space<vmem>>
      %dma_wait3A_121 = tpu.memref_squeeze %dma_wait3A_120 : memref<1x128xi32, #tpu.memory_space<vmem>> -> memref<128xi32, #tpu.memory_space<vmem>>
      %dma_wait3A_122 = arith.constant 0 : i32
      %dma_wait3A_123 = arith.constant 0 : i32
      %dma_wait3A_124 = tpu.memref_slice %arg2[%dma_wait3A_122, %dma_wait3A_123] : memref<10000x128xf32, #tpu.memory_space<hbm>> -> memref<10000x128xf32, #tpu.memory_space<hbm>>
      tpu.wait_indirect_dma semaphore(%arg13 : memref<!tpu.dma_semaphore, #tpu.memory_space<semaphore_mem>>) src(%dma_wait3A_124 : memref<10000x128xf32, #tpu.memory_space<hbm>>) dst(%arg11 : memref<128x128xf32, #tpu.memory_space<vmem>>)
      %run_scoped3A_125 = arith.constant 5 : i32
      "tpu.region"() ({
        %run_scoped3A_149 = tpu.sem_alloc : memref<!tpu.dma_semaphore, #tpu.memory_space<semaphore_mem>>
        %dma_start3A_150 = arith.constant 0 : i32
        %dma_start3A_151 = tpu.memref_slice %arg9[%run_scoped3A_125, %dma_start3A_150] : memref<8x128xi32, #tpu.memory_space<vmem>> -> memref<1x128xi32, #tpu.memory_space<vmem>>
        %dma_start3A_152 = tpu.memref_squeeze %dma_start3A_151 : memref<1x128xi32, #tpu.memory_space<vmem>> -> memref<128xi32, #tpu.memory_space<vmem>>
        %dma_start3A_153 = arith.constant 0 : i32
        %dma_start3A_154 = arith.constant 0 : i32
        %dma_start3A_155 = tpu.memref_slice %arg7[%dma_start3A_153, %dma_start3A_154] : memref<10112x128xf32, #tpu.memory_space<vmem_shared>> -> memref<10112x128xf32, #tpu.memory_space<vmem_shared>>
        tpu.enqueue_indirect_dma source(%arg11 : memref<128x128xf32, #tpu.memory_space<vmem>>) target(%dma_start3A_155 : memref<10112x128xf32, #tpu.memory_space<vmem_shared>>) offsets(%dma_start3A_152 : memref<128xi32, #tpu.memory_space<vmem>>) semaphore(%run_scoped3A_149 : memref<!tpu.dma_semaphore, #tpu.memory_space<semaphore_mem>>) {add = true}
        %dma_wait3A_156 = arith.constant 0 : i32
        %dma_wait3A_157 = tpu.memref_slice %arg9[%run_scoped3A_125, %dma_wait3A_156] : memref<8x128xi32, #tpu.memory_space<vmem>> -> memref<1x128xi32, #tpu.memory_space<vmem>>
        %dma_wait3A_158 = tpu.memref_squeeze %dma_wait3A_157 : memref<1x128xi32, #tpu.memory_space<vmem>> -> memref<128xi32, #tpu.memory_space<vmem>>
        %dma_wait3A_159 = arith.constant 0 : i32
        %dma_wait3A_160 = arith.constant 0 : i32
        %dma_wait3A_161 = tpu.memref_slice %arg7[%dma_wait3A_159, %dma_wait3A_160] : memref<10112x128xf32, #tpu.memory_space<vmem_shared>> -> memref<10112x128xf32, #tpu.memory_space<vmem_shared>>
        tpu.wait_indirect_dma semaphore(%run_scoped3A_149 : memref<!tpu.dma_semaphore, #tpu.memory_space<semaphore_mem>>) src(%arg11 : memref<128x128xf32, #tpu.memory_space<vmem>>) dst(%dma_wait3A_161 : memref<10112x128xf32, #tpu.memory_space<vmem_shared>>)
        tpu.yield
      }) : () -> ()
      %dma_start3A_126 = arith.constant 7 : i32
      %dma_start3A_127 = arith.constant 0 : i32
      %dma_start3A_128 = tpu.memref_slice %arg8[%dma_start3A_126, %dma_start3A_127] : memref<8x128xi32, #tpu.memory_space<vmem>> -> memref<1x128xi32, #tpu.memory_space<vmem>>
      %dma_start3A_129 = tpu.memref_squeeze %dma_start3A_128 : memref<1x128xi32, #tpu.memory_space<vmem>> -> memref<128xi32, #tpu.memory_space<vmem>>
      %dma_start3A_130 = arith.constant 0 : i32
      %dma_start3A_131 = arith.constant 0 : i32
      %dma_start3A_132 = tpu.memref_slice %arg2[%dma_start3A_130, %dma_start3A_131] : memref<10000x128xf32, #tpu.memory_space<hbm>> -> memref<10000x128xf32, #tpu.memory_space<hbm>>
      tpu.enqueue_indirect_dma source(%dma_start3A_132 : memref<10000x128xf32, #tpu.memory_space<hbm>>) target(%arg11 : memref<128x128xf32, #tpu.memory_space<vmem>>) offsets(%dma_start3A_129 : memref<128xi32, #tpu.memory_space<vmem>>) semaphore(%arg13 : memref<!tpu.dma_semaphore, #tpu.memory_space<semaphore_mem>>)
      %dma_wait3A_133 = arith.constant 6 : i32
      %dma_wait3A_134 = arith.constant 0 : i32
      %dma_wait3A_135 = tpu.memref_slice %arg8[%dma_wait3A_133, %dma_wait3A_134] : memref<8x128xi32, #tpu.memory_space<vmem>> -> memref<1x128xi32, #tpu.memory_space<vmem>>
      %dma_wait3A_136 = tpu.memref_squeeze %dma_wait3A_135 : memref<1x128xi32, #tpu.memory_space<vmem>> -> memref<128xi32, #tpu.memory_space<vmem>>
      %dma_wait3A_137 = arith.constant 0 : i32
      %dma_wait3A_138 = arith.constant 0 : i32
      %dma_wait3A_139 = tpu.memref_slice %arg2[%dma_wait3A_137, %dma_wait3A_138] : memref<10000x128xf32, #tpu.memory_space<hbm>> -> memref<10000x128xf32, #tpu.memory_space<hbm>>
      tpu.wait_indirect_dma semaphore(%arg12 : memref<!tpu.dma_semaphore, #tpu.memory_space<semaphore_mem>>) src(%dma_wait3A_139 : memref<10000x128xf32, #tpu.memory_space<hbm>>) dst(%arg10 : memref<128x128xf32, #tpu.memory_space<vmem>>)
      %run_scoped3A_140 = arith.constant 6 : i32
      "tpu.region"() ({
        %run_scoped3A_149 = tpu.sem_alloc : memref<!tpu.dma_semaphore, #tpu.memory_space<semaphore_mem>>
        %dma_start3A_150 = arith.constant 0 : i32
        %dma_start3A_151 = tpu.memref_slice %arg9[%run_scoped3A_140, %dma_start3A_150] : memref<8x128xi32, #tpu.memory_space<vmem>> -> memref<1x128xi32, #tpu.memory_space<vmem>>
        %dma_start3A_152 = tpu.memref_squeeze %dma_start3A_151 : memref<1x128xi32, #tpu.memory_space<vmem>> -> memref<128xi32, #tpu.memory_space<vmem>>
        %dma_start3A_153 = arith.constant 0 : i32
        %dma_start3A_154 = arith.constant 0 : i32
        %dma_start3A_155 = tpu.memref_slice %arg7[%dma_start3A_153, %dma_start3A_154] : memref<10112x128xf32, #tpu.memory_space<vmem_shared>> -> memref<10112x128xf32, #tpu.memory_space<vmem_shared>>
        tpu.enqueue_indirect_dma source(%arg10 : memref<128x128xf32, #tpu.memory_space<vmem>>) target(%dma_start3A_155 : memref<10112x128xf32, #tpu.memory_space<vmem_shared>>) offsets(%dma_start3A_152 : memref<128xi32, #tpu.memory_space<vmem>>) semaphore(%run_scoped3A_149 : memref<!tpu.dma_semaphore, #tpu.memory_space<semaphore_mem>>) {add = true}
        %dma_wait3A_156 = arith.constant 0 : i32
        %dma_wait3A_157 = tpu.memref_slice %arg9[%run_scoped3A_140, %dma_wait3A_156] : memref<8x128xi32, #tpu.memory_space<vmem>> -> memref<1x128xi32, #tpu.memory_space<vmem>>
        %dma_wait3A_158 = tpu.memref_squeeze %dma_wait3A_157 : memref<1x128xi32, #tpu.memory_space<vmem>> -> memref<128xi32, #tpu.memory_space<vmem>>
        %dma_wait3A_159 = arith.constant 0 : i32
        %dma_wait3A_160 = arith.constant 0 : i32
        %dma_wait3A_161 = tpu.memref_slice %arg7[%dma_wait3A_159, %dma_wait3A_160] : memref<10112x128xf32, #tpu.memory_space<vmem_shared>> -> memref<10112x128xf32, #tpu.memory_space<vmem_shared>>
        tpu.wait_indirect_dma semaphore(%run_scoped3A_149 : memref<!tpu.dma_semaphore, #tpu.memory_space<semaphore_mem>>) src(%arg10 : memref<128x128xf32, #tpu.memory_space<vmem>>) dst(%dma_wait3A_161 : memref<10112x128xf32, #tpu.memory_space<vmem_shared>>)
        tpu.yield
      }) : () -> ()
      %dma_wait3A_141 = arith.constant 7 : i32
      %dma_wait3A_142 = arith.constant 0 : i32
      %dma_wait3A_143 = tpu.memref_slice %arg8[%dma_wait3A_141, %dma_wait3A_142] : memref<8x128xi32, #tpu.memory_space<vmem>> -> memref<1x128xi32, #tpu.memory_space<vmem>>
      %dma_wait3A_144 = tpu.memref_squeeze %dma_wait3A_143 : memref<1x128xi32, #tpu.memory_space<vmem>> -> memref<128xi32, #tpu.memory_space<vmem>>
      %dma_wait3A_145 = arith.constant 0 : i32
      %dma_wait3A_146 = arith.constant 0 : i32
      %dma_wait3A_147 = tpu.memref_slice %arg2[%dma_wait3A_145, %dma_wait3A_146] : memref<10000x128xf32, #tpu.memory_space<hbm>> -> memref<10000x128xf32, #tpu.memory_space<hbm>>
      tpu.wait_indirect_dma semaphore(%arg13 : memref<!tpu.dma_semaphore, #tpu.memory_space<semaphore_mem>>) src(%dma_wait3A_147 : memref<10000x128xf32, #tpu.memory_space<hbm>>) dst(%arg11 : memref<128x128xf32, #tpu.memory_space<vmem>>)
      %run_scoped3A_148 = arith.constant 7 : i32
      "tpu.region"() ({
        %run_scoped3A_149 = tpu.sem_alloc : memref<!tpu.dma_semaphore, #tpu.memory_space<semaphore_mem>>
        %dma_start3A_150 = arith.constant 0 : i32
        %dma_start3A_151 = tpu.memref_slice %arg9[%run_scoped3A_148, %dma_start3A_150] : memref<8x128xi32, #tpu.memory_space<vmem>> -> memref<1x128xi32, #tpu.memory_space<vmem>>
        %dma_start3A_152 = tpu.memref_squeeze %dma_start3A_151 : memref<1x128xi32, #tpu.memory_space<vmem>> -> memref<128xi32, #tpu.memory_space<vmem>>
        %dma_start3A_153 = arith.constant 0 : i32
        %dma_start3A_154 = arith.constant 0 : i32
        %dma_start3A_155 = tpu.memref_slice %arg7[%dma_start3A_153, %dma_start3A_154] : memref<10112x128xf32, #tpu.memory_space<vmem_shared>> -> memref<10112x128xf32, #tpu.memory_space<vmem_shared>>
        tpu.enqueue_indirect_dma source(%arg11 : memref<128x128xf32, #tpu.memory_space<vmem>>) target(%dma_start3A_155 : memref<10112x128xf32, #tpu.memory_space<vmem_shared>>) offsets(%dma_start3A_152 : memref<128xi32, #tpu.memory_space<vmem>>) semaphore(%run_scoped3A_149 : memref<!tpu.dma_semaphore, #tpu.memory_space<semaphore_mem>>) {add = true}
        %dma_wait3A_156 = arith.constant 0 : i32
        %dma_wait3A_157 = tpu.memref_slice %arg9[%run_scoped3A_148, %dma_wait3A_156] : memref<8x128xi32, #tpu.memory_space<vmem>> -> memref<1x128xi32, #tpu.memory_space<vmem>>
        %dma_wait3A_158 = tpu.memref_squeeze %dma_wait3A_157 : memref<1x128xi32, #tpu.memory_space<vmem>> -> memref<128xi32, #tpu.memory_space<vmem>>
        %dma_wait3A_159 = arith.constant 0 : i32
        %dma_wait3A_160 = arith.constant 0 : i32
        %dma_wait3A_161 = tpu.memref_slice %arg7[%dma_wait3A_159, %dma_wait3A_160] : memref<10112x128xf32, #tpu.memory_space<vmem_shared>> -> memref<10112x128xf32, #tpu.memory_space<vmem_shared>>
        tpu.wait_indirect_dma semaphore(%run_scoped3A_149 : memref<!tpu.dma_semaphore, #tpu.memory_space<semaphore_mem>>) src(%arg11 : memref<128x128xf32, #tpu.memory_space<vmem>>) dst(%dma_wait3A_161 : memref<10112x128xf32, #tpu.memory_space<vmem_shared>>)
        tpu.yield
      }) : () -> ()
    }
    %barrier3A_20 = arith.constant 0 : index
    tpu.barrier barrier_id(%barrier3A_20)
    %mul3A_21 = arith.constant 632 : i32
    %mul3A_22 = arith.muli %arg1, %mul3A_21 : i32
    %mul3A_23 = arith.constant 632 : i32
    %mul3A_24 = arith.muli %arg1, %mul3A_23 : i32
    "tpu.region"() ({
      %run_scoped3A = tpu.sem_alloc : memref<!tpu.dma_semaphore, #tpu.memory_space<semaphore_mem>>
      %dma_start3A = arith.constant 0 : i32
      %dma_start3A_25 = tpu.memref_slice %arg6[%arg0, %mul3A_24, %dma_start3A] : memref<2x10112x128xf32, #tpu.memory_space<hbm>> -> memref<1x632x128xf32, #tpu.memory_space<hbm>>
      %dma_start3A_26 = tpu.memref_squeeze %dma_start3A_25 : memref<1x632x128xf32, #tpu.memory_space<hbm>> -> memref<632x128xf32, #tpu.memory_space<hbm>>
      %dma_start3A_27 = arith.constant 0 : i32
      %dma_start3A_28 = tpu.memref_slice %arg7[%mul3A_22, %dma_start3A_27] : memref<10112x128xf32, #tpu.memory_space<vmem_shared>> -> memref<632x128xf32, #tpu.memory_space<vmem_shared>>
      tpu.enqueue_dma source(%dma_start3A_28 : memref<632x128xf32, #tpu.memory_space<vmem_shared>>) target(%dma_start3A_26 : memref<632x128xf32, #tpu.memory_space<hbm>>) target_semaphore(%run_scoped3A : memref<!tpu.dma_semaphore, #tpu.memory_space<semaphore_mem>>)
      %dma_wait3A = arith.constant 0 : i32
      %dma_wait3A_29 = tpu.memref_slice %arg6[%arg0, %mul3A_24, %dma_wait3A] : memref<2x10112x128xf32, #tpu.memory_space<hbm>> -> memref<1x632x128xf32, #tpu.memory_space<hbm>>
      %dma_wait3A_30 = tpu.memref_squeeze %dma_wait3A_29 : memref<1x632x128xf32, #tpu.memory_space<hbm>> -> memref<632x128xf32, #tpu.memory_space<hbm>>
      %dma_wait3A_31 = arith.constant 0 : i32
      %dma_wait3A_32 = tpu.memref_slice %arg7[%mul3A_22, %dma_wait3A_31] : memref<10112x128xf32, #tpu.memory_space<vmem_shared>> -> memref<632x128xf32, #tpu.memory_space<vmem_shared>>
      tpu.wait_dma2 semaphore(%run_scoped3A : memref<!tpu.dma_semaphore, #tpu.memory_space<semaphore_mem>>) src(%dma_wait3A_32 : memref<632x128xf32, #tpu.memory_space<vmem_shared>>) dst(%dma_wait3A_30 : memref<632x128xf32, #tpu.memory_space<hbm>>)
      tpu.yield
    }) : () -> ()
    return
  }
}

module attributes {stable_mosaic.version = 14 : i64} {
  func.func @_tc0_body(%arg0: memref<10000x128xf32, #tpu.memory_space<vmem>>, %arg1: memref<128x128xf32, #tpu.memory_space<vmem>>, %arg2: memref<128x128xf32, #tpu.memory_space<vmem>>, %arg3: memref<1x128xf32, #tpu.memory_space<vmem>>, %arg4: memref<10000x128xf32, #tpu.memory_space<vmem>>, %arg5: memref<10000x128xf32, #tpu.memory_space<vmem>>) attributes {dimension_semantics = [], scalar_prefetch = 0 : i64, scratch_operands = 0 : i64, tpu.core_type = #tpu.core_type<tc>} {
    %get3A = arith.constant 0 : index
    %get3A_0 = arith.constant 0 : index
    %get3A_1 = vector.load %arg0[%get3A, %get3A_0] : memref<10000x128xf32, #tpu.memory_space<vmem>>, vector<10000x128xf32>
    %get3A_2 = arith.constant 0 : index
    %get3A_3 = arith.constant 0 : index
    %get3A_4 = vector.load %arg1[%get3A_2, %get3A_3] : memref<128x128xf32, #tpu.memory_space<vmem>>, vector<128x128xf32>
    %transpose3A = tpu.transpose %get3A_4, [1, 0] : vector<128x128xf32> -> vector<128x128xf32>
    %dot_general3A = arith.constant dense<0.000000e+00> : vector<10000x128xf32>
    %dot_general3A_5 = tpu.matmul %get3A_1, %transpose3A, %dot_general3A {dimension_numbers = #tpu.dot_dimension_numbers<[1], [0], [0], [1], [0, 0, 1, 1], [], []>, transpose_lhs_hint = false} : vector<10000x128xf32>, vector<128x128xf32>, vector<10000x128xf32> -> vector<10000x128xf32>
    %swap3A = arith.constant 0 : index
    %swap3A_6 = arith.constant 0 : index
    %swap3A_7 = vector.load %arg4[%swap3A, %swap3A_6] : memref<10000x128xf32, #tpu.memory_space<vmem>>, vector<10000x128xf32>
    tpu.vector_store %arg4[%swap3A, %swap3A_6], %dot_general3A_5 {strides = array<i32>} : memref<10000x128xf32, #tpu.memory_space<vmem>>, vector<10000x128xf32>,
    %get3A_8 = arith.constant 0 : index
    %get3A_9 = arith.constant 0 : index
    %get3A_10 = vector.load %arg2[%get3A_8, %get3A_9] : memref<128x128xf32, #tpu.memory_space<vmem>>, vector<128x128xf32>
    %transpose3A_11 = tpu.transpose %get3A_10, [1, 0] : vector<128x128xf32> -> vector<128x128xf32>
    %dot_general3A_12 = arith.constant dense<0.000000e+00> : vector<10000x128xf32>
    %dot_general3A_13 = tpu.matmul %get3A_1, %transpose3A_11, %dot_general3A_12 {dimension_numbers = #tpu.dot_dimension_numbers<[1], [0], [0], [1], [0, 0, 1, 1], [], []>, transpose_lhs_hint = false} : vector<10000x128xf32>, vector<128x128xf32>, vector<10000x128xf32> -> vector<10000x128xf32>
    %get3A_14 = arith.constant 0 : index
    %get3A_15 = arith.constant 0 : index
    %get3A_16 = vector.load %arg3[%get3A_14, %get3A_15] : memref<1x128xf32, #tpu.memory_space<vmem>>, vector<1x128xf32>
    %add3A = vector.broadcast %get3A_16 : vector<1x128xf32> to vector<10000x128xf32>
    %add3A_17 = arith.addf %dot_general3A_13, %add3A : vector<10000x128xf32>
    %swap3A_18 = arith.constant 0 : index
    %swap3A_19 = arith.constant 0 : index
    %swap3A_20 = vector.load %arg5[%swap3A_18, %swap3A_19] : memref<10000x128xf32, #tpu.memory_space<vmem>>, vector<10000x128xf32>
    tpu.vector_store %arg5[%swap3A_18, %swap3A_19], %add3A_17 {strides = array<i32>} : memref<10000x128xf32, #tpu.memory_space<vmem>>, vector<10000x128xf32>,
    return
  }
}

module attributes {stable_mosaic.version = 14 : i64} {
  func.func @_tc1_body(%arg0: memref<2x10112x128xf32, #tpu.memory_space<vmem>>, %arg1: memref<2x10112x128xf32, #tpu.memory_space<vmem>>, %arg2: memref<10000x128xf32, #tpu.memory_space<vmem>>, %arg3: memref<1x128xf32, #tpu.memory_space<vmem>>, %arg4: memref<1x128xf32, #tpu.memory_space<vmem>>, %arg5: memref<128x128xf32, #tpu.memory_space<vmem>>, %arg6: memref<128x128xf32, #tpu.memory_space<vmem>>, %arg7: memref<1x128xf32, #tpu.memory_space<vmem>>, %arg8: memref<10000x128xf32, #tpu.memory_space<vmem>>, %arg9: memref<10000x128xf32, #tpu.memory_space<vmem>>, %arg10: memref<10000x1xf32, #tpu.memory_space<vmem>>) attributes {dimension_semantics = [], scalar_prefetch = 0 : i64, scratch_operands = 0 : i64, tpu.core_type = #tpu.core_type<tc>} {
    %get3A = arith.constant 0 : index
    %get3A_0 = arith.constant 0 : index
    %get3A_1 = arith.constant 0 : index
    %get3A_2 = vector.load %arg1[%get3A, %get3A_0, %get3A_1] : memref<2x10112x128xf32, #tpu.memory_space<vmem>>, vector<1x10000x1xf32>
    %get3A_3 = vector.shape_cast %get3A_2 : vector<1x10000x1xf32> to vector<10000x1xf32>
    %get3A_4 = arith.constant 1 : index
    %get3A_5 = arith.constant 0 : index
    %get3A_6 = arith.constant 0 : index
    %get3A_7 = vector.load %arg1[%get3A_4, %get3A_5, %get3A_6] : memref<2x10112x128xf32, #tpu.memory_space<vmem>>, vector<1x10000x1xf32>
    %get3A_8 = vector.shape_cast %get3A_7 : vector<1x10000x1xf32> to vector<10000x1xf32>
    %add3A = arith.addf %get3A_3, %get3A_8 : vector<10000x1xf32>
    %max3A = arith.constant 1.000000e+00 : f32
    %max3A_9 = vector.broadcast %max3A : f32 to vector<10000x1xf32>
    %max3A_10 = arith.maximumf %add3A, %max3A_9 : vector<10000x1xf32>
    %div3A = arith.constant 1.000000e+00 : f32
    %div3A_11 = vector.broadcast %div3A : f32 to vector<10000x1xf32>
    %div3A_12 = arith.divf %div3A_11, %max3A_10 : vector<10000x1xf32>
    %swap3A = arith.constant 0 : index
    %swap3A_13 = arith.constant 0 : index
    %swap3A_14 = vector.load %arg10[%swap3A, %swap3A_13] : memref<10000x1xf32, #tpu.memory_space<vmem>>, vector<10000x1xf32>
    tpu.vector_store %arg10[%swap3A, %swap3A_13], %div3A_12 {strides = array<i32>} : memref<10000x1xf32, #tpu.memory_space<vmem>>, vector<10000x1xf32>,
    %get3A_15 = arith.constant 0 : index
    %get3A_16 = arith.constant 0 : index
    %get3A_17 = arith.constant 0 : index
    %get3A_18 = vector.load %arg0[%get3A_15, %get3A_16, %get3A_17] : memref<2x10112x128xf32, #tpu.memory_space<vmem>>, vector<1x10000x128xf32>
    %get3A_19 = vector.shape_cast %get3A_18 : vector<1x10000x128xf32> to vector<10000x128xf32>
    %get3A_20 = arith.constant 1 : index
    %get3A_21 = arith.constant 0 : index
    %get3A_22 = arith.constant 0 : index
    %get3A_23 = vector.load %arg0[%get3A_20, %get3A_21, %get3A_22] : memref<2x10112x128xf32, #tpu.memory_space<vmem>>, vector<1x10000x128xf32>
    %get3A_24 = vector.shape_cast %get3A_23 : vector<1x10000x128xf32> to vector<10000x128xf32>
    %add3A_25 = arith.addf %get3A_19, %get3A_24 : vector<10000x128xf32>
    %mul3A = vector.broadcast %div3A_12 : vector<10000x1xf32> to vector<10000x128xf32>
    %mul3A_26 = arith.mulf %add3A_25, %mul3A : vector<10000x128xf32>
    %get3A_27 = arith.constant 0 : index
    %get3A_28 = arith.constant 0 : index
    %get3A_29 = vector.load %arg2[%get3A_27, %get3A_28] : memref<10000x128xf32, #tpu.memory_space<vmem>>, vector<10000x128xf32>
    %add3A_30 = arith.addf %mul3A_26, %get3A_29 : vector<10000x128xf32>
    %get3A_31 = arith.constant 0 : index
    %get3A_32 = arith.constant 0 : index
    %get3A_33 = vector.load %arg3[%get3A_31, %get3A_32] : memref<1x128xf32, #tpu.memory_space<vmem>>, vector<1x128xf32>
    %get3A_34 = arith.constant 0 : index
    %get3A_35 = arith.constant 0 : index
    %get3A_36 = vector.load %arg4[%get3A_34, %get3A_35] : memref<1x128xf32, #tpu.memory_space<vmem>>, vector<1x128xf32>
    %reduce_sum3A = arith.constant dense<0.000000e+00> : vector<128xf32>
    %reduce_sum3A_37 = vector.multi_reduction <add>, %add3A_30, %reduce_sum3A [0] : vector<10000x128xf32> to vector<128xf32>
    %broadcast_in_dim3A = vector.shape_cast %reduce_sum3A_37 : vector<128xf32> to vector<1x128xf32>
    %div3A_38 = arith.constant 1.000000e+04 : f32
    %div3A_39 = vector.broadcast %div3A_38 : f32 to vector<1x128xf32>
    %div3A_40 = arith.divf %broadcast_in_dim3A, %div3A_39 : vector<1x128xf32>
    %sub3A = vector.broadcast %div3A_40 : vector<1x128xf32> to vector<10000x128xf32>
    %sub3A_41 = arith.subf %add3A_30, %sub3A : vector<10000x128xf32>
    %sub3A_42 = vector.broadcast %div3A_40 : vector<1x128xf32> to vector<10000x128xf32>
    %sub3A_43 = arith.subf %add3A_30, %sub3A_42 : vector<10000x128xf32>
    %mul3A_44 = arith.mulf %sub3A_41, %sub3A_43 : vector<10000x128xf32>
    %reduce_sum3A_45 = arith.constant dense<0.000000e+00> : vector<128xf32>
    %reduce_sum3A_46 = vector.multi_reduction <add>, %mul3A_44, %reduce_sum3A_45 [0] : vector<10000x128xf32> to vector<128xf32>
    %broadcast_in_dim3A_47 = vector.shape_cast %reduce_sum3A_46 : vector<128xf32> to vector<1x128xf32>
    %div3A_48 = arith.constant 1.000000e+04 : f32
    %div3A_49 = vector.broadcast %div3A_48 : f32 to vector<1x128xf32>
    %div3A_50 = arith.divf %broadcast_in_dim3A_47, %div3A_49 : vector<1x128xf32>
    %sub3A_51 = vector.broadcast %div3A_40 : vector<1x128xf32> to vector<10000x128xf32>
    %sub3A_52 = arith.subf %add3A_30, %sub3A_51 : vector<10000x128xf32>
    %add3A_53 = arith.constant 9.99999974E-6 : f32
    %add3A_54 = vector.broadcast %add3A_53 : f32 to vector<1x128xf32>
    %add3A_55 = arith.addf %div3A_50, %add3A_54 : vector<1x128xf32>
    %rsqrt3A = math.rsqrt %add3A_55 : vector<1x128xf32>
    %mul3A_56 = vector.broadcast %rsqrt3A : vector<1x128xf32> to vector<10000x128xf32>
    %mul3A_57 = arith.mulf %sub3A_52, %mul3A_56 : vector<10000x128xf32>
    %mul3A_58 = vector.broadcast %get3A_33 : vector<1x128xf32> to vector<10000x128xf32>
    %mul3A_59 = arith.mulf %mul3A_57, %mul3A_58 : vector<10000x128xf32>
    %add3A_60 = vector.broadcast %get3A_36 : vector<1x128xf32> to vector<10000x128xf32>
    %add3A_61 = arith.addf %mul3A_59, %add3A_60 : vector<10000x128xf32>
    %max3A_62 = arith.constant 0.000000e+00 : f32
    %max3A_63 = vector.broadcast %max3A_62 : f32 to vector<10000x128xf32>
    %max3A_64 = arith.maximumf %add3A_61, %max3A_63 : vector<10000x128xf32>
    %get3A_65 = arith.constant 0 : index
    %get3A_66 = arith.constant 0 : index
    %get3A_67 = vector.load %arg5[%get3A_65, %get3A_66] : memref<128x128xf32, #tpu.memory_space<vmem>>, vector<128x128xf32>
    %transpose3A = tpu.transpose %get3A_67, [1, 0] : vector<128x128xf32> -> vector<128x128xf32>
    %dot_general3A = arith.constant dense<0.000000e+00> : vector<10000x128xf32>
    %dot_general3A_68 = tpu.matmul %max3A_64, %transpose3A, %dot_general3A {dimension_numbers = #tpu.dot_dimension_numbers<[1], [0], [0], [1], [0, 0, 1, 1], [], []>, transpose_lhs_hint = false} : vector<10000x128xf32>, vector<128x128xf32>, vector<10000x128xf32> -> vector<10000x128xf32>
    %swap3A_69 = arith.constant 0 : index
    %swap3A_70 = arith.constant 0 : index
    %swap3A_71 = vector.load %arg8[%swap3A_69, %swap3A_70] : memref<10000x128xf32, #tpu.memory_space<vmem>>, vector<10000x128xf32>
    tpu.vector_store %arg8[%swap3A_69, %swap3A_70], %dot_general3A_68 {strides = array<i32>} : memref<10000x128xf32, #tpu.memory_space<vmem>>, vector<10000x128xf32>,
    %get3A_72 = arith.constant 0 : index
    %get3A_73 = arith.constant 0 : index
    %get3A_74 = vector.load %arg6[%get3A_72, %get3A_73] : memref<128x128xf32, #tpu.memory_space<vmem>>, vector<128x128xf32>
    %transpose3A_75 = tpu.transpose %get3A_74, [1, 0] : vector<128x128xf32> -> vector<128x128xf32>
    %dot_general3A_76 = arith.constant dense<0.000000e+00> : vector<10000x128xf32>
    %dot_general3A_77 = tpu.matmul %max3A_64, %transpose3A_75, %dot_general3A_76 {dimension_numbers = #tpu.dot_dimension_numbers<[1], [0], [0], [1], [0, 0, 1, 1], [], []>, transpose_lhs_hint = false} : vector<10000x128xf32>, vector<128x128xf32>, vector<10000x128xf32> -> vector<10000x128xf32>
    %get3A_78 = arith.constant 0 : index
    %get3A_79 = arith.constant 0 : index
    %get3A_80 = vector.load %arg7[%get3A_78, %get3A_79] : memref<1x128xf32, #tpu.memory_space<vmem>>, vector<1x128xf32>
    %add3A_81 = vector.broadcast %get3A_80 : vector<1x128xf32> to vector<10000x128xf32>
    %add3A_82 = arith.addf %dot_general3A_77, %add3A_81 : vector<10000x128xf32>
    %swap3A_83 = arith.constant 0 : index
    %swap3A_84 = arith.constant 0 : index
    %swap3A_85 = vector.load %arg9[%swap3A_83, %swap3A_84] : memref<10000x128xf32, #tpu.memory_space<vmem>>, vector<10000x128xf32>
    tpu.vector_store %arg9[%swap3A_83, %swap3A_84], %add3A_82 {strides = array<i32>} : memref<10000x128xf32, #tpu.memory_space<vmem>>, vector<10000x128xf32>,
    return
  }
}

module attributes {stable_mosaic.version = 14 : i64} {
  func.func @_tc2_body(%arg0: memref<2x10112x128xf32, #tpu.memory_space<vmem>>, %arg1: memref<10000x1xf32, #tpu.memory_space<vmem>>, %arg2: memref<10000x128xf32, #tpu.memory_space<vmem>>, %arg3: memref<1x128xf32, #tpu.memory_space<vmem>>, %arg4: memref<1x128xf32, #tpu.memory_space<vmem>>, %arg5: memref<128x128xf32, #tpu.memory_space<vmem>>, %arg6: memref<128x128xf32, #tpu.memory_space<vmem>>, %arg7: memref<1x128xf32, #tpu.memory_space<vmem>>, %arg8: memref<10000x128xf32, #tpu.memory_space<vmem>>, %arg9: memref<10000x128xf32, #tpu.memory_space<vmem>>) attributes {dimension_semantics = [], scalar_prefetch = 0 : i64, scratch_operands = 0 : i64, tpu.core_type = #tpu.core_type<tc>} {
    %get3A = arith.constant 0 : index
    %get3A_0 = arith.constant 0 : index
    %get3A_1 = arith.constant 0 : index
    %get3A_2 = vector.load %arg0[%get3A, %get3A_0, %get3A_1] : memref<2x10112x128xf32, #tpu.memory_space<vmem>>, vector<1x10000x128xf32>
    %get3A_3 = vector.shape_cast %get3A_2 : vector<1x10000x128xf32> to vector<10000x128xf32>
    %get3A_4 = arith.constant 1 : index
    %get3A_5 = arith.constant 0 : index
    %get3A_6 = arith.constant 0 : index
    %get3A_7 = vector.load %arg0[%get3A_4, %get3A_5, %get3A_6] : memref<2x10112x128xf32, #tpu.memory_space<vmem>>, vector<1x10000x128xf32>
    %get3A_8 = vector.shape_cast %get3A_7 : vector<1x10000x128xf32> to vector<10000x128xf32>
    %add3A = arith.addf %get3A_3, %get3A_8 : vector<10000x128xf32>
    %get3A_9 = arith.constant 0 : index
    %get3A_10 = arith.constant 0 : index
    %get3A_11 = vector.load %arg1[%get3A_9, %get3A_10] : memref<10000x1xf32, #tpu.memory_space<vmem>>, vector<10000x1xf32>
    %mul3A = vector.broadcast %get3A_11 : vector<10000x1xf32> to vector<10000x128xf32>
    %mul3A_12 = arith.mulf %add3A, %mul3A : vector<10000x128xf32>
    %get3A_13 = arith.constant 0 : index
    %get3A_14 = arith.constant 0 : index
    %get3A_15 = vector.load %arg2[%get3A_13, %get3A_14] : memref<10000x128xf32, #tpu.memory_space<vmem>>, vector<10000x128xf32>
    %add3A_16 = arith.addf %mul3A_12, %get3A_15 : vector<10000x128xf32>
    %get3A_17 = arith.constant 0 : index
    %get3A_18 = arith.constant 0 : index
    %get3A_19 = vector.load %arg3[%get3A_17, %get3A_18] : memref<1x128xf32, #tpu.memory_space<vmem>>, vector<1x128xf32>
    %get3A_20 = arith.constant 0 : index
    %get3A_21 = arith.constant 0 : index
    %get3A_22 = vector.load %arg4[%get3A_20, %get3A_21] : memref<1x128xf32, #tpu.memory_space<vmem>>, vector<1x128xf32>
    %reduce_sum3A = arith.constant dense<0.000000e+00> : vector<128xf32>
    %reduce_sum3A_23 = vector.multi_reduction <add>, %add3A_16, %reduce_sum3A [0] : vector<10000x128xf32> to vector<128xf32>
    %broadcast_in_dim3A = vector.shape_cast %reduce_sum3A_23 : vector<128xf32> to vector<1x128xf32>
    %div3A = arith.constant 1.000000e+04 : f32
    %div3A_24 = vector.broadcast %div3A : f32 to vector<1x128xf32>
    %div3A_25 = arith.divf %broadcast_in_dim3A, %div3A_24 : vector<1x128xf32>
    %sub3A = vector.broadcast %div3A_25 : vector<1x128xf32> to vector<10000x128xf32>
    %sub3A_26 = arith.subf %add3A_16, %sub3A : vector<10000x128xf32>
    %sub3A_27 = vector.broadcast %div3A_25 : vector<1x128xf32> to vector<10000x128xf32>
    %sub3A_28 = arith.subf %add3A_16, %sub3A_27 : vector<10000x128xf32>
    %mul3A_29 = arith.mulf %sub3A_26, %sub3A_28 : vector<10000x128xf32>
    %reduce_sum3A_30 = arith.constant dense<0.000000e+00> : vector<128xf32>
    %reduce_sum3A_31 = vector.multi_reduction <add>, %mul3A_29, %reduce_sum3A_30 [0] : vector<10000x128xf32> to vector<128xf32>
    %broadcast_in_dim3A_32 = vector.shape_cast %reduce_sum3A_31 : vector<128xf32> to vector<1x128xf32>
    %div3A_33 = arith.constant 1.000000e+04 : f32
    %div3A_34 = vector.broadcast %div3A_33 : f32 to vector<1x128xf32>
    %div3A_35 = arith.divf %broadcast_in_dim3A_32, %div3A_34 : vector<1x128xf32>
    %sub3A_36 = vector.broadcast %div3A_25 : vector<1x128xf32> to vector<10000x128xf32>
    %sub3A_37 = arith.subf %add3A_16, %sub3A_36 : vector<10000x128xf32>
    %add3A_38 = arith.constant 9.99999974E-6 : f32
    %add3A_39 = vector.broadcast %add3A_38 : f32 to vector<1x128xf32>
    %add3A_40 = arith.addf %div3A_35, %add3A_39 : vector<1x128xf32>
    %rsqrt3A = math.rsqrt %add3A_40 : vector<1x128xf32>
    %mul3A_41 = vector.broadcast %rsqrt3A : vector<1x128xf32> to vector<10000x128xf32>
    %mul3A_42 = arith.mulf %sub3A_37, %mul3A_41 : vector<10000x128xf32>
    %mul3A_43 = vector.broadcast %get3A_19 : vector<1x128xf32> to vector<10000x128xf32>
    %mul3A_44 = arith.mulf %mul3A_42, %mul3A_43 : vector<10000x128xf32>
    %add3A_45 = vector.broadcast %get3A_22 : vector<1x128xf32> to vector<10000x128xf32>
    %add3A_46 = arith.addf %mul3A_44, %add3A_45 : vector<10000x128xf32>
    %max3A = arith.constant 0.000000e+00 : f32
    %max3A_47 = vector.broadcast %max3A : f32 to vector<10000x128xf32>
    %max3A_48 = arith.maximumf %add3A_46, %max3A_47 : vector<10000x128xf32>
    %get3A_49 = arith.constant 0 : index
    %get3A_50 = arith.constant 0 : index
    %get3A_51 = vector.load %arg5[%get3A_49, %get3A_50] : memref<128x128xf32, #tpu.memory_space<vmem>>, vector<128x128xf32>
    %transpose3A = tpu.transpose %get3A_51, [1, 0] : vector<128x128xf32> -> vector<128x128xf32>
    %dot_general3A = arith.constant dense<0.000000e+00> : vector<10000x128xf32>
    %dot_general3A_52 = tpu.matmul %max3A_48, %transpose3A, %dot_general3A {dimension_numbers = #tpu.dot_dimension_numbers<[1], [0], [0], [1], [0, 0, 1, 1], [], []>, transpose_lhs_hint = false} : vector<10000x128xf32>, vector<128x128xf32>, vector<10000x128xf32> -> vector<10000x128xf32>
    %swap3A = arith.constant 0 : index
    %swap3A_53 = arith.constant 0 : index
    %swap3A_54 = vector.load %arg8[%swap3A, %swap3A_53] : memref<10000x128xf32, #tpu.memory_space<vmem>>, vector<10000x128xf32>
    tpu.vector_store %arg8[%swap3A, %swap3A_53], %dot_general3A_52 {strides = array<i32>} : memref<10000x128xf32, #tpu.memory_space<vmem>>, vector<10000x128xf32>,
    %get3A_55 = arith.constant 0 : index
    %get3A_56 = arith.constant 0 : index
    %get3A_57 = vector.load %arg6[%get3A_55, %get3A_56] : memref<128x128xf32, #tpu.memory_space<vmem>>, vector<128x128xf32>
    %transpose3A_58 = tpu.transpose %get3A_57, [1, 0] : vector<128x128xf32> -> vector<128x128xf32>
    %dot_general3A_59 = arith.constant dense<0.000000e+00> : vector<10000x128xf32>
    %dot_general3A_60 = tpu.matmul %max3A_48, %transpose3A_58, %dot_general3A_59 {dimension_numbers = #tpu.dot_dimension_numbers<[1], [0], [0], [1], [0, 0, 1, 1], [], []>, transpose_lhs_hint = false} : vector<10000x128xf32>, vector<128x128xf32>, vector<10000x128xf32> -> vector<10000x128xf32>
    %get3A_61 = arith.constant 0 : index
    %get3A_62 = arith.constant 0 : index
    %get3A_63 = vector.load %arg7[%get3A_61, %get3A_62] : memref<1x128xf32, #tpu.memory_space<vmem>>, vector<1x128xf32>
    %add3A_64 = vector.broadcast %get3A_63 : vector<1x128xf32> to vector<10000x128xf32>
    %add3A_65 = arith.addf %dot_general3A_60, %add3A_64 : vector<10000x128xf32>
    %swap3A_66 = arith.constant 0 : index
    %swap3A_67 = arith.constant 0 : index
    %swap3A_68 = vector.load %arg9[%swap3A_66, %swap3A_67] : memref<10000x128xf32, #tpu.memory_space<vmem>>, vector<10000x128xf32>
    tpu.vector_store %arg9[%swap3A_66, %swap3A_67], %add3A_65 {strides = array<i32>} : memref<10000x128xf32, #tpu.memory_space<vmem>>, vector<10000x128xf32>,
    return
  }
}

module attributes {stable_mosaic.version = 14 : i64} {
  func.func @_tc3_body(%arg0: memref<2x10112x128xf32, #tpu.memory_space<vmem>>, %arg1: memref<10000x1xf32, #tpu.memory_space<vmem>>, %arg2: memref<10000x128xf32, #tpu.memory_space<vmem>>, %arg3: memref<128x128xf32, #tpu.memory_space<vmem>>, %arg4: memref<1x128xf32, #tpu.memory_space<vmem>>, %arg5: memref<7x128xf32, #tpu.memory_space<vmem>>, %arg6: memref<1x7xf32, #tpu.memory_space<vmem>>, %arg7: memref<128x128xf32, #tpu.memory_space<vmem>>, %arg8: memref<1x128xf32, #tpu.memory_space<vmem>>, %arg9: memref<10000x128xf32, #tpu.memory_space<vmem>>, %arg10: memref<10000x7xf32, #tpu.memory_space<vmem>>, %arg11: memref<10000x128xf32, #tpu.memory_space<vmem>>) attributes {dimension_semantics = [], scalar_prefetch = 0 : i64, scratch_operands = 0 : i64, tpu.core_type = #tpu.core_type<tc>} {
    %get3A = arith.constant 0 : index
    %get3A_0 = arith.constant 0 : index
    %get3A_1 = arith.constant 0 : index
    %get3A_2 = vector.load %arg0[%get3A, %get3A_0, %get3A_1] : memref<2x10112x128xf32, #tpu.memory_space<vmem>>, vector<1x10000x128xf32>
    %get3A_3 = vector.shape_cast %get3A_2 : vector<1x10000x128xf32> to vector<10000x128xf32>
    %get3A_4 = arith.constant 1 : index
    %get3A_5 = arith.constant 0 : index
    %get3A_6 = arith.constant 0 : index
    %get3A_7 = vector.load %arg0[%get3A_4, %get3A_5, %get3A_6] : memref<2x10112x128xf32, #tpu.memory_space<vmem>>, vector<1x10000x128xf32>
    %get3A_8 = vector.shape_cast %get3A_7 : vector<1x10000x128xf32> to vector<10000x128xf32>
    %add3A = arith.addf %get3A_3, %get3A_8 : vector<10000x128xf32>
    %get3A_9 = arith.constant 0 : index
    %get3A_10 = arith.constant 0 : index
    %get3A_11 = vector.load %arg1[%get3A_9, %get3A_10] : memref<10000x1xf32, #tpu.memory_space<vmem>>, vector<10000x1xf32>
    %mul3A = vector.broadcast %get3A_11 : vector<10000x1xf32> to vector<10000x128xf32>
    %mul3A_12 = arith.mulf %add3A, %mul3A : vector<10000x128xf32>
    %get3A_13 = arith.constant 0 : index
    %get3A_14 = arith.constant 0 : index
    %get3A_15 = vector.load %arg2[%get3A_13, %get3A_14] : memref<10000x128xf32, #tpu.memory_space<vmem>>, vector<10000x128xf32>
    %add3A_16 = arith.addf %mul3A_12, %get3A_15 : vector<10000x128xf32>
    %get3A_17 = arith.constant 0 : index
    %get3A_18 = arith.constant 0 : index
    %get3A_19 = vector.load %arg3[%get3A_17, %get3A_18] : memref<128x128xf32, #tpu.memory_space<vmem>>, vector<128x128xf32>
    %transpose3A = tpu.transpose %get3A_19, [1, 0] : vector<128x128xf32> -> vector<128x128xf32>
    %dot_general3A = arith.constant dense<0.000000e+00> : vector<10000x128xf32>
    %dot_general3A_20 = tpu.matmul %add3A_16, %transpose3A, %dot_general3A {dimension_numbers = #tpu.dot_dimension_numbers<[1], [0], [0], [1], [0, 0, 1, 1], [], []>, transpose_lhs_hint = false} : vector<10000x128xf32>, vector<128x128xf32>, vector<10000x128xf32> -> vector<10000x128xf32>
    %get3A_21 = arith.constant 0 : index
    %get3A_22 = arith.constant 0 : index
    %get3A_23 = vector.load %arg4[%get3A_21, %get3A_22] : memref<1x128xf32, #tpu.memory_space<vmem>>, vector<1x128xf32>
    %add3A_24 = vector.broadcast %get3A_23 : vector<1x128xf32> to vector<10000x128xf32>
    %add3A_25 = arith.addf %dot_general3A_20, %add3A_24 : vector<10000x128xf32>
    %swap3A = arith.constant 0 : index
    %swap3A_26 = arith.constant 0 : index
    %swap3A_27 = vector.load %arg9[%swap3A, %swap3A_26] : memref<10000x128xf32, #tpu.memory_space<vmem>>, vector<10000x128xf32>
    tpu.vector_store %arg9[%swap3A, %swap3A_26], %add3A_25 {strides = array<i32>} : memref<10000x128xf32, #tpu.memory_space<vmem>>, vector<10000x128xf32>,
    %get3A_28 = arith.constant 0 : index
    %get3A_29 = arith.constant 0 : index
    %get3A_30 = vector.load %arg5[%get3A_28, %get3A_29] : memref<7x128xf32, #tpu.memory_space<vmem>>, vector<7x128xf32>
    %transpose3A_31 = tpu.transpose %get3A_30, [1, 0] : vector<7x128xf32> -> vector<128x7xf32>
    %dot_general3A_32 = arith.constant dense<0.000000e+00> : vector<10000x7xf32>
    %dot_general3A_33 = tpu.matmul %add3A_16, %transpose3A_31, %dot_general3A_32 {dimension_numbers = #tpu.dot_dimension_numbers<[1], [0], [0], [1], [0, 0, 1, 1], [], []>, transpose_lhs_hint = false} : vector<10000x128xf32>, vector<128x7xf32>, vector<10000x7xf32> -> vector<10000x7xf32>
    %get3A_34 = arith.constant 0 : index
    %get3A_35 = arith.constant 0 : index
    %get3A_36 = vector.load %arg6[%get3A_34, %get3A_35] : memref<1x7xf32, #tpu.memory_space<vmem>>, vector<1x7xf32>
    %add3A_37 = vector.broadcast %get3A_36 : vector<1x7xf32> to vector<10000x7xf32>
    %add3A_38 = arith.addf %dot_general3A_33, %add3A_37 : vector<10000x7xf32>
    %swap3A_39 = arith.constant 0 : index
    %swap3A_40 = arith.constant 0 : index
    %swap3A_41 = vector.load %arg10[%swap3A_39, %swap3A_40] : memref<10000x7xf32, #tpu.memory_space<vmem>>, vector<10000x7xf32>
    tpu.vector_store %arg10[%swap3A_39, %swap3A_40], %add3A_38 {strides = array<i32>} : memref<10000x7xf32, #tpu.memory_space<vmem>>, vector<10000x7xf32>,
    %get3A_42 = arith.constant 0 : index
    %get3A_43 = arith.constant 0 : index
    %get3A_44 = vector.load %arg7[%get3A_42, %get3A_43] : memref<128x128xf32, #tpu.memory_space<vmem>>, vector<128x128xf32>
    %transpose3A_45 = tpu.transpose %get3A_44, [1, 0] : vector<128x128xf32> -> vector<128x128xf32>
    %dot_general3A_46 = arith.constant dense<0.000000e+00> : vector<10000x128xf32>
    %dot_general3A_47 = tpu.matmul %add3A_16, %transpose3A_45, %dot_general3A_46 {dimension_numbers = #tpu.dot_dimension_numbers<[1], [0], [0], [1], [0, 0, 1, 1], [], []>, transpose_lhs_hint = false} : vector<10000x128xf32>, vector<128x128xf32>, vector<10000x128xf32> -> vector<10000x128xf32>
    %get3A_48 = arith.constant 0 : index
    %get3A_49 = arith.constant 0 : index
    %get3A_50 = vector.load %arg8[%get3A_48, %get3A_49] : memref<1x128xf32, #tpu.memory_space<vmem>>, vector<1x128xf32>
    %add3A_51 = vector.broadcast %get3A_50 : vector<1x128xf32> to vector<10000x128xf32>
    %add3A_52 = arith.addf %dot_general3A_47, %add3A_51 : vector<10000x128xf32>
    %swap3A_53 = arith.constant 0 : index
    %swap3A_54 = arith.constant 0 : index
    %swap3A_55 = vector.load %arg11[%swap3A_53, %swap3A_54] : memref<10000x128xf32, #tpu.memory_space<vmem>>, vector<10000x128xf32>
    tpu.vector_store %arg11[%swap3A_53, %swap3A_54], %add3A_52 {strides = array<i32>} : memref<10000x128xf32, #tpu.memory_space<vmem>>, vector<10000x128xf32>,
    return
  }
}

</mosaic_0001>

<sc_bundles>
// kernel: kernel.10.cloned.1.call-start
scs
__scs_entry_jumppad:
0x0: {  	(pc) =	sbr.rel $0x88, $3  }
0x1: {  	(tag) =	ssettag $0x0;
	lr =	simm.s32 $0x1  }
0x2: {  	[smem:$0x3F8C] =	sst lr;
	_ =	strace $0xD0000000  }
0x3: {  	_ = 	snop  }
0x4: {  	_ = 	snop  }
0x5: {  	_ = 	snop  }
0x6: {  	_ = 	snop  }
0x7: {  	_ = 	snop  }
__scs_overlays_trampoline_lowered:
0x8: {  	[smem:$0x3F9B] =	sst s0  }
0x9: {  	[smem:$0x3F9C] =	sst s1  }
0xa: {  	[smem:$0x3F9D] =	sst s2  }
0xb: {  	[smem:$0x3F9E] =	sst s3  }
0xc: {  	[smem:$0x3F9F] =	sst s4  }
0xd: {  	[smem:$0x3FA0] =	sst s5  }
0xe: {  	[smem:$0x3FA1] =	sst s6  }
0xf: {  	[smem:$0x3FA2] =	sst s7  }
0x10: {  	[smem:$0x3FA3] =	sst s8  }
0x11: {  	[smem:$0x3FA4] =	sst s9;
	s0 =	simm.s32 @!p0 $0x0  }
0x12: {  	s1 =	sld [smem:$0x3F8A];
	s0 =	simm.s32 @p0 $0x1  }
0x13: {  	[smem:$0x3FA5] =	sst s0;
	s0 =	simm.s32 @!p1 $0x0  }
0x14: {  	s2 =	sld [smem:$0x3F89];
	s0 =	simm.s32 @p1 $0x1  }
0x15: {  	[smem:$0x3FA6] =	sst s0;
	s0 =	simm.s32 @!p2 $0x0  }
0x16: {  	s3 =	sld [smem:$0x3FDB];
	s0 =	simm.s32 @p2 $0x1  }
0x17: {  	s4 =	simm.s32 $0x1BF5;
	[smem:$0x3FA8] =	sst s0  }
0x18: {  	s0 =	sld [smem:$0x3F8B];
	_ =	swait.ge [sflag:s4], $0x0  }
0x19: {  	s7 =	sld [smem:$0x3F8C]  }
0x1a: {  	s8 =	sadd.s32 $0xFFFFE003, lr  }
0x1b: {  	s9 =	sadd.s32 $0xFFFFFEF7, lr;
	s5 =	simm.s32 $0xFFFFFFFF;
	p2 =	slt.u32 s8, $0xFFFFF086  }
0x1c: {  	p1 =	slt.u32 s9, $0xF7A;
	s5 =	simm.s32 @!p2 $0x0  }
0x1d: {  	s5 =	simm.s32 @p1 $0x1;
	p0 =	seq.s32 s7, s2  }
0x1e: {  	s7 =	smul.u32 @!p0 $0xF7A, s2;
	p2 =	seq.s32 @!p0 s5, $0x0  }
0x1f: {  	s9 =	smul.u32 $0xF7A, s1;
	s8 =	simm.s32 @!p0 $0x1BF5;
	p2 =	por !p2, p0  }
0x20: {  	[sflag:s8] =	ssyncset.s32 @!p0 $0xFFFFF086;
	s6 =	sadd.s32 @!p0 s3, s7;
	s7 =	simm.s32 @!p0 $0x108  }
0x21: {  	s3 =	sadd.s32 s3, s9;
	s6 =	sadd.s32 @!p0 $0x88, s6;
	s7 =	simm.s32 @p2 $0x1082  }
0x22: {  	[simem:s7], [sflag:s8] =	dma.local @!p0 [hbm:s6], $0xF7A  }
0x23: {  	s9 =	sor.u32 $0xD0000000, s2;
	s6 =	simm.s32 $0x108;
	_ =	swait.ge @!p0 [sflag:s8], $0x0  }
0x24: {  	s3 =	sadd.s32 $0x88, s3;
	s6 =	simm.s32 @!p1 $0x1082;
	[sflag:s4] =	ssyncset.s32 $0xFFFFF086  }
0x25: {  	[simem:s6], [sflag:s4] =	dma.local [hbm:s3], $0xF7A  }
0x26: {  	[smem:$0x3F8C] =	sst s1;
	(tag) =	ssettag s2;
	_ =	strace s9  }
0x27: {  	s1 =	sld [smem:$0x3F9C]  }
0x28: {  	s2 =	sld [smem:$0x3F9D]  }
0x29: {  	s4 =	sld [smem:$0x3F9F]  }
0x2a: {  	p0 =	seq.s32 s5, $0x0;
	s5 =	sld [smem:$0x3FA0]  }
0x2b: {  	s6 =	sld [smem:$0x3FA1]  }
0x2c: {  	s7 =	sld [smem:$0x3FA2]  }
0x2d: {  	s3 =	simm.s32 $0x108;
	s8 =	sld [smem:$0x3FA3]  }
0x2e: {  	s3 =	simm.s32 @!p0 $0x1082;
	s9 =	sld [smem:$0x3FA4]  }
0x2f: {  	lr =	sadd.s32 s0, s3;
	s0 =	sld [smem:$0x3F9B]  }
0x30: {  	s3 =	sld [smem:$0x3F9E]  }
0x31: {  	[smem:$0x3FA7] =	sst s10  }
0x32: {  	s10 =	sld [smem:$0x3FA5];
	_ =	sdelay $0x3  }
0x33: {  	p0 =	seq.s32 s10, $0x1;
	s10 =	sld [smem:$0x3FA7];
	_ =	sdelay $0x3  }
0x34: {  	[smem:$0x3FA7] =	sst s10  }
0x35: {  	s10 =	sld [smem:$0x3FA6];
	_ =	sdelay $0x3  }
0x36: {  	p1 =	seq.s32 s10, $0x1;
	s10 =	sld [smem:$0x3FA7];
	_ =	sdelay $0x3  }
0x37: {  	[smem:$0x3FA7] =	sst s10  }
0x38: {  	s10 =	sld [smem:$0x3FA8]  }
0x39: {  	_ = 	snop;
	(pc) =	sbr.ind lr, $3  }
0x3a: {  	_ = 	snop  }
0x3b: {  	_ = 	snop  }
0x3c: {  	p2 =	seq.s32 s10, $0x1;
	s10 =	sld [smem:$0x3FA7]  }
0x3d: {  	_ =	shalt  }
0x3e: {  	_ =	shalt  }
0x3f: {  	_ =	shalt  }
0x40: {  	_ =	shalt  }
0x41: {  	_ =	shalt  }
0x42: {  	_ =	shalt  }
0x43: {  	_ =	shalt  }
0x44: {  	_ =	shalt  }
0x45: {  	_ =	shalt  }
0x46: {  	_ =	shalt  }
0x47: {  	_ =	shalt  }
0x48: {  	_ =	shalt  }
0x49: {  	_ =	shalt  }
0x4a: {  	_ =	shalt  }
0x4b: {  	_ =	shalt  }
0x4c: {  	_ =	shalt  }
0x4d: {  	_ =	shalt  }
0x4e: {  	_ =	shalt  }
0x4f: {  	_ =	shalt  }
0x50: {  	_ =	shalt  }
0x51: {  	_ =	shalt  }
0x52: {  	_ =	shalt  }
0x53: {  	_ =	shalt  }
0x54: {  	_ =	shalt  }
0x55: {  	_ =	shalt  }
0x56: {  	_ =	shalt  }
0x57: {  	_ =	shalt  }
0x58: {  	_ =	shalt  }
0x59: {  	_ =	shalt  }
0x5a: {  	_ =	shalt  }
0x5b: {  	_ =	shalt  }
0x5c: {  	_ =	shalt  }
0x5d: {  	_ =	shalt  }
0x5e: {  	_ =	shalt  }
0x5f: {  	_ =	shalt  }
0x60: {  	_ =	shalt  }
0x61: {  	_ =	shalt  }
0x62: {  	_ =	shalt  }
0x63: {  	_ =	shalt  }
0x64: {  	_ =	shalt  }
0x65: {  	_ =	shalt  }
0x66: {  	_ =	shalt  }
0x67: {  	_ =	shalt  }
0x68: {  	_ =	shalt  }
0x69: {  	_ =	shalt  }
0x6a: {  	_ =	shalt  }
0x6b: {  	_ =	shalt  }
0x6c: {  	_ =	shalt  }
0x6d: {  	_ =	shalt  }
0x6e: {  	_ =	shalt  }
0x6f: {  	_ =	shalt  }
0x70: {  	_ =	shalt  }
0x71: {  	_ =	shalt  }
0x72: {  	_ =	shalt  }
0x73: {  	_ =	shalt  }
0x74: {  	_ =	shalt  }
0x75: {  	_ =	shalt  }
0x76: {  	_ =	shalt  }
0x77: {  	_ =	shalt  }
0x78: {  	_ =	shalt  }
0x79: {  	_ =	shalt  }
0x7a: {  	_ =	shalt  }
0x7b: {  	_ =	shalt  }
0x7c: {  	_ =	shalt  }
0x7d: {  	_ =	shalt  }
0x7e: {  	_ =	shalt  }
0x7f: {  	_ =	shalt  }
0x80: {  	_ =	shalt  }
0x81: {  	_ =	shalt  }
0x82: {  	_ =	shalt  }
0x83: {  	_ =	shalt  }
0x84: {  	_ =	shalt  }
0x85: {  	_ =	shalt  }
0x86: {  	_ =	shalt  }
0x87: {  	_ =	shalt  }
.Lfunc_end0:
.L_simem_size_0:
called_computation_lowered:
.L_overlay_start_0:
0x88: {  	s2 =	sld [smem:$0x3FD9]  }
0x89: {  	s3 =	sld [smem:$0x3FFE];
	_ =	sdelay $0x1  }
0x8a: {  	s1 =	srdreg.scid  }
0x8b: {  	s0 =	sand.u32 $0x1, s1  }
0x8c: {  	s15 =	sshll.u32 s0, $0xA;
	s2 =	sadd.s32 s3, s2  }
0x8d: {  	s2 =	sadd.s32 s2, s15  }
0x8e: {  	[smem:$0x3FB3] =	sst s2  }
0x8f: {  	_ = 	snop  }
0x90: {  	s2 =	sld [smem:$0x3FD0];
	_ =	sdelay $0x2  }
0x91: {  	s4 =	simm.s32 $0xB;
	s16 =	simm.s32 $0x10  }
0x92: {  	[smem:s16], [sflag:s4] =	dma.local [hbm:s2], $0x1  }
0x93: {  	_ =	swait.eq [sflag:s4], $0x1  }
0x94: {  	[sflag:s4] =	ssyncset.done $0x0  }
0x95: {  	s17 =	sld [smem:$0x10];
	[sflag:s4] =	ssyncadd.s32 $0xFFFFFFFF  }
0x96: {  	s18 =	sld [smem:$0x11];
	(tm) =	ssettm $0x1  }
0x97: {  	s19 =	sld [smem:$0x3FFB];
	_ =	sdelay $0x3  }
0x98: {  	_ =	strace s19  }
0x99: {  	s2 =	sld [smem:$0x3FFC];
	_ =	sdelay $0x3  }
0x9a: {  	_ =	strace s2  }
0x9b: {  	s2 =	sld [smem:$0x3FFD];
	_ =	sdelay $0x3  }
0x9c: {  	_ =	strace s2  }
0x9d: {  	_ =	strace $0x8FFFFFFF  }
0x9e: {  	s20 =	sld [smem:$0x3FDB];
	_ =	sdelay $0x1  }
0x9f: {  	s5 =	simm.s32 $_scs_section_size  }
0xa0: {  	s6 =	simm.s32 $_size__tile_overlayer_lowered;
	s7 =	simm.s32 $_tile_overlayer_lowered  }
0xa1: {  	s8 =	simm.s32 $0x1BFF;
	s21 =	sshll.u32 s7, $0x1;
	s5 =	sadd.s32 s5, s20  }
0xa2: {  	s22 =	simm.s32 $0x0;
	s6 =	sshll.u32 s6, $0x1;
	s7 =	sadd.s32 s21, s5  }
0xa3: {  	[timem:s22], [sflag:s8] =	dma.local [hbm:s7], s6  }
0xa4: {  	_ =	swait.ge [sflag:s8], s6  }
0xa5: {  	s6 =	ssub.s32 $0x0, s6;
	[sflag:s8] =	ssyncset.done $0x0  }
0xa6: {  	[sflag:s8] =	ssyncadd.s32 s6;
	_ =	sdelay $0x1  }
0xa7: {  	s23 =	simm.s32 $0x1B8B  }
0xa8: {  	_ =	swait.ge [sflag:s23], $0x1  }
0xa9: {  	[sflag:s23] =	ssyncset.done $0x0  }
0xaa: {  	[sflag:s23] =	ssyncadd.s32 $0xFFFFFFFF  }
0xab: {  	s6 =	sld [smem:$0x0]  }
0xac: {  	s7 =	sand.u32 $0xFFFFFFFE, s1  }
0xad: {  	p0 =	sne.s32 s1, s7  }
0xae: {  	s7 =	sshll.u32 @p0 s7, $0xE  }
0xaf: {  	s7 =	sadd.s32 @p0 $0x11B8D, s7;
	s8 =	sshll.u32 @p0 s6, $0x11  }
0xb0: {  	s7 =	sor.u32 @p0 s8, s7  }
0xb1: {  	[sflag:s7] =	ssyncadd.remote.s32 @p0 $0x1;
	_ =	sdelay $0x1  }
0xb2: {  	s7 =	simm.s32 @p0 $0x1B8D  }
0xb3: {  	_ =	swait.eq @p0 [sflag:s7], $0x1  }
0xb4: {  	[sflag:s7] =	ssyncadd.s32 @p0 $0xFFFFFFFF  }
0xb5: {  	s8 =	sshll.u32 @!p0 s1, $0xE  }
0xb6: {  	s8 =	sor.u32 @!p0 $0x4000, s8;
	s7 =	simm.s32 @!p0 $0x1B8D  }
0xb7: {  	s6 =	sshll.u32 @!p0 s6, $0x11;
	s8 =	sadd.s32 @!p0 $0x11B8D, s8;
	_ =	swait.eq @!p0 [sflag:s7], $0x1  }
0xb8: {  	s6 =	sor.u32 @!p0 s6, s8;
	[sflag:s7] =	ssyncadd.s32 @!p0 $0xFFFFFFFF  }
0xb9: {  	s25 =	simm.s32 $0x1B8E;
	s24 =	sld [smem:$0x3FFE];
	[sflag:s6] =	ssyncadd.remote.s32 @!p0 $0x1  }
0xba: {  	s26 =	simm.s32 $execute0_lowered;
	[smem:$0x3FD2] =	sst s25  }
0xbb: {  	s7 =	sshll.u32 s26, $0x1;
	_ =	strace $0x80000049;
	[dreg:$0x1] =	wrdreg $0xFFFFFFFF  }
0xbc: {  	s28 =	simm.s32 $_size_execute0_lowered;
	s5 =	sadd.s32 s5, s7;
	[dreg:$0x0] =	wrdreg $0x0  }
0xbd: {  	s7 =	sshll.u32 s28, $0x1;
	[dreg:$0x2] =	wrdreg s5  }
0xbe: {  	[dreg:$0x3] =	wrdreg s7  }
0xbf: {  	[dreg:$0x4] =	wrdreg $0xC0  }
0xc0: {  	_ =	task [dreg:s22], $0x5FFFF  }
0xc1: {  	[dreg:$0x1] =	wrdreg $0xFFFFFFFF  }
0xc2: {  	[dreg:$0x0] =	wrdreg $0x60  }
0xc3: {  	[dreg:$0x2] =	wrdreg s17  }
0xc4: {  	[dreg:$0x3] =	wrdreg s24  }
0xc5: {  	[dreg:$0x4] =	wrdreg s18  }
0xc6: {  	[dreg:$0x5] =	wrdreg $0x0  }
0xc7: {  	[dreg:$0x6] =	wrdreg $0x9  }
0xc8: {  	_ =	task.clear_ibuf [dreg:s22], $0x7FFFF;
	_ =	strace $0x90000049  }
0xc9: {  	s29 =	simm.s32 $0x9;
	_ =	strace $0x8000004B  }
0xca: {  	_ =	swait.ge [sflag:s29], $0x1  }
0xcb: {  	[sflag:s29] =	ssyncadd.s32 $0xFFFFFFFF  }
0xcc: {  	_ =	strace $0x9000004B  }
0xcd: {  	_ =	sfence  }
0xce: {  	s30 =	sld [smem:$0x0];
	_ =	sdelay $0x2  }
0xcf: {  	s31 =	sshll.u32 s1, $0xD;
	s1 =	sshrl.u32 s1, $0x2  }
0xd0: {  	s4 =	sand.u32 $0x4000, s31;
	s1 =	sadd.s32 s1, s30  }
0xd1: {  	s0 =	sor.u32 s4, s0;
	s1 =	sshll.u32 s1, $0x11  }
0xd2: {  	s0 =	sor.u32 s1, s0  }
0xd3: {  	s0 =	sadd.s32 $0x8F2B, s0  }
0xd4: {  	[sflag:s0] =	ssyncadd.remote.s32 $0x1  }
0xd5: {  	_ =	sfence.sel $0xFFFF  }
0xd6: {  	[dreg:$0x0] =	wrdreg $0xFFFFFFFF;
	(pc) =	sbr.abs _section_cstart, $3  }
0xd7: {  	[dreg:$0x1] =	wrdreg $0xFFFFFFFF  }
0xd8: {  	_ =	task.clear_ibuf [dreg:s22], $0x2FFFF;
	_ =	strace $0x9FFFFFFF  }
0xd9: {  	(tm) =	ssettm $0x7FFFFFFF  }
tec
execute0_lowered:
.L_overlay_start_1:
0x0: {  	(tag) =	ssettag $0x1  }
0x1: {  	s9 =	rddreg [dreg:$0x0]  }
0x2: {  	s6 =	rddreg [dreg:$0x1]  }
0x3: {  	s1 =	rddreg [dreg:$0x2]  }
0x4: {  	s2 =	rddreg [dreg:$0x3]  }
0x5: {  	s3 =	srdreg.scid;
	s0 =	rddreg [dreg:$0x4];
	s4 =	simm.s32 $0x0  }
0x6: {  	s14 =	simm.s32 $0x80;
	s15 =	simm.s32 $0x13C80;
	s16 =	simm.s32 $0x13D00  }
0x7: {  	s17 =	simm.s32 $0x13D80;
	s18 =	simm.s32 $0x13E00;
	s7 =	sand.u32 $0x1, s3  }
0x8: {  	s19 =	simm.s32 $0x13E80;
	s3 =	stileid.u32;
	s5 =	smul.u32 $0x13C000, s7  }
0x9: {  	s20 =	simm.s32 $0x13F00;
	s21 =	simm.s32 $0x13F80;
	s8 =	smul.u32 $0x13C00, s3  }
0xa: {  	s22 =	simm.s32 $0x0;
	[smem:$0x7FF] =	sst s4;
	s10 =	smul.u32 $0x50, s3  }
0xb: {  	_ =	strace $0x8000004A;
	s26 =	ssub.s32 $0x2, s7;
	s13 =	smul.u32 $0x4F000, s3  }
0xc: {  	p0 =	seq.s32 s7, $0x0;
	s30 =	sshll.u32 s3, $0x6;
	s12 =	sshrl.u32 s26, $0x1  }
0xd: {  	s5 =	sadd.s32 s8, s5;
	s8 =	ssub.s32 s26, s12;
	s12 =	sadd.s32 $0x500, s10  }
0xe: {  	s28 =	sshrl.u32 s13, $0x2;
	s13 =	simm.s32 $0x13C00;
	s11 =	sshrl.u32 s5, $0x3  }
0xf: {  	s5 =	sadd.s32 $0x5D000, s6;
	s12 =	smov.u32 @p0 s10;
	s29 =	sadd.s32 s28, s2  }
0x10: {  	s8 =	smax.u32 s8, $0x1;
	s11 =	sadd.s32 s11, s6;
	s6 =	sor.u32 $0x1C01, s30  }
0x11: {  	s31 =	sshll.u32 s12, $0x4;
	s10 =	sshrl.u32 s29, $0x3;
	s12 =	simm.s32 $0x14000  }
0x12: {  	s7 =	sadd.s32 $0x5D800, s11;
	s9 =	sadd.s32 s31, s9;
	s11 =	simm.s32 $0x1  }
.LBB2_1:
0x13: {  	[spmem:s10], [sflag:s6] =	dma.local [hbm:s1], $0x2780  }
0x14: {  	_ =	swait.ge [sflag:s11], $0x2780  }
0x15: {  	[sflag:s11] =	ssyncset.done $0x0  }
0x16: {  	[sflag:s11] =	ssyncadd.s32 $0xFFFFD880  }
0x17: {  	[tilespmem:s12], [sflag:$0x1] =	stream.linear.gather [hbm4b:s5+s4], $0x4000, $0x38;
	[tilespmem:$0x18000] =	vst v63  }
0x18: {  	_ =	swait.ge [sflag:s11], $0x4000  }
0x19: {  	[sflag:s11] =	ssyncset.done $0x0  }
0x1a: {  	[sflag:s11] =	ssyncadd.s32 $0xFFFFC000  }
0x1b: {  	s23 =	sadd.s32 $0x0, s9;
	[bflag:$0x0] =	sbarrier.arrive $0xFFFF  }
0x1c: {  	[tilespmem:s13], [sflag:$0x1] =	stream.linear.gather [hbm4b:s23+s4], $0x400, $0x38;
	[tilespmem:$0x18000] =	vst v63  }
0x1d: {  	_ =	swait.ge [sflag:s11], $0x400  }
0x1e: {  	[sflag:s11] =	ssyncset.done $0x0  }
0x1f: {  	[sflag:s11] =	ssyncadd.s32 $0xFFFFFC00  }
0x20: {  	[spmem:s2] =	stream.indirect.scatter.add.f32 [tilespmem:s12], [sflag:$0x1], $0x80, s13, s14, $0xb8;
	[tilespmem:$0x18000] =	vst v63  }
0x21: {  	_ =	swait.ge [sflag:s11], $0x4000  }
0x22: {  	[sflag:s11] =	ssyncset.done $0x0  }
0x23: {  	[sflag:s11] =	ssyncadd.s32 $0xFFFFC000  }
0x24: {  	[spmem:s2] =	stream.indirect.scatter.add.f32 [tilespmem:s12], [sflag:$0x1], $0x80, s15, s14, $0xb8;
	[tilespmem:$0x18000] =	vst v63  }
0x25: {  	_ =	swait.ge [sflag:s11], $0x4000  }
0x26: {  	[sflag:s11] =	ssyncset.done $0x0  }
0x27: {  	[sflag:s11] =	ssyncadd.s32 $0xFFFFC000  }
0x28: {  	[spmem:s2] =	stream.indirect.scatter.add.f32 [tilespmem:s12], [sflag:$0x1], $0x80, s16, s14, $0xb8;
	[tilespmem:$0x18000] =	vst v63  }
0x29: {  	_ =	swait.ge [sflag:s11], $0x4000  }
0x2a: {  	[sflag:s11] =	ssyncset.done $0x0  }
0x2b: {  	[sflag:s11] =	ssyncadd.s32 $0xFFFFC000  }
0x2c: {  	[spmem:s2] =	stream.indirect.scatter.add.f32 [tilespmem:s12], [sflag:$0x1], $0x80, s17, s14, $0xb8;
	[tilespmem:$0x18000] =	vst v63  }
0x2d: {  	_ =	swait.ge [sflag:s11], $0x4000  }
0x2e: {  	[sflag:s11] =	ssyncset.done $0x0  }
0x2f: {  	[sflag:s11] =	ssyncadd.s32 $0xFFFFC000  }
0x30: {  	[spmem:s2] =	stream.indirect.scatter.add.f32 [tilespmem:s12], [sflag:$0x1], $0x80, s18, s14, $0xb8;
	[tilespmem:$0x18000] =	vst v63  }
0x31: {  	_ =	swait.ge [sflag:s11], $0x4000  }
0x32: {  	[sflag:s11] =	ssyncset.done $0x0  }
0x33: {  	[sflag:s11] =	ssyncadd.s32 $0xFFFFC000  }
0x34: {  	[spmem:s2] =	stream.indirect.scatter.add.f32 [tilespmem:s12], [sflag:$0x1], $0x80, s19, s14, $0xb8;
	[tilespmem:$0x18000] =	vst v63  }
0x35: {  	_ =	swait.ge [sflag:s11], $0x4000  }
0x36: {  	[sflag:s11] =	ssyncset.done $0x0  }
0x37: {  	[sflag:s11] =	ssyncadd.s32 $0xFFFFC000  }
0x38: {  	[spmem:s2] =	stream.indirect.scatter.add.f32 [tilespmem:s12], [sflag:$0x1], $0x80, s20, s14, $0xb8;
	[tilespmem:$0x18000] =	vst v63  }
0x39: {  	_ =	swait.ge [sflag:s11], $0x4000  }
0x3a: {  	[sflag:s11] =	ssyncset.done $0x0  }
0x3b: {  	[sflag:s11] =	ssyncadd.s32 $0xFFFFC000  }
0x3c: {  	[spmem:s2] =	stream.indirect.scatter.add.f32 [tilespmem:s12], [sflag:$0x1], $0x80, s21, s14, $0xb8;
	[tilespmem:$0x18000] =	vst v63  }
0x3d: {  	_ =	swait.ge [sflag:s11], $0x4000  }
0x3e: {  	s25 =	simm.s32 $0x100;
	s23 =	simm.s32 $0x80;
	[sflag:s11] =	ssyncset.done $0x0  }
.LBB2_2:
0x3f: {  	s26 =	sadd.s32 s23, s9  }
0x40: {  	[sflag:s11] =	ssyncadd.s32 $0xFFFFC000;
	s23 =	smov.u32 s25;
	s24 =	sadd.s32 $0x80, s25  }
0x41: {  	[tilespmem:s13], [sflag:$0x1] =	stream.linear.gather [hbm4b:s26+s4], $0x400, $0x38;
	[tilespmem:$0x18000] =	vst v63  }
0x42: {  	p0 =	sne.s32 s25, $0x480;
	_ =	swait.ge [sflag:s11], $0x400  }
0x43: {  	[sflag:s11] =	ssyncset.done $0x0  }
0x44: {  	[sflag:s11] =	ssyncadd.s32 $0xFFFFFC00  }
0x45: {  	[spmem:s2] =	stream.indirect.scatter.add.f32 [tilespmem:s12], [sflag:$0x1], $0x80, s13, s14, $0xb8;
	[tilespmem:$0x18000] =	vst v63  }
0x46: {  	_ =	swait.ge [sflag:s11], $0x4000  }
0x47: {  	[sflag:s11] =	ssyncset.done $0x0  }
0x48: {  	[sflag:s11] =	ssyncadd.s32 $0xFFFFC000  }
0x49: {  	[spmem:s2] =	stream.indirect.scatter.add.f32 [tilespmem:s12], [sflag:$0x1], $0x80, s15, s14, $0xb8;
	[tilespmem:$0x18000] =	vst v63  }
0x4a: {  	_ =	swait.ge [sflag:s11], $0x4000  }
0x4b: {  	[sflag:s11] =	ssyncset.done $0x0  }
0x4c: {  	[sflag:s11] =	ssyncadd.s32 $0xFFFFC000  }
0x4d: {  	[spmem:s2] =	stream.indirect.scatter.add.f32 [tilespmem:s12], [sflag:$0x1], $0x80, s16, s14, $0xb8;
	[tilespmem:$0x18000] =	vst v63  }
0x4e: {  	_ =	swait.ge [sflag:s11], $0x4000  }
0x4f: {  	[sflag:s11] =	ssyncset.done $0x0  }
0x50: {  	[sflag:s11] =	ssyncadd.s32 $0xFFFFC000  }
0x51: {  	[spmem:s2] =	stream.indirect.scatter.add.f32 [tilespmem:s12], [sflag:$0x1], $0x80, s17, s14, $0xb8;
	[tilespmem:$0x18000] =	vst v63  }
0x52: {  	_ =	swait.ge [sflag:s11], $0x4000  }
0x53: {  	[sflag:s11] =	ssyncset.done $0x0  }
0x54: {  	[sflag:s11] =	ssyncadd.s32 $0xFFFFC000  }
0x55: {  	[spmem:s2] =	stream.indirect.scatter.add.f32 [tilespmem:s12], [sflag:$0x1], $0x80, s18, s14, $0xb8;
	[tilespmem:$0x18000] =	vst v63  }
0x56: {  	_ =	swait.ge [sflag:s11], $0x4000  }
0x57: {  	[sflag:s11] =	ssyncset.done $0x0  }
0x58: {  	[sflag:s11] =	ssyncadd.s32 $0xFFFFC000  }
0x59: {  	[spmem:s2] =	stream.indirect.scatter.add.f32 [tilespmem:s12], [sflag:$0x1], $0x80, s19, s14, $0xb8;
	[tilespmem:$0x18000] =	vst v63  }
0x5a: {  	_ =	swait.ge [sflag:s11], $0x4000  }
0x5b: {  	[sflag:s11] =	ssyncset.done $0x0  }
0x5c: {  	[sflag:s11] =	ssyncadd.s32 $0xFFFFC000  }
0x5d: {  	[spmem:s2] =	stream.indirect.scatter.add.f32 [tilespmem:s12], [sflag:$0x1], $0x80, s20, s14, $0xb8;
	[tilespmem:$0x18000] =	vst v63  }
0x5e: {  	_ =	swait.ge [sflag:s11], $0x4000  }
.Ltmp0:
0x5f: {  	[sflag:s11] =	ssyncset.done $0x0;
	(pc) =	sbr.rel @p0 .LBB2_2-.Ltmp0, $4  }
0x60: {  	[sflag:s11] =	ssyncadd.s32 $0xFFFFC000  }
0x61: {  	[spmem:s2] =	stream.indirect.scatter.add.f32 [tilespmem:s12], [sflag:$0x1], $0x80, s21, s14, $0xb8;
	[tilespmem:$0x18000] =	vst v63  }
0x62: {  	_ =	swait.ge [sflag:s11], $0x4000  }
0x63: {  	s25 =	smov.u32 s24;
	[sflag:s11] =	ssyncset.done $0x0  }
0x64: {  	s23 =	sadd.s32 s23, s9;
	[sflag:s11] =	ssyncadd.s32 $0xFFFFC000  }
0x65: {  	[tilespmem:s13], [sflag:$0x1] =	stream.linear.gather [hbm4b:s23+s4], $0x400, $0x38;
	[tilespmem:$0x18000] =	vst v63  }
0x66: {  	_ =	swait.ge [sflag:s11], $0x400  }
0x67: {  	[sflag:s11] =	ssyncset.done $0x0  }
0x68: {  	[sflag:s11] =	ssyncadd.s32 $0xFFFFFC00  }
0x69: {  	[spmem:s2] =	stream.indirect.scatter.add.f32 [tilespmem:s12], [sflag:$0x1], $0x80, s13, s14, $0xb8;
	[tilespmem:$0x18000] =	vst v63  }
0x6a: {  	_ =	swait.ge [sflag:s11], $0x4000  }
0x6b: {  	[sflag:s11] =	ssyncset.done $0x0  }
0x6c: {  	[sflag:s11] =	ssyncadd.s32 $0xFFFFC000  }
0x6d: {  	[spmem:s2] =	stream.indirect.scatter.add.f32 [tilespmem:s12], [sflag:$0x1], $0x80, s15, s14, $0xb8;
	[tilespmem:$0x18000] =	vst v63  }
0x6e: {  	_ =	swait.ge [sflag:s11], $0x4000  }
0x6f: {  	[sflag:s11] =	ssyncset.done $0x0  }
0x70: {  	[sflag:s11] =	ssyncadd.s32 $0xFFFFC000  }
0x71: {  	[spmem:s2] =	stream.indirect.scatter.add.f32 [tilespmem:s12], [sflag:$0x1], $0x80, s16, s14, $0xb8;
	[tilespmem:$0x18000] =	vst v63  }
0x72: {  	_ =	swait.ge [sflag:s11], $0x4000  }
0x73: {  	[sflag:s11] =	ssyncset.done $0x0  }
0x74: {  	[sflag:s11] =	ssyncadd.s32 $0xFFFFC000  }
0x75: {  	[spmem:s2] =	stream.indirect.scatter.add.f32 [tilespmem:s12], [sflag:$0x1], $0x80, s17, s14, $0xb8;
	[tilespmem:$0x18000] =	vst v63  }
0x76: {  	_ =	swait.ge [sflag:s11], $0x4000  }
0x77: {  	[sflag:s11] =	ssyncset.done $0x0  }
0x78: {  	[sflag:s11] =	ssyncadd.s32 $0xFFFFC000  }
0x79: {  	[spmem:s2] =	stream.indirect.scatter.add.f32 [tilespmem:s12], [sflag:$0x1], $0x80, s18, s14, $0xb8;
	[tilespmem:$0x18000] =	vst v63  }
0x7a: {  	_ =	swait.ge [sflag:s11], $0x4000  }
0x7b: {  	[sflag:s11] =	ssyncset.done $0x0  }
0x7c: {  	[sflag:s11] =	ssyncadd.s32 $0xFFFFC000  }
0x7d: {  	[spmem:s2] =	stream.indirect.scatter.add.f32 [tilespmem:s12], [sflag:$0x1], $0x80, s19, s14, $0xb8;
	[tilespmem:$0x18000] =	vst v63  }
0x7e: {  	_ =	swait.ge [sflag:s11], $0x4000  }
0x7f: {  	[sflag:s11] =	ssyncset.done $0x0  }
0x80: {  	[sflag:s11] =	ssyncadd.s32 $0xFFFFC000  }
0x81: {  	[spmem:s2] =	stream.indirect.scatter.add.f32 [tilespmem:s12], [sflag:$0x1], $0x80, s20, s14, $0xb8;
	[tilespmem:$0x18000] =	vst v63  }
0x82: {  	_ =	swait.ge [sflag:s11], $0x4000  }
0x83: {  	[sflag:s11] =	ssyncset.done $0x0  }
0x84: {  	[sflag:s11] =	ssyncadd.s32 $0xFFFFC000  }
0x85: {  	[spmem:s2] =	stream.indirect.scatter.add.f32 [tilespmem:s12], [sflag:$0x1], $0x80, s21, s14, $0xb8;
	[tilespmem:$0x18000] =	vst v63  }
0x86: {  	_ =	swait.ge [sflag:s11], $0x4000  }
0x87: {  	s22 =	sadd.s32 $0x1, s22;
	[sflag:s11] =	ssyncset.done $0x0  }
0x88: {  	p0 =	sne.s32 s22, s8;
	[sflag:s11] =	ssyncadd.s32 $0xFFFFC000  }
.Ltmp1:
0x89: {  	[bflag:$0x0] =	sbarrier.arrive $0xFFFF;
	(pc) =	sbr.rel @p0 .LBB2_1-.Ltmp1, $4  }
0x8a: {  	[hbm:s7], [sflag:s6] =	dma.local [spmem:s10], $0x2780  }
0x8b: {  	_ =	swait.ge [sflag:s11], $0x2780  }
0x8c: {  	[sflag:s11] =	ssyncset.done $0x0  }
0x8d: {  	[sflag:s11] =	ssyncadd.s32 $0xFFFFD880  }
0x8e: {  	_ =	sfence.sel $0x180000  }
0x8f: {  	[bflag:$0x0] =	sbarrier.arrive $0xFFFF  }
0x90: {  	p0 =	sne.s32 s3, $0x0;
	_ =	strace $0x9000004A  }
0x91: {  	s0 =	sadd.s32 @!p0 $0x100000, s0;
	[bflag:$0x2] =	sbarrier.arrive $0xFFFF  }
0x92: {  	[sflag:s0] =	ssyncadd.tile.s32 @!p0 $0x1;
	_ =	shalt  }
.Lfunc_end2:
_tile_overlayer_lowered:
.L_overlay_start_2:
0x93: {  	(tag) =	ssettag $0x2  }
0x94: {  	s0 =	rddreg [dreg:$0x0];
	s2 =	stileid.u32  }
0x95: {  	s1 =	rddreg [dreg:$0x1];
	p0 =	sne.s32 s2, $0x0  }
0x96: {  	s3 =	rddreg [dreg:$0x2];
	[bflag:$0x3] =	sbarrier.arrive $0xFFFF;
	s2 =	simm.s32 @!p0 $0x1C01  }
0x97: {  	[timem:s3], [sflag:s2] =	dma.local @!p0 [hbm:s0], s1  }
0x98: {  	s0 =	simm.s32 @!p0 $0x1  }
0x99: {  	_ =	swait.ge @!p0 [sflag:s0], s1  }
0x9a: {  	s1 =	ssub.s32 @!p0 $0x0, s1;
	[sflag:s0] =	ssyncset.done @!p0 $0x0  }
0x9b: {  	[sflag:s0] =	ssyncadd.s32 @!p0 s1  }
0x9c: {  	[bflag:$0x3] =	sbarrier.arrive $0xFFFF  }
0x9d: {  	_ =	shalt  }

// kernel: kernel.13.cloned.1.call-start
scs
__scs_entry_jumppad:
0x0: {  	(pc) =	sbr.rel $0x88, $3  }
0x1: {  	(tag) =	ssettag $0x0;
	lr =	simm.s32 $0x1  }
0x2: {  	[smem:$0x3F8C] =	sst lr;
	_ =	strace $0xD0000000  }
0x3: {  	_ = 	snop  }
0x4: {  	_ = 	snop  }
0x5: {  	_ = 	snop  }
0x6: {  	_ = 	snop  }
0x7: {  	_ = 	snop  }
__scs_overlays_trampoline_lowered:
0x8: {  	[smem:$0x3F9B] =	sst s0  }
0x9: {  	[smem:$0x3F9C] =	sst s1  }
0xa: {  	[smem:$0x3F9D] =	sst s2  }
0xb: {  	[smem:$0x3F9E] =	sst s3  }
0xc: {  	[smem:$0x3F9F] =	sst s4  }
0xd: {  	[smem:$0x3FA0] =	sst s5  }
0xe: {  	[smem:$0x3FA1] =	sst s6  }
0xf: {  	[smem:$0x3FA2] =	sst s7  }
0x10: {  	[smem:$0x3FA3] =	sst s8  }
0x11: {  	[smem:$0x3FA4] =	sst s9;
	s0 =	simm.s32 @!p0 $0x0  }
0x12: {  	s1 =	sld [smem:$0x3F8A];
	s0 =	simm.s32 @p0 $0x1  }
0x13: {  	[smem:$0x3FA5] =	sst s0;
	s0 =	simm.s32 @!p1 $0x0  }
0x14: {  	s2 =	sld [smem:$0x3F89];
	s0 =	simm.s32 @p1 $0x1  }
0x15: {  	[smem:$0x3FA6] =	sst s0;
	s0 =	simm.s32 @!p2 $0x0  }
0x16: {  	s3 =	sld [smem:$0x3FDB];
	s0 =	simm.s32 @p2 $0x1  }
0x17: {  	s4 =	simm.s32 $0x1BF5;
	[smem:$0x3FA8] =	sst s0  }
0x18: {  	s0 =	sld [smem:$0x3F8B];
	_ =	swait.ge [sflag:s4], $0x0  }
0x19: {  	s7 =	sld [smem:$0x3F8C]  }
0x1a: {  	s8 =	sadd.s32 $0xFFFFE003, lr  }
0x1b: {  	s9 =	sadd.s32 $0xFFFFFEF7, lr;
	s5 =	simm.s32 $0xFFFFFFFF;
	p2 =	slt.u32 s8, $0xFFFFF086  }
0x1c: {  	p1 =	slt.u32 s9, $0xF7A;
	s5 =	simm.s32 @!p2 $0x0  }
0x1d: {  	s5 =	simm.s32 @p1 $0x1;
	p0 =	seq.s32 s7, s2  }
0x1e: {  	s7 =	smul.u32 @!p0 $0xF7A, s2;
	p2 =	seq.s32 @!p0 s5, $0x0  }
0x1f: {  	s9 =	smul.u32 $0xF7A, s1;
	s8 =	simm.s32 @!p0 $0x1BF5;
	p2 =	por !p2, p0  }
0x20: {  	[sflag:s8] =	ssyncset.s32 @!p0 $0xFFFFF086;
	s6 =	sadd.s32 @!p0 s3, s7;
	s7 =	simm.s32 @!p0 $0x108  }
0x21: {  	s3 =	sadd.s32 s3, s9;
	s6 =	sadd.s32 @!p0 $0x88, s6;
	s7 =	simm.s32 @p2 $0x1082  }
0x22: {  	[simem:s7], [sflag:s8] =	dma.local @!p0 [hbm:s6], $0xF7A  }
0x23: {  	s9 =	sor.u32 $0xD0000000, s2;
	s6 =	simm.s32 $0x108;
	_ =	swait.ge @!p0 [sflag:s8], $0x0  }
0x24: {  	s3 =	sadd.s32 $0x88, s3;
	s6 =	simm.s32 @!p1 $0x1082;
	[sflag:s4] =	ssyncset.s32 $0xFFFFF086  }
0x25: {  	[simem:s6], [sflag:s4] =	dma.local [hbm:s3], $0xF7A  }
0x26: {  	[smem:$0x3F8C] =	sst s1;
	(tag) =	ssettag s2;
	_ =	strace s9  }
0x27: {  	s1 =	sld [smem:$0x3F9C]  }
0x28: {  	s2 =	sld [smem:$0x3F9D]  }
0x29: {  	s4 =	sld [smem:$0x3F9F]  }
0x2a: {  	p0 =	seq.s32 s5, $0x0;
	s5 =	sld [smem:$0x3FA0]  }
0x2b: {  	s6 =	sld [smem:$0x3FA1]  }
0x2c: {  	s7 =	sld [smem:$0x3FA2]  }
0x2d: {  	s3 =	simm.s32 $0x108;
	s8 =	sld [smem:$0x3FA3]  }
0x2e: {  	s3 =	simm.s32 @!p0 $0x1082;
	s9 =	sld [smem:$0x3FA4]  }
0x2f: {  	lr =	sadd.s32 s0, s3;
	s0 =	sld [smem:$0x3F9B]  }
0x30: {  	s3 =	sld [smem:$0x3F9E]  }
0x31: {  	[smem:$0x3FA7] =	sst s10  }
0x32: {  	s10 =	sld [smem:$0x3FA5];
	_ =	sdelay $0x3  }
0x33: {  	p0 =	seq.s32 s10, $0x1;
	s10 =	sld [smem:$0x3FA7];
	_ =	sdelay $0x3  }
0x34: {  	[smem:$0x3FA7] =	sst s10  }
0x35: {  	s10 =	sld [smem:$0x3FA6];
	_ =	sdelay $0x3  }
0x36: {  	p1 =	seq.s32 s10, $0x1;
	s10 =	sld [smem:$0x3FA7];
	_ =	sdelay $0x3  }
0x37: {  	[smem:$0x3FA7] =	sst s10  }
0x38: {  	s10 =	sld [smem:$0x3FA8]  }
0x39: {  	_ = 	snop;
	(pc) =	sbr.ind lr, $3  }
0x3a: {  	_ = 	snop  }
0x3b: {  	_ = 	snop  }
0x3c: {  	p2 =	seq.s32 s10, $0x1;
	s10 =	sld [smem:$0x3FA7]  }
0x3d: {  	_ =	shalt  }
0x3e: {  	_ =	shalt  }
0x3f: {  	_ =	shalt  }
0x40: {  	_ =	shalt  }
0x41: {  	_ =	shalt  }
0x42: {  	_ =	shalt  }
0x43: {  	_ =	shalt  }
0x44: {  	_ =	shalt  }
0x45: {  	_ =	shalt  }
0x46: {  	_ =	shalt  }
0x47: {  	_ =	shalt  }
0x48: {  	_ =	shalt  }
0x49: {  	_ =	shalt  }
0x4a: {  	_ =	shalt  }
0x4b: {  	_ =	shalt  }
0x4c: {  	_ =	shalt  }
0x4d: {  	_ =	shalt  }
0x4e: {  	_ =	shalt  }
0x4f: {  	_ =	shalt  }
0x50: {  	_ =	shalt  }
0x51: {  	_ =	shalt  }
0x52: {  	_ =	shalt  }
0x53: {  	_ =	shalt  }
0x54: {  	_ =	shalt  }
0x55: {  	_ =	shalt  }
0x56: {  	_ =	shalt  }
0x57: {  	_ =	shalt  }
0x58: {  	_ =	shalt  }
0x59: {  	_ =	shalt  }
0x5a: {  	_ =	shalt  }
0x5b: {  	_ =	shalt  }
0x5c: {  	_ =	shalt  }
0x5d: {  	_ =	shalt  }
0x5e: {  	_ =	shalt  }
0x5f: {  	_ =	shalt  }
0x60: {  	_ =	shalt  }
0x61: {  	_ =	shalt  }
0x62: {  	_ =	shalt  }
0x63: {  	_ =	shalt  }
0x64: {  	_ =	shalt  }
0x65: {  	_ =	shalt  }
0x66: {  	_ =	shalt  }
0x67: {  	_ =	shalt  }
0x68: {  	_ =	shalt  }
0x69: {  	_ =	shalt  }
0x6a: {  	_ =	shalt  }
0x6b: {  	_ =	shalt  }
0x6c: {  	_ =	shalt  }
0x6d: {  	_ =	shalt  }
0x6e: {  	_ =	shalt  }
0x6f: {  	_ =	shalt  }
0x70: {  	_ =	shalt  }
0x71: {  	_ =	shalt  }
0x72: {  	_ =	shalt  }
0x73: {  	_ =	shalt  }
0x74: {  	_ =	shalt  }
0x75: {  	_ =	shalt  }
0x76: {  	_ =	shalt  }
0x77: {  	_ =	shalt  }
0x78: {  	_ =	shalt  }
0x79: {  	_ =	shalt  }
0x7a: {  	_ =	shalt  }
0x7b: {  	_ =	shalt  }
0x7c: {  	_ =	shalt  }
0x7d: {  	_ =	shalt  }
0x7e: {  	_ =	shalt  }
0x7f: {  	_ =	shalt  }
0x80: {  	_ =	shalt  }
0x81: {  	_ =	shalt  }
0x82: {  	_ =	shalt  }
0x83: {  	_ =	shalt  }
0x84: {  	_ =	shalt  }
0x85: {  	_ =	shalt  }
0x86: {  	_ =	shalt  }
0x87: {  	_ =	shalt  }
.Lfunc_end0:
.L_simem_size_0:
called_computation.1_lowered:
.L_overlay_start_0:
0x88: {  	s2 =	sld [smem:$0x3FD9]  }
0x89: {  	s3 =	sld [smem:$0x3FFE];
	_ =	sdelay $0x1  }
0x8a: {  	s1 =	srdreg.scid  }
0x8b: {  	s0 =	sand.u32 $0x1, s1  }
0x8c: {  	s14 =	sshll.u32 s0, $0xA;
	s2 =	sadd.s32 s3, s2  }
0x8d: {  	s2 =	sadd.s32 s2, s14  }
0x8e: {  	[smem:$0x3FB3] =	sst s2  }
0x8f: {  	_ = 	snop  }
0x90: {  	s2 =	sld [smem:$0x3FD0];
	_ =	sdelay $0x2  }
0x91: {  	s15 =	simm.s32 $0xB;
	s4 =	simm.s32 $0x10  }
0x92: {  	[smem:s4], [sflag:s15] =	dma.local [hbm:s2], $0x1  }
0x93: {  	_ =	swait.eq [sflag:s15], $0x1  }
0x94: {  	s16 =	sld [smem:$0x10];
	[sflag:s15] =	ssyncset.done $0x0  }
0x95: {  	s17 =	sld [smem:$0x11];
	[sflag:s15] =	ssyncadd.s32 $0xFFFFFFFF  }
0x96: {  	s18 =	sld [smem:$0x12];
	(tm) =	ssettm $0x1  }
0x97: {  	s5 =	sld [smem:$0x3FFB];
	_ =	sdelay $0x3  }
0x98: {  	_ =	strace s5  }
0x99: {  	s5 =	sld [smem:$0x3FFC];
	_ =	sdelay $0x3  }
0x9a: {  	_ =	strace s5  }
0x9b: {  	s5 =	sld [smem:$0x3FFD];
	_ =	sdelay $0x3  }
0x9c: {  	_ =	strace s5  }
0x9d: {  	_ =	strace $0x8FFFFFFF  }
0x9e: {  	s19 =	sld [smem:$0x3FDB];
	_ =	sdelay $0x1  }
0x9f: {  	s6 =	simm.s32 $_scs_section_size  }
0xa0: {  	s7 =	simm.s32 $_size__tile_overlayer_lowered;
	s8 =	simm.s32 $_tile_overlayer_lowered  }
0xa1: {  	s22 =	simm.s32 $0x1BFF;
	s21 =	sshll.u32 s8, $0x1;
	s5 =	sadd.s32 s6, s19  }
0xa2: {  	s9 =	simm.s32 $0x0;
	s20 =	sshll.u32 s7, $0x1;
	s7 =	sadd.s32 s21, s5  }
0xa3: {  	[timem:s9], [sflag:s22] =	dma.local [hbm:s7], s20  }
0xa4: {  	_ =	swait.ge [sflag:s22], s20  }
0xa5: {  	s6 =	ssub.s32 $0x0, s20;
	[sflag:s22] =	ssyncset.done $0x0  }
0xa6: {  	[sflag:s22] =	ssyncadd.s32 s6;
	_ =	sdelay $0x1  }
0xa7: {  	s23 =	simm.s32 $0x1B8B  }
0xa8: {  	_ =	swait.ge [sflag:s23], $0x1  }
0xa9: {  	[sflag:s23] =	ssyncset.done $0x0  }
0xaa: {  	s25 =	simm.s32 $0x1B8E;
	s24 =	sld [smem:$0x3FFE];
	[sflag:s23] =	ssyncadd.s32 $0xFFFFFFFF  }
0xab: {  	s26 =	simm.s32 $execute0_lowered;
	[smem:$0x3FD2] =	sst s25  }
0xac: {  	s7 =	sshll.u32 s26, $0x1;
	_ =	strace $0x80000046;
	[dreg:$0x1] =	wrdreg $0xFFFFFFFF  }
0xad: {  	s28 =	simm.s32 $_size_execute0_lowered;
	s5 =	sadd.s32 s5, s7;
	[dreg:$0x0] =	wrdreg $0x0  }
0xae: {  	s7 =	sshll.u32 s28, $0x1;
	[dreg:$0x2] =	wrdreg s5  }
0xaf: {  	[dreg:$0x3] =	wrdreg s7  }
0xb0: {  	[dreg:$0x4] =	wrdreg $0xC0  }
0xb1: {  	_ =	task [dreg:s9], $0x5FFFF  }
0xb2: {  	[dreg:$0x1] =	wrdreg $0xFFFFFFFF  }
0xb3: {  	[dreg:$0x0] =	wrdreg $0x60  }
0xb4: {  	[dreg:$0x2] =	wrdreg s18  }
0xb5: {  	[dreg:$0x3] =	wrdreg s24  }
0xb6: {  	[dreg:$0x4] =	wrdreg s16  }
0xb7: {  	[dreg:$0x5] =	wrdreg s17  }
0xb8: {  	[dreg:$0x6] =	wrdreg $0x0  }
0xb9: {  	[dreg:$0x7] =	wrdreg $0xA  }
0xba: {  	_ =	task.clear_ibuf [dreg:s9], $0x8FFFF;
	_ =	strace $0x90000046  }
0xbb: {  	s29 =	simm.s32 $0xA;
	_ =	strace $0x80000048  }
0xbc: {  	_ =	swait.ge [sflag:s29], $0x1  }
0xbd: {  	[sflag:s29] =	ssyncadd.s32 $0xFFFFFFFF  }
0xbe: {  	_ =	strace $0x90000048  }
0xbf: {  	_ =	sfence  }
0xc0: {  	s30 =	sld [smem:$0x0];
	_ =	sdelay $0x2  }
0xc1: {  	s31 =	sshll.u32 s1, $0xD;
	s1 =	sshrl.u32 s1, $0x2  }
0xc2: {  	s3 =	sand.u32 $0x4000, s31;
	s1 =	sadd.s32 s1, s30  }
0xc3: {  	s0 =	sor.u32 s3, s0;
	s1 =	sshll.u32 s1, $0x11  }
0xc4: {  	s0 =	sor.u32 s1, s0  }
0xc5: {  	s0 =	sadd.s32 $0x8F2B, s0  }
0xc6: {  	[sflag:s0] =	ssyncadd.remote.s32 $0x1  }
0xc7: {  	_ =	sfence.sel $0xFFFF  }
0xc8: {  	[dreg:$0x0] =	wrdreg $0xFFFFFFFF;
	(pc) =	sbr.abs _section_cstart, $3  }
0xc9: {  	[dreg:$0x1] =	wrdreg $0xFFFFFFFF  }
0xca: {  	_ =	task.clear_ibuf [dreg:s9], $0x2FFFF;
	_ =	strace $0x9FFFFFFF  }
0xcb: {  	(tm) =	ssettm $0x7FFFFFFF  }
tec
execute0_lowered:
.L_overlay_start_1:
0x0: {  	(tag) =	ssettag $0x1  }
0x1: {  	s1 =	rddreg [dreg:$0x0]  }
0x2: {  	s0 =	rddreg [dreg:$0x1]  }
0x3: {  	s2 =	rddreg [dreg:$0x2]  }
0x4: {  	s4 =	rddreg [dreg:$0x4];
	s3 =	srdreg.scid  }
0x5: {  	s10 =	stileid.u32;
	s5 =	simm.s32 $0x0;
	s11 =	simm.s32 $0x3  }
0x6: {  	s12 =	simm.s32 $0x13C00;
	s13 =	simm.s32 $0x14000;
	s14 =	simm.s32 $0x80  }
0x7: {  	s15 =	simm.s32 $0x14400;
	s16 =	simm.s32 $0x13C80;
	s17 =	simm.s32 $0x18400  }
0x8: {  	s18 =	simm.s32 $0x1;
	s19 =	simm.s32 $0x13D00;
	s28 =	simm.s32 $0x14200  }
0x9: {  	s29 =	simm.s32 $0x13F00;
	s30 =	simm.s32 $0x14280;
	s6 =	smul.u32 $0x50, s10  }
0xa: {  	s31 =	simm.s32 $0x13F80;
	s3 =	sand.u32 $0x1, s3;
	s9 =	smul.u32 $0x13C00, s10  }
0xb: {  	[smem:$0x7FF] =	sst s5;
	s20 =	smul.u32 $0x4F000, s10;
	s24 =	sshll.u32 s10, $0x6  }
0xc: {  	s7 =	smul.u32 $0x13C000, s3;
	p0 =	seq.s32 s3, $0x0;
	s3 =	ssub.s32 $0x2, s3  }
0xd: {  	_ =	strace $0x80000047;
	s8 =	sadd.s32 $0x500, s6;
	s22 =	sshrl.u32 s3, $0x1  }
0xe: {  	s8 =	smov.u32 @p0 s6;
	s7 =	sadd.s32 s9, s7;
	s3 =	ssub.s32 s3, s22  }
0xf: {  	s22 =	simm.s32 $0x13D80;
	s6 =	sshll.u32 s8, $0x4;
	s7 =	sshrl.u32 s7, $0x3  }
0x10: {  	s8 =	sshrl.u32 s20, $0x2;
	s26 =	smax.u32 s3, $0x1;
	s20 =	simm.s32 $0x2  }
0x11: {  	s21 =	sadd.s32 s6, s0;
	s0 =	sadd.s32 s7, s0;
	s23 =	sadd.s32 s8, s4  }
0x12: {  	s8 =	sor.u32 $0x1C03, s24;
	s25 =	sadd.s32 s6, s2;
	[dreg:$0x9] =	wrdreg s26  }
0x13: {  	s24 =	simm.s32 $0x13E00;
	s26 =	simm.s32 $0x13E80;
	s2 =	simm.s32 $0x14380  }
0x14: {  	s7 =	simm.s32 $0x0;
	s0 =	sadd.s32 $0xE000, s0;
	[dreg:$0x6] =	wrdreg s25  }
0x15: {  	s9 =	sadd.s32 $0x4000, s21;
	s6 =	sshrl.u32 s23, $0x3;
	[dreg:$0x7] =	wrdreg s8  }
0x16: {  	s21 =	simm.s32 $0x14080;
	s23 =	simm.s32 $0x14100;
	[dreg:$0x8] =	wrdreg s0  }
0x17: {  	s25 =	simm.s32 $0x14180;
	s0 =	simm.s32 $0x14300;
	[dreg:$0xa] =	wrdreg s6  }
.LBB2_1:
0x18: {  	[dreg:$0xb] =	wrdreg s7  }
0x19: {  	s3 =	rddreg [dreg:$0x3]  }
0x1a: {  	[spmem:s6], [sflag:s8] =	dma.local [hbm:s3], $0x2780  }
0x1b: {  	_ =	swait.ge [sflag:s11], $0x2780  }
0x1c: {  	[sflag:s11] =	ssyncset.done $0x0  }
0x1d: {  	[sflag:s11] =	ssyncadd.s32 $0xFFFFD880  }
0x1e: {  	s8 =	sadd.s32 $0x0, s9;
	[bflag:$0x0] =	sbarrier.arrive $0xFFFF  }
0x1f: {  	[tilespmem:s12], [sflag:$0x3] =	stream.linear.gather [hbm4b:s8+s5], $0x400, $0x38;
	[tilespmem:$0x1C400] =	vst v63  }
0x20: {  	_ =	swait.ge [sflag:s11], $0x400  }
0x21: {  	s10 =	rddreg [dreg:$0x6];
	[sflag:s11] =	ssyncset.done $0x0  }
0x22: {  	[sflag:s11] =	ssyncadd.s32 $0xFFFFFC00;
	s6 =	sadd.s32 $0x0, s10  }
0x23: {  	[tilespmem:s13], [sflag:$0x3] =	stream.linear.gather [hbm4b:s6+s5], $0x400, $0x38;
	[tilespmem:$0x1C400] =	vst v63  }
0x24: {  	_ =	swait.ge [sflag:s11], $0x400  }
0x25: {  	[sflag:s11] =	ssyncset.done $0x0  }
0x26: {  	[sflag:s11] =	ssyncadd.s32 $0xFFFFFC00  }
0x27: {  	[tilespmem:s15], [sflag:$0x1] =	stream.indirect.gather [hbm4b:s1+s14], $0x80, s12, s14, $0xb8;
	[tilespmem:$0x1C400] =	vst v63  }
0x28: {  	_ = 	snop  }
0x29: {  	[tilespmem:s17], [sflag:$0x2] =	stream.indirect.gather [hbm4b:s1+s14], $0x80, s16, s14, $0xb8;
	[tilespmem:$0x1C400] =	vst v63  }
0x2a: {  	_ =	swait.ge [sflag:s18], $0x4000  }
0x2b: {  	[sflag:s18] =	ssyncset.done $0x0  }
0x2c: {  	[sflag:s18] =	ssyncadd.s32 $0xFFFFC000  }
0x2d: {  	[spmem:s4] =	stream.indirect.scatter.add.f32 [tilespmem:s15], [sflag:$0x3], $0x80, s13, s14, $0xb8;
	[tilespmem:$0x1C400] =	vst v63  }
0x2e: {  	_ =	swait.ge [sflag:s11], $0x4000  }
0x2f: {  	[sflag:s11] =	ssyncset.done $0x0  }
0x30: {  	[sflag:s11] =	ssyncadd.s32 $0xFFFFC000  }
0x31: {  	[tilespmem:s15], [sflag:$0x1] =	stream.indirect.gather [hbm4b:s1+s14], $0x80, s19, s14, $0xb8;
	[tilespmem:$0x1C400] =	vst v63  }
0x32: {  	_ =	swait.ge [sflag:s20], $0x4000  }
0x33: {  	[sflag:s20] =	ssyncset.done $0x0  }
0x34: {  	[sflag:s20] =	ssyncadd.s32 $0xFFFFC000  }
0x35: {  	[spmem:s4] =	stream.indirect.scatter.add.f32 [tilespmem:s17], [sflag:$0x3], $0x80, s21, s14, $0xb8;
	[tilespmem:$0x1C400] =	vst v63  }
0x36: {  	_ =	swait.ge [sflag:s11], $0x4000  }
0x37: {  	[sflag:s11] =	ssyncset.done $0x0  }
0x38: {  	[sflag:s11] =	ssyncadd.s32 $0xFFFFC000  }
0x39: {  	[tilespmem:s17], [sflag:$0x2] =	stream.indirect.gather [hbm4b:s1+s14], $0x80, s22, s14, $0xb8;
	[tilespmem:$0x1C400] =	vst v63  }
0x3a: {  	_ =	swait.ge [sflag:s18], $0x4000  }
0x3b: {  	[sflag:s18] =	ssyncset.done $0x0  }
0x3c: {  	[sflag:s18] =	ssyncadd.s32 $0xFFFFC000  }
0x3d: {  	[spmem:s4] =	stream.indirect.scatter.add.f32 [tilespmem:s15], [sflag:$0x3], $0x80, s23, s14, $0xb8;
	[tilespmem:$0x1C400] =	vst v63  }
0x3e: {  	_ =	swait.ge [sflag:s11], $0x4000  }
0x3f: {  	[sflag:s11] =	ssyncset.done $0x0  }
0x40: {  	[sflag:s11] =	ssyncadd.s32 $0xFFFFC000  }
0x41: {  	[tilespmem:s15], [sflag:$0x1] =	stream.indirect.gather [hbm4b:s1+s14], $0x80, s24, s14, $0xb8;
	[tilespmem:$0x1C400] =	vst v63  }
0x42: {  	_ =	swait.ge [sflag:s20], $0x4000  }
0x43: {  	[sflag:s20] =	ssyncset.done $0x0  }
0x44: {  	[sflag:s20] =	ssyncadd.s32 $0xFFFFC000  }
0x45: {  	[spmem:s4] =	stream.indirect.scatter.add.f32 [tilespmem:s17], [sflag:$0x3], $0x80, s25, s14, $0xb8;
	[tilespmem:$0x1C400] =	vst v63  }
0x46: {  	_ =	swait.ge [sflag:s11], $0x4000  }
0x47: {  	[sflag:s11] =	ssyncset.done $0x0  }
0x48: {  	[sflag:s11] =	ssyncadd.s32 $0xFFFFC000  }
0x49: {  	[tilespmem:s17], [sflag:$0x2] =	stream.indirect.gather [hbm4b:s1+s14], $0x80, s26, s14, $0xb8;
	[tilespmem:$0x1C400] =	vst v63  }
0x4a: {  	_ =	swait.ge [sflag:s18], $0x4000  }
0x4b: {  	[sflag:s18] =	ssyncset.done $0x0  }
0x4c: {  	[sflag:s18] =	ssyncadd.s32 $0xFFFFC000  }
0x4d: {  	[spmem:s4] =	stream.indirect.scatter.add.f32 [tilespmem:s15], [sflag:$0x3], $0x80, s28, s14, $0xb8;
	[tilespmem:$0x1C400] =	vst v63  }
0x4e: {  	_ =	swait.ge [sflag:s11], $0x4000  }
0x4f: {  	[sflag:s11] =	ssyncset.done $0x0  }
0x50: {  	[sflag:s11] =	ssyncadd.s32 $0xFFFFC000  }
0x51: {  	[tilespmem:s15], [sflag:$0x1] =	stream.indirect.gather [hbm4b:s1+s14], $0x80, s29, s14, $0xb8;
	[tilespmem:$0x1C400] =	vst v63  }
0x52: {  	_ =	swait.ge [sflag:s20], $0x4000  }
0x53: {  	[sflag:s20] =	ssyncset.done $0x0  }
0x54: {  	[sflag:s20] =	ssyncadd.s32 $0xFFFFC000  }
0x55: {  	[spmem:s4] =	stream.indirect.scatter.add.f32 [tilespmem:s17], [sflag:$0x3], $0x80, s30, s14, $0xb8;
	[tilespmem:$0x1C400] =	vst v63  }
0x56: {  	_ =	swait.ge [sflag:s11], $0x4000  }
0x57: {  	[sflag:s11] =	ssyncset.done $0x0  }
0x58: {  	[sflag:s11] =	ssyncadd.s32 $0xFFFFC000  }
0x59: {  	[tilespmem:s17], [sflag:$0x2] =	stream.indirect.gather [hbm4b:s1+s14], $0x80, s31, s14, $0xb8;
	[tilespmem:$0x1C400] =	vst v63  }
0x5a: {  	_ =	swait.ge [sflag:s18], $0x4000  }
0x5b: {  	[sflag:s18] =	ssyncset.done $0x0  }
0x5c: {  	[sflag:s18] =	ssyncadd.s32 $0xFFFFC000  }
0x5d: {  	[spmem:s4] =	stream.indirect.scatter.add.f32 [tilespmem:s15], [sflag:$0x3], $0x80, s0, s14, $0xb8;
	[tilespmem:$0x1C400] =	vst v63  }
0x5e: {  	_ =	swait.ge [sflag:s11], $0x4000  }
0x5f: {  	[sflag:s11] =	ssyncset.done $0x0  }
0x60: {  	[sflag:s11] =	ssyncadd.s32 $0xFFFFC000  }
0x61: {  	_ =	swait.ge [sflag:s20], $0x4000  }
0x62: {  	[sflag:s20] =	ssyncset.done $0x0  }
0x63: {  	[sflag:s20] =	ssyncadd.s32 $0xFFFFC000  }
0x64: {  	[spmem:s4] =	stream.indirect.scatter.add.f32 [tilespmem:s17], [sflag:$0x3], $0x80, s2, s14, $0xb8;
	[tilespmem:$0x1C400] =	vst v63  }
0x65: {  	_ =	swait.ge [sflag:s11], $0x4000  }
0x66: {  	s7 =	simm.s32 $0x80;
	s8 =	simm.s32 $0x100;
	[sflag:s11] =	ssyncset.done $0x0  }
.LBB2_2:
0x67: {  	s10 =	sadd.s32 s7, s9;
	[sflag:s11] =	ssyncadd.s32 $0xFFFFC000  }
0x68: {  	[tilespmem:s12], [sflag:$0x3] =	stream.linear.gather [hbm4b:s10+s5], $0x400, $0x38;
	[tilespmem:$0x1C400] =	vst v63  }
0x69: {  	s3 =	smov.u32 s8;
	_ =	swait.ge [sflag:s11], $0x400  }
0x6a: {  	s6 =	sadd.s32 $0x80, s8;
	s10 =	rddreg [dreg:$0x6];
	[sflag:s11] =	ssyncset.done $0x0  }
0x6b: {  	p0 =	sne.s32 s8, $0x480;
	[sflag:s11] =	ssyncadd.s32 $0xFFFFFC00;
	s8 =	sadd.s32 s7, s10  }
0x6c: {  	[tilespmem:s13], [sflag:$0x3] =	stream.linear.gather [hbm4b:s8+s5], $0x400, $0x38;
	[tilespmem:$0x1C400] =	vst v63  }
0x6d: {  	_ =	swait.ge [sflag:s11], $0x400  }
0x6e: {  	[sflag:s11] =	ssyncset.done $0x0  }
0x6f: {  	[sflag:s11] =	ssyncadd.s32 $0xFFFFFC00  }
0x70: {  	[tilespmem:s15], [sflag:$0x1] =	stream.indirect.gather [hbm4b:s1+s14], $0x80, s12, s14, $0xb8;
	[tilespmem:$0x1C400] =	vst v63  }
0x71: {  	_ = 	snop  }
0x72: {  	[tilespmem:s17], [sflag:$0x2] =	stream.indirect.gather [hbm4b:s1+s14], $0x80, s16, s14, $0xb8;
	[tilespmem:$0x1C400] =	vst v63  }
0x73: {  	_ =	swait.ge [sflag:s18], $0x4000  }
0x74: {  	[sflag:s18] =	ssyncset.done $0x0  }
0x75: {  	[sflag:s18] =	ssyncadd.s32 $0xFFFFC000  }
0x76: {  	[spmem:s4] =	stream.indirect.scatter.add.f32 [tilespmem:s15], [sflag:$0x3], $0x80, s13, s14, $0xb8;
	[tilespmem:$0x1C400] =	vst v63  }
0x77: {  	_ =	swait.ge [sflag:s11], $0x4000  }
0x78: {  	[sflag:s11] =	ssyncset.done $0x0  }
0x79: {  	[sflag:s11] =	ssyncadd.s32 $0xFFFFC000  }
0x7a: {  	[tilespmem:s15], [sflag:$0x1] =	stream.indirect.gather [hbm4b:s1+s14], $0x80, s19, s14, $0xb8;
	[tilespmem:$0x1C400] =	vst v63  }
0x7b: {  	_ =	swait.ge [sflag:s20], $0x4000  }
0x7c: {  	[sflag:s20] =	ssyncset.done $0x0  }
0x7d: {  	[sflag:s20] =	ssyncadd.s32 $0xFFFFC000  }
0x7e: {  	[spmem:s4] =	stream.indirect.scatter.add.f32 [tilespmem:s17], [sflag:$0x3], $0x80, s21, s14, $0xb8;
	[tilespmem:$0x1C400] =	vst v63  }
0x7f: {  	_ =	swait.ge [sflag:s11], $0x4000  }
0x80: {  	[sflag:s11] =	ssyncset.done $0x0  }
0x81: {  	[sflag:s11] =	ssyncadd.s32 $0xFFFFC000  }
0x82: {  	[tilespmem:s17], [sflag:$0x2] =	stream.indirect.gather [hbm4b:s1+s14], $0x80, s22, s14, $0xb8;
	[tilespmem:$0x1C400] =	vst v63  }
0x83: {  	_ =	swait.ge [sflag:s18], $0x4000  }
0x84: {  	[sflag:s18] =	ssyncset.done $0x0  }
0x85: {  	[sflag:s18] =	ssyncadd.s32 $0xFFFFC000  }
0x86: {  	[spmem:s4] =	stream.indirect.scatter.add.f32 [tilespmem:s15], [sflag:$0x3], $0x80, s23, s14, $0xb8;
	[tilespmem:$0x1C400] =	vst v63  }
0x87: {  	_ =	swait.ge [sflag:s11], $0x4000  }
0x88: {  	[sflag:s11] =	ssyncset.done $0x0  }
0x89: {  	[sflag:s11] =	ssyncadd.s32 $0xFFFFC000  }
0x8a: {  	[tilespmem:s15], [sflag:$0x1] =	stream.indirect.gather [hbm4b:s1+s14], $0x80, s24, s14, $0xb8;
	[tilespmem:$0x1C400] =	vst v63  }
0x8b: {  	_ =	swait.ge [sflag:s20], $0x4000  }
0x8c: {  	[sflag:s20] =	ssyncset.done $0x0  }
0x8d: {  	[sflag:s20] =	ssyncadd.s32 $0xFFFFC000  }
0x8e: {  	[spmem:s4] =	stream.indirect.scatter.add.f32 [tilespmem:s17], [sflag:$0x3], $0x80, s25, s14, $0xb8;
	[tilespmem:$0x1C400] =	vst v63  }
0x8f: {  	_ =	swait.ge [sflag:s11], $0x4000  }
0x90: {  	[sflag:s11] =	ssyncset.done $0x0  }
0x91: {  	[sflag:s11] =	ssyncadd.s32 $0xFFFFC000  }
0x92: {  	[tilespmem:s17], [sflag:$0x2] =	stream.indirect.gather [hbm4b:s1+s14], $0x80, s26, s14, $0xb8;
	[tilespmem:$0x1C400] =	vst v63  }
0x93: {  	_ =	swait.ge [sflag:s18], $0x4000  }
0x94: {  	[sflag:s18] =	ssyncset.done $0x0  }
0x95: {  	[sflag:s18] =	ssyncadd.s32 $0xFFFFC000  }
0x96: {  	[spmem:s4] =	stream.indirect.scatter.add.f32 [tilespmem:s15], [sflag:$0x3], $0x80, s28, s14, $0xb8;
	[tilespmem:$0x1C400] =	vst v63  }
0x97: {  	_ =	swait.ge [sflag:s11], $0x4000  }
0x98: {  	[sflag:s11] =	ssyncset.done $0x0  }
0x99: {  	[sflag:s11] =	ssyncadd.s32 $0xFFFFC000  }
0x9a: {  	[tilespmem:s15], [sflag:$0x1] =	stream.indirect.gather [hbm4b:s1+s14], $0x80, s29, s14, $0xb8;
	[tilespmem:$0x1C400] =	vst v63  }
0x9b: {  	_ =	swait.ge [sflag:s20], $0x4000  }
0x9c: {  	[sflag:s20] =	ssyncset.done $0x0  }
0x9d: {  	[sflag:s20] =	ssyncadd.s32 $0xFFFFC000  }
0x9e: {  	[spmem:s4] =	stream.indirect.scatter.add.f32 [tilespmem:s17], [sflag:$0x3], $0x80, s30, s14, $0xb8;
	[tilespmem:$0x1C400] =	vst v63  }
0x9f: {  	_ =	swait.ge [sflag:s11], $0x4000  }
0xa0: {  	[sflag:s11] =	ssyncset.done $0x0  }
0xa1: {  	[sflag:s11] =	ssyncadd.s32 $0xFFFFC000  }
0xa2: {  	[tilespmem:s17], [sflag:$0x2] =	stream.indirect.gather [hbm4b:s1+s14], $0x80, s31, s14, $0xb8;
	[tilespmem:$0x1C400] =	vst v63  }
0xa3: {  	_ =	swait.ge [sflag:s18], $0x4000  }
0xa4: {  	[sflag:s18] =	ssyncset.done $0x0  }
0xa5: {  	[sflag:s18] =	ssyncadd.s32 $0xFFFFC000  }
0xa6: {  	[spmem:s4] =	stream.indirect.scatter.add.f32 [tilespmem:s15], [sflag:$0x3], $0x80, s0, s14, $0xb8;
	[tilespmem:$0x1C400] =	vst v63  }
0xa7: {  	_ =	swait.ge [sflag:s11], $0x4000  }
0xa8: {  	[sflag:s11] =	ssyncset.done $0x0  }
0xa9: {  	[sflag:s11] =	ssyncadd.s32 $0xFFFFC000  }
0xaa: {  	_ =	swait.ge [sflag:s20], $0x4000  }
.Ltmp0:
0xab: {  	[sflag:s20] =	ssyncset.done $0x0;
	(pc) =	sbr.rel @p0 .LBB2_2-.Ltmp0, $4  }
0xac: {  	[sflag:s20] =	ssyncadd.s32 $0xFFFFC000  }
0xad: {  	[spmem:s4] =	stream.indirect.scatter.add.f32 [tilespmem:s17], [sflag:$0x3], $0x80, s2, s14, $0xb8;
	[tilespmem:$0x1C400] =	vst v63  }
0xae: {  	_ =	swait.ge [sflag:s11], $0x4000  }
0xaf: {  	s7 =	smov.u32 s3;
	s8 =	smov.u32 s6;
	[sflag:s11] =	ssyncset.done $0x0  }
0xb0: {  	s3 =	sadd.s32 s7, s9;
	[sflag:s11] =	ssyncadd.s32 $0xFFFFC000  }
0xb1: {  	[tilespmem:s12], [sflag:$0x3] =	stream.linear.gather [hbm4b:s3+s5], $0x400, $0x38;
	[tilespmem:$0x1C400] =	vst v63  }
0xb2: {  	_ =	swait.ge [sflag:s11], $0x400  }
0xb3: {  	s8 =	rddreg [dreg:$0x6];
	[sflag:s11] =	ssyncset.done $0x0  }
0xb4: {  	s3 =	sadd.s32 s7, s8;
	[sflag:s11] =	ssyncadd.s32 $0xFFFFFC00  }
0xb5: {  	[tilespmem:s13], [sflag:$0x3] =	stream.linear.gather [hbm4b:s3+s5], $0x400, $0x38;
	[tilespmem:$0x1C400] =	vst v63  }
0xb6: {  	_ =	swait.ge [sflag:s11], $0x400  }
0xb7: {  	[sflag:s11] =	ssyncset.done $0x0  }
0xb8: {  	[sflag:s11] =	ssyncadd.s32 $0xFFFFFC00  }
0xb9: {  	[tilespmem:s15], [sflag:$0x1] =	stream.indirect.gather [hbm4b:s1+s14], $0x80, s12, s14, $0xb8;
	[tilespmem:$0x1C400] =	vst v63  }
0xba: {  	_ = 	snop  }
0xbb: {  	[tilespmem:s17], [sflag:$0x2] =	stream.indirect.gather [hbm4b:s1+s14], $0x80, s16, s14, $0xb8;
	[tilespmem:$0x1C400] =	vst v63  }
0xbc: {  	_ =	swait.ge [sflag:s18], $0x4000  }
0xbd: {  	[sflag:s18] =	ssyncset.done $0x0  }
0xbe: {  	[sflag:s18] =	ssyncadd.s32 $0xFFFFC000  }
0xbf: {  	[spmem:s4] =	stream.indirect.scatter.add.f32 [tilespmem:s15], [sflag:$0x3], $0x80, s13, s14, $0xb8;
	[tilespmem:$0x1C400] =	vst v63  }
0xc0: {  	_ =	swait.ge [sflag:s11], $0x4000  }
0xc1: {  	[sflag:s11] =	ssyncset.done $0x0  }
0xc2: {  	[sflag:s11] =	ssyncadd.s32 $0xFFFFC000  }
0xc3: {  	[tilespmem:s15], [sflag:$0x1] =	stream.indirect.gather [hbm4b:s1+s14], $0x80, s19, s14, $0xb8;
	[tilespmem:$0x1C400] =	vst v63  }
0xc4: {  	_ =	swait.ge [sflag:s20], $0x4000  }
0xc5: {  	[sflag:s20] =	ssyncset.done $0x0  }
0xc6: {  	[sflag:s20] =	ssyncadd.s32 $0xFFFFC000  }
0xc7: {  	[spmem:s4] =	stream.indirect.scatter.add.f32 [tilespmem:s17], [sflag:$0x3], $0x80, s21, s14, $0xb8;
	[tilespmem:$0x1C400] =	vst v63  }
0xc8: {  	_ =	swait.ge [sflag:s11], $0x4000  }
0xc9: {  	[sflag:s11] =	ssyncset.done $0x0  }
0xca: {  	[sflag:s11] =	ssyncadd.s32 $0xFFFFC000  }
0xcb: {  	[tilespmem:s17], [sflag:$0x2] =	stream.indirect.gather [hbm4b:s1+s14], $0x80, s22, s14, $0xb8;
	[tilespmem:$0x1C400] =	vst v63  }
0xcc: {  	_ =	swait.ge [sflag:s18], $0x4000  }
0xcd: {  	[sflag:s18] =	ssyncset.done $0x0  }
0xce: {  	[sflag:s18] =	ssyncadd.s32 $0xFFFFC000  }
0xcf: {  	[spmem:s4] =	stream.indirect.scatter.add.f32 [tilespmem:s15], [sflag:$0x3], $0x80, s23, s14, $0xb8;
	[tilespmem:$0x1C400] =	vst v63  }
0xd0: {  	_ =	swait.ge [sflag:s11], $0x4000  }
0xd1: {  	[sflag:s11] =	ssyncset.done $0x0  }
0xd2: {  	[sflag:s11] =	ssyncadd.s32 $0xFFFFC000  }
0xd3: {  	[tilespmem:s15], [sflag:$0x1] =	stream.indirect.gather [hbm4b:s1+s14], $0x80, s24, s14, $0xb8;
	[tilespmem:$0x1C400] =	vst v63  }
0xd4: {  	_ =	swait.ge [sflag:s20], $0x4000  }
0xd5: {  	[sflag:s20] =	ssyncset.done $0x0  }
0xd6: {  	[sflag:s20] =	ssyncadd.s32 $0xFFFFC000  }
0xd7: {  	[spmem:s4] =	stream.indirect.scatter.add.f32 [tilespmem:s17], [sflag:$0x3], $0x80, s25, s14, $0xb8;
	[tilespmem:$0x1C400] =	vst v63  }
0xd8: {  	_ =	swait.ge [sflag:s11], $0x4000  }
0xd9: {  	[sflag:s11] =	ssyncset.done $0x0  }
0xda: {  	[sflag:s11] =	ssyncadd.s32 $0xFFFFC000  }
0xdb: {  	[tilespmem:s17], [sflag:$0x2] =	stream.indirect.gather [hbm4b:s1+s14], $0x80, s26, s14, $0xb8;
	[tilespmem:$0x1C400] =	vst v63  }
0xdc: {  	_ =	swait.ge [sflag:s18], $0x4000  }
0xdd: {  	[sflag:s18] =	ssyncset.done $0x0  }
0xde: {  	[sflag:s18] =	ssyncadd.s32 $0xFFFFC000  }
0xdf: {  	[spmem:s4] =	stream.indirect.scatter.add.f32 [tilespmem:s15], [sflag:$0x3], $0x80, s28, s14, $0xb8;
	[tilespmem:$0x1C400] =	vst v63  }
0xe0: {  	_ =	swait.ge [sflag:s11], $0x4000  }
0xe1: {  	[sflag:s11] =	ssyncset.done $0x0  }
0xe2: {  	[sflag:s11] =	ssyncadd.s32 $0xFFFFC000  }
0xe3: {  	[tilespmem:s15], [sflag:$0x1] =	stream.indirect.gather [hbm4b:s1+s14], $0x80, s29, s14, $0xb8;
	[tilespmem:$0x1C400] =	vst v63  }
0xe4: {  	_ =	swait.ge [sflag:s20], $0x4000  }
0xe5: {  	[sflag:s20] =	ssyncset.done $0x0  }
0xe6: {  	[sflag:s20] =	ssyncadd.s32 $0xFFFFC000  }
0xe7: {  	[spmem:s4] =	stream.indirect.scatter.add.f32 [tilespmem:s17], [sflag:$0x3], $0x80, s30, s14, $0xb8;
	[tilespmem:$0x1C400] =	vst v63  }
0xe8: {  	_ =	swait.ge [sflag:s11], $0x4000  }
0xe9: {  	[sflag:s11] =	ssyncset.done $0x0  }
0xea: {  	[sflag:s11] =	ssyncadd.s32 $0xFFFFC000  }
0xeb: {  	[tilespmem:s17], [sflag:$0x2] =	stream.indirect.gather [hbm4b:s1+s14], $0x80, s31, s14, $0xb8;
	[tilespmem:$0x1C400] =	vst v63  }
0xec: {  	_ =	swait.ge [sflag:s18], $0x4000  }
0xed: {  	[sflag:s18] =	ssyncset.done $0x0  }
0xee: {  	[sflag:s18] =	ssyncadd.s32 $0xFFFFC000  }
0xef: {  	[spmem:s4] =	stream.indirect.scatter.add.f32 [tilespmem:s15], [sflag:$0x3], $0x80, s0, s14, $0xb8;
	[tilespmem:$0x1C400] =	vst v63  }
0xf0: {  	_ =	swait.ge [sflag:s11], $0x4000  }
0xf1: {  	[sflag:s11] =	ssyncset.done $0x0  }
0xf2: {  	[sflag:s11] =	ssyncadd.s32 $0xFFFFC000  }
0xf3: {  	_ =	swait.ge [sflag:s20], $0x4000  }
0xf4: {  	[sflag:s20] =	ssyncset.done $0x0  }
0xf5: {  	[sflag:s20] =	ssyncadd.s32 $0xFFFFC000  }
0xf6: {  	[spmem:s4] =	stream.indirect.scatter.add.f32 [tilespmem:s17], [sflag:$0x3], $0x80, s2, s14, $0xb8;
	[tilespmem:$0x1C400] =	vst v63  }
0xf7: {  	_ =	swait.ge [sflag:s11], $0x4000  }
0xf8: {  	[sflag:s11] =	ssyncset.done $0x0  }
0xf9: {  	[sflag:s11] =	ssyncadd.s32 $0xFFFFC000  }
0xfa: {  	[bflag:$0x0] =	sbarrier.arrive $0xFFFF  }
0xfb: {  	s8 =	rddreg [dreg:$0x7]  }
0xfc: {  	s10 =	rddreg [dreg:$0x8]  }
0xfd: {  	s6 =	rddreg [dreg:$0xa]  }
0xfe: {  	[hbm:s10], [sflag:s8] =	dma.local [spmem:s6], $0x2780  }
0xff: {  	_ =	swait.ge [sflag:s11], $0x2780  }
0x100: {  	s3 =	rddreg [dreg:$0xb]  }
0x101: {  	s10 =	rddreg [dreg:$0x9];
	s7 =	sadd.s32 $0x1, s3  }
0x102: {  	p0 =	sne.s32 s7, s10  }
.Ltmp1:
0x103: {  	_ = 	snop;
	(pc) =	sbr.rel @p0 .LBB2_1-.Ltmp1, $3  }
0x104: {  	_ =	sdelay $0x1  }
0x105: {  	[sflag:s11] =	ssyncset.done $0x0  }
0x106: {  	[sflag:s11] =	ssyncadd.s32 $0xFFFFD880  }
0x107: {  	_ =	sfence.sel $0x180000  }
0x108: {  	[bflag:$0x0] =	sbarrier.arrive $0xFFFF  }
0x109: {  	_ =	strace $0x90000047  }
0x10a: {  	s0 =	stileid.u32;
	[bflag:$0x2] =	sbarrier.arrive $0xFFFF  }
0x10b: {  	p0 =	sne.s32 s0, $0x0;
	s0 =	rddreg [dreg:$0x5]  }
0x10c: {  	s0 =	sadd.s32 @!p0 $0x100000, s0  }
0x10d: {  	[sflag:s0] =	ssyncadd.tile.s32 @!p0 $0x1;
	_ =	shalt  }
.Lfunc_end2:
_tile_overlayer_lowered:
.L_overlay_start_2:
0x10e: {  	(tag) =	ssettag $0x2  }
0x10f: {  	s0 =	rddreg [dreg:$0x0];
	s2 =	stileid.u32  }
0x110: {  	s1 =	rddreg [dreg:$0x1];
	p0 =	sne.s32 s2, $0x0  }
0x111: {  	s3 =	rddreg [dreg:$0x2];
	[bflag:$0x3] =	sbarrier.arrive $0xFFFF;
	s2 =	simm.s32 @!p0 $0x1C03  }
0x112: {  	[timem:s3], [sflag:s2] =	dma.local @!p0 [hbm:s0], s1  }
0x113: {  	s0 =	simm.s32 @!p0 $0x3  }
0x114: {  	_ =	swait.ge @!p0 [sflag:s0], s1  }
0x115: {  	s1 =	ssub.s32 @!p0 $0x0, s1;
	[sflag:s0] =	ssyncset.done @!p0 $0x0  }
0x116: {  	[sflag:s0] =	ssyncadd.s32 @!p0 s1  }
0x117: {  	[bflag:$0x3] =	sbarrier.arrive $0xFFFF  }
0x118: {  	_ =	shalt  }

// kernel: kernel.16.cloned.1.call-start
scs
__scs_entry_jumppad:
0x0: {  	(pc) =	sbr.rel $0x88, $3  }
0x1: {  	(tag) =	ssettag $0x0;
	lr =	simm.s32 $0x1  }
0x2: {  	[smem:$0x3F8C] =	sst lr;
	_ =	strace $0xD0000000  }
0x3: {  	_ = 	snop  }
0x4: {  	_ = 	snop  }
0x5: {  	_ = 	snop  }
0x6: {  	_ = 	snop  }
0x7: {  	_ = 	snop  }
__scs_overlays_trampoline_lowered:
0x8: {  	[smem:$0x3F9B] =	sst s0  }
0x9: {  	[smem:$0x3F9C] =	sst s1  }
0xa: {  	[smem:$0x3F9D] =	sst s2  }
0xb: {  	[smem:$0x3F9E] =	sst s3  }
0xc: {  	[smem:$0x3F9F] =	sst s4  }
0xd: {  	[smem:$0x3FA0] =	sst s5  }
0xe: {  	[smem:$0x3FA1] =	sst s6  }
0xf: {  	[smem:$0x3FA2] =	sst s7  }
0x10: {  	[smem:$0x3FA3] =	sst s8  }
0x11: {  	[smem:$0x3FA4] =	sst s9;
	s0 =	simm.s32 @!p0 $0x0  }
0x12: {  	s1 =	sld [smem:$0x3F8A];
	s0 =	simm.s32 @p0 $0x1  }
0x13: {  	[smem:$0x3FA5] =	sst s0;
	s0 =	simm.s32 @!p1 $0x0  }
0x14: {  	s2 =	sld [smem:$0x3F89];
	s0 =	simm.s32 @p1 $0x1  }
0x15: {  	[smem:$0x3FA6] =	sst s0;
	s0 =	simm.s32 @!p2 $0x0  }
0x16: {  	s3 =	sld [smem:$0x3FDB];
	s0 =	simm.s32 @p2 $0x1  }
0x17: {  	s4 =	simm.s32 $0x1BF5;
	[smem:$0x3FA8] =	sst s0  }
0x18: {  	s0 =	sld [smem:$0x3F8B];
	_ =	swait.ge [sflag:s4], $0x0  }
0x19: {  	s7 =	sld [smem:$0x3F8C]  }
0x1a: {  	s8 =	sadd.s32 $0xFFFFE003, lr  }
0x1b: {  	s9 =	sadd.s32 $0xFFFFFEF7, lr;
	s5 =	simm.s32 $0xFFFFFFFF;
	p2 =	slt.u32 s8, $0xFFFFF086  }
0x1c: {  	p1 =	slt.u32 s9, $0xF7A;
	s5 =	simm.s32 @!p2 $0x0  }
0x1d: {  	s5 =	simm.s32 @p1 $0x1;
	p0 =	seq.s32 s7, s2  }
0x1e: {  	s7 =	smul.u32 @!p0 $0xF7A, s2;
	p2 =	seq.s32 @!p0 s5, $0x0  }
0x1f: {  	s9 =	smul.u32 $0xF7A, s1;
	s8 =	simm.s32 @!p0 $0x1BF5;
	p2 =	por !p2, p0  }
0x20: {  	[sflag:s8] =	ssyncset.s32 @!p0 $0xFFFFF086;
	s6 =	sadd.s32 @!p0 s3, s7;
	s7 =	simm.s32 @!p0 $0x108  }
0x21: {  	s3 =	sadd.s32 s3, s9;
	s6 =	sadd.s32 @!p0 $0x88, s6;
	s7 =	simm.s32 @p2 $0x1082  }
0x22: {  	[simem:s7], [sflag:s8] =	dma.local @!p0 [hbm:s6], $0xF7A  }
0x23: {  	s9 =	sor.u32 $0xD0000000, s2;
	s6 =	simm.s32 $0x108;
	_ =	swait.ge @!p0 [sflag:s8], $0x0  }
0x24: {  	s3 =	sadd.s32 $0x88, s3;
	s6 =	simm.s32 @!p1 $0x1082;
	[sflag:s4] =	ssyncset.s32 $0xFFFFF086  }
0x25: {  	[simem:s6], [sflag:s4] =	dma.local [hbm:s3], $0xF7A  }
0x26: {  	[smem:$0x3F8C] =	sst s1;
	(tag) =	ssettag s2;
	_ =	strace s9  }
0x27: {  	s1 =	sld [smem:$0x3F9C]  }
0x28: {  	s2 =	sld [smem:$0x3F9D]  }
0x29: {  	s4 =	sld [smem:$0x3F9F]  }
0x2a: {  	p0 =	seq.s32 s5, $0x0;
	s5 =	sld [smem:$0x3FA0]  }
0x2b: {  	s6 =	sld [smem:$0x3FA1]  }
0x2c: {  	s7 =	sld [smem:$0x3FA2]  }
0x2d: {  	s3 =	simm.s32 $0x108;
	s8 =	sld [smem:$0x3FA3]  }
0x2e: {  	s3 =	simm.s32 @!p0 $0x1082;
	s9 =	sld [smem:$0x3FA4]  }
0x2f: {  	lr =	sadd.s32 s0, s3;
	s0 =	sld [smem:$0x3F9B]  }
0x30: {  	s3 =	sld [smem:$0x3F9E]  }
0x31: {  	[smem:$0x3FA7] =	sst s10  }
0x32: {  	s10 =	sld [smem:$0x3FA5];
	_ =	sdelay $0x3  }
0x33: {  	p0 =	seq.s32 s10, $0x1;
	s10 =	sld [smem:$0x3FA7];
	_ =	sdelay $0x3  }
0x34: {  	[smem:$0x3FA7] =	sst s10  }
0x35: {  	s10 =	sld [smem:$0x3FA6];
	_ =	sdelay $0x3  }
0x36: {  	p1 =	seq.s32 s10, $0x1;
	s10 =	sld [smem:$0x3FA7];
	_ =	sdelay $0x3  }
0x37: {  	[smem:$0x3FA7] =	sst s10  }
0x38: {  	s10 =	sld [smem:$0x3FA8]  }
0x39: {  	_ = 	snop;
	(pc) =	sbr.ind lr, $3  }
0x3a: {  	_ = 	snop  }
0x3b: {  	_ = 	snop  }
0x3c: {  	p2 =	seq.s32 s10, $0x1;
	s10 =	sld [smem:$0x3FA7]  }
0x3d: {  	_ =	shalt  }
0x3e: {  	_ =	shalt  }
0x3f: {  	_ =	shalt  }
0x40: {  	_ =	shalt  }
0x41: {  	_ =	shalt  }
0x42: {  	_ =	shalt  }
0x43: {  	_ =	shalt  }
0x44: {  	_ =	shalt  }
0x45: {  	_ =	shalt  }
0x46: {  	_ =	shalt  }
0x47: {  	_ =	shalt  }
0x48: {  	_ =	shalt  }
0x49: {  	_ =	shalt  }
0x4a: {  	_ =	shalt  }
0x4b: {  	_ =	shalt  }
0x4c: {  	_ =	shalt  }
0x4d: {  	_ =	shalt  }
0x4e: {  	_ =	shalt  }
0x4f: {  	_ =	shalt  }
0x50: {  	_ =	shalt  }
0x51: {  	_ =	shalt  }
0x52: {  	_ =	shalt  }
0x53: {  	_ =	shalt  }
0x54: {  	_ =	shalt  }
0x55: {  	_ =	shalt  }
0x56: {  	_ =	shalt  }
0x57: {  	_ =	shalt  }
0x58: {  	_ =	shalt  }
0x59: {  	_ =	shalt  }
0x5a: {  	_ =	shalt  }
0x5b: {  	_ =	shalt  }
0x5c: {  	_ =	shalt  }
0x5d: {  	_ =	shalt  }
0x5e: {  	_ =	shalt  }
0x5f: {  	_ =	shalt  }
0x60: {  	_ =	shalt  }
0x61: {  	_ =	shalt  }
0x62: {  	_ =	shalt  }
0x63: {  	_ =	shalt  }
0x64: {  	_ =	shalt  }
0x65: {  	_ =	shalt  }
0x66: {  	_ =	shalt  }
0x67: {  	_ =	shalt  }
0x68: {  	_ =	shalt  }
0x69: {  	_ =	shalt  }
0x6a: {  	_ =	shalt  }
0x6b: {  	_ =	shalt  }
0x6c: {  	_ =	shalt  }
0x6d: {  	_ =	shalt  }
0x6e: {  	_ =	shalt  }
0x6f: {  	_ =	shalt  }
0x70: {  	_ =	shalt  }
0x71: {  	_ =	shalt  }
0x72: {  	_ =	shalt  }
0x73: {  	_ =	shalt  }
0x74: {  	_ =	shalt  }
0x75: {  	_ =	shalt  }
0x76: {  	_ =	shalt  }
0x77: {  	_ =	shalt  }
0x78: {  	_ =	shalt  }
0x79: {  	_ =	shalt  }
0x7a: {  	_ =	shalt  }
0x7b: {  	_ =	shalt  }
0x7c: {  	_ =	shalt  }
0x7d: {  	_ =	shalt  }
0x7e: {  	_ =	shalt  }
0x7f: {  	_ =	shalt  }
0x80: {  	_ =	shalt  }
0x81: {  	_ =	shalt  }
0x82: {  	_ =	shalt  }
0x83: {  	_ =	shalt  }
0x84: {  	_ =	shalt  }
0x85: {  	_ =	shalt  }
0x86: {  	_ =	shalt  }
0x87: {  	_ =	shalt  }
.Lfunc_end0:
.L_simem_size_0:
called_computation.2_lowered:
.L_overlay_start_0:
0x88: {  	s2 =	sld [smem:$0x3FD9]  }
0x89: {  	s3 =	sld [smem:$0x3FFE];
	_ =	sdelay $0x1  }
0x8a: {  	s1 =	srdreg.scid  }
0x8b: {  	s0 =	sand.u32 $0x1, s1  }
0x8c: {  	s14 =	sshll.u32 s0, $0xA;
	s2 =	sadd.s32 s3, s2  }
0x8d: {  	s2 =	sadd.s32 s2, s14  }
0x8e: {  	[smem:$0x3FB3] =	sst s2  }
0x8f: {  	_ = 	snop  }
0x90: {  	s2 =	sld [smem:$0x3FD0];
	_ =	sdelay $0x2  }
0x91: {  	s15 =	simm.s32 $0xB;
	s4 =	simm.s32 $0x10  }
0x92: {  	[smem:s4], [sflag:s15] =	dma.local [hbm:s2], $0x1  }
0x93: {  	_ =	swait.eq [sflag:s15], $0x1  }
0x94: {  	s16 =	sld [smem:$0x10];
	[sflag:s15] =	ssyncset.done $0x0  }
0x95: {  	s17 =	sld [smem:$0x11];
	[sflag:s15] =	ssyncadd.s32 $0xFFFFFFFF  }
0x96: {  	s18 =	sld [smem:$0x12];
	(tm) =	ssettm $0x1  }
0x97: {  	s5 =	sld [smem:$0x3FFB];
	_ =	sdelay $0x3  }
0x98: {  	_ =	strace s5  }
0x99: {  	s5 =	sld [smem:$0x3FFC];
	_ =	sdelay $0x3  }
0x9a: {  	_ =	strace s5  }
0x9b: {  	s5 =	sld [smem:$0x3FFD];
	_ =	sdelay $0x3  }
0x9c: {  	_ =	strace s5  }
0x9d: {  	_ =	strace $0x8FFFFFFF  }
0x9e: {  	s19 =	sld [smem:$0x3FDB];
	_ =	sdelay $0x1  }
0x9f: {  	s6 =	simm.s32 $_scs_section_size  }
0xa0: {  	s7 =	simm.s32 $_size__tile_overlayer_lowered;
	s8 =	simm.s32 $_tile_overlayer_lowered  }
0xa1: {  	s22 =	simm.s32 $0x1BFF;
	s21 =	sshll.u32 s8, $0x1;
	s5 =	sadd.s32 s6, s19  }
0xa2: {  	s9 =	simm.s32 $0x0;
	s20 =	sshll.u32 s7, $0x1;
	s7 =	sadd.s32 s21, s5  }
0xa3: {  	[timem:s9], [sflag:s22] =	dma.local [hbm:s7], s20  }
0xa4: {  	_ =	swait.ge [sflag:s22], s20  }
0xa5: {  	s6 =	ssub.s32 $0x0, s20;
	[sflag:s22] =	ssyncset.done $0x0  }
0xa6: {  	[sflag:s22] =	ssyncadd.s32 s6;
	_ =	sdelay $0x1  }
0xa7: {  	s23 =	simm.s32 $0x1B8B  }
0xa8: {  	_ =	swait.ge [sflag:s23], $0x1  }
0xa9: {  	[sflag:s23] =	ssyncset.done $0x0  }
0xaa: {  	s25 =	simm.s32 $0x1B8E;
	s24 =	sld [smem:$0x3FFE];
	[sflag:s23] =	ssyncadd.s32 $0xFFFFFFFF  }
0xab: {  	s26 =	simm.s32 $execute0_lowered;
	[smem:$0x3FD2] =	sst s25  }
0xac: {  	s7 =	sshll.u32 s26, $0x1;
	_ =	strace $0x8000004C;
	[dreg:$0x1] =	wrdreg $0xFFFFFFFF  }
0xad: {  	s28 =	simm.s32 $_size_execute0_lowered;
	s5 =	sadd.s32 s5, s7;
	[dreg:$0x0] =	wrdreg $0x0  }
0xae: {  	s7 =	sshll.u32 s28, $0x1;
	[dreg:$0x2] =	wrdreg s5  }
0xaf: {  	[dreg:$0x3] =	wrdreg s7  }
0xb0: {  	[dreg:$0x4] =	wrdreg $0xC0  }
0xb1: {  	_ =	task [dreg:s9], $0x5FFFF  }
0xb2: {  	[dreg:$0x1] =	wrdreg $0xFFFFFFFF  }
0xb3: {  	[dreg:$0x0] =	wrdreg $0x60  }
0xb4: {  	[dreg:$0x2] =	wrdreg s18  }
0xb5: {  	[dreg:$0x3] =	wrdreg s24  }
0xb6: {  	[dreg:$0x4] =	wrdreg s16  }
0xb7: {  	[dreg:$0x5] =	wrdreg s17  }
0xb8: {  	[dreg:$0x6] =	wrdreg $0x0  }
0xb9: {  	[dreg:$0x7] =	wrdreg $0x9  }
0xba: {  	_ =	task.clear_ibuf [dreg:s9], $0x8FFFF;
	_ =	strace $0x9000004C  }
0xbb: {  	s29 =	simm.s32 $0x9;
	_ =	strace $0x8000004E  }
0xbc: {  	_ =	swait.ge [sflag:s29], $0x1  }
0xbd: {  	[sflag:s29] =	ssyncadd.s32 $0xFFFFFFFF  }
0xbe: {  	_ =	strace $0x9000004E  }
0xbf: {  	_ =	sfence  }
0xc0: {  	s30 =	sld [smem:$0x0];
	_ =	sdelay $0x2  }
0xc1: {  	s31 =	sshll.u32 s1, $0xD;
	s1 =	sshrl.u32 s1, $0x2  }
0xc2: {  	s3 =	sand.u32 $0x4000, s31;
	s1 =	sadd.s32 s1, s30  }
0xc3: {  	s0 =	sor.u32 s3, s0;
	s1 =	sshll.u32 s1, $0x11  }
0xc4: {  	s0 =	sor.u32 s1, s0  }
0xc5: {  	s0 =	sadd.s32 $0x8F2B, s0  }
0xc6: {  	[sflag:s0] =	ssyncadd.remote.s32 $0x1  }
0xc7: {  	_ =	sfence.sel $0xFFFF  }
0xc8: {  	[dreg:$0x0] =	wrdreg $0xFFFFFFFF;
	(pc) =	sbr.abs _section_cstart, $3  }
0xc9: {  	[dreg:$0x1] =	wrdreg $0xFFFFFFFF  }
0xca: {  	_ =	task.clear_ibuf [dreg:s9], $0x2FFFF;
	_ =	strace $0x9FFFFFFF  }
0xcb: {  	(tm) =	ssettm $0x7FFFFFFF  }
tec
execute0_lowered:
.L_overlay_start_1:
0x0: {  	(tag) =	ssettag $0x1  }
0x1: {  	s1 =	rddreg [dreg:$0x0]  }
0x2: {  	s0 =	rddreg [dreg:$0x1]  }
0x3: {  	s2 =	rddreg [dreg:$0x2]  }
0x4: {  	s4 =	rddreg [dreg:$0x4];
	s3 =	srdreg.scid  }
0x5: {  	s10 =	stileid.u32;
	s5 =	simm.s32 $0x0;
	s11 =	simm.s32 $0x3  }
0x6: {  	s12 =	simm.s32 $0x13C00;
	s13 =	simm.s32 $0x14000;
	s14 =	simm.s32 $0x80  }
0x7: {  	s15 =	simm.s32 $0x14400;
	s16 =	simm.s32 $0x13C80;
	s17 =	simm.s32 $0x18400  }
0x8: {  	s18 =	simm.s32 $0x1;
	s19 =	simm.s32 $0x13D00;
	s28 =	simm.s32 $0x14200  }
0x9: {  	s29 =	simm.s32 $0x13F00;
	s30 =	simm.s32 $0x14280;
	s6 =	smul.u32 $0x50, s10  }
0xa: {  	s31 =	simm.s32 $0x13F80;
	s3 =	sand.u32 $0x1, s3;
	s9 =	smul.u32 $0x13C00, s10  }
0xb: {  	[smem:$0x7FF] =	sst s5;
	s20 =	smul.u32 $0x4F000, s10;
	s24 =	sshll.u32 s10, $0x6  }
0xc: {  	s7 =	smul.u32 $0x13C000, s3;
	p0 =	seq.s32 s3, $0x0;
	s3 =	ssub.s32 $0x2, s3  }
0xd: {  	_ =	strace $0x8000004D;
	s8 =	sadd.s32 $0x500, s6;
	s22 =	sshrl.u32 s3, $0x1  }
0xe: {  	s8 =	smov.u32 @p0 s6;
	s7 =	sadd.s32 s9, s7;
	s3 =	ssub.s32 s3, s22  }
0xf: {  	s22 =	simm.s32 $0x13D80;
	s6 =	sshll.u32 s8, $0x4;
	s7 =	sshrl.u32 s7, $0x3  }
0x10: {  	s8 =	sshrl.u32 s20, $0x2;
	s26 =	smax.u32 s3, $0x1;
	s20 =	simm.s32 $0x2  }
0x11: {  	s21 =	sadd.s32 s6, s0;
	s0 =	sadd.s32 s7, s0;
	s23 =	sadd.s32 s8, s4  }
0x12: {  	s8 =	sor.u32 $0x1C03, s24;
	s25 =	sadd.s32 s6, s2;
	[dreg:$0x9] =	wrdreg s26  }
0x13: {  	s24 =	simm.s32 $0x13E00;
	s26 =	simm.s32 $0x13E80;
	s2 =	simm.s32 $0x14380  }
0x14: {  	s7 =	simm.s32 $0x0;
	s0 =	sadd.s32 $0xE000, s0;
	[dreg:$0x6] =	wrdreg s25  }
0x15: {  	s9 =	sadd.s32 $0x4000, s21;
	s6 =	sshrl.u32 s23, $0x3;
	[dreg:$0x7] =	wrdreg s8  }
0x16: {  	s21 =	simm.s32 $0x14080;
	s23 =	simm.s32 $0x14100;
	[dreg:$0x8] =	wrdreg s0  }
0x17: {  	s25 =	simm.s32 $0x14180;
	s0 =	simm.s32 $0x14300;
	[dreg:$0xa] =	wrdreg s6  }
.LBB2_1:
0x18: {  	[dreg:$0xb] =	wrdreg s7  }
0x19: {  	s3 =	rddreg [dreg:$0x3]  }
0x1a: {  	[spmem:s6], [sflag:s8] =	dma.local [hbm:s3], $0x2780  }
0x1b: {  	_ =	swait.ge [sflag:s11], $0x2780  }
0x1c: {  	[sflag:s11] =	ssyncset.done $0x0  }
0x1d: {  	[sflag:s11] =	ssyncadd.s32 $0xFFFFD880  }
0x1e: {  	s8 =	sadd.s32 $0x0, s9;
	[bflag:$0x0] =	sbarrier.arrive $0xFFFF  }
0x1f: {  	[tilespmem:s12], [sflag:$0x3] =	stream.linear.gather [hbm4b:s8+s5], $0x400, $0x38;
	[tilespmem:$0x1C400] =	vst v63  }
0x20: {  	_ =	swait.ge [sflag:s11], $0x400  }
0x21: {  	s10 =	rddreg [dreg:$0x6];
	[sflag:s11] =	ssyncset.done $0x0  }
0x22: {  	[sflag:s11] =	ssyncadd.s32 $0xFFFFFC00;
	s6 =	sadd.s32 $0x0, s10  }
0x23: {  	[tilespmem:s13], [sflag:$0x3] =	stream.linear.gather [hbm4b:s6+s5], $0x400, $0x38;
	[tilespmem:$0x1C400] =	vst v63  }
0x24: {  	_ =	swait.ge [sflag:s11], $0x400  }
0x25: {  	[sflag:s11] =	ssyncset.done $0x0  }
0x26: {  	[sflag:s11] =	ssyncadd.s32 $0xFFFFFC00  }
0x27: {  	[tilespmem:s15], [sflag:$0x1] =	stream.indirect.gather [hbm4b:s1+s14], $0x80, s12, s14, $0xb8;
	[tilespmem:$0x1C400] =	vst v63  }
0x28: {  	_ = 	snop  }
0x29: {  	[tilespmem:s17], [sflag:$0x2] =	stream.indirect.gather [hbm4b:s1+s14], $0x80, s16, s14, $0xb8;
	[tilespmem:$0x1C400] =	vst v63  }
0x2a: {  	_ =	swait.ge [sflag:s18], $0x4000  }
0x2b: {  	[sflag:s18] =	ssyncset.done $0x0  }
0x2c: {  	[sflag:s18] =	ssyncadd.s32 $0xFFFFC000  }
0x2d: {  	[spmem:s4] =	stream.indirect.scatter.add.f32 [tilespmem:s15], [sflag:$0x3], $0x80, s13, s14, $0xb8;
	[tilespmem:$0x1C400] =	vst v63  }
0x2e: {  	_ =	swait.ge [sflag:s11], $0x4000  }
0x2f: {  	[sflag:s11] =	ssyncset.done $0x0  }
0x30: {  	[sflag:s11] =	ssyncadd.s32 $0xFFFFC000  }
0x31: {  	[tilespmem:s15], [sflag:$0x1] =	stream.indirect.gather [hbm4b:s1+s14], $0x80, s19, s14, $0xb8;
	[tilespmem:$0x1C400] =	vst v63  }
0x32: {  	_ =	swait.ge [sflag:s20], $0x4000  }
0x33: {  	[sflag:s20] =	ssyncset.done $0x0  }
0x34: {  	[sflag:s20] =	ssyncadd.s32 $0xFFFFC000  }
0x35: {  	[spmem:s4] =	stream.indirect.scatter.add.f32 [tilespmem:s17], [sflag:$0x3], $0x80, s21, s14, $0xb8;
	[tilespmem:$0x1C400] =	vst v63  }
0x36: {  	_ =	swait.ge [sflag:s11], $0x4000  }
0x37: {  	[sflag:s11] =	ssyncset.done $0x0  }
0x38: {  	[sflag:s11] =	ssyncadd.s32 $0xFFFFC000  }
0x39: {  	[tilespmem:s17], [sflag:$0x2] =	stream.indirect.gather [hbm4b:s1+s14], $0x80, s22, s14, $0xb8;
	[tilespmem:$0x1C400] =	vst v63  }
0x3a: {  	_ =	swait.ge [sflag:s18], $0x4000  }
0x3b: {  	[sflag:s18] =	ssyncset.done $0x0  }
0x3c: {  	[sflag:s18] =	ssyncadd.s32 $0xFFFFC000  }
0x3d: {  	[spmem:s4] =	stream.indirect.scatter.add.f32 [tilespmem:s15], [sflag:$0x3], $0x80, s23, s14, $0xb8;
	[tilespmem:$0x1C400] =	vst v63  }
0x3e: {  	_ =	swait.ge [sflag:s11], $0x4000  }
0x3f: {  	[sflag:s11] =	ssyncset.done $0x0  }
0x40: {  	[sflag:s11] =	ssyncadd.s32 $0xFFFFC000  }
0x41: {  	[tilespmem:s15], [sflag:$0x1] =	stream.indirect.gather [hbm4b:s1+s14], $0x80, s24, s14, $0xb8;
	[tilespmem:$0x1C400] =	vst v63  }
0x42: {  	_ =	swait.ge [sflag:s20], $0x4000  }
0x43: {  	[sflag:s20] =	ssyncset.done $0x0  }
0x44: {  	[sflag:s20] =	ssyncadd.s32 $0xFFFFC000  }
0x45: {  	[spmem:s4] =	stream.indirect.scatter.add.f32 [tilespmem:s17], [sflag:$0x3], $0x80, s25, s14, $0xb8;
	[tilespmem:$0x1C400] =	vst v63  }
0x46: {  	_ =	swait.ge [sflag:s11], $0x4000  }
0x47: {  	[sflag:s11] =	ssyncset.done $0x0  }
0x48: {  	[sflag:s11] =	ssyncadd.s32 $0xFFFFC000  }
0x49: {  	[tilespmem:s17], [sflag:$0x2] =	stream.indirect.gather [hbm4b:s1+s14], $0x80, s26, s14, $0xb8;
	[tilespmem:$0x1C400] =	vst v63  }
0x4a: {  	_ =	swait.ge [sflag:s18], $0x4000  }
0x4b: {  	[sflag:s18] =	ssyncset.done $0x0  }
0x4c: {  	[sflag:s18] =	ssyncadd.s32 $0xFFFFC000  }
0x4d: {  	[spmem:s4] =	stream.indirect.scatter.add.f32 [tilespmem:s15], [sflag:$0x3], $0x80, s28, s14, $0xb8;
	[tilespmem:$0x1C400] =	vst v63  }
0x4e: {  	_ =	swait.ge [sflag:s11], $0x4000  }
0x4f: {  	[sflag:s11] =	ssyncset.done $0x0  }
0x50: {  	[sflag:s11] =	ssyncadd.s32 $0xFFFFC000  }
0x51: {  	[tilespmem:s15], [sflag:$0x1] =	stream.indirect.gather [hbm4b:s1+s14], $0x80, s29, s14, $0xb8;
	[tilespmem:$0x1C400] =	vst v63  }
0x52: {  	_ =	swait.ge [sflag:s20], $0x4000  }
0x53: {  	[sflag:s20] =	ssyncset.done $0x0  }
0x54: {  	[sflag:s20] =	ssyncadd.s32 $0xFFFFC000  }
0x55: {  	[spmem:s4] =	stream.indirect.scatter.add.f32 [tilespmem:s17], [sflag:$0x3], $0x80, s30, s14, $0xb8;
	[tilespmem:$0x1C400] =	vst v63  }
0x56: {  	_ =	swait.ge [sflag:s11], $0x4000  }
0x57: {  	[sflag:s11] =	ssyncset.done $0x0  }
0x58: {  	[sflag:s11] =	ssyncadd.s32 $0xFFFFC000  }
0x59: {  	[tilespmem:s17], [sflag:$0x2] =	stream.indirect.gather [hbm4b:s1+s14], $0x80, s31, s14, $0xb8;
	[tilespmem:$0x1C400] =	vst v63  }
0x5a: {  	_ =	swait.ge [sflag:s18], $0x4000  }
0x5b: {  	[sflag:s18] =	ssyncset.done $0x0  }
0x5c: {  	[sflag:s18] =	ssyncadd.s32 $0xFFFFC000  }
0x5d: {  	[spmem:s4] =	stream.indirect.scatter.add.f32 [tilespmem:s15], [sflag:$0x3], $0x80, s0, s14, $0xb8;
	[tilespmem:$0x1C400] =	vst v63  }
0x5e: {  	_ =	swait.ge [sflag:s11], $0x4000  }
0x5f: {  	[sflag:s11] =	ssyncset.done $0x0  }
0x60: {  	[sflag:s11] =	ssyncadd.s32 $0xFFFFC000  }
0x61: {  	_ =	swait.ge [sflag:s20], $0x4000  }
0x62: {  	[sflag:s20] =	ssyncset.done $0x0  }
0x63: {  	[sflag:s20] =	ssyncadd.s32 $0xFFFFC000  }
0x64: {  	[spmem:s4] =	stream.indirect.scatter.add.f32 [tilespmem:s17], [sflag:$0x3], $0x80, s2, s14, $0xb8;
	[tilespmem:$0x1C400] =	vst v63  }
0x65: {  	_ =	swait.ge [sflag:s11], $0x4000  }
0x66: {  	s7 =	simm.s32 $0x80;
	s8 =	simm.s32 $0x100;
	[sflag:s11] =	ssyncset.done $0x0  }
.LBB2_2:
0x67: {  	s10 =	sadd.s32 s7, s9;
	[sflag:s11] =	ssyncadd.s32 $0xFFFFC000  }
0x68: {  	[tilespmem:s12], [sflag:$0x3] =	stream.linear.gather [hbm4b:s10+s5], $0x400, $0x38;
	[tilespmem:$0x1C400] =	vst v63  }
0x69: {  	s3 =	smov.u32 s8;
	_ =	swait.ge [sflag:s11], $0x400  }
0x6a: {  	s6 =	sadd.s32 $0x80, s8;
	s10 =	rddreg [dreg:$0x6];
	[sflag:s11] =	ssyncset.done $0x0  }
0x6b: {  	p0 =	sne.s32 s8, $0x480;
	[sflag:s11] =	ssyncadd.s32 $0xFFFFFC00;
	s8 =	sadd.s32 s7, s10  }
0x6c: {  	[tilespmem:s13], [sflag:$0x3] =	stream.linear.gather [hbm4b:s8+s5], $0x400, $0x38;
	[tilespmem:$0x1C400] =	vst v63  }
0x6d: {  	_ =	swait.ge [sflag:s11], $0x400  }
0x6e: {  	[sflag:s11] =	ssyncset.done $0x0  }
0x6f: {  	[sflag:s11] =	ssyncadd.s32 $0xFFFFFC00  }
0x70: {  	[tilespmem:s15], [sflag:$0x1] =	stream.indirect.gather [hbm4b:s1+s14], $0x80, s12, s14, $0xb8;
	[tilespmem:$0x1C400] =	vst v63  }
0x71: {  	_ = 	snop  }
0x72: {  	[tilespmem:s17], [sflag:$0x2] =	stream.indirect.gather [hbm4b:s1+s14], $0x80, s16, s14, $0xb8;
	[tilespmem:$0x1C400] =	vst v63  }
0x73: {  	_ =	swait.ge [sflag:s18], $0x4000  }
0x74: {  	[sflag:s18] =	ssyncset.done $0x0  }
0x75: {  	[sflag:s18] =	ssyncadd.s32 $0xFFFFC000  }
0x76: {  	[spmem:s4] =	stream.indirect.scatter.add.f32 [tilespmem:s15], [sflag:$0x3], $0x80, s13, s14, $0xb8;
	[tilespmem:$0x1C400] =	vst v63  }
0x77: {  	_ =	swait.ge [sflag:s11], $0x4000  }
0x78: {  	[sflag:s11] =	ssyncset.done $0x0  }
0x79: {  	[sflag:s11] =	ssyncadd.s32 $0xFFFFC000  }
0x7a: {  	[tilespmem:s15], [sflag:$0x1] =	stream.indirect.gather [hbm4b:s1+s14], $0x80, s19, s14, $0xb8;
	[tilespmem:$0x1C400] =	vst v63  }
0x7b: {  	_ =	swait.ge [sflag:s20], $0x4000  }
0x7c: {  	[sflag:s20] =	ssyncset.done $0x0  }
0x7d: {  	[sflag:s20] =	ssyncadd.s32 $0xFFFFC000  }
0x7e: {  	[spmem:s4] =	stream.indirect.scatter.add.f32 [tilespmem:s17], [sflag:$0x3], $0x80, s21, s14, $0xb8;
	[tilespmem:$0x1C400] =	vst v63  }
0x7f: {  	_ =	swait.ge [sflag:s11], $0x4000  }
0x80: {  	[sflag:s11] =	ssyncset.done $0x0  }
0x81: {  	[sflag:s11] =	ssyncadd.s32 $0xFFFFC000  }
0x82: {  	[tilespmem:s17], [sflag:$0x2] =	stream.indirect.gather [hbm4b:s1+s14], $0x80, s22, s14, $0xb8;
	[tilespmem:$0x1C400] =	vst v63  }
0x83: {  	_ =	swait.ge [sflag:s18], $0x4000  }
0x84: {  	[sflag:s18] =	ssyncset.done $0x0  }
0x85: {  	[sflag:s18] =	ssyncadd.s32 $0xFFFFC000  }
0x86: {  	[spmem:s4] =	stream.indirect.scatter.add.f32 [tilespmem:s15], [sflag:$0x3], $0x80, s23, s14, $0xb8;
	[tilespmem:$0x1C400] =	vst v63  }
0x87: {  	_ =	swait.ge [sflag:s11], $0x4000  }
0x88: {  	[sflag:s11] =	ssyncset.done $0x0  }
0x89: {  	[sflag:s11] =	ssyncadd.s32 $0xFFFFC000  }
0x8a: {  	[tilespmem:s15], [sflag:$0x1] =	stream.indirect.gather [hbm4b:s1+s14], $0x80, s24, s14, $0xb8;
	[tilespmem:$0x1C400] =	vst v63  }
0x8b: {  	_ =	swait.ge [sflag:s20], $0x4000  }
0x8c: {  	[sflag:s20] =	ssyncset.done $0x0  }
0x8d: {  	[sflag:s20] =	ssyncadd.s32 $0xFFFFC000  }
0x8e: {  	[spmem:s4] =	stream.indirect.scatter.add.f32 [tilespmem:s17], [sflag:$0x3], $0x80, s25, s14, $0xb8;
	[tilespmem:$0x1C400] =	vst v63  }
0x8f: {  	_ =	swait.ge [sflag:s11], $0x4000  }
0x90: {  	[sflag:s11] =	ssyncset.done $0x0  }
0x91: {  	[sflag:s11] =	ssyncadd.s32 $0xFFFFC000  }
0x92: {  	[tilespmem:s17], [sflag:$0x2] =	stream.indirect.gather [hbm4b:s1+s14], $0x80, s26, s14, $0xb8;
	[tilespmem:$0x1C400] =	vst v63  }
0x93: {  	_ =	swait.ge [sflag:s18], $0x4000  }
0x94: {  	[sflag:s18] =	ssyncset.done $0x0  }
0x95: {  	[sflag:s18] =	ssyncadd.s32 $0xFFFFC000  }
0x96: {  	[spmem:s4] =	stream.indirect.scatter.add.f32 [tilespmem:s15], [sflag:$0x3], $0x80, s28, s14, $0xb8;
	[tilespmem:$0x1C400] =	vst v63  }
0x97: {  	_ =	swait.ge [sflag:s11], $0x4000  }
0x98: {  	[sflag:s11] =	ssyncset.done $0x0  }
0x99: {  	[sflag:s11] =	ssyncadd.s32 $0xFFFFC000  }
0x9a: {  	[tilespmem:s15], [sflag:$0x1] =	stream.indirect.gather [hbm4b:s1+s14], $0x80, s29, s14, $0xb8;
	[tilespmem:$0x1C400] =	vst v63  }
0x9b: {  	_ =	swait.ge [sflag:s20], $0x4000  }
0x9c: {  	[sflag:s20] =	ssyncset.done $0x0  }
0x9d: {  	[sflag:s20] =	ssyncadd.s32 $0xFFFFC000  }
0x9e: {  	[spmem:s4] =	stream.indirect.scatter.add.f32 [tilespmem:s17], [sflag:$0x3], $0x80, s30, s14, $0xb8;
	[tilespmem:$0x1C400] =	vst v63  }
0x9f: {  	_ =	swait.ge [sflag:s11], $0x4000  }
0xa0: {  	[sflag:s11] =	ssyncset.done $0x0  }
0xa1: {  	[sflag:s11] =	ssyncadd.s32 $0xFFFFC000  }
0xa2: {  	[tilespmem:s17], [sflag:$0x2] =	stream.indirect.gather [hbm4b:s1+s14], $0x80, s31, s14, $0xb8;
	[tilespmem:$0x1C400] =	vst v63  }
0xa3: {  	_ =	swait.ge [sflag:s18], $0x4000  }
0xa4: {  	[sflag:s18] =	ssyncset.done $0x0  }
0xa5: {  	[sflag:s18] =	ssyncadd.s32 $0xFFFFC000  }
0xa6: {  	[spmem:s4] =	stream.indirect.scatter.add.f32 [tilespmem:s15], [sflag:$0x3], $0x80, s0, s14, $0xb8;
	[tilespmem:$0x1C400] =	vst v63  }
0xa7: {  	_ =	swait.ge [sflag:s11], $0x4000  }
0xa8: {  	[sflag:s11] =	ssyncset.done $0x0  }
0xa9: {  	[sflag:s11] =	ssyncadd.s32 $0xFFFFC000  }
0xaa: {  	_ =	swait.ge [sflag:s20], $0x4000  }
.Ltmp0:
0xab: {  	[sflag:s20] =	ssyncset.done $0x0;
	(pc) =	sbr.rel @p0 .LBB2_2-.Ltmp0, $4  }
0xac: {  	[sflag:s20] =	ssyncadd.s32 $0xFFFFC000  }
0xad: {  	[spmem:s4] =	stream.indirect.scatter.add.f32 [tilespmem:s17], [sflag:$0x3], $0x80, s2, s14, $0xb8;
	[tilespmem:$0x1C400] =	vst v63  }
0xae: {  	_ =	swait.ge [sflag:s11], $0x4000  }
0xaf: {  	s7 =	smov.u32 s3;
	s8 =	smov.u32 s6;
	[sflag:s11] =	ssyncset.done $0x0  }
0xb0: {  	s3 =	sadd.s32 s7, s9;
	[sflag:s11] =	ssyncadd.s32 $0xFFFFC000  }
0xb1: {  	[tilespmem:s12], [sflag:$0x3] =	stream.linear.gather [hbm4b:s3+s5], $0x400, $0x38;
	[tilespmem:$0x1C400] =	vst v63  }
0xb2: {  	_ =	swait.ge [sflag:s11], $0x400  }
0xb3: {  	s8 =	rddreg [dreg:$0x6];
	[sflag:s11] =	ssyncset.done $0x0  }
0xb4: {  	s3 =	sadd.s32 s7, s8;
	[sflag:s11] =	ssyncadd.s32 $0xFFFFFC00  }
0xb5: {  	[tilespmem:s13], [sflag:$0x3] =	stream.linear.gather [hbm4b:s3+s5], $0x400, $0x38;
	[tilespmem:$0x1C400] =	vst v63  }
0xb6: {  	_ =	swait.ge [sflag:s11], $0x400  }
0xb7: {  	[sflag:s11] =	ssyncset.done $0x0  }
0xb8: {  	[sflag:s11] =	ssyncadd.s32 $0xFFFFFC00  }
0xb9: {  	[tilespmem:s15], [sflag:$0x1] =	stream.indirect.gather [hbm4b:s1+s14], $0x80, s12, s14, $0xb8;
	[tilespmem:$0x1C400] =	vst v63  }
0xba: {  	_ = 	snop  }
0xbb: {  	[tilespmem:s17], [sflag:$0x2] =	stream.indirect.gather [hbm4b:s1+s14], $0x80, s16, s14, $0xb8;
	[tilespmem:$0x1C400] =	vst v63  }
0xbc: {  	_ =	swait.ge [sflag:s18], $0x4000  }
0xbd: {  	[sflag:s18] =	ssyncset.done $0x0  }
0xbe: {  	[sflag:s18] =	ssyncadd.s32 $0xFFFFC000  }
0xbf: {  	[spmem:s4] =	stream.indirect.scatter.add.f32 [tilespmem:s15], [sflag:$0x3], $0x80, s13, s14, $0xb8;
	[tilespmem:$0x1C400] =	vst v63  }
0xc0: {  	_ =	swait.ge [sflag:s11], $0x4000  }
0xc1: {  	[sflag:s11] =	ssyncset.done $0x0  }
0xc2: {  	[sflag:s11] =	ssyncadd.s32 $0xFFFFC000  }
0xc3: {  	[tilespmem:s15], [sflag:$0x1] =	stream.indirect.gather [hbm4b:s1+s14], $0x80, s19, s14, $0xb8;
	[tilespmem:$0x1C400] =	vst v63  }
0xc4: {  	_ =	swait.ge [sflag:s20], $0x4000  }
0xc5: {  	[sflag:s20] =	ssyncset.done $0x0  }
0xc6: {  	[sflag:s20] =	ssyncadd.s32 $0xFFFFC000  }
0xc7: {  	[spmem:s4] =	stream.indirect.scatter.add.f32 [tilespmem:s17], [sflag:$0x3], $0x80, s21, s14, $0xb8;
	[tilespmem:$0x1C400] =	vst v63  }
0xc8: {  	_ =	swait.ge [sflag:s11], $0x4000  }
0xc9: {  	[sflag:s11] =	ssyncset.done $0x0  }
0xca: {  	[sflag:s11] =	ssyncadd.s32 $0xFFFFC000  }
0xcb: {  	[tilespmem:s17], [sflag:$0x2] =	stream.indirect.gather [hbm4b:s1+s14], $0x80, s22, s14, $0xb8;
	[tilespmem:$0x1C400] =	vst v63  }
0xcc: {  	_ =	swait.ge [sflag:s18], $0x4000  }
0xcd: {  	[sflag:s18] =	ssyncset.done $0x0  }
0xce: {  	[sflag:s18] =	ssyncadd.s32 $0xFFFFC000  }
0xcf: {  	[spmem:s4] =	stream.indirect.scatter.add.f32 [tilespmem:s15], [sflag:$0x3], $0x80, s23, s14, $0xb8;
	[tilespmem:$0x1C400] =	vst v63  }
0xd0: {  	_ =	swait.ge [sflag:s11], $0x4000  }
0xd1: {  	[sflag:s11] =	ssyncset.done $0x0  }
0xd2: {  	[sflag:s11] =	ssyncadd.s32 $0xFFFFC000  }
0xd3: {  	[tilespmem:s15], [sflag:$0x1] =	stream.indirect.gather [hbm4b:s1+s14], $0x80, s24, s14, $0xb8;
	[tilespmem:$0x1C400] =	vst v63  }
0xd4: {  	_ =	swait.ge [sflag:s20], $0x4000  }
0xd5: {  	[sflag:s20] =	ssyncset.done $0x0  }
0xd6: {  	[sflag:s20] =	ssyncadd.s32 $0xFFFFC000  }
0xd7: {  	[spmem:s4] =	stream.indirect.scatter.add.f32 [tilespmem:s17], [sflag:$0x3], $0x80, s25, s14, $0xb8;
	[tilespmem:$0x1C400] =	vst v63  }
0xd8: {  	_ =	swait.ge [sflag:s11], $0x4000  }
0xd9: {  	[sflag:s11] =	ssyncset.done $0x0  }
0xda: {  	[sflag:s11] =	ssyncadd.s32 $0xFFFFC000  }
0xdb: {  	[tilespmem:s17], [sflag:$0x2] =	stream.indirect.gather [hbm4b:s1+s14], $0x80, s26, s14, $0xb8;
	[tilespmem:$0x1C400] =	vst v63  }
0xdc: {  	_ =	swait.ge [sflag:s18], $0x4000  }
0xdd: {  	[sflag:s18] =	ssyncset.done $0x0  }
0xde: {  	[sflag:s18] =	ssyncadd.s32 $0xFFFFC000  }
0xdf: {  	[spmem:s4] =	stream.indirect.scatter.add.f32 [tilespmem:s15], [sflag:$0x3], $0x80, s28, s14, $0xb8;
	[tilespmem:$0x1C400] =	vst v63  }
0xe0: {  	_ =	swait.ge [sflag:s11], $0x4000  }
0xe1: {  	[sflag:s11] =	ssyncset.done $0x0  }
0xe2: {  	[sflag:s11] =	ssyncadd.s32 $0xFFFFC000  }
0xe3: {  	[tilespmem:s15], [sflag:$0x1] =	stream.indirect.gather [hbm4b:s1+s14], $0x80, s29, s14, $0xb8;
	[tilespmem:$0x1C400] =	vst v63  }
0xe4: {  	_ =	swait.ge [sflag:s20], $0x4000  }
0xe5: {  	[sflag:s20] =	ssyncset.done $0x0  }
0xe6: {  	[sflag:s20] =	ssyncadd.s32 $0xFFFFC000  }
0xe7: {  	[spmem:s4] =	stream.indirect.scatter.add.f32 [tilespmem:s17], [sflag:$0x3], $0x80, s30, s14, $0xb8;
	[tilespmem:$0x1C400] =	vst v63  }
0xe8: {  	_ =	swait.ge [sflag:s11], $0x4000  }
0xe9: {  	[sflag:s11] =	ssyncset.done $0x0  }
0xea: {  	[sflag:s11] =	ssyncadd.s32 $0xFFFFC000  }
0xeb: {  	[tilespmem:s17], [sflag:$0x2] =	stream.indirect.gather [hbm4b:s1+s14], $0x80, s31, s14, $0xb8;
	[tilespmem:$0x1C400] =	vst v63  }
0xec: {  	_ =	swait.ge [sflag:s18], $0x4000  }
0xed: {  	[sflag:s18] =	ssyncset.done $0x0  }
0xee: {  	[sflag:s18] =	ssyncadd.s32 $0xFFFFC000  }
0xef: {  	[spmem:s4] =	stream.indirect.scatter.add.f32 [tilespmem:s15], [sflag:$0x3], $0x80, s0, s14, $0xb8;
	[tilespmem:$0x1C400] =	vst v63  }
0xf0: {  	_ =	swait.ge [sflag:s11], $0x4000  }
0xf1: {  	[sflag:s11] =	ssyncset.done $0x0  }
0xf2: {  	[sflag:s11] =	ssyncadd.s32 $0xFFFFC000  }
0xf3: {  	_ =	swait.ge [sflag:s20], $0x4000  }
0xf4: {  	[sflag:s20] =	ssyncset.done $0x0  }
0xf5: {  	[sflag:s20] =	ssyncadd.s32 $0xFFFFC000  }
0xf6: {  	[spmem:s4] =	stream.indirect.scatter.add.f32 [tilespmem:s17], [sflag:$0x3], $0x80, s2, s14, $0xb8;
	[tilespmem:$0x1C400] =	vst v63  }
0xf7: {  	_ =	swait.ge [sflag:s11], $0x4000  }
0xf8: {  	[sflag:s11] =	ssyncset.done $0x0  }
0xf9: {  	[sflag:s11] =	ssyncadd.s32 $0xFFFFC000  }
0xfa: {  	[bflag:$0x0] =	sbarrier.arrive $0xFFFF  }
0xfb: {  	s8 =	rddreg [dreg:$0x7]  }
0xfc: {  	s10 =	rddreg [dreg:$0x8]  }
0xfd: {  	s6 =	rddreg [dreg:$0xa]  }
0xfe: {  	[hbm:s10], [sflag:s8] =	dma.local [spmem:s6], $0x2780  }
0xff: {  	_ =	swait.ge [sflag:s11], $0x2780  }
0x100: {  	s3 =	rddreg [dreg:$0xb]  }
0x101: {  	s10 =	rddreg [dreg:$0x9];
	s7 =	sadd.s32 $0x1, s3  }
0x102: {  	p0 =	sne.s32 s7, s10  }
.Ltmp1:
0x103: {  	_ = 	snop;
	(pc) =	sbr.rel @p0 .LBB2_1-.Ltmp1, $3  }
0x104: {  	_ =	sdelay $0x1  }
0x105: {  	[sflag:s11] =	ssyncset.done $0x0  }
0x106: {  	[sflag:s11] =	ssyncadd.s32 $0xFFFFD880  }
0x107: {  	_ =	sfence.sel $0x180000  }
0x108: {  	[bflag:$0x0] =	sbarrier.arrive $0xFFFF  }
0x109: {  	_ =	strace $0x9000004D  }
0x10a: {  	s0 =	stileid.u32;
	[bflag:$0x2] =	sbarrier.arrive $0xFFFF  }
0x10b: {  	p0 =	sne.s32 s0, $0x0;
	s0 =	rddreg [dreg:$0x5]  }
0x10c: {  	s0 =	sadd.s32 @!p0 $0x100000, s0  }
0x10d: {  	[sflag:s0] =	ssyncadd.tile.s32 @!p0 $0x1;
	_ =	shalt  }
.Lfunc_end2:
_tile_overlayer_lowered:
.L_overlay_start_2:
0x10e: {  	(tag) =	ssettag $0x2  }
0x10f: {  	s0 =	rddreg [dreg:$0x0];
	s2 =	stileid.u32  }
0x110: {  	s1 =	rddreg [dreg:$0x1];
	p0 =	sne.s32 s2, $0x0  }
0x111: {  	s3 =	rddreg [dreg:$0x2];
	[bflag:$0x3] =	sbarrier.arrive $0xFFFF;
	s2 =	simm.s32 @!p0 $0x1C03  }
0x112: {  	[timem:s3], [sflag:s2] =	dma.local @!p0 [hbm:s0], s1  }
0x113: {  	s0 =	simm.s32 @!p0 $0x3  }
0x114: {  	_ =	swait.ge @!p0 [sflag:s0], s1  }
0x115: {  	s1 =	ssub.s32 @!p0 $0x0, s1;
	[sflag:s0] =	ssyncset.done @!p0 $0x0  }
0x116: {  	[sflag:s0] =	ssyncadd.s32 @!p0 s1  }
0x117: {  	[bflag:$0x3] =	sbarrier.arrive $0xFFFF  }
0x118: {  	_ =	shalt  }

// kernel: kernel.19.cloned.1.call-start
scs
__scs_entry_jumppad:
0x0: {  	(pc) =	sbr.rel $0x88, $3  }
0x1: {  	(tag) =	ssettag $0x0;
	lr =	simm.s32 $0x1  }
0x2: {  	[smem:$0x3F8C] =	sst lr;
	_ =	strace $0xD0000000  }
0x3: {  	_ = 	snop  }
0x4: {  	_ = 	snop  }
0x5: {  	_ = 	snop  }
0x6: {  	_ = 	snop  }
0x7: {  	_ = 	snop  }
__scs_overlays_trampoline_lowered:
0x8: {  	[smem:$0x3F9B] =	sst s0  }
0x9: {  	[smem:$0x3F9C] =	sst s1  }
0xa: {  	[smem:$0x3F9D] =	sst s2  }
0xb: {  	[smem:$0x3F9E] =	sst s3  }
0xc: {  	[smem:$0x3F9F] =	sst s4  }
0xd: {  	[smem:$0x3FA0] =	sst s5  }
0xe: {  	[smem:$0x3FA1] =	sst s6  }
0xf: {  	[smem:$0x3FA2] =	sst s7  }
0x10: {  	[smem:$0x3FA3] =	sst s8  }
0x11: {  	[smem:$0x3FA4] =	sst s9;
	s0 =	simm.s32 @!p0 $0x0  }
0x12: {  	s1 =	sld [smem:$0x3F8A];
	s0 =	simm.s32 @p0 $0x1  }
0x13: {  	[smem:$0x3FA5] =	sst s0;
	s0 =	simm.s32 @!p1 $0x0  }
0x14: {  	s2 =	sld [smem:$0x3F89];
	s0 =	simm.s32 @p1 $0x1  }
0x15: {  	[smem:$0x3FA6] =	sst s0;
	s0 =	simm.s32 @!p2 $0x0  }
0x16: {  	s3 =	sld [smem:$0x3FDB];
	s0 =	simm.s32 @p2 $0x1  }
0x17: {  	s4 =	simm.s32 $0x1BF5;
	[smem:$0x3FA8] =	sst s0  }
0x18: {  	s0 =	sld [smem:$0x3F8B];
	_ =	swait.ge [sflag:s4], $0x0  }
0x19: {  	s7 =	sld [smem:$0x3F8C]  }
0x1a: {  	s8 =	sadd.s32 $0xFFFFE003, lr  }
0x1b: {  	s9 =	sadd.s32 $0xFFFFFEF7, lr;
	s5 =	simm.s32 $0xFFFFFFFF;
	p2 =	slt.u32 s8, $0xFFFFF086  }
0x1c: {  	p1 =	slt.u32 s9, $0xF7A;
	s5 =	simm.s32 @!p2 $0x0  }
0x1d: {  	s5 =	simm.s32 @p1 $0x1;
	p0 =	seq.s32 s7, s2  }
0x1e: {  	s7 =	smul.u32 @!p0 $0xF7A, s2;
	p2 =	seq.s32 @!p0 s5, $0x0  }
0x1f: {  	s9 =	smul.u32 $0xF7A, s1;
	s8 =	simm.s32 @!p0 $0x1BF5;
	p2 =	por !p2, p0  }
0x20: {  	[sflag:s8] =	ssyncset.s32 @!p0 $0xFFFFF086;
	s6 =	sadd.s32 @!p0 s3, s7;
	s7 =	simm.s32 @!p0 $0x108  }
0x21: {  	s3 =	sadd.s32 s3, s9;
	s6 =	sadd.s32 @!p0 $0x88, s6;
	s7 =	simm.s32 @p2 $0x1082  }
0x22: {  	[simem:s7], [sflag:s8] =	dma.local @!p0 [hbm:s6], $0xF7A  }
0x23: {  	s9 =	sor.u32 $0xD0000000, s2;
	s6 =	simm.s32 $0x108;
	_ =	swait.ge @!p0 [sflag:s8], $0x0  }
0x24: {  	s3 =	sadd.s32 $0x88, s3;
	s6 =	simm.s32 @!p1 $0x1082;
	[sflag:s4] =	ssyncset.s32 $0xFFFFF086  }
0x25: {  	[simem:s6], [sflag:s4] =	dma.local [hbm:s3], $0xF7A  }
0x26: {  	[smem:$0x3F8C] =	sst s1;
	(tag) =	ssettag s2;
	_ =	strace s9  }
0x27: {  	s1 =	sld [smem:$0x3F9C]  }
0x28: {  	s2 =	sld [smem:$0x3F9D]  }
0x29: {  	s4 =	sld [smem:$0x3F9F]  }
0x2a: {  	p0 =	seq.s32 s5, $0x0;
	s5 =	sld [smem:$0x3FA0]  }
0x2b: {  	s6 =	sld [smem:$0x3FA1]  }
0x2c: {  	s7 =	sld [smem:$0x3FA2]  }
0x2d: {  	s3 =	simm.s32 $0x108;
	s8 =	sld [smem:$0x3FA3]  }
0x2e: {  	s3 =	simm.s32 @!p0 $0x1082;
	s9 =	sld [smem:$0x3FA4]  }
0x2f: {  	lr =	sadd.s32 s0, s3;
	s0 =	sld [smem:$0x3F9B]  }
0x30: {  	s3 =	sld [smem:$0x3F9E]  }
0x31: {  	[smem:$0x3FA7] =	sst s10  }
0x32: {  	s10 =	sld [smem:$0x3FA5];
	_ =	sdelay $0x3  }
0x33: {  	p0 =	seq.s32 s10, $0x1;
	s10 =	sld [smem:$0x3FA7];
	_ =	sdelay $0x3  }
0x34: {  	[smem:$0x3FA7] =	sst s10  }
0x35: {  	s10 =	sld [smem:$0x3FA6];
	_ =	sdelay $0x3  }
0x36: {  	p1 =	seq.s32 s10, $0x1;
	s10 =	sld [smem:$0x3FA7];
	_ =	sdelay $0x3  }
0x37: {  	[smem:$0x3FA7] =	sst s10  }
0x38: {  	s10 =	sld [smem:$0x3FA8]  }
0x39: {  	_ = 	snop;
	(pc) =	sbr.ind lr, $3  }
0x3a: {  	_ = 	snop  }
0x3b: {  	_ = 	snop  }
0x3c: {  	p2 =	seq.s32 s10, $0x1;
	s10 =	sld [smem:$0x3FA7]  }
0x3d: {  	_ =	shalt  }
0x3e: {  	_ =	shalt  }
0x3f: {  	_ =	shalt  }
0x40: {  	_ =	shalt  }
0x41: {  	_ =	shalt  }
0x42: {  	_ =	shalt  }
0x43: {  	_ =	shalt  }
0x44: {  	_ =	shalt  }
0x45: {  	_ =	shalt  }
0x46: {  	_ =	shalt  }
0x47: {  	_ =	shalt  }
0x48: {  	_ =	shalt  }
0x49: {  	_ =	shalt  }
0x4a: {  	_ =	shalt  }
0x4b: {  	_ =	shalt  }
0x4c: {  	_ =	shalt  }
0x4d: {  	_ =	shalt  }
0x4e: {  	_ =	shalt  }
0x4f: {  	_ =	shalt  }
0x50: {  	_ =	shalt  }
0x51: {  	_ =	shalt  }
0x52: {  	_ =	shalt  }
0x53: {  	_ =	shalt  }
0x54: {  	_ =	shalt  }
0x55: {  	_ =	shalt  }
0x56: {  	_ =	shalt  }
0x57: {  	_ =	shalt  }
0x58: {  	_ =	shalt  }
0x59: {  	_ =	shalt  }
0x5a: {  	_ =	shalt  }
0x5b: {  	_ =	shalt  }
0x5c: {  	_ =	shalt  }
0x5d: {  	_ =	shalt  }
0x5e: {  	_ =	shalt  }
0x5f: {  	_ =	shalt  }
0x60: {  	_ =	shalt  }
0x61: {  	_ =	shalt  }
0x62: {  	_ =	shalt  }
0x63: {  	_ =	shalt  }
0x64: {  	_ =	shalt  }
0x65: {  	_ =	shalt  }
0x66: {  	_ =	shalt  }
0x67: {  	_ =	shalt  }
0x68: {  	_ =	shalt  }
0x69: {  	_ =	shalt  }
0x6a: {  	_ =	shalt  }
0x6b: {  	_ =	shalt  }
0x6c: {  	_ =	shalt  }
0x6d: {  	_ =	shalt  }
0x6e: {  	_ =	shalt  }
0x6f: {  	_ =	shalt  }
0x70: {  	_ =	shalt  }
0x71: {  	_ =	shalt  }
0x72: {  	_ =	shalt  }
0x73: {  	_ =	shalt  }
0x74: {  	_ =	shalt  }
0x75: {  	_ =	shalt  }
0x76: {  	_ =	shalt  }
0x77: {  	_ =	shalt  }
0x78: {  	_ =	shalt  }
0x79: {  	_ =	shalt  }
0x7a: {  	_ =	shalt  }
0x7b: {  	_ =	shalt  }
0x7c: {  	_ =	shalt  }
0x7d: {  	_ =	shalt  }
0x7e: {  	_ =	shalt  }
0x7f: {  	_ =	shalt  }
0x80: {  	_ =	shalt  }
0x81: {  	_ =	shalt  }
0x82: {  	_ =	shalt  }
0x83: {  	_ =	shalt  }
0x84: {  	_ =	shalt  }
0x85: {  	_ =	shalt  }
0x86: {  	_ =	shalt  }
0x87: {  	_ =	shalt  }
.Lfunc_end0:
.L_simem_size_0:
called_computation.3_lowered:
.L_overlay_start_0:
0x88: {  	s2 =	sld [smem:$0x3FD9]  }
0x89: {  	s3 =	sld [smem:$0x3FFE];
	_ =	sdelay $0x1  }
0x8a: {  	s1 =	srdreg.scid  }
0x8b: {  	s0 =	sand.u32 $0x1, s1  }
0x8c: {  	s14 =	sshll.u32 s0, $0xA;
	s2 =	sadd.s32 s3, s2  }
0x8d: {  	s2 =	sadd.s32 s2, s14  }
0x8e: {  	[smem:$0x3FB3] =	sst s2  }
0x8f: {  	_ = 	snop  }
0x90: {  	s2 =	sld [smem:$0x3FD0];
	_ =	sdelay $0x2  }
0x91: {  	s15 =	simm.s32 $0xB;
	s4 =	simm.s32 $0x10  }
0x92: {  	[smem:s4], [sflag:s15] =	dma.local [hbm:s2], $0x1  }
0x93: {  	_ =	swait.eq [sflag:s15], $0x1  }
0x94: {  	s16 =	sld [smem:$0x10];
	[sflag:s15] =	ssyncset.done $0x0  }
0x95: {  	s17 =	sld [smem:$0x11];
	[sflag:s15] =	ssyncadd.s32 $0xFFFFFFFF  }
0x96: {  	s18 =	sld [smem:$0x12];
	(tm) =	ssettm $0x1  }
0x97: {  	s5 =	sld [smem:$0x3FFB];
	_ =	sdelay $0x3  }
0x98: {  	_ =	strace s5  }
0x99: {  	s5 =	sld [smem:$0x3FFC];
	_ =	sdelay $0x3  }
0x9a: {  	_ =	strace s5  }
0x9b: {  	s5 =	sld [smem:$0x3FFD];
	_ =	sdelay $0x3  }
0x9c: {  	_ =	strace s5  }
0x9d: {  	_ =	strace $0x8FFFFFFF  }
0x9e: {  	s19 =	sld [smem:$0x3FDB];
	_ =	sdelay $0x1  }
0x9f: {  	s6 =	simm.s32 $_scs_section_size  }
0xa0: {  	s7 =	simm.s32 $_size__tile_overlayer_lowered;
	s8 =	simm.s32 $_tile_overlayer_lowered  }
0xa1: {  	s22 =	simm.s32 $0x1BFF;
	s21 =	sshll.u32 s8, $0x1;
	s5 =	sadd.s32 s6, s19  }
0xa2: {  	s9 =	simm.s32 $0x0;
	s20 =	sshll.u32 s7, $0x1;
	s7 =	sadd.s32 s21, s5  }
0xa3: {  	[timem:s9], [sflag:s22] =	dma.local [hbm:s7], s20  }
0xa4: {  	_ =	swait.ge [sflag:s22], s20  }
0xa5: {  	s6 =	ssub.s32 $0x0, s20;
	[sflag:s22] =	ssyncset.done $0x0  }
0xa6: {  	[sflag:s22] =	ssyncadd.s32 s6;
	_ =	sdelay $0x1  }
0xa7: {  	s23 =	simm.s32 $0x1B8B  }
0xa8: {  	_ =	swait.ge [sflag:s23], $0x1  }
0xa9: {  	[sflag:s23] =	ssyncset.done $0x0  }
0xaa: {  	s25 =	simm.s32 $0x1B8E;
	s24 =	sld [smem:$0x3FFE];
	[sflag:s23] =	ssyncadd.s32 $0xFFFFFFFF  }
0xab: {  	s26 =	simm.s32 $execute0_lowered;
	[smem:$0x3FD2] =	sst s25  }
0xac: {  	s7 =	sshll.u32 s26, $0x1;
	_ =	strace $0x8000004F;
	[dreg:$0x1] =	wrdreg $0xFFFFFFFF  }
0xad: {  	s28 =	simm.s32 $_size_execute0_lowered;
	s5 =	sadd.s32 s5, s7;
	[dreg:$0x0] =	wrdreg $0x0  }
0xae: {  	s7 =	sshll.u32 s28, $0x1;
	[dreg:$0x2] =	wrdreg s5  }
0xaf: {  	[dreg:$0x3] =	wrdreg s7  }
0xb0: {  	[dreg:$0x4] =	wrdreg $0xC0  }
0xb1: {  	_ =	task [dreg:s9], $0x5FFFF  }
0xb2: {  	[dreg:$0x1] =	wrdreg $0xFFFFFFFF  }
0xb3: {  	[dreg:$0x0] =	wrdreg $0x60  }
0xb4: {  	[dreg:$0x2] =	wrdreg s18  }
0xb5: {  	[dreg:$0x3] =	wrdreg s24  }
0xb6: {  	[dreg:$0x4] =	wrdreg s16  }
0xb7: {  	[dreg:$0x5] =	wrdreg s17  }
0xb8: {  	[dreg:$0x6] =	wrdreg $0x0  }
0xb9: {  	[dreg:$0x7] =	wrdreg $0x9  }
0xba: {  	_ =	task.clear_ibuf [dreg:s9], $0x8FFFF;
	_ =	strace $0x9000004F  }
0xbb: {  	s29 =	simm.s32 $0x9;
	_ =	strace $0x80000051  }
0xbc: {  	_ =	swait.ge [sflag:s29], $0x1  }
0xbd: {  	[sflag:s29] =	ssyncadd.s32 $0xFFFFFFFF  }
0xbe: {  	_ =	strace $0x90000051  }
0xbf: {  	_ =	sfence  }
0xc0: {  	s30 =	sld [smem:$0x0];
	_ =	sdelay $0x2  }
0xc1: {  	s31 =	sshll.u32 s1, $0xD;
	s1 =	sshrl.u32 s1, $0x2  }
0xc2: {  	s3 =	sand.u32 $0x4000, s31;
	s1 =	sadd.s32 s1, s30  }
0xc3: {  	s0 =	sor.u32 s3, s0;
	s1 =	sshll.u32 s1, $0x11  }
0xc4: {  	s0 =	sor.u32 s1, s0  }
0xc5: {  	s0 =	sadd.s32 $0x8F2B, s0  }
0xc6: {  	[sflag:s0] =	ssyncadd.remote.s32 $0x1  }
0xc7: {  	_ =	sfence.sel $0xFFFF  }
0xc8: {  	[dreg:$0x0] =	wrdreg $0xFFFFFFFF;
	(pc) =	sbr.abs _section_cstart, $3  }
0xc9: {  	[dreg:$0x1] =	wrdreg $0xFFFFFFFF  }
0xca: {  	_ =	task.clear_ibuf [dreg:s9], $0x2FFFF;
	_ =	strace $0x9FFFFFFF  }
0xcb: {  	(tm) =	ssettm $0x7FFFFFFF  }
tec
execute0_lowered:
.L_overlay_start_1:
0x0: {  	(tag) =	ssettag $0x1  }
0x1: {  	s1 =	rddreg [dreg:$0x0]  }
0x2: {  	s0 =	rddreg [dreg:$0x1]  }
0x3: {  	s2 =	rddreg [dreg:$0x2]  }
0x4: {  	s4 =	rddreg [dreg:$0x4];
	s3 =	srdreg.scid  }
0x5: {  	s10 =	stileid.u32;
	s5 =	simm.s32 $0x0;
	s11 =	simm.s32 $0x3  }
0x6: {  	s12 =	simm.s32 $0x13C00;
	s13 =	simm.s32 $0x14000;
	s14 =	simm.s32 $0x80  }
0x7: {  	s15 =	simm.s32 $0x14400;
	s16 =	simm.s32 $0x13C80;
	s17 =	simm.s32 $0x18400  }
0x8: {  	s18 =	simm.s32 $0x1;
	s19 =	simm.s32 $0x13D00;
	s28 =	simm.s32 $0x14200  }
0x9: {  	s29 =	simm.s32 $0x13F00;
	s30 =	simm.s32 $0x14280;
	s6 =	smul.u32 $0x50, s10  }
0xa: {  	s31 =	simm.s32 $0x13F80;
	s3 =	sand.u32 $0x1, s3;
	s9 =	smul.u32 $0x13C00, s10  }
0xb: {  	[smem:$0x7FF] =	sst s5;
	s20 =	smul.u32 $0x4F000, s10;
	s24 =	sshll.u32 s10, $0x6  }
0xc: {  	s7 =	smul.u32 $0x13C000, s3;
	p0 =	seq.s32 s3, $0x0;
	s3 =	ssub.s32 $0x2, s3  }
0xd: {  	_ =	strace $0x80000050;
	s8 =	sadd.s32 $0x500, s6;
	s22 =	sshrl.u32 s3, $0x1  }
0xe: {  	s8 =	smov.u32 @p0 s6;
	s7 =	sadd.s32 s9, s7;
	s3 =	ssub.s32 s3, s22  }
0xf: {  	s22 =	simm.s32 $0x13D80;
	s6 =	sshll.u32 s8, $0x4;
	s7 =	sshrl.u32 s7, $0x3  }
0x10: {  	s8 =	sshrl.u32 s20, $0x2;
	s26 =	smax.u32 s3, $0x1;
	s20 =	simm.s32 $0x2  }
0x11: {  	s21 =	sadd.s32 s6, s0;
	s0 =	sadd.s32 s7, s0;
	s23 =	sadd.s32 s8, s4  }
0x12: {  	s8 =	sor.u32 $0x1C03, s24;
	s25 =	sadd.s32 s6, s2;
	[dreg:$0x9] =	wrdreg s26  }
0x13: {  	s24 =	simm.s32 $0x13E00;
	s26 =	simm.s32 $0x13E80;
	s2 =	simm.s32 $0x14380  }
0x14: {  	s7 =	simm.s32 $0x0;
	s0 =	sadd.s32 $0xE000, s0;
	[dreg:$0x6] =	wrdreg s25  }
0x15: {  	s9 =	sadd.s32 $0x4000, s21;
	s6 =	sshrl.u32 s23, $0x3;
	[dreg:$0x7] =	wrdreg s8  }
0x16: {  	s21 =	simm.s32 $0x14080;
	s23 =	simm.s32 $0x14100;
	[dreg:$0x8] =	wrdreg s0  }
0x17: {  	s25 =	simm.s32 $0x14180;
	s0 =	simm.s32 $0x14300;
	[dreg:$0xa] =	wrdreg s6  }
.LBB2_1:
0x18: {  	[dreg:$0xb] =	wrdreg s7  }
0x19: {  	s3 =	rddreg [dreg:$0x3]  }
0x1a: {  	[spmem:s6], [sflag:s8] =	dma.local [hbm:s3], $0x2780  }
0x1b: {  	_ =	swait.ge [sflag:s11], $0x2780  }
0x1c: {  	[sflag:s11] =	ssyncset.done $0x0  }
0x1d: {  	[sflag:s11] =	ssyncadd.s32 $0xFFFFD880  }
0x1e: {  	s8 =	sadd.s32 $0x0, s9;
	[bflag:$0x0] =	sbarrier.arrive $0xFFFF  }
0x1f: {  	[tilespmem:s12], [sflag:$0x3] =	stream.linear.gather [hbm4b:s8+s5], $0x400, $0x38;
	[tilespmem:$0x1C400] =	vst v63  }
0x20: {  	_ =	swait.ge [sflag:s11], $0x400  }
0x21: {  	s10 =	rddreg [dreg:$0x6];
	[sflag:s11] =	ssyncset.done $0x0  }
0x22: {  	[sflag:s11] =	ssyncadd.s32 $0xFFFFFC00;
	s6 =	sadd.s32 $0x0, s10  }
0x23: {  	[tilespmem:s13], [sflag:$0x3] =	stream.linear.gather [hbm4b:s6+s5], $0x400, $0x38;
	[tilespmem:$0x1C400] =	vst v63  }
0x24: {  	_ =	swait.ge [sflag:s11], $0x400  }
0x25: {  	[sflag:s11] =	ssyncset.done $0x0  }
0x26: {  	[sflag:s11] =	ssyncadd.s32 $0xFFFFFC00  }
0x27: {  	[tilespmem:s15], [sflag:$0x1] =	stream.indirect.gather [hbm4b:s1+s14], $0x80, s12, s14, $0xb8;
	[tilespmem:$0x1C400] =	vst v63  }
0x28: {  	_ = 	snop  }
0x29: {  	[tilespmem:s17], [sflag:$0x2] =	stream.indirect.gather [hbm4b:s1+s14], $0x80, s16, s14, $0xb8;
	[tilespmem:$0x1C400] =	vst v63  }
0x2a: {  	_ =	swait.ge [sflag:s18], $0x4000  }
0x2b: {  	[sflag:s18] =	ssyncset.done $0x0  }
0x2c: {  	[sflag:s18] =	ssyncadd.s32 $0xFFFFC000  }
0x2d: {  	[spmem:s4] =	stream.indirect.scatter.add.f32 [tilespmem:s15], [sflag:$0x3], $0x80, s13, s14, $0xb8;
	[tilespmem:$0x1C400] =	vst v63  }
0x2e: {  	_ =	swait.ge [sflag:s11], $0x4000  }
0x2f: {  	[sflag:s11] =	ssyncset.done $0x0  }
0x30: {  	[sflag:s11] =	ssyncadd.s32 $0xFFFFC000  }
0x31: {  	[tilespmem:s15], [sflag:$0x1] =	stream.indirect.gather [hbm4b:s1+s14], $0x80, s19, s14, $0xb8;
	[tilespmem:$0x1C400] =	vst v63  }
0x32: {  	_ =	swait.ge [sflag:s20], $0x4000  }
0x33: {  	[sflag:s20] =	ssyncset.done $0x0  }
0x34: {  	[sflag:s20] =	ssyncadd.s32 $0xFFFFC000  }
0x35: {  	[spmem:s4] =	stream.indirect.scatter.add.f32 [tilespmem:s17], [sflag:$0x3], $0x80, s21, s14, $0xb8;
	[tilespmem:$0x1C400] =	vst v63  }
0x36: {  	_ =	swait.ge [sflag:s11], $0x4000  }
0x37: {  	[sflag:s11] =	ssyncset.done $0x0  }
0x38: {  	[sflag:s11] =	ssyncadd.s32 $0xFFFFC000  }
0x39: {  	[tilespmem:s17], [sflag:$0x2] =	stream.indirect.gather [hbm4b:s1+s14], $0x80, s22, s14, $0xb8;
	[tilespmem:$0x1C400] =	vst v63  }
0x3a: {  	_ =	swait.ge [sflag:s18], $0x4000  }
0x3b: {  	[sflag:s18] =	ssyncset.done $0x0  }
0x3c: {  	[sflag:s18] =	ssyncadd.s32 $0xFFFFC000  }
0x3d: {  	[spmem:s4] =	stream.indirect.scatter.add.f32 [tilespmem:s15], [sflag:$0x3], $0x80, s23, s14, $0xb8;
	[tilespmem:$0x1C400] =	vst v63  }
0x3e: {  	_ =	swait.ge [sflag:s11], $0x4000  }
0x3f: {  	[sflag:s11] =	ssyncset.done $0x0  }
0x40: {  	[sflag:s11] =	ssyncadd.s32 $0xFFFFC000  }
0x41: {  	[tilespmem:s15], [sflag:$0x1] =	stream.indirect.gather [hbm4b:s1+s14], $0x80, s24, s14, $0xb8;
	[tilespmem:$0x1C400] =	vst v63  }
0x42: {  	_ =	swait.ge [sflag:s20], $0x4000  }
0x43: {  	[sflag:s20] =	ssyncset.done $0x0  }
0x44: {  	[sflag:s20] =	ssyncadd.s32 $0xFFFFC000  }
0x45: {  	[spmem:s4] =	stream.indirect.scatter.add.f32 [tilespmem:s17], [sflag:$0x3], $0x80, s25, s14, $0xb8;
	[tilespmem:$0x1C400] =	vst v63  }
0x46: {  	_ =	swait.ge [sflag:s11], $0x4000  }
0x47: {  	[sflag:s11] =	ssyncset.done $0x0  }
0x48: {  	[sflag:s11] =	ssyncadd.s32 $0xFFFFC000  }
0x49: {  	[tilespmem:s17], [sflag:$0x2] =	stream.indirect.gather [hbm4b:s1+s14], $0x80, s26, s14, $0xb8;
	[tilespmem:$0x1C400] =	vst v63  }
0x4a: {  	_ =	swait.ge [sflag:s18], $0x4000  }
0x4b: {  	[sflag:s18] =	ssyncset.done $0x0  }
0x4c: {  	[sflag:s18] =	ssyncadd.s32 $0xFFFFC000  }
0x4d: {  	[spmem:s4] =	stream.indirect.scatter.add.f32 [tilespmem:s15], [sflag:$0x3], $0x80, s28, s14, $0xb8;
	[tilespmem:$0x1C400] =	vst v63  }
0x4e: {  	_ =	swait.ge [sflag:s11], $0x4000  }
0x4f: {  	[sflag:s11] =	ssyncset.done $0x0  }
0x50: {  	[sflag:s11] =	ssyncadd.s32 $0xFFFFC000  }
0x51: {  	[tilespmem:s15], [sflag:$0x1] =	stream.indirect.gather [hbm4b:s1+s14], $0x80, s29, s14, $0xb8;
	[tilespmem:$0x1C400] =	vst v63  }
0x52: {  	_ =	swait.ge [sflag:s20], $0x4000  }
0x53: {  	[sflag:s20] =	ssyncset.done $0x0  }
0x54: {  	[sflag:s20] =	ssyncadd.s32 $0xFFFFC000  }
0x55: {  	[spmem:s4] =	stream.indirect.scatter.add.f32 [tilespmem:s17], [sflag:$0x3], $0x80, s30, s14, $0xb8;
	[tilespmem:$0x1C400] =	vst v63  }
0x56: {  	_ =	swait.ge [sflag:s11], $0x4000  }
0x57: {  	[sflag:s11] =	ssyncset.done $0x0  }
0x58: {  	[sflag:s11] =	ssyncadd.s32 $0xFFFFC000  }
0x59: {  	[tilespmem:s17], [sflag:$0x2] =	stream.indirect.gather [hbm4b:s1+s14], $0x80, s31, s14, $0xb8;
	[tilespmem:$0x1C400] =	vst v63  }
0x5a: {  	_ =	swait.ge [sflag:s18], $0x4000  }
0x5b: {  	[sflag:s18] =	ssyncset.done $0x0  }
0x5c: {  	[sflag:s18] =	ssyncadd.s32 $0xFFFFC000  }
0x5d: {  	[spmem:s4] =	stream.indirect.scatter.add.f32 [tilespmem:s15], [sflag:$0x3], $0x80, s0, s14, $0xb8;
	[tilespmem:$0x1C400] =	vst v63  }
0x5e: {  	_ =	swait.ge [sflag:s11], $0x4000  }
0x5f: {  	[sflag:s11] =	ssyncset.done $0x0  }
0x60: {  	[sflag:s11] =	ssyncadd.s32 $0xFFFFC000  }
0x61: {  	_ =	swait.ge [sflag:s20], $0x4000  }
0x62: {  	[sflag:s20] =	ssyncset.done $0x0  }
0x63: {  	[sflag:s20] =	ssyncadd.s32 $0xFFFFC000  }
0x64: {  	[spmem:s4] =	stream.indirect.scatter.add.f32 [tilespmem:s17], [sflag:$0x3], $0x80, s2, s14, $0xb8;
	[tilespmem:$0x1C400] =	vst v63  }
0x65: {  	_ =	swait.ge [sflag:s11], $0x4000  }
0x66: {  	s7 =	simm.s32 $0x80;
	s8 =	simm.s32 $0x100;
	[sflag:s11] =	ssyncset.done $0x0  }
.LBB2_2:
0x67: {  	s10 =	sadd.s32 s7, s9;
	[sflag:s11] =	ssyncadd.s32 $0xFFFFC000  }
0x68: {  	[tilespmem:s12], [sflag:$0x3] =	stream.linear.gather [hbm4b:s10+s5], $0x400, $0x38;
	[tilespmem:$0x1C400] =	vst v63  }
0x69: {  	s3 =	smov.u32 s8;
	_ =	swait.ge [sflag:s11], $0x400  }
0x6a: {  	s6 =	sadd.s32 $0x80, s8;
	s10 =	rddreg [dreg:$0x6];
	[sflag:s11] =	ssyncset.done $0x0  }
0x6b: {  	p0 =	sne.s32 s8, $0x480;
	[sflag:s11] =	ssyncadd.s32 $0xFFFFFC00;
	s8 =	sadd.s32 s7, s10  }
0x6c: {  	[tilespmem:s13], [sflag:$0x3] =	stream.linear.gather [hbm4b:s8+s5], $0x400, $0x38;
	[tilespmem:$0x1C400] =	vst v63  }
0x6d: {  	_ =	swait.ge [sflag:s11], $0x400  }
0x6e: {  	[sflag:s11] =	ssyncset.done $0x0  }
0x6f: {  	[sflag:s11] =	ssyncadd.s32 $0xFFFFFC00  }
0x70: {  	[tilespmem:s15], [sflag:$0x1] =	stream.indirect.gather [hbm4b:s1+s14], $0x80, s12, s14, $0xb8;
	[tilespmem:$0x1C400] =	vst v63  }
0x71: {  	_ = 	snop  }
0x72: {  	[tilespmem:s17], [sflag:$0x2] =	stream.indirect.gather [hbm4b:s1+s14], $0x80, s16, s14, $0xb8;
	[tilespmem:$0x1C400] =	vst v63  }
0x73: {  	_ =	swait.ge [sflag:s18], $0x4000  }
0x74: {  	[sflag:s18] =	ssyncset.done $0x0  }
0x75: {  	[sflag:s18] =	ssyncadd.s32 $0xFFFFC000  }
0x76: {  	[spmem:s4] =	stream.indirect.scatter.add.f32 [tilespmem:s15], [sflag:$0x3], $0x80, s13, s14, $0xb8;
	[tilespmem:$0x1C400] =	vst v63  }
0x77: {  	_ =	swait.ge [sflag:s11], $0x4000  }
0x78: {  	[sflag:s11] =	ssyncset.done $0x0  }
0x79: {  	[sflag:s11] =	ssyncadd.s32 $0xFFFFC000  }
0x7a: {  	[tilespmem:s15], [sflag:$0x1] =	stream.indirect.gather [hbm4b:s1+s14], $0x80, s19, s14, $0xb8;
	[tilespmem:$0x1C400] =	vst v63  }
0x7b: {  	_ =	swait.ge [sflag:s20], $0x4000  }
0x7c: {  	[sflag:s20] =	ssyncset.done $0x0  }
0x7d: {  	[sflag:s20] =	ssyncadd.s32 $0xFFFFC000  }
0x7e: {  	[spmem:s4] =	stream.indirect.scatter.add.f32 [tilespmem:s17], [sflag:$0x3], $0x80, s21, s14, $0xb8;
	[tilespmem:$0x1C400] =	vst v63  }
0x7f: {  	_ =	swait.ge [sflag:s11], $0x4000  }
0x80: {  	[sflag:s11] =	ssyncset.done $0x0  }
0x81: {  	[sflag:s11] =	ssyncadd.s32 $0xFFFFC000  }
0x82: {  	[tilespmem:s17], [sflag:$0x2] =	stream.indirect.gather [hbm4b:s1+s14], $0x80, s22, s14, $0xb8;
	[tilespmem:$0x1C400] =	vst v63  }
0x83: {  	_ =	swait.ge [sflag:s18], $0x4000  }
0x84: {  	[sflag:s18] =	ssyncset.done $0x0  }
0x85: {  	[sflag:s18] =	ssyncadd.s32 $0xFFFFC000  }
0x86: {  	[spmem:s4] =	stream.indirect.scatter.add.f32 [tilespmem:s15], [sflag:$0x3], $0x80, s23, s14, $0xb8;
	[tilespmem:$0x1C400] =	vst v63  }
0x87: {  	_ =	swait.ge [sflag:s11], $0x4000  }
0x88: {  	[sflag:s11] =	ssyncset.done $0x0  }
0x89: {  	[sflag:s11] =	ssyncadd.s32 $0xFFFFC000  }
0x8a: {  	[tilespmem:s15], [sflag:$0x1] =	stream.indirect.gather [hbm4b:s1+s14], $0x80, s24, s14, $0xb8;
	[tilespmem:$0x1C400] =	vst v63  }
0x8b: {  	_ =	swait.ge [sflag:s20], $0x4000  }
0x8c: {  	[sflag:s20] =	ssyncset.done $0x0  }
0x8d: {  	[sflag:s20] =	ssyncadd.s32 $0xFFFFC000  }
0x8e: {  	[spmem:s4] =	stream.indirect.scatter.add.f32 [tilespmem:s17], [sflag:$0x3], $0x80, s25, s14, $0xb8;
	[tilespmem:$0x1C400] =	vst v63  }
0x8f: {  	_ =	swait.ge [sflag:s11], $0x4000  }
0x90: {  	[sflag:s11] =	ssyncset.done $0x0  }
0x91: {  	[sflag:s11] =	ssyncadd.s32 $0xFFFFC000  }
0x92: {  	[tilespmem:s17], [sflag:$0x2] =	stream.indirect.gather [hbm4b:s1+s14], $0x80, s26, s14, $0xb8;
	[tilespmem:$0x1C400] =	vst v63  }
0x93: {  	_ =	swait.ge [sflag:s18], $0x4000  }
0x94: {  	[sflag:s18] =	ssyncset.done $0x0  }
0x95: {  	[sflag:s18] =	ssyncadd.s32 $0xFFFFC000  }
0x96: {  	[spmem:s4] =	stream.indirect.scatter.add.f32 [tilespmem:s15], [sflag:$0x3], $0x80, s28, s14, $0xb8;
	[tilespmem:$0x1C400] =	vst v63  }
0x97: {  	_ =	swait.ge [sflag:s11], $0x4000  }
0x98: {  	[sflag:s11] =	ssyncset.done $0x0  }
0x99: {  	[sflag:s11] =	ssyncadd.s32 $0xFFFFC000  }
0x9a: {  	[tilespmem:s15], [sflag:$0x1] =	stream.indirect.gather [hbm4b:s1+s14], $0x80, s29, s14, $0xb8;
	[tilespmem:$0x1C400] =	vst v63  }
0x9b: {  	_ =	swait.ge [sflag:s20], $0x4000  }
0x9c: {  	[sflag:s20] =	ssyncset.done $0x0  }
0x9d: {  	[sflag:s20] =	ssyncadd.s32 $0xFFFFC000  }
0x9e: {  	[spmem:s4] =	stream.indirect.scatter.add.f32 [tilespmem:s17], [sflag:$0x3], $0x80, s30, s14, $0xb8;
	[tilespmem:$0x1C400] =	vst v63  }
0x9f: {  	_ =	swait.ge [sflag:s11], $0x4000  }
0xa0: {  	[sflag:s11] =	ssyncset.done $0x0  }
0xa1: {  	[sflag:s11] =	ssyncadd.s32 $0xFFFFC000  }
0xa2: {  	[tilespmem:s17], [sflag:$0x2] =	stream.indirect.gather [hbm4b:s1+s14], $0x80, s31, s14, $0xb8;
	[tilespmem:$0x1C400] =	vst v63  }
0xa3: {  	_ =	swait.ge [sflag:s18], $0x4000  }
0xa4: {  	[sflag:s18] =	ssyncset.done $0x0  }
0xa5: {  	[sflag:s18] =	ssyncadd.s32 $0xFFFFC000  }
0xa6: {  	[spmem:s4] =	stream.indirect.scatter.add.f32 [tilespmem:s15], [sflag:$0x3], $0x80, s0, s14, $0xb8;
	[tilespmem:$0x1C400] =	vst v63  }
0xa7: {  	_ =	swait.ge [sflag:s11], $0x4000  }
0xa8: {  	[sflag:s11] =	ssyncset.done $0x0  }
0xa9: {  	[sflag:s11] =	ssyncadd.s32 $0xFFFFC000  }
0xaa: {  	_ =	swait.ge [sflag:s20], $0x4000  }
.Ltmp0:
0xab: {  	[sflag:s20] =	ssyncset.done $0x0;
	(pc) =	sbr.rel @p0 .LBB2_2-.Ltmp0, $4  }
0xac: {  	[sflag:s20] =	ssyncadd.s32 $0xFFFFC000  }
0xad: {  	[spmem:s4] =	stream.indirect.scatter.add.f32 [tilespmem:s17], [sflag:$0x3], $0x80, s2, s14, $0xb8;
	[tilespmem:$0x1C400] =	vst v63  }
0xae: {  	_ =	swait.ge [sflag:s11], $0x4000  }
0xaf: {  	s7 =	smov.u32 s3;
	s8 =	smov.u32 s6;
	[sflag:s11] =	ssyncset.done $0x0  }
0xb0: {  	s3 =	sadd.s32 s7, s9;
	[sflag:s11] =	ssyncadd.s32 $0xFFFFC000  }
0xb1: {  	[tilespmem:s12], [sflag:$0x3] =	stream.linear.gather [hbm4b:s3+s5], $0x400, $0x38;
	[tilespmem:$0x1C400] =	vst v63  }
0xb2: {  	_ =	swait.ge [sflag:s11], $0x400  }
0xb3: {  	s8 =	rddreg [dreg:$0x6];
	[sflag:s11] =	ssyncset.done $0x0  }
0xb4: {  	s3 =	sadd.s32 s7, s8;
	[sflag:s11] =	ssyncadd.s32 $0xFFFFFC00  }
0xb5: {  	[tilespmem:s13], [sflag:$0x3] =	stream.linear.gather [hbm4b:s3+s5], $0x400, $0x38;
	[tilespmem:$0x1C400] =	vst v63  }
0xb6: {  	_ =	swait.ge [sflag:s11], $0x400  }
0xb7: {  	[sflag:s11] =	ssyncset.done $0x0  }
0xb8: {  	[sflag:s11] =	ssyncadd.s32 $0xFFFFFC00  }
0xb9: {  	[tilespmem:s15], [sflag:$0x1] =	stream.indirect.gather [hbm4b:s1+s14], $0x80, s12, s14, $0xb8;
	[tilespmem:$0x1C400] =	vst v63  }
0xba: {  	_ = 	snop  }
0xbb: {  	[tilespmem:s17], [sflag:$0x2] =	stream.indirect.gather [hbm4b:s1+s14], $0x80, s16, s14, $0xb8;
	[tilespmem:$0x1C400] =	vst v63  }
0xbc: {  	_ =	swait.ge [sflag:s18], $0x4000  }
0xbd: {  	[sflag:s18] =	ssyncset.done $0x0  }
0xbe: {  	[sflag:s18] =	ssyncadd.s32 $0xFFFFC000  }
0xbf: {  	[spmem:s4] =	stream.indirect.scatter.add.f32 [tilespmem:s15], [sflag:$0x3], $0x80, s13, s14, $0xb8;
	[tilespmem:$0x1C400] =	vst v63  }
0xc0: {  	_ =	swait.ge [sflag:s11], $0x4000  }
0xc1: {  	[sflag:s11] =	ssyncset.done $0x0  }
0xc2: {  	[sflag:s11] =	ssyncadd.s32 $0xFFFFC000  }
0xc3: {  	[tilespmem:s15], [sflag:$0x1] =	stream.indirect.gather [hbm4b:s1+s14], $0x80, s19, s14, $0xb8;
	[tilespmem:$0x1C400] =	vst v63  }
0xc4: {  	_ =	swait.ge [sflag:s20], $0x4000  }
0xc5: {  	[sflag:s20] =	ssyncset.done $0x0  }
0xc6: {  	[sflag:s20] =	ssyncadd.s32 $0xFFFFC000  }
0xc7: {  	[spmem:s4] =	stream.indirect.scatter.add.f32 [tilespmem:s17], [sflag:$0x3], $0x80, s21, s14, $0xb8;
	[tilespmem:$0x1C400] =	vst v63  }
0xc8: {  	_ =	swait.ge [sflag:s11], $0x4000  }
0xc9: {  	[sflag:s11] =	ssyncset.done $0x0  }
0xca: {  	[sflag:s11] =	ssyncadd.s32 $0xFFFFC000  }
0xcb: {  	[tilespmem:s17], [sflag:$0x2] =	stream.indirect.gather [hbm4b:s1+s14], $0x80, s22, s14, $0xb8;
	[tilespmem:$0x1C400] =	vst v63  }
0xcc: {  	_ =	swait.ge [sflag:s18], $0x4000  }
0xcd: {  	[sflag:s18] =	ssyncset.done $0x0  }
0xce: {  	[sflag:s18] =	ssyncadd.s32 $0xFFFFC000  }
0xcf: {  	[spmem:s4] =	stream.indirect.scatter.add.f32 [tilespmem:s15], [sflag:$0x3], $0x80, s23, s14, $0xb8;
	[tilespmem:$0x1C400] =	vst v63  }
0xd0: {  	_ =	swait.ge [sflag:s11], $0x4000  }
0xd1: {  	[sflag:s11] =	ssyncset.done $0x0  }
0xd2: {  	[sflag:s11] =	ssyncadd.s32 $0xFFFFC000  }
0xd3: {  	[tilespmem:s15], [sflag:$0x1] =	stream.indirect.gather [hbm4b:s1+s14], $0x80, s24, s14, $0xb8;
	[tilespmem:$0x1C400] =	vst v63  }
0xd4: {  	_ =	swait.ge [sflag:s20], $0x4000  }
0xd5: {  	[sflag:s20] =	ssyncset.done $0x0  }
0xd6: {  	[sflag:s20] =	ssyncadd.s32 $0xFFFFC000  }
0xd7: {  	[spmem:s4] =	stream.indirect.scatter.add.f32 [tilespmem:s17], [sflag:$0x3], $0x80, s25, s14, $0xb8;
	[tilespmem:$0x1C400] =	vst v63  }
0xd8: {  	_ =	swait.ge [sflag:s11], $0x4000  }
0xd9: {  	[sflag:s11] =	ssyncset.done $0x0  }
0xda: {  	[sflag:s11] =	ssyncadd.s32 $0xFFFFC000  }
0xdb: {  	[tilespmem:s17], [sflag:$0x2] =	stream.indirect.gather [hbm4b:s1+s14], $0x80, s26, s14, $0xb8;
	[tilespmem:$0x1C400] =	vst v63  }
0xdc: {  	_ =	swait.ge [sflag:s18], $0x4000  }
0xdd: {  	[sflag:s18] =	ssyncset.done $0x0  }
0xde: {  	[sflag:s18] =	ssyncadd.s32 $0xFFFFC000  }
0xdf: {  	[spmem:s4] =	stream.indirect.scatter.add.f32 [tilespmem:s15], [sflag:$0x3], $0x80, s28, s14, $0xb8;
	[tilespmem:$0x1C400] =	vst v63  }
0xe0: {  	_ =	swait.ge [sflag:s11], $0x4000  }
0xe1: {  	[sflag:s11] =	ssyncset.done $0x0  }
0xe2: {  	[sflag:s11] =	ssyncadd.s32 $0xFFFFC000  }
0xe3: {  	[tilespmem:s15], [sflag:$0x1] =	stream.indirect.gather [hbm4b:s1+s14], $0x80, s29, s14, $0xb8;
	[tilespmem:$0x1C400] =	vst v63  }
0xe4: {  	_ =	swait.ge [sflag:s20], $0x4000  }
0xe5: {  	[sflag:s20] =	ssyncset.done $0x0  }
0xe6: {  	[sflag:s20] =	ssyncadd.s32 $0xFFFFC000  }
0xe7: {  	[spmem:s4] =	stream.indirect.scatter.add.f32 [tilespmem:s17], [sflag:$0x3], $0x80, s30, s14, $0xb8;
	[tilespmem:$0x1C400] =	vst v63  }
0xe8: {  	_ =	swait.ge [sflag:s11], $0x4000  }
0xe9: {  	[sflag:s11] =	ssyncset.done $0x0  }
0xea: {  	[sflag:s11] =	ssyncadd.s32 $0xFFFFC000  }
0xeb: {  	[tilespmem:s17], [sflag:$0x2] =	stream.indirect.gather [hbm4b:s1+s14], $0x80, s31, s14, $0xb8;
	[tilespmem:$0x1C400] =	vst v63  }
0xec: {  	_ =	swait.ge [sflag:s18], $0x4000  }
0xed: {  	[sflag:s18] =	ssyncset.done $0x0  }
0xee: {  	[sflag:s18] =	ssyncadd.s32 $0xFFFFC000  }
0xef: {  	[spmem:s4] =	stream.indirect.scatter.add.f32 [tilespmem:s15], [sflag:$0x3], $0x80, s0, s14, $0xb8;
	[tilespmem:$0x1C400] =	vst v63  }
0xf0: {  	_ =	swait.ge [sflag:s11], $0x4000  }
0xf1: {  	[sflag:s11] =	ssyncset.done $0x0  }
0xf2: {  	[sflag:s11] =	ssyncadd.s32 $0xFFFFC000  }
0xf3: {  	_ =	swait.ge [sflag:s20], $0x4000  }
0xf4: {  	[sflag:s20] =	ssyncset.done $0x0  }
0xf5: {  	[sflag:s20] =	ssyncadd.s32 $0xFFFFC000  }
0xf6: {  	[spmem:s4] =	stream.indirect.scatter.add.f32 [tilespmem:s17], [sflag:$0x3], $0x80, s2, s14, $0xb8;
	[tilespmem:$0x1C400] =	vst v63  }
0xf7: {  	_ =	swait.ge [sflag:s11], $0x4000  }
0xf8: {  	[sflag:s11] =	ssyncset.done $0x0  }
0xf9: {  	[sflag:s11] =	ssyncadd.s32 $0xFFFFC000  }
0xfa: {  	[bflag:$0x0] =	sbarrier.arrive $0xFFFF  }
0xfb: {  	s8 =	rddreg [dreg:$0x7]  }
0xfc: {  	s10 =	rddreg [dreg:$0x8]  }
0xfd: {  	s6 =	rddreg [dreg:$0xa]  }
0xfe: {  	[hbm:s10], [sflag:s8] =	dma.local [spmem:s6], $0x2780  }
0xff: {  	_ =	swait.ge [sflag:s11], $0x2780  }
0x100: {  	s3 =	rddreg [dreg:$0xb]  }
0x101: {  	s10 =	rddreg [dreg:$0x9];
	s7 =	sadd.s32 $0x1, s3  }
0x102: {  	p0 =	sne.s32 s7, s10  }
.Ltmp1:
0x103: {  	_ = 	snop;
	(pc) =	sbr.rel @p0 .LBB2_1-.Ltmp1, $3  }
0x104: {  	_ =	sdelay $0x1  }
0x105: {  	[sflag:s11] =	ssyncset.done $0x0  }
0x106: {  	[sflag:s11] =	ssyncadd.s32 $0xFFFFD880  }
0x107: {  	_ =	sfence.sel $0x180000  }
0x108: {  	[bflag:$0x0] =	sbarrier.arrive $0xFFFF  }
0x109: {  	_ =	strace $0x90000050  }
0x10a: {  	s0 =	stileid.u32;
	[bflag:$0x2] =	sbarrier.arrive $0xFFFF  }
0x10b: {  	p0 =	sne.s32 s0, $0x0;
	s0 =	rddreg [dreg:$0x5]  }
0x10c: {  	s0 =	sadd.s32 @!p0 $0x100000, s0  }
0x10d: {  	[sflag:s0] =	ssyncadd.tile.s32 @!p0 $0x1;
	_ =	shalt  }
.Lfunc_end2:
_tile_overlayer_lowered:
.L_overlay_start_2:
0x10e: {  	(tag) =	ssettag $0x2  }
0x10f: {  	s0 =	rddreg [dreg:$0x0];
	s2 =	stileid.u32  }
0x110: {  	s1 =	rddreg [dreg:$0x1];
	p0 =	sne.s32 s2, $0x0  }
0x111: {  	s3 =	rddreg [dreg:$0x2];
	[bflag:$0x3] =	sbarrier.arrive $0xFFFF;
	s2 =	simm.s32 @!p0 $0x1C03  }
0x112: {  	[timem:s3], [sflag:s2] =	dma.local @!p0 [hbm:s0], s1  }
0x113: {  	s0 =	simm.s32 @!p0 $0x3  }
0x114: {  	_ =	swait.ge @!p0 [sflag:s0], s1  }
0x115: {  	s1 =	ssub.s32 @!p0 $0x0, s1;
	[sflag:s0] =	ssyncset.done @!p0 $0x0  }
0x116: {  	[sflag:s0] =	ssyncadd.s32 @!p0 s1  }
0x117: {  	[bflag:$0x3] =	sbarrier.arrive $0xFFFF  }
0x118: {  	_ =	shalt  }

</sc_bundles>
